<compile_context>
chip_gen: v7x
topology: tpu7x:2x2x1
jax: 0.10.2.dev20260603
libtpu: 0.0.44.dev20260713+nightly
codegen_flags: <defaults>
</compile_context>

<pallas_src>
import functools

import jax
import jax.numpy as jnp
from jax.experimental import pallas as pl
from jax.experimental.pallas import tpu as pltpu
from jax.experimental.pallas import tpu_sc as plsc

B = 4
N = 20000
C = 21
IMG_H = 512.0
IMG_W = 512.0
SCORE_THR = 0.3
IOU_THR = 0.5
MAX_DET = 100
NEG = -1e9

NPAD = 20480
CPAD = 24
KPAD = 128
R = B * CPAD

BUF = 1008
BUFP = 1024

import math as _math
LADDER = tuple(
    [0.0] + [float(1.0 / (1.0 + _math.exp(-0.5 * k))) for k in range(1, 16)])


def _decode_rows(rel_ref, anch_ref):
    ya0 = anch_ref[0:1, :]
    xa0 = anch_ref[1:2, :]
    ya1 = anch_ref[2:3, :]
    xa1 = anch_ref[3:4, :]
    ycenter_a = (ya0 + ya1) / 2.0
    xcenter_a = (xa0 + xa1) / 2.0
    ha = ya1 - ya0
    wa = xa1 - xa0
    ty = rel_ref[0, 0:1, :] / 10.0
    tx = rel_ref[0, 1:2, :] / 10.0
    th = rel_ref[0, 2:3, :] / 5.0
    tw = rel_ref[0, 3:4, :] / 5.0
    h = jnp.exp(th) * ha
    w = jnp.exp(tw) * wa
    yc = ty * ha + ycenter_a
    xc = tx * wa + xcenter_a
    ymin = jnp.clip(yc - h / 2.0, 0.0, IMG_H)
    xmin = jnp.clip(xc - w / 2.0, 0.0, IMG_W)
    ymax = jnp.clip(yc + h / 2.0, 0.0, IMG_H)
    xmax = jnp.clip(xc + w / 2.0, 0.0, IMG_W)
    return ymin, xmin, ymax, xmax


def _prep_body(rel_ref, anch_ref, sc_ref, prob_ref, coord_ref, cnt_ref):
    ymin, xmin, ymax, xmax = _decode_rows(rel_ref, anch_ref)
    zrow = jnp.zeros((1, NPAD), jnp.float32)
    coord_ref[0] = jnp.concatenate(
        [ymin, xmin, ymax, xmax, zrow, zrow, zrow, zrow], axis=0)
    prob = jax.nn.sigmoid(sc_ref[0])
    p = jnp.where(prob > SCORE_THR, prob, NEG)
    prob_ref[0] = p
    cnts = [jnp.sum((p > q).astype(jnp.float32), axis=1, keepdims=True)
            for q in LADDER]
    cnt_ref[0] = jnp.concatenate(cnts, axis=1)


def _sc_body(prob_hbm, coord_hbm, cnt_hbm, qv_hbm,
             cprob_hbm, cy0_hbm, cx0_hbm, cy1_hbm, cx1_hbm,
             probs_a, probs_b, y0_t, x0_t, y1_t, x1_t,
             cprob_t, cglob_t, cy0_t, cx0_t, cy1_t, cx1_t, cnt3_t, qv_t,
             sem_in, sem_out):
    nc = 2
    wid = jax.lax.axis_index("s") * nc + jax.lax.axis_index("c")
    b = wid // (CPAD // 3)
    iota16 = jax.lax.iota(jnp.int32, 16)
    pltpu.sync_copy(qv_hbm, qv_t)
    qvals = qv_t[...]

    pltpu.sync_copy(coord_hbm.at[b, 0], y0_t)
    pltpu.sync_copy(coord_hbm.at[b, 1], x0_t)
    pltpu.sync_copy(coord_hbm.at[b, 2], y1_t)
    pltpu.sync_copy(coord_hbm.at[b, 3], x1_t)

    in_copy = pltpu.async_copy(prob_hbm.at[wid * 3], probs_a, sem_in)
    out_descs = []
    for i in range(3):
        cur = probs_a if i % 2 == 0 else probs_b
        in_copy.wait()
        if i < 2:
            nxt = probs_b if i % 2 == 0 else probs_a
            in_copy = pltpu.async_copy(prob_hbm.at[wid * 3 + i + 1],
                                       nxt, sem_in)
        for d in out_descs:
            d.wait()

        @plsc.parallel_loop(0, BUFP // 16, unroll=8)
        def _(g):
            sl = pl.ds(g * 16, 16)
            cprob_t[sl] = jnp.full((16,), NEG, jnp.float32)
            cglob_t[sl] = jnp.zeros((16,), jnp.int32)

        pltpu.sync_copy(cnt_hbm.at[wid * 3 + i], cnt3_t)
        counts = cnt3_t[...]
        cutv = jnp.min(jnp.where(counts <= float(BUF), qvals, 2.0))

        def comp(g, pos):
            p16 = cur[pl.ds(g * 16, 16)]
            mask = p16 > cutv
            tgt = pos + plsc.cumsum(mask.astype(jnp.int32)) - 1
            plsc.store_scatter(cprob_t, [tgt], p16, mask=mask)
            plsc.store_scatter(cglob_t, [tgt], g * 16 + iota16, mask=mask)
            return pos + plsc.all_reduce_population_count(mask)
        jax.lax.fori_loop(0, NPAD // 16, comp,
                          jnp.zeros((16,), jnp.int32), unroll=16)

        @plsc.parallel_loop(0, BUFP // 16, unroll=8)
        def _(g):
            sl = pl.ds(g * 16, 16)
            gi = cglob_t[sl]
            cy0_t[sl] = plsc.load_gather(y0_t, [gi])
            cx0_t[sl] = plsc.load_gather(x0_t, [gi])
            cy1_t[sl] = plsc.load_gather(y1_t, [gi])
            cx1_t[sl] = plsc.load_gather(x1_t, [gi])

        r = wid * 3 + i
        out_descs = [
            pltpu.async_copy(cprob_t, cprob_hbm.at[r], sem_out),
            pltpu.async_copy(cy0_t, cy0_hbm.at[r], sem_out),
            pltpu.async_copy(cx0_t, cx0_hbm.at[r], sem_out),
            pltpu.async_copy(cy1_t, cy1_hbm.at[r], sem_out),
            pltpu.async_copy(cx1_t, cx1_hbm.at[r], sem_out),
        ]
    for d in out_descs:
        d.wait()


def _make_sc_compact():
    mesh = plsc.VectorSubcoreMesh(core_axis_name="c", subcore_axis_name="s")
    f32, i32 = jnp.float32, jnp.int32
    return pl.kernel(
        _sc_body,
        out_type=[
            jax.ShapeDtypeStruct((R, BUFP), f32),
            jax.ShapeDtypeStruct((R, BUFP), f32),
            jax.ShapeDtypeStruct((R, BUFP), f32),
            jax.ShapeDtypeStruct((R, BUFP), f32),
            jax.ShapeDtypeStruct((R, BUFP), f32),
        ],
        mesh=mesh,
        compiler_params=pltpu.CompilerParams(needs_layout_passes=False),
        scratch_types=[
            pltpu.VMEM((NPAD,), f32),
            pltpu.VMEM((NPAD,), f32),
            pltpu.VMEM((NPAD,), f32),
            pltpu.VMEM((NPAD,), f32),
            pltpu.VMEM((NPAD,), f32),
            pltpu.VMEM((NPAD,), f32),
            pltpu.VMEM((BUFP,), f32),
            pltpu.VMEM((BUFP,), i32),
            pltpu.VMEM((BUFP,), f32),
            pltpu.VMEM((BUFP,), f32),
            pltpu.VMEM((BUFP,), f32),
            pltpu.VMEM((BUFP,), f32),
            pltpu.VMEM((16,), f32),
            pltpu.VMEM((16,), f32),
            pltpu.SemaphoreType.DMA,
            pltpu.SemaphoreType.DMA,
        ],
    )


def _merge_loop(ssc, sy0, sx0, sy1, sx1, iota_k):
    row_iota = jax.lax.broadcasted_iota(jnp.int32, (CPAD, KPAD), 0).astype(jnp.float32)

    def merge(j, carry):
        ssc, oy0, ox0, oy1, ox1, osc, olb = carry
        m2 = jnp.max(ssc)
        flat = row_iota * float(KPAD) + iota_k
        fidx = jnp.min(jnp.where(ssc == m2, flat, float(CPAD * KPAD)))
        oneh2 = flat == fidx
        valid = m2 > NEG / 2.0
        gy0 = jnp.sum(jnp.where(oneh2, sy0, 0.0))
        gx0 = jnp.sum(jnp.where(oneh2, sx0, 0.0))
        gy1 = jnp.sum(jnp.where(oneh2, sy1, 0.0))
        gx1 = jnp.sum(jnp.where(oneh2, sx1, 0.0))
        glb = jnp.sum(jnp.where(oneh2, row_iota, 0.0))
        colm = iota_k == j
        oy0 = jnp.where(colm, jnp.where(valid, gy0, 0.0), oy0)
        ox0 = jnp.where(colm, jnp.where(valid, gx0, 0.0), ox0)
        oy1 = jnp.where(colm, jnp.where(valid, gy1, 0.0), oy1)
        ox1 = jnp.where(colm, jnp.where(valid, gx1, 0.0), ox1)
        osc = jnp.where(colm, jnp.where(valid, m2, 0.0), osc)
        olb = jnp.where(colm, jnp.where(valid, glb, 0.0), olb)
        ssc = jnp.where(oneh2, NEG, ssc)
        return ssc, oy0, ox0, oy1, ox1, osc, olb

    zrow = jnp.zeros((1, KPAD), jnp.float32)
    return jax.lax.fori_loop(
        0, MAX_DET, merge, (ssc, zrow, zrow, zrow, zrow, zrow, zrow))


def _nms_core(sc, ymin, xmin, ymax, xmax, area, iota_n, iota_k):
    rows = sc.shape[0]
    neg_k = jnp.full((rows, KPAD), NEG, jnp.float32)
    zero_k = jnp.zeros((rows, KPAD), jnp.float32)
    width = sc.shape[-1]

    def pick(k, carry):
        sc, ssc, sy0, sx0, sy1, sx1 = carry
        m = jnp.max(sc, axis=1, keepdims=True)
        is_max = sc == m
        idx = jnp.min(jnp.where(is_max, iota_n, float(width)),
                      axis=1, keepdims=True)
        oneh = iota_n == idx
        by0 = jnp.sum(jnp.where(oneh, ymin, 0.0), axis=1, keepdims=True)
        bx0 = jnp.sum(jnp.where(oneh, xmin, 0.0), axis=1, keepdims=True)
        by1 = jnp.sum(jnp.where(oneh, ymax, 0.0), axis=1, keepdims=True)
        bx1 = jnp.sum(jnp.where(oneh, xmax, 0.0), axis=1, keepdims=True)
        yy1 = jnp.maximum(by0, ymin)
        xx1 = jnp.maximum(bx0, xmin)
        yy2 = jnp.minimum(by1, ymax)
        xx2 = jnp.minimum(bx1, xmax)
        inter = jnp.maximum(yy2 - yy1, 0.0) * jnp.maximum(xx2 - xx1, 0.0)
        a1 = (by1 - by0) * (bx1 - bx0)
        iou = inter / (a1 + area - inter + 1e-8)
        sc = jnp.where((iou > IOU_THR) | oneh, NEG, sc)
        colm = iota_k == k
        ssc = jnp.where(colm, m, ssc)
        sy0 = jnp.where(colm, by0, sy0)
        sx0 = jnp.where(colm, bx0, sx0)
        sy1 = jnp.where(colm, by1, sy1)
        sx1 = jnp.where(colm, bx1, sx1)
        return sc, ssc, sy0, sx0, sy1, sx1

    return jax.lax.fori_loop(
        0, MAX_DET, pick, (sc, neg_k, zero_k, zero_k, zero_k, zero_k))


def _rnms_body(cprob_ref, cy0_ref, cx0_ref, cy1_ref, cx1_ref, cnt_ref,
               out_ref):
    sc = cprob_ref[...]
    y0 = cy0_ref[...]
    x0 = cx0_ref[...]
    y1 = cy1_ref[...]
    x1 = cx1_ref[...]
    area = (y1 - y0) * (x1 - x0)
    iota_n = jax.lax.broadcasted_iota(jnp.int32, (1, BUFP), 1).astype(jnp.float32)
    iota_k = jax.lax.broadcasted_iota(jnp.int32, (1, KPAD), 1).astype(jnp.float32)

    _, ssc, sy0, sx0, sy1, sx1 = _nms_core(sc, y0, x0, y1, x1, area,
                                           iota_n, iota_k)

    ssc3 = ssc.reshape(B, CPAD, KPAD)
    sy0_3 = sy0.reshape(B, CPAD, KPAD)
    sx0_3 = sx0.reshape(B, CPAD, KPAD)
    sy1_3 = sy1.reshape(B, CPAD, KPAD)
    sx1_3 = sx1.reshape(B, CPAD, KPAD)

    picks = jnp.sum((ssc3 > NEG / 2.0).astype(jnp.float32),
                    axis=2, keepdims=True)
    total = cnt_ref[:, :, 0:1]
    okrow = (picks >= float(MAX_DET) - 0.5) | (total <= float(BUF) - 0.5)
    flag3 = jnp.min(jnp.where(okrow, 1.0, 0.0), axis=1,
                    keepdims=True)
    nv3 = jnp.minimum(jnp.sum(picks, axis=1, keepdims=True),
                      float(MAX_DET))

    iota_c3 = jax.lax.broadcasted_iota(
        jnp.int32, (1, CPAD, KPAD), 1).astype(jnp.float32)
    iota_k3 = jax.lax.broadcasted_iota(
        jnp.int32, (1, 1, KPAD), 2).astype(jnp.float32)
    flat3 = iota_c3 * float(KPAD) + iota_k3

    def merge(j, carry):
        ssc3, oy0, ox0, oy1, ox1, osc, olb = carry
        m2 = jnp.max(jnp.max(ssc3, axis=2), axis=1).reshape(B, 1, 1)
        cand = jnp.where(ssc3 == m2, flat3, float(CPAD * KPAD))
        fidx = jnp.min(jnp.min(cand, axis=2), axis=1).reshape(B, 1, 1)
        oneh2 = flat3 == fidx
        valid = m2 > NEG / 2.0

        def pick3(v):
            return jnp.sum(jnp.sum(jnp.where(oneh2, v, 0.0), axis=2),
                           axis=1).reshape(B, 1, 1)
        gy0 = pick3(sy0_3)
        gx0 = pick3(sx0_3)
        gy1 = pick3(sy1_3)
        gx1 = pick3(sx1_3)
        glb = pick3(jnp.broadcast_to(iota_c3, (B, CPAD, KPAD)))
        colm = iota_k3 == j
        oy0 = jnp.where(colm, jnp.where(valid, gy0, 0.0), oy0)
        ox0 = jnp.where(colm, jnp.where(valid, gx0, 0.0), ox0)
        oy1 = jnp.where(colm, jnp.where(valid, gy1, 0.0), oy1)
        ox1 = jnp.where(colm, jnp.where(valid, gx1, 0.0), ox1)
        osc = jnp.where(colm, jnp.where(valid, m2, 0.0), osc)
        olb = jnp.where(colm, jnp.where(valid, glb, 0.0), olb)
        ssc3 = jnp.where(oneh2, NEG, ssc3)
        return ssc3, oy0, ox0, oy1, ox1, osc, olb

    zrow = jnp.zeros((B, 1, KPAD), jnp.float32)
    _, oy0, ox0, oy1, ox1, osc, olb = jax.lax.fori_loop(
        0, MAX_DET, merge, (ssc3, zrow, zrow, zrow, zrow, zrow, zrow))

    out_ref[...] = jnp.concatenate(
        [oy0, ox0, oy1, ox1, osc, olb,
         jnp.broadcast_to(nv3, (B, 1, KPAD)),
         jnp.broadcast_to(flag3, (B, 1, KPAD))], axis=1)


def _full_body(rel_ref, anch_ref, sc_ref, out_ref):
    ymin, xmin, ymax, xmax = _decode_rows(rel_ref, anch_ref)
    area = (ymax - ymin) * (xmax - xmin)
    prob = jax.nn.sigmoid(sc_ref[0])
    sc = jnp.where(prob > SCORE_THR, prob, NEG)
    iota_n = jax.lax.broadcasted_iota(jnp.int32, (1, NPAD), 1).astype(jnp.float32)
    iota_k = jax.lax.broadcasted_iota(jnp.int32, (1, KPAD), 1).astype(jnp.float32)
    _, ssc, sy0, sx0, sy1, sx1 = _nms_core(sc, ymin, xmin, ymax, xmax, area,
                                           iota_n, iota_k)
    nvalid = jnp.minimum(jnp.sum((ssc > NEG / 2.0).astype(jnp.float32)),
                         float(MAX_DET))
    _, oy0, ox0, oy1, ox1, osc, olb = _merge_loop(ssc, sy0, sx0, sy1, sx1,
                                                  iota_k)
    zrow = jnp.zeros((1, KPAD), jnp.float32)
    out_ref[0] = jnp.concatenate(
        [oy0, ox0, oy1, ox1, osc, olb,
         jnp.full((1, KPAD), nvalid, jnp.float32), zrow], axis=0)


def _postprocess(o):
    out_boxes = jnp.stack([o[:, 0, :MAX_DET], o[:, 1, :MAX_DET],
                           o[:, 2, :MAX_DET], o[:, 3, :MAX_DET]], axis=-1)
    out_scores = o[:, 4, :MAX_DET]
    out_labels = o[:, 5, :MAX_DET]
    num_valid = o[:, 6, 0].astype(jnp.int32)
    return out_boxes, out_scores, out_labels, num_valid


def _full_path(relT, anchT, scT):
    o = pl.pallas_call(
        _full_body,
        grid=(B,),
        in_specs=[
            pl.BlockSpec((1, 8, NPAD), lambda b: (b, 0, 0)),
            pl.BlockSpec((8, NPAD), lambda b: (0, 0)),
            pl.BlockSpec((1, CPAD, NPAD), lambda b: (b, 0, 0)),
        ],
        out_specs=pl.BlockSpec((1, 8, KPAD), lambda b: (b, 0, 0)),
        out_shape=jax.ShapeDtypeStruct((B, 8, KPAD), jnp.float32),
        compiler_params=pltpu.CompilerParams(
            dimension_semantics=("arbitrary",)),
    )(relT, anchT, scT)
    return _postprocess(o)


def kernel(rel_codes, scores, anchors):
    relT = jnp.pad(jnp.transpose(rel_codes, (0, 2, 1)),
                   ((0, 0), (0, 4), (0, NPAD - N)))
    anchT = jnp.pad(jnp.transpose(anchors, (1, 0)),
                    ((0, 4), (0, NPAD - N)))
    scT = jnp.pad(jnp.transpose(scores, (0, 2, 1)),
                  ((0, 0), (0, CPAD - C), (0, NPAD - N)),
                  constant_values=NEG)

    probs, coords, cnts = pl.pallas_call(
        _prep_body,
        grid=(B,),
        in_specs=[
            pl.BlockSpec((1, 8, NPAD), lambda b: (b, 0, 0)),
            pl.BlockSpec((8, NPAD), lambda b: (0, 0)),
            pl.BlockSpec((1, CPAD, NPAD), lambda b: (b, 0, 0)),
        ],
        out_specs=[
            pl.BlockSpec((1, CPAD, NPAD), lambda b: (b, 0, 0)),
            pl.BlockSpec((1, 8, NPAD), lambda b: (b, 0, 0)),
            pl.BlockSpec((1, CPAD, 16), lambda b: (b, 0, 0)),
        ],
        out_shape=[
            jax.ShapeDtypeStruct((B, CPAD, NPAD), jnp.float32),
            jax.ShapeDtypeStruct((B, 8, NPAD), jnp.float32),
            jax.ShapeDtypeStruct((B, CPAD, 16), jnp.float32),
        ],
        compiler_params=pltpu.CompilerParams(
            dimension_semantics=("arbitrary",)),
    )(relT, anchT, scT)

    sc_compact = _make_sc_compact()
    cprob, cy0, cx0, cy1, cx1 = sc_compact(
        probs.reshape(R, NPAD), coords, cnts.reshape(R, 16),
        jnp.asarray(LADDER, jnp.float32))

    o = pl.pallas_call(
        _rnms_body,
        out_shape=jax.ShapeDtypeStruct((B, 8, KPAD), jnp.float32),
    )(cprob, cy0, cx0, cy1, cx1, cnts)

    ok = jnp.min(o[:, 7, 0]) > 0.5
    fast = _postprocess(o)
    return jax.lax.cond(ok, lambda: fast,
                        lambda: _full_path(relT, anchT, scT))

# --- scband reference (transcript-rebuilt; emitter-appended) ---
"""Pipeline reference for scband-ssdpost-process-17051020165417 (READ-ONLY COPY).

The authoritative reference and input builder live on the scoring server;
editing this copy changes nothing except your own understanding.
"""

import jax, jax.numpy as jnp
import numpy as np

BATCH = 4
N_BOXES = 20000
N_LABELS = 21
IMG = (512.0, 512.0)
SCALES = (10.0, 10.0, 5.0, 5.0)
SCORE_THR = 0.3
IOU_THR = 0.5
MAX_DET = 100
NEG = -1e9


def setup_inputs(seed: int = 0) -> dict:
    key = jax.random.key(seed)
    k1, k2, k3, k4, k5 = jax.random.split(key, 5)
    rel_codes = jax.random.normal(k1, (BATCH, N_BOXES, 4), dtype=jnp.float32)
    scores = jax.random.normal(k2, (BATCH, N_BOXES, N_LABELS), dtype=jnp.float32)
    # anchors: (n_boxes, 4) corners (ymin, xmin, ymax, xmax) inside the 512x512 image
    cy = jax.random.uniform(k3, (N_BOXES,), minval=0.0, maxval=IMG[0])
    cx = jax.random.uniform(k4, (N_BOXES,), minval=0.0, maxval=IMG[1])
    hw = jax.random.uniform(k5, (N_BOXES, 2), minval=16.0, maxval=128.0)
    anchors = jnp.stack([cy - hw[:, 0] / 2, cx - hw[:, 1] / 2,
                         cy + hw[:, 0] / 2, cx + hw[:, 1] / 2], axis=-1).astype(jnp.float32)
    return {"rel_codes": rel_codes, "scores": scores, "anchors": anchors}


def _decode(rel_codes, anchors):
    # FasterRCNNBoxDecode with clip window (0, 0, H, W)
    ycenter_a = (anchors[:, 0] + anchors[:, 2]) / 2.0
    xcenter_a = (anchors[:, 1] + anchors[:, 3]) / 2.0
    ha = anchors[:, 2] - anchors[:, 0]
    wa = anchors[:, 3] - anchors[:, 1]
    ty = rel_codes[..., 0] / SCALES[0]
    tx = rel_codes[..., 1] / SCALES[1]
    th = rel_codes[..., 2] / SCALES[2]
    tw = rel_codes[..., 3] / SCALES[3]
    h = jnp.exp(th) * ha
    w = jnp.exp(tw) * wa
    yc = ty * ha + ycenter_a
    xc = tx * wa + xcenter_a
    ymin = jnp.clip(yc - h / 2.0, 0.0, IMG[0])
    xmin = jnp.clip(xc - w / 2.0, 0.0, IMG[1])
    ymax = jnp.clip(yc + h / 2.0, 0.0, IMG[0])
    xmax = jnp.clip(xc + w / 2.0, 0.0, IMG[1])
    return jnp.stack([ymin, xmin, ymax, xmax], axis=-1)


def _iou(box, boxes):
    yy1 = jnp.maximum(box[0], boxes[:, 0])
    xx1 = jnp.maximum(box[1], boxes[:, 1])
    yy2 = jnp.minimum(box[2], boxes[:, 2])
    xx2 = jnp.minimum(box[3], boxes[:, 3])
    inter = jnp.maximum(yy2 - yy1, 0.0) * jnp.maximum(xx2 - xx1, 0.0)
    a1 = (box[2] - box[0]) * (box[3] - box[1])
    a2 = (boxes[:, 2] - boxes[:, 0]) * (boxes[:, 3] - boxes[:, 1])
    return inter / (a1 + a2 - inter + 1e-8)


def _nms_single(boxes, s):
    # greedy per-class NMS, boxes (N,4), s (N,)
    s = jnp.where(s > SCORE_THR, s, NEG)

    def step(carry, _):
        sc_arr = carry
        idx = jnp.argmax(sc_arr)
        sel_sc = sc_arr[idx]
        b = boxes[idx]
        sup = _iou(b, boxes) > IOU_THR
        sc_arr = jnp.where(sup, NEG, sc_arr)
        sc_arr = sc_arr.at[idx].set(NEG)
        return sc_arr, (idx, sel_sc)

    _, (sel_idx, sel_sc) = jax.lax.scan(step, s, None, length=MAX_DET)
    return sel_idx, sel_sc


def _combined_nms(boxes, scores):
    # boxes (B,N,4), scores (B,N,C) -> same semantics as tf.image.combined_non_max_suppression
    B = boxes.shape[0]
    C = scores.shape[-1]
    sc_t = jnp.transpose(scores, (0, 2, 1))  # (B,C,N)
    nms_c = jax.vmap(_nms_single, in_axes=(None, 0))
    nms_bc = jax.vmap(nms_c, in_axes=(0, 0))
    sel_idx, sel_sc = nms_bc(boxes, sc_t)  # (B,C,K)
    flat_idx = sel_idx.reshape(B, C * MAX_DET)
    flat_sc = sel_sc.reshape(B, C * MAX_DET)
    flat_boxes = jnp.take_along_axis(boxes, flat_idx[..., None], axis=1)  # (B,C*K,4)
    labels = jnp.tile(jnp.arange(C, dtype=jnp.float32)[:, None], (1, MAX_DET)).reshape(-1)
    top_sc, top_i = jax.lax.top_k(flat_sc, MAX_DET)
    out_boxes = jnp.take_along_axis(flat_boxes, top_i[..., None], axis=1)
    out_labels = labels[top_i]
    valid = top_sc > (NEG / 2.0)
    out_scores = jnp.where(valid, top_sc, 0.0)
    out_boxes = jnp.where(valid[..., None], out_boxes, 0.0)
    out_labels = jnp.where(valid, out_labels, 0.0)
    num_valid = jnp.sum(valid, axis=1).astype(jnp.int32)
    return out_boxes, out_scores, out_labels, num_valid


def reference(rel_codes, scores, anchors):
    probs = jax.nn.sigmoid(scores)  # score_converter = sigmoid, remove_background = False
    decoded = _decode(rel_codes, anchors)
    return _combined_nms(decoded, probs)

if __name__ == "__main__":
    import jax
    _d = setup_inputs()
    print(jax.jit(kernel)(*tuple(_d.values())))

</pallas_src>

<mosaic_0001>
#map = affine_map<(d0, d1) -> (0, 0)>
#map1 = affine_map<(d0, d1) -> (0, 0, 0)>
#map2 = affine_map<(d0, d1) -> (0)>
module attributes {stable_mosaic.version = 14 : i64} {
  func.func @_sc_body(%arg0: i32, %arg1: i32, %arg2: memref<96x20480xf32, #tpu.memory_space<hbm>>, %arg3: memref<4x8x20480xf32, #tpu.memory_space<hbm>>, %arg4: memref<96x16xf32, #tpu.memory_space<hbm>>, %arg5: memref<16xf32, #tpu.memory_space<hbm>>, %arg6: memref<96x1024xf32, #tpu.memory_space<hbm>>, %arg7: memref<96x1024xf32, #tpu.memory_space<hbm>>, %arg8: memref<96x1024xf32, #tpu.memory_space<hbm>>, %arg9: memref<96x1024xf32, #tpu.memory_space<hbm>>, %arg10: memref<96x1024xf32, #tpu.memory_space<hbm>>, %arg11: memref<20480xf32, #tpu.memory_space<vmem>>, %arg12: memref<20480xf32, #tpu.memory_space<vmem>>, %arg13: memref<20480xf32, #tpu.memory_space<vmem>>, %arg14: memref<20480xf32, #tpu.memory_space<vmem>>, %arg15: memref<20480xf32, #tpu.memory_space<vmem>>, %arg16: memref<20480xf32, #tpu.memory_space<vmem>>, %arg17: memref<1024xf32, #tpu.memory_space<vmem>>, %arg18: memref<1024xi32, #tpu.memory_space<vmem>>, %arg19: memref<1024xf32, #tpu.memory_space<vmem>>, %arg20: memref<1024xf32, #tpu.memory_space<vmem>>, %arg21: memref<1024xf32, #tpu.memory_space<vmem>>, %arg22: memref<1024xf32, #tpu.memory_space<vmem>>, %arg23: memref<16xf32, #tpu.memory_space<vmem>>, %arg24: memref<16xf32, #tpu.memory_space<vmem>>, %arg25: memref<!tpu.dma_semaphore, #tpu.memory_space<semaphore_mem>>, %arg26: memref<!tpu.dma_semaphore, #tpu.memory_space<semaphore_mem>>) attributes {dimension_semantics = [#tpu.dimension_semantics<core_parallel>, #tpu.dimension_semantics<subcore_parallel>], iteration_bounds = array<i64: 2, 16>, scalar_prefetch = 0 : i64, scratch_operands = 16 : i64, tpu.core_type = #tpu.core_type<sc_vector_subcore>, window_params = [{transform_indices = #map}, {transform_indices = #map1}, {transform_indices = #map}, {transform_indices = #map2}, {transform_indices = #map}, {transform_indices = #map}, {transform_indices = #map}, {transform_indices = #map}, {transform_indices = #map}]} {
    %mul3A = arith.constant 2 : i32
    %mul3A_0 = arith.muli %arg1, %mul3A : i32
    %add3A = arith.addi %mul3A_0, %arg0 : i32
    %jit3A = arith.constant 8 : i32
    %div3A = arith.divsi %add3A, %jit3A : i32
    %sign3A = arith.constant 0 : i32
    %sign3A_1 = arith.cmpi sgt, %add3A, %sign3A : i32
    %sign3A_2 = arith.extui %sign3A_1 : i1 to i32
    %sign3A_3 = arith.constant 0 : i32
    %sign3A_4 = arith.cmpi slt, %add3A, %sign3A_3 : i32
    %sign3A_5 = arith.extui %sign3A_4 : i1 to i32
    %sign3A_6 = arith.subi %sign3A_2, %sign3A_5 : i32
    %sign3A_7 = arith.constant 0 : i32
    %sign3A_8 = arith.cmpi sgt, %jit3A, %sign3A_7 : i32
    %sign3A_9 = arith.extui %sign3A_8 : i1 to i32
    %sign3A_10 = arith.constant 0 : i32
    %sign3A_11 = arith.cmpi slt, %jit3A, %sign3A_10 : i32
    %sign3A_12 = arith.extui %sign3A_11 : i1 to i32
    %sign3A_13 = arith.subi %sign3A_9, %sign3A_12 : i32
    %ne3A = arith.cmpi ne, %sign3A_6, %sign3A_13 : i32
    %rem3A = arith.remsi %add3A, %jit3A : i32
    %ne3A_14 = arith.constant 0 : i32
    %ne3A_15 = arith.cmpi ne, %rem3A, %ne3A_14 : i32
    %and3A = arith.andi %ne3A, %ne3A_15 : i1
    %sub3A = arith.constant 1 : i32
    %sub3A_16 = arith.subi %div3A, %sub3A : i32
    %select_n3A = arith.select %and3A, %sub3A_16, %div3A : i32
    %iota3A = tpu.iota {dimensions = array<i32: 0>} : vector<16xi32>
    "tpu.region"() ({
      %run_scoped3A_346 = tpu.sem_alloc : memref<!tpu.dma_semaphore, #tpu.memory_space<semaphore_mem>>
      tpu.enqueue_dma source(%arg5 : memref<16xf32, #tpu.memory_space<hbm>>) target(%arg24 : memref<16xf32, #tpu.memory_space<vmem>>) target_semaphore(%run_scoped3A_346 : memref<!tpu.dma_semaphore, #tpu.memory_space<semaphore_mem>>)
      tpu.wait_dma2 semaphore(%run_scoped3A_346 : memref<!tpu.dma_semaphore, #tpu.memory_space<semaphore_mem>>) src(%arg5 : memref<16xf32, #tpu.memory_space<hbm>>) dst(%arg24 : memref<16xf32, #tpu.memory_space<vmem>>)
      tpu.yield
    }) : () -> ()
    %get3A = arith.constant 0 : index
    %get3A_17 = tpu.vector_load %arg24[%get3A] {strides = array<i32>} : memref<16xf32, #tpu.memory_space<vmem>>, vector<16xf32>,
    %run_scoped3A = arith.constant 0 : i32
    "tpu.region"() ({
      %run_scoped3A_346 = tpu.sem_alloc : memref<!tpu.dma_semaphore, #tpu.memory_space<semaphore_mem>>
      %dma_start3A_347 = arith.constant 0 : i32
      %dma_start3A_348 = tpu.memref_slice %arg3[%select_n3A, %run_scoped3A, %dma_start3A_347] : memref<4x8x20480xf32, #tpu.memory_space<hbm>> -> memref<1x1x20480xf32, #tpu.memory_space<hbm>>
      %dma_start3A_349 = tpu.memref_squeeze %dma_start3A_348 : memref<1x1x20480xf32, #tpu.memory_space<hbm>> -> memref<20480xf32, #tpu.memory_space<hbm>>
      %dma_start3A_350 = arith.constant 0 : i32
      %dma_start3A_351 = tpu.memref_slice %arg3[%select_n3A, %run_scoped3A, %dma_start3A_350] : memref<4x8x20480xf32, #tpu.memory_space<hbm>> -> memref<1x1x20480xf32, #tpu.memory_space<hbm>>
      %dma_start3A_352 = tpu.memref_squeeze %dma_start3A_351 : memref<1x1x20480xf32, #tpu.memory_space<hbm>> -> memref<20480xf32, #tpu.memory_space<hbm>>
      tpu.enqueue_dma source(%dma_start3A_352 : memref<20480xf32, #tpu.memory_space<hbm>>) target(%arg13 : memref<20480xf32, #tpu.memory_space<vmem>>) target_semaphore(%run_scoped3A_346 : memref<!tpu.dma_semaphore, #tpu.memory_space<semaphore_mem>>)
      %dma_wait3A_353 = arith.constant 0 : i32
      %dma_wait3A_354 = tpu.memref_slice %arg3[%select_n3A, %run_scoped3A, %dma_wait3A_353] : memref<4x8x20480xf32, #tpu.memory_space<hbm>> -> memref<1x1x20480xf32, #tpu.memory_space<hbm>>
      %dma_wait3A_355 = tpu.memref_squeeze %dma_wait3A_354 : memref<1x1x20480xf32, #tpu.memory_space<hbm>> -> memref<20480xf32, #tpu.memory_space<hbm>>
      %dma_wait3A_356 = arith.constant 0 : i32
      %dma_wait3A_357 = tpu.memref_slice %arg3[%select_n3A, %run_scoped3A, %dma_wait3A_356] : memref<4x8x20480xf32, #tpu.memory_space<hbm>> -> memref<1x1x20480xf32, #tpu.memory_space<hbm>>
      %dma_wait3A_358 = tpu.memref_squeeze %dma_wait3A_357 : memref<1x1x20480xf32, #tpu.memory_space<hbm>> -> memref<20480xf32, #tpu.memory_space<hbm>>
      tpu.wait_dma2 semaphore(%run_scoped3A_346 : memref<!tpu.dma_semaphore, #tpu.memory_space<semaphore_mem>>) src(%dma_wait3A_358 : memref<20480xf32, #tpu.memory_space<hbm>>) dst(%arg13 : memref<20480xf32, #tpu.memory_space<vmem>>)
      tpu.yield
    }) : () -> ()
    %run_scoped3A_18 = arith.constant 1 : i32
    "tpu.region"() ({
      %run_scoped3A_346 = tpu.sem_alloc : memref<!tpu.dma_semaphore, #tpu.memory_space<semaphore_mem>>
      %dma_start3A_347 = arith.constant 0 : i32
      %dma_start3A_348 = tpu.memref_slice %arg3[%select_n3A, %run_scoped3A_18, %dma_start3A_347] : memref<4x8x20480xf32, #tpu.memory_space<hbm>> -> memref<1x1x20480xf32, #tpu.memory_space<hbm>>
      %dma_start3A_349 = tpu.memref_squeeze %dma_start3A_348 : memref<1x1x20480xf32, #tpu.memory_space<hbm>> -> memref<20480xf32, #tpu.memory_space<hbm>>
      %dma_start3A_350 = arith.constant 0 : i32
      %dma_start3A_351 = tpu.memref_slice %arg3[%select_n3A, %run_scoped3A_18, %dma_start3A_350] : memref<4x8x20480xf32, #tpu.memory_space<hbm>> -> memref<1x1x20480xf32, #tpu.memory_space<hbm>>
      %dma_start3A_352 = tpu.memref_squeeze %dma_start3A_351 : memref<1x1x20480xf32, #tpu.memory_space<hbm>> -> memref<20480xf32, #tpu.memory_space<hbm>>
      tpu.enqueue_dma source(%dma_start3A_352 : memref<20480xf32, #tpu.memory_space<hbm>>) target(%arg14 : memref<20480xf32, #tpu.memory_space<vmem>>) target_semaphore(%run_scoped3A_346 : memref<!tpu.dma_semaphore, #tpu.memory_space<semaphore_mem>>)
      %dma_wait3A_353 = arith.constant 0 : i32
      %dma_wait3A_354 = tpu.memref_slice %arg3[%select_n3A, %run_scoped3A_18, %dma_wait3A_353] : memref<4x8x20480xf32, #tpu.memory_space<hbm>> -> memref<1x1x20480xf32, #tpu.memory_space<hbm>>
      %dma_wait3A_355 = tpu.memref_squeeze %dma_wait3A_354 : memref<1x1x20480xf32, #tpu.memory_space<hbm>> -> memref<20480xf32, #tpu.memory_space<hbm>>
      %dma_wait3A_356 = arith.constant 0 : i32
      %dma_wait3A_357 = tpu.memref_slice %arg3[%select_n3A, %run_scoped3A_18, %dma_wait3A_356] : memref<4x8x20480xf32, #tpu.memory_space<hbm>> -> memref<1x1x20480xf32, #tpu.memory_space<hbm>>
      %dma_wait3A_358 = tpu.memref_squeeze %dma_wait3A_357 : memref<1x1x20480xf32, #tpu.memory_space<hbm>> -> memref<20480xf32, #tpu.memory_space<hbm>>
      tpu.wait_dma2 semaphore(%run_scoped3A_346 : memref<!tpu.dma_semaphore, #tpu.memory_space<semaphore_mem>>) src(%dma_wait3A_358 : memref<20480xf32, #tpu.memory_space<hbm>>) dst(%arg14 : memref<20480xf32, #tpu.memory_space<vmem>>)
      tpu.yield
    }) : () -> ()
    %run_scoped3A_19 = arith.constant 2 : i32
    "tpu.region"() ({
      %run_scoped3A_346 = tpu.sem_alloc : memref<!tpu.dma_semaphore, #tpu.memory_space<semaphore_mem>>
      %dma_start3A_347 = arith.constant 0 : i32
      %dma_start3A_348 = tpu.memref_slice %arg3[%select_n3A, %run_scoped3A_19, %dma_start3A_347] : memref<4x8x20480xf32, #tpu.memory_space<hbm>> -> memref<1x1x20480xf32, #tpu.memory_space<hbm>>
      %dma_start3A_349 = tpu.memref_squeeze %dma_start3A_348 : memref<1x1x20480xf32, #tpu.memory_space<hbm>> -> memref<20480xf32, #tpu.memory_space<hbm>>
      %dma_start3A_350 = arith.constant 0 : i32
      %dma_start3A_351 = tpu.memref_slice %arg3[%select_n3A, %run_scoped3A_19, %dma_start3A_350] : memref<4x8x20480xf32, #tpu.memory_space<hbm>> -> memref<1x1x20480xf32, #tpu.memory_space<hbm>>
      %dma_start3A_352 = tpu.memref_squeeze %dma_start3A_351 : memref<1x1x20480xf32, #tpu.memory_space<hbm>> -> memref<20480xf32, #tpu.memory_space<hbm>>
      tpu.enqueue_dma source(%dma_start3A_352 : memref<20480xf32, #tpu.memory_space<hbm>>) target(%arg15 : memref<20480xf32, #tpu.memory_space<vmem>>) target_semaphore(%run_scoped3A_346 : memref<!tpu.dma_semaphore, #tpu.memory_space<semaphore_mem>>)
      %dma_wait3A_353 = arith.constant 0 : i32
      %dma_wait3A_354 = tpu.memref_slice %arg3[%select_n3A, %run_scoped3A_19, %dma_wait3A_353] : memref<4x8x20480xf32, #tpu.memory_space<hbm>> -> memref<1x1x20480xf32, #tpu.memory_space<hbm>>
      %dma_wait3A_355 = tpu.memref_squeeze %dma_wait3A_354 : memref<1x1x20480xf32, #tpu.memory_space<hbm>> -> memref<20480xf32, #tpu.memory_space<hbm>>
      %dma_wait3A_356 = arith.constant 0 : i32
      %dma_wait3A_357 = tpu.memref_slice %arg3[%select_n3A, %run_scoped3A_19, %dma_wait3A_356] : memref<4x8x20480xf32, #tpu.memory_space<hbm>> -> memref<1x1x20480xf32, #tpu.memory_space<hbm>>
      %dma_wait3A_358 = tpu.memref_squeeze %dma_wait3A_357 : memref<1x1x20480xf32, #tpu.memory_space<hbm>> -> memref<20480xf32, #tpu.memory_space<hbm>>
      tpu.wait_dma2 semaphore(%run_scoped3A_346 : memref<!tpu.dma_semaphore, #tpu.memory_space<semaphore_mem>>) src(%dma_wait3A_358 : memref<20480xf32, #tpu.memory_space<hbm>>) dst(%arg15 : memref<20480xf32, #tpu.memory_space<vmem>>)
      tpu.yield
    }) : () -> ()
    %run_scoped3A_20 = arith.constant 3 : i32
    "tpu.region"() ({
      %run_scoped3A_346 = tpu.sem_alloc : memref<!tpu.dma_semaphore, #tpu.memory_space<semaphore_mem>>
      %dma_start3A_347 = arith.constant 0 : i32
      %dma_start3A_348 = tpu.memref_slice %arg3[%select_n3A, %run_scoped3A_20, %dma_start3A_347] : memref<4x8x20480xf32, #tpu.memory_space<hbm>> -> memref<1x1x20480xf32, #tpu.memory_space<hbm>>
      %dma_start3A_349 = tpu.memref_squeeze %dma_start3A_348 : memref<1x1x20480xf32, #tpu.memory_space<hbm>> -> memref<20480xf32, #tpu.memory_space<hbm>>
      %dma_start3A_350 = arith.constant 0 : i32
      %dma_start3A_351 = tpu.memref_slice %arg3[%select_n3A, %run_scoped3A_20, %dma_start3A_350] : memref<4x8x20480xf32, #tpu.memory_space<hbm>> -> memref<1x1x20480xf32, #tpu.memory_space<hbm>>
      %dma_start3A_352 = tpu.memref_squeeze %dma_start3A_351 : memref<1x1x20480xf32, #tpu.memory_space<hbm>> -> memref<20480xf32, #tpu.memory_space<hbm>>
      tpu.enqueue_dma source(%dma_start3A_352 : memref<20480xf32, #tpu.memory_space<hbm>>) target(%arg16 : memref<20480xf32, #tpu.memory_space<vmem>>) target_semaphore(%run_scoped3A_346 : memref<!tpu.dma_semaphore, #tpu.memory_space<semaphore_mem>>)
      %dma_wait3A_353 = arith.constant 0 : i32
      %dma_wait3A_354 = tpu.memref_slice %arg3[%select_n3A, %run_scoped3A_20, %dma_wait3A_353] : memref<4x8x20480xf32, #tpu.memory_space<hbm>> -> memref<1x1x20480xf32, #tpu.memory_space<hbm>>
      %dma_wait3A_355 = tpu.memref_squeeze %dma_wait3A_354 : memref<1x1x20480xf32, #tpu.memory_space<hbm>> -> memref<20480xf32, #tpu.memory_space<hbm>>
      %dma_wait3A_356 = arith.constant 0 : i32
      %dma_wait3A_357 = tpu.memref_slice %arg3[%select_n3A, %run_scoped3A_20, %dma_wait3A_356] : memref<4x8x20480xf32, #tpu.memory_space<hbm>> -> memref<1x1x20480xf32, #tpu.memory_space<hbm>>
      %dma_wait3A_358 = tpu.memref_squeeze %dma_wait3A_357 : memref<1x1x20480xf32, #tpu.memory_space<hbm>> -> memref<20480xf32, #tpu.memory_space<hbm>>
      tpu.wait_dma2 semaphore(%run_scoped3A_346 : memref<!tpu.dma_semaphore, #tpu.memory_space<semaphore_mem>>) src(%dma_wait3A_358 : memref<20480xf32, #tpu.memory_space<hbm>>) dst(%arg16 : memref<20480xf32, #tpu.memory_space<vmem>>)
      tpu.yield
    }) : () -> ()
    %mul3A_21 = arith.constant 3 : i32
    %mul3A_22 = arith.muli %add3A, %mul3A_21 : i32
    %dma_start3A = arith.constant 0 : i32
    %dma_start3A_23 = tpu.memref_slice %arg2[%mul3A_22, %dma_start3A] : memref<96x20480xf32, #tpu.memory_space<hbm>> -> memref<1x20480xf32, #tpu.memory_space<hbm>>
    %dma_start3A_24 = tpu.memref_squeeze %dma_start3A_23 : memref<1x20480xf32, #tpu.memory_space<hbm>> -> memref<20480xf32, #tpu.memory_space<hbm>>
    %dma_start3A_25 = arith.constant 0 : i32
    %dma_start3A_26 = tpu.memref_slice %arg2[%mul3A_22, %dma_start3A_25] : memref<96x20480xf32, #tpu.memory_space<hbm>> -> memref<1x20480xf32, #tpu.memory_space<hbm>>
    %dma_start3A_27 = tpu.memref_squeeze %dma_start3A_26 : memref<1x20480xf32, #tpu.memory_space<hbm>> -> memref<20480xf32, #tpu.memory_space<hbm>>
    tpu.enqueue_dma source(%dma_start3A_27 : memref<20480xf32, #tpu.memory_space<hbm>>) target(%arg11 : memref<20480xf32, #tpu.memory_space<vmem>>) target_semaphore(%arg25 : memref<!tpu.dma_semaphore, #tpu.memory_space<semaphore_mem>>)
    %dma_wait3A = arith.constant 0 : i32
    %dma_wait3A_28 = tpu.memref_slice %arg2[%mul3A_22, %dma_wait3A] : memref<96x20480xf32, #tpu.memory_space<hbm>> -> memref<1x20480xf32, #tpu.memory_space<hbm>>
    %dma_wait3A_29 = tpu.memref_squeeze %dma_wait3A_28 : memref<1x20480xf32, #tpu.memory_space<hbm>> -> memref<20480xf32, #tpu.memory_space<hbm>>
    %dma_wait3A_30 = arith.constant 0 : i32
    %dma_wait3A_31 = tpu.memref_slice %arg2[%mul3A_22, %dma_wait3A_30] : memref<96x20480xf32, #tpu.memory_space<hbm>> -> memref<1x20480xf32, #tpu.memory_space<hbm>>
    %dma_wait3A_32 = tpu.memref_squeeze %dma_wait3A_31 : memref<1x20480xf32, #tpu.memory_space<hbm>> -> memref<20480xf32, #tpu.memory_space<hbm>>
    tpu.wait_dma2 semaphore(%arg25 : memref<!tpu.dma_semaphore, #tpu.memory_space<semaphore_mem>>) src(%dma_wait3A_32 : memref<20480xf32, #tpu.memory_space<hbm>>) dst(%arg11 : memref<20480xf32, #tpu.memory_space<vmem>>)
    %mul3A_33 = arith.constant 3 : i32
    %mul3A_34 = arith.muli %add3A, %mul3A_33 : i32
    %add3A_35 = arith.constant 0 : i32
    %add3A_36 = arith.addi %mul3A_34, %add3A_35 : i32
    %add3A_37 = arith.constant 1 : i32
    %add3A_38 = arith.addi %add3A_36, %add3A_37 : i32
    %dma_start3A_39 = arith.constant 0 : i32
    %dma_start3A_40 = tpu.memref_slice %arg2[%add3A_38, %dma_start3A_39] : memref<96x20480xf32, #tpu.memory_space<hbm>> -> memref<1x20480xf32, #tpu.memory_space<hbm>>
    %dma_start3A_41 = tpu.memref_squeeze %dma_start3A_40 : memref<1x20480xf32, #tpu.memory_space<hbm>> -> memref<20480xf32, #tpu.memory_space<hbm>>
    %dma_start3A_42 = arith.constant 0 : i32
    %dma_start3A_43 = tpu.memref_slice %arg2[%add3A_38, %dma_start3A_42] : memref<96x20480xf32, #tpu.memory_space<hbm>> -> memref<1x20480xf32, #tpu.memory_space<hbm>>
    %dma_start3A_44 = tpu.memref_squeeze %dma_start3A_43 : memref<1x20480xf32, #tpu.memory_space<hbm>> -> memref<20480xf32, #tpu.memory_space<hbm>>
    tpu.enqueue_dma source(%dma_start3A_44 : memref<20480xf32, #tpu.memory_space<hbm>>) target(%arg12 : memref<20480xf32, #tpu.memory_space<vmem>>) target_semaphore(%arg25 : memref<!tpu.dma_semaphore, #tpu.memory_space<semaphore_mem>>)
    %parallel_loop3A = arith.constant 0 : i32
    %parallel_loop3A_45 = arith.constant 64 : i32
    %parallel_loop3A_46 = arith.constant 1 : i32
    scf.for %parallel_loop3A_346 = %parallel_loop3A to %parallel_loop3A_45 step %parallel_loop3A_46  : i32 {
      %parallel_loop3A_347 = arith.constant 16 : i32
      %parallel_loop3A_348 = arith.muli %parallel_loop3A_346, %parallel_loop3A_347 : i32
      %parallel_loop3A_349 = arith.constant -1.000000e+09 : f32
      %parallel_loop3A_350 = vector.broadcast %parallel_loop3A_349 : f32 to vector<16xf32>
      %parallel_loop3A_351 = arith.index_cast %parallel_loop3A_348 : i32 to index
      %parallel_loop3A_352 = tpu.vector_load %arg17[%parallel_loop3A_351] {strides = array<i32>} : memref<1024xf32, #tpu.memory_space<vmem>>, vector<16xf32>,
      tpu.vector_store %arg17[%parallel_loop3A_351], %parallel_loop3A_350 {strides = array<i32>} : memref<1024xf32, #tpu.memory_space<vmem>>, vector<16xf32>,
      %parallel_loop3A_353 = arith.constant 0 : i32
      %parallel_loop3A_354 = vector.broadcast %parallel_loop3A_353 : i32 to vector<16xi32>
      %parallel_loop3A_355 = arith.index_cast %parallel_loop3A_348 : i32 to index
      %parallel_loop3A_356 = tpu.vector_load %arg18[%parallel_loop3A_355] {strides = array<i32>} : memref<1024xi32, #tpu.memory_space<vmem>>, vector<16xi32>,
      tpu.vector_store %arg18[%parallel_loop3A_355], %parallel_loop3A_354 {strides = array<i32>} : memref<1024xi32, #tpu.memory_space<vmem>>, vector<16xi32>,
    } {sc.loop_unroll_factor = 8 : i64, sc.parallel_access}
    %mul3A_47 = arith.constant 3 : i32
    %mul3A_48 = arith.muli %add3A, %mul3A_47 : i32
    %add3A_49 = arith.constant 0 : i32
    %add3A_50 = arith.addi %mul3A_48, %add3A_49 : i32
    "tpu.region"() ({
      %run_scoped3A_346 = tpu.sem_alloc : memref<!tpu.dma_semaphore, #tpu.memory_space<semaphore_mem>>
      %dma_start3A_347 = arith.constant 0 : i32
      %dma_start3A_348 = tpu.memref_slice %arg4[%add3A_50, %dma_start3A_347] : memref<96x16xf32, #tpu.memory_space<hbm>> -> memref<1x16xf32, #tpu.memory_space<hbm>>
      %dma_start3A_349 = tpu.memref_squeeze %dma_start3A_348 : memref<1x16xf32, #tpu.memory_space<hbm>> -> memref<16xf32, #tpu.memory_space<hbm>>
      %dma_start3A_350 = arith.constant 0 : i32
      %dma_start3A_351 = tpu.memref_slice %arg4[%add3A_50, %dma_start3A_350] : memref<96x16xf32, #tpu.memory_space<hbm>> -> memref<1x16xf32, #tpu.memory_space<hbm>>
      %dma_start3A_352 = tpu.memref_squeeze %dma_start3A_351 : memref<1x16xf32, #tpu.memory_space<hbm>> -> memref<16xf32, #tpu.memory_space<hbm>>
      tpu.enqueue_dma source(%dma_start3A_352 : memref<16xf32, #tpu.memory_space<hbm>>) target(%arg23 : memref<16xf32, #tpu.memory_space<vmem>>) target_semaphore(%run_scoped3A_346 : memref<!tpu.dma_semaphore, #tpu.memory_space<semaphore_mem>>)
      %dma_wait3A_353 = arith.constant 0 : i32
      %dma_wait3A_354 = tpu.memref_slice %arg4[%add3A_50, %dma_wait3A_353] : memref<96x16xf32, #tpu.memory_space<hbm>> -> memref<1x16xf32, #tpu.memory_space<hbm>>
      %dma_wait3A_355 = tpu.memref_squeeze %dma_wait3A_354 : memref<1x16xf32, #tpu.memory_space<hbm>> -> memref<16xf32, #tpu.memory_space<hbm>>
      %dma_wait3A_356 = arith.constant 0 : i32
      %dma_wait3A_357 = tpu.memref_slice %arg4[%add3A_50, %dma_wait3A_356] : memref<96x16xf32, #tpu.memory_space<hbm>> -> memref<1x16xf32, #tpu.memory_space<hbm>>
      %dma_wait3A_358 = tpu.memref_squeeze %dma_wait3A_357 : memref<1x16xf32, #tpu.memory_space<hbm>> -> memref<16xf32, #tpu.memory_space<hbm>>
      tpu.wait_dma2 semaphore(%run_scoped3A_346 : memref<!tpu.dma_semaphore, #tpu.memory_space<semaphore_mem>>) src(%dma_wait3A_358 : memref<16xf32, #tpu.memory_space<hbm>>) dst(%arg23 : memref<16xf32, #tpu.memory_space<vmem>>)
      tpu.yield
    }) : () -> ()
    %get3A_51 = arith.constant 0 : index
    %get3A_52 = tpu.vector_load %arg23[%get3A_51] {strides = array<i32>} : memref<16xf32, #tpu.memory_space<vmem>>, vector<16xf32>,
    %le3A = arith.constant 1.008000e+03 : f32
    %le3A_53 = vector.broadcast %le3A : f32 to vector<16xf32>
    %le3A_54 = arith.cmpf ole, %get3A_52, %le3A_53 : vector<16xf32>
    %jit3A_55 = arith.constant 2.000000e+00 : f32
    %broadcast_in_dim3A = vector.broadcast %jit3A_55 : f32 to vector<16xf32>
    %select_n3A_56 = arith.select %le3A_54, %get3A_17, %broadcast_in_dim3A : vector<16xi1>, vector<16xf32>
    %reduce_min3A = arith.constant true
    %reduce_min3A_57 = vector.broadcast %reduce_min3A : i1 to vector<16xi1>
    %reduce_min3A_58 = tpu.scan <min>, %select_n3A_56 masked %reduce_min3A_57 : vector<16xf32>, vector<16xi1> -> vector<16xf32>
    %reduce_min3A_59 = vector.extract %reduce_min3A_58[15] : f32 from vector<16xf32>
    %broadcast_in_dim3A_60 = arith.constant 0 : i32
    %broadcast_in_dim3A_61 = vector.broadcast %broadcast_in_dim3A_60 : i32 to vector<16xi32>
    %scan3A = arith.constant 0 : i32
    %scan3A_62 = arith.constant 1280 : i32
    %scan3A_63 = arith.addi %scan3A, %scan3A_62 : i32
    %scan3A_64 = arith.constant 16 : i32
    %scan3A_65 = scf.for %scan3A_346 = %scan3A to %scan3A_63 step %scan3A_64 iter_args(%scan3A_347 = %broadcast_in_dim3A_61) -> (vector<16xi32>)  : i32 {
      %mul3A_348 = arith.constant 16 : i32
      %mul3A_349 = arith.muli %scan3A_346, %mul3A_348 : i32
      %get3A_350 = arith.index_cast %mul3A_349 : i32 to index
      %get3A_351 = tpu.vector_load %arg11[%get3A_350] {strides = array<i32>} : memref<20480xf32, #tpu.memory_space<vmem>>, vector<16xf32>,
      %gt3A = vector.broadcast %reduce_min3A_59 : f32 to vector<16xf32>
      %gt3A_352 = arith.cmpf ogt, %get3A_351, %gt3A : vector<16xf32>
      %convert_element_type3A = arith.extui %gt3A_352 : vector<16xi1> to vector<16xi32>
      %broadcast_in_dim3A_353 = arith.constant true
      %broadcast_in_dim3A_354 = vector.broadcast %broadcast_in_dim3A_353 : i1 to vector<16xi1>
      %masked_cumsum3A = tpu.scan <sum>, %convert_element_type3A masked %broadcast_in_dim3A_354 : vector<16xi32>, vector<16xi1> -> vector<16xi32>
      %add3A_355 = arith.addi %scan3A_347, %masked_cumsum3A : vector<16xi32>
      %sub3A_356 = arith.constant 1 : i32
      %sub3A_357 = vector.broadcast %sub3A_356 : i32 to vector<16xi32>
      %sub3A_358 = arith.subi %add3A_355, %sub3A_357 : vector<16xi32>
      tpu.vector_store_idx %arg17[%sub3A_358], %get3A_351 masked %gt3A_352 : memref<1024xf32, #tpu.memory_space<vmem>>[vector<16xi32>], vector<16xf32>, vector<16xi1>
      %mul3A_359 = arith.constant 16 : i32
      %mul3A_360 = arith.muli %scan3A_346, %mul3A_359 : i32
      %add3A_361 = vector.broadcast %mul3A_360 : i32 to vector<16xi32>
      %add3A_362 = arith.addi %add3A_361, %iota3A : vector<16xi32>
      tpu.vector_store_idx %arg18[%sub3A_358], %add3A_362 masked %gt3A_352 : memref<1024xi32, #tpu.memory_space<vmem>>[vector<16xi32>], vector<16xi32>, vector<16xi1>
      %all_reduce_population_count3A = tpu.all_reduce %gt3A_352 {dim = 0 : i64, kind = #tpu.reduction_kind<sum>} : vector<16xi1> -> vector<16xi32>
      %add3A_363 = arith.addi %scan3A_347, %all_reduce_population_count3A : vector<16xi32>
      %scan3A_364 = arith.constant 1 : i32
      %scan3A_365 = arith.addi %scan3A_346, %scan3A_364 : i32
      %mul3A_366 = arith.constant 16 : i32
      %mul3A_367 = arith.muli %scan3A_365, %mul3A_366 : i32
      %get3A_368 = arith.index_cast %mul3A_367 : i32 to index
      %get3A_369 = tpu.vector_load %arg11[%get3A_368] {strides = array<i32>} : memref<20480xf32, #tpu.memory_space<vmem>>, vector<16xf32>,
      %gt3A_370 = vector.broadcast %reduce_min3A_59 : f32 to vector<16xf32>
      %gt3A_371 = arith.cmpf ogt, %get3A_369, %gt3A_370 : vector<16xf32>
      %convert_element_type3A_372 = arith.extui %gt3A_371 : vector<16xi1> to vector<16xi32>
      %broadcast_in_dim3A_373 = arith.constant true
      %broadcast_in_dim3A_374 = vector.broadcast %broadcast_in_dim3A_373 : i1 to vector<16xi1>
      %masked_cumsum3A_375 = tpu.scan <sum>, %convert_element_type3A_372 masked %broadcast_in_dim3A_374 : vector<16xi32>, vector<16xi1> -> vector<16xi32>
      %add3A_376 = arith.addi %add3A_363, %masked_cumsum3A_375 : vector<16xi32>
      %sub3A_377 = arith.constant 1 : i32
      %sub3A_378 = vector.broadcast %sub3A_377 : i32 to vector<16xi32>
      %sub3A_379 = arith.subi %add3A_376, %sub3A_378 : vector<16xi32>
      tpu.vector_store_idx %arg17[%sub3A_379], %get3A_369 masked %gt3A_371 : memref<1024xf32, #tpu.memory_space<vmem>>[vector<16xi32>], vector<16xf32>, vector<16xi1>
      %mul3A_380 = arith.constant 16 : i32
      %mul3A_381 = arith.muli %scan3A_365, %mul3A_380 : i32
      %add3A_382 = vector.broadcast %mul3A_381 : i32 to vector<16xi32>
      %add3A_383 = arith.addi %add3A_382, %iota3A : vector<16xi32>
      tpu.vector_store_idx %arg18[%sub3A_379], %add3A_383 masked %gt3A_371 : memref<1024xi32, #tpu.memory_space<vmem>>[vector<16xi32>], vector<16xi32>, vector<16xi1>
      %all_reduce_population_count3A_384 = tpu.all_reduce %gt3A_371 {dim = 0 : i64, kind = #tpu.reduction_kind<sum>} : vector<16xi1> -> vector<16xi32>
      %add3A_385 = arith.addi %add3A_363, %all_reduce_population_count3A_384 : vector<16xi32>
      %scan3A_386 = arith.constant 2 : i32
      %scan3A_387 = arith.addi %scan3A_346, %scan3A_386 : i32
      %mul3A_388 = arith.constant 16 : i32
      %mul3A_389 = arith.muli %scan3A_387, %mul3A_388 : i32
      %get3A_390 = arith.index_cast %mul3A_389 : i32 to index
      %get3A_391 = tpu.vector_load %arg11[%get3A_390] {strides = array<i32>} : memref<20480xf32, #tpu.memory_space<vmem>>, vector<16xf32>,
      %gt3A_392 = vector.broadcast %reduce_min3A_59 : f32 to vector<16xf32>
      %gt3A_393 = arith.cmpf ogt, %get3A_391, %gt3A_392 : vector<16xf32>
      %convert_element_type3A_394 = arith.extui %gt3A_393 : vector<16xi1> to vector<16xi32>
      %broadcast_in_dim3A_395 = arith.constant true
      %broadcast_in_dim3A_396 = vector.broadcast %broadcast_in_dim3A_395 : i1 to vector<16xi1>
      %masked_cumsum3A_397 = tpu.scan <sum>, %convert_element_type3A_394 masked %broadcast_in_dim3A_396 : vector<16xi32>, vector<16xi1> -> vector<16xi32>
      %add3A_398 = arith.addi %add3A_385, %masked_cumsum3A_397 : vector<16xi32>
      %sub3A_399 = arith.constant 1 : i32
      %sub3A_400 = vector.broadcast %sub3A_399 : i32 to vector<16xi32>
      %sub3A_401 = arith.subi %add3A_398, %sub3A_400 : vector<16xi32>
      tpu.vector_store_idx %arg17[%sub3A_401], %get3A_391 masked %gt3A_393 : memref<1024xf32, #tpu.memory_space<vmem>>[vector<16xi32>], vector<16xf32>, vector<16xi1>
      %mul3A_402 = arith.constant 16 : i32
      %mul3A_403 = arith.muli %scan3A_387, %mul3A_402 : i32
      %add3A_404 = vector.broadcast %mul3A_403 : i32 to vector<16xi32>
      %add3A_405 = arith.addi %add3A_404, %iota3A : vector<16xi32>
      tpu.vector_store_idx %arg18[%sub3A_401], %add3A_405 masked %gt3A_393 : memref<1024xi32, #tpu.memory_space<vmem>>[vector<16xi32>], vector<16xi32>, vector<16xi1>
      %all_reduce_population_count3A_406 = tpu.all_reduce %gt3A_393 {dim = 0 : i64, kind = #tpu.reduction_kind<sum>} : vector<16xi1> -> vector<16xi32>
      %add3A_407 = arith.addi %add3A_385, %all_reduce_population_count3A_406 : vector<16xi32>
      %scan3A_408 = arith.constant 3 : i32
      %scan3A_409 = arith.addi %scan3A_346, %scan3A_408 : i32
      %mul3A_410 = arith.constant 16 : i32
      %mul3A_411 = arith.muli %scan3A_409, %mul3A_410 : i32
      %get3A_412 = arith.index_cast %mul3A_411 : i32 to index
      %get3A_413 = tpu.vector_load %arg11[%get3A_412] {strides = array<i32>} : memref<20480xf32, #tpu.memory_space<vmem>>, vector<16xf32>,
      %gt3A_414 = vector.broadcast %reduce_min3A_59 : f32 to vector<16xf32>
      %gt3A_415 = arith.cmpf ogt, %get3A_413, %gt3A_414 : vector<16xf32>
      %convert_element_type3A_416 = arith.extui %gt3A_415 : vector<16xi1> to vector<16xi32>
      %broadcast_in_dim3A_417 = arith.constant true
      %broadcast_in_dim3A_418 = vector.broadcast %broadcast_in_dim3A_417 : i1 to vector<16xi1>
      %masked_cumsum3A_419 = tpu.scan <sum>, %convert_element_type3A_416 masked %broadcast_in_dim3A_418 : vector<16xi32>, vector<16xi1> -> vector<16xi32>
      %add3A_420 = arith.addi %add3A_407, %masked_cumsum3A_419 : vector<16xi32>
      %sub3A_421 = arith.constant 1 : i32
      %sub3A_422 = vector.broadcast %sub3A_421 : i32 to vector<16xi32>
      %sub3A_423 = arith.subi %add3A_420, %sub3A_422 : vector<16xi32>
      tpu.vector_store_idx %arg17[%sub3A_423], %get3A_413 masked %gt3A_415 : memref<1024xf32, #tpu.memory_space<vmem>>[vector<16xi32>], vector<16xf32>, vector<16xi1>
      %mul3A_424 = arith.constant 16 : i32
      %mul3A_425 = arith.muli %scan3A_409, %mul3A_424 : i32
      %add3A_426 = vector.broadcast %mul3A_425 : i32 to vector<16xi32>
      %add3A_427 = arith.addi %add3A_426, %iota3A : vector<16xi32>
      tpu.vector_store_idx %arg18[%sub3A_423], %add3A_427 masked %gt3A_415 : memref<1024xi32, #tpu.memory_space<vmem>>[vector<16xi32>], vector<16xi32>, vector<16xi1>
      %all_reduce_population_count3A_428 = tpu.all_reduce %gt3A_415 {dim = 0 : i64, kind = #tpu.reduction_kind<sum>} : vector<16xi1> -> vector<16xi32>
      %add3A_429 = arith.addi %add3A_407, %all_reduce_population_count3A_428 : vector<16xi32>
      %scan3A_430 = arith.constant 4 : i32
      %scan3A_431 = arith.addi %scan3A_346, %scan3A_430 : i32
      %mul3A_432 = arith.constant 16 : i32
      %mul3A_433 = arith.muli %scan3A_431, %mul3A_432 : i32
      %get3A_434 = arith.index_cast %mul3A_433 : i32 to index
      %get3A_435 = tpu.vector_load %arg11[%get3A_434] {strides = array<i32>} : memref<20480xf32, #tpu.memory_space<vmem>>, vector<16xf32>,
      %gt3A_436 = vector.broadcast %reduce_min3A_59 : f32 to vector<16xf32>
      %gt3A_437 = arith.cmpf ogt, %get3A_435, %gt3A_436 : vector<16xf32>
      %convert_element_type3A_438 = arith.extui %gt3A_437 : vector<16xi1> to vector<16xi32>
      %broadcast_in_dim3A_439 = arith.constant true
      %broadcast_in_dim3A_440 = vector.broadcast %broadcast_in_dim3A_439 : i1 to vector<16xi1>
      %masked_cumsum3A_441 = tpu.scan <sum>, %convert_element_type3A_438 masked %broadcast_in_dim3A_440 : vector<16xi32>, vector<16xi1> -> vector<16xi32>
      %add3A_442 = arith.addi %add3A_429, %masked_cumsum3A_441 : vector<16xi32>
      %sub3A_443 = arith.constant 1 : i32
      %sub3A_444 = vector.broadcast %sub3A_443 : i32 to vector<16xi32>
      %sub3A_445 = arith.subi %add3A_442, %sub3A_444 : vector<16xi32>
      tpu.vector_store_idx %arg17[%sub3A_445], %get3A_435 masked %gt3A_437 : memref<1024xf32, #tpu.memory_space<vmem>>[vector<16xi32>], vector<16xf32>, vector<16xi1>
      %mul3A_446 = arith.constant 16 : i32
      %mul3A_447 = arith.muli %scan3A_431, %mul3A_446 : i32
      %add3A_448 = vector.broadcast %mul3A_447 : i32 to vector<16xi32>
      %add3A_449 = arith.addi %add3A_448, %iota3A : vector<16xi32>
      tpu.vector_store_idx %arg18[%sub3A_445], %add3A_449 masked %gt3A_437 : memref<1024xi32, #tpu.memory_space<vmem>>[vector<16xi32>], vector<16xi32>, vector<16xi1>
      %all_reduce_population_count3A_450 = tpu.all_reduce %gt3A_437 {dim = 0 : i64, kind = #tpu.reduction_kind<sum>} : vector<16xi1> -> vector<16xi32>
      %add3A_451 = arith.addi %add3A_429, %all_reduce_population_count3A_450 : vector<16xi32>
      %scan3A_452 = arith.constant 5 : i32
      %scan3A_453 = arith.addi %scan3A_346, %scan3A_452 : i32
      %mul3A_454 = arith.constant 16 : i32
      %mul3A_455 = arith.muli %scan3A_453, %mul3A_454 : i32
      %get3A_456 = arith.index_cast %mul3A_455 : i32 to index
      %get3A_457 = tpu.vector_load %arg11[%get3A_456] {strides = array<i32>} : memref<20480xf32, #tpu.memory_space<vmem>>, vector<16xf32>,
      %gt3A_458 = vector.broadcast %reduce_min3A_59 : f32 to vector<16xf32>
      %gt3A_459 = arith.cmpf ogt, %get3A_457, %gt3A_458 : vector<16xf32>
      %convert_element_type3A_460 = arith.extui %gt3A_459 : vector<16xi1> to vector<16xi32>
      %broadcast_in_dim3A_461 = arith.constant true
      %broadcast_in_dim3A_462 = vector.broadcast %broadcast_in_dim3A_461 : i1 to vector<16xi1>
      %masked_cumsum3A_463 = tpu.scan <sum>, %convert_element_type3A_460 masked %broadcast_in_dim3A_462 : vector<16xi32>, vector<16xi1> -> vector<16xi32>
      %add3A_464 = arith.addi %add3A_451, %masked_cumsum3A_463 : vector<16xi32>
      %sub3A_465 = arith.constant 1 : i32
      %sub3A_466 = vector.broadcast %sub3A_465 : i32 to vector<16xi32>
      %sub3A_467 = arith.subi %add3A_464, %sub3A_466 : vector<16xi32>
      tpu.vector_store_idx %arg17[%sub3A_467], %get3A_457 masked %gt3A_459 : memref<1024xf32, #tpu.memory_space<vmem>>[vector<16xi32>], vector<16xf32>, vector<16xi1>
      %mul3A_468 = arith.constant 16 : i32
      %mul3A_469 = arith.muli %scan3A_453, %mul3A_468 : i32
      %add3A_470 = vector.broadcast %mul3A_469 : i32 to vector<16xi32>
      %add3A_471 = arith.addi %add3A_470, %iota3A : vector<16xi32>
      tpu.vector_store_idx %arg18[%sub3A_467], %add3A_471 masked %gt3A_459 : memref<1024xi32, #tpu.memory_space<vmem>>[vector<16xi32>], vector<16xi32>, vector<16xi1>
      %all_reduce_population_count3A_472 = tpu.all_reduce %gt3A_459 {dim = 0 : i64, kind = #tpu.reduction_kind<sum>} : vector<16xi1> -> vector<16xi32>
      %add3A_473 = arith.addi %add3A_451, %all_reduce_population_count3A_472 : vector<16xi32>
      %scan3A_474 = arith.constant 6 : i32
      %scan3A_475 = arith.addi %scan3A_346, %scan3A_474 : i32
      %mul3A_476 = arith.constant 16 : i32
      %mul3A_477 = arith.muli %scan3A_475, %mul3A_476 : i32
      %get3A_478 = arith.index_cast %mul3A_477 : i32 to index
      %get3A_479 = tpu.vector_load %arg11[%get3A_478] {strides = array<i32>} : memref<20480xf32, #tpu.memory_space<vmem>>, vector<16xf32>,
      %gt3A_480 = vector.broadcast %reduce_min3A_59 : f32 to vector<16xf32>
      %gt3A_481 = arith.cmpf ogt, %get3A_479, %gt3A_480 : vector<16xf32>
      %convert_element_type3A_482 = arith.extui %gt3A_481 : vector<16xi1> to vector<16xi32>
      %broadcast_in_dim3A_483 = arith.constant true
      %broadcast_in_dim3A_484 = vector.broadcast %broadcast_in_dim3A_483 : i1 to vector<16xi1>
      %masked_cumsum3A_485 = tpu.scan <sum>, %convert_element_type3A_482 masked %broadcast_in_dim3A_484 : vector<16xi32>, vector<16xi1> -> vector<16xi32>
      %add3A_486 = arith.addi %add3A_473, %masked_cumsum3A_485 : vector<16xi32>
      %sub3A_487 = arith.constant 1 : i32
      %sub3A_488 = vector.broadcast %sub3A_487 : i32 to vector<16xi32>
      %sub3A_489 = arith.subi %add3A_486, %sub3A_488 : vector<16xi32>
      tpu.vector_store_idx %arg17[%sub3A_489], %get3A_479 masked %gt3A_481 : memref<1024xf32, #tpu.memory_space<vmem>>[vector<16xi32>], vector<16xf32>, vector<16xi1>
      %mul3A_490 = arith.constant 16 : i32
      %mul3A_491 = arith.muli %scan3A_475, %mul3A_490 : i32
      %add3A_492 = vector.broadcast %mul3A_491 : i32 to vector<16xi32>
      %add3A_493 = arith.addi %add3A_492, %iota3A : vector<16xi32>
      tpu.vector_store_idx %arg18[%sub3A_489], %add3A_493 masked %gt3A_481 : memref<1024xi32, #tpu.memory_space<vmem>>[vector<16xi32>], vector<16xi32>, vector<16xi1>
      %all_reduce_population_count3A_494 = tpu.all_reduce %gt3A_481 {dim = 0 : i64, kind = #tpu.reduction_kind<sum>} : vector<16xi1> -> vector<16xi32>
      %add3A_495 = arith.addi %add3A_473, %all_reduce_population_count3A_494 : vector<16xi32>
      %scan3A_496 = arith.constant 7 : i32
      %scan3A_497 = arith.addi %scan3A_346, %scan3A_496 : i32
      %mul3A_498 = arith.constant 16 : i32
      %mul3A_499 = arith.muli %scan3A_497, %mul3A_498 : i32
      %get3A_500 = arith.index_cast %mul3A_499 : i32 to index
      %get3A_501 = tpu.vector_load %arg11[%get3A_500] {strides = array<i32>} : memref<20480xf32, #tpu.memory_space<vmem>>, vector<16xf32>,
      %gt3A_502 = vector.broadcast %reduce_min3A_59 : f32 to vector<16xf32>
      %gt3A_503 = arith.cmpf ogt, %get3A_501, %gt3A_502 : vector<16xf32>
      %convert_element_type3A_504 = arith.extui %gt3A_503 : vector<16xi1> to vector<16xi32>
      %broadcast_in_dim3A_505 = arith.constant true
      %broadcast_in_dim3A_506 = vector.broadcast %broadcast_in_dim3A_505 : i1 to vector<16xi1>
      %masked_cumsum3A_507 = tpu.scan <sum>, %convert_element_type3A_504 masked %broadcast_in_dim3A_506 : vector<16xi32>, vector<16xi1> -> vector<16xi32>
      %add3A_508 = arith.addi %add3A_495, %masked_cumsum3A_507 : vector<16xi32>
      %sub3A_509 = arith.constant 1 : i32
      %sub3A_510 = vector.broadcast %sub3A_509 : i32 to vector<16xi32>
      %sub3A_511 = arith.subi %add3A_508, %sub3A_510 : vector<16xi32>
      tpu.vector_store_idx %arg17[%sub3A_511], %get3A_501 masked %gt3A_503 : memref<1024xf32, #tpu.memory_space<vmem>>[vector<16xi32>], vector<16xf32>, vector<16xi1>
      %mul3A_512 = arith.constant 16 : i32
      %mul3A_513 = arith.muli %scan3A_497, %mul3A_512 : i32
      %add3A_514 = vector.broadcast %mul3A_513 : i32 to vector<16xi32>
      %add3A_515 = arith.addi %add3A_514, %iota3A : vector<16xi32>
      tpu.vector_store_idx %arg18[%sub3A_511], %add3A_515 masked %gt3A_503 : memref<1024xi32, #tpu.memory_space<vmem>>[vector<16xi32>], vector<16xi32>, vector<16xi1>
      %all_reduce_population_count3A_516 = tpu.all_reduce %gt3A_503 {dim = 0 : i64, kind = #tpu.reduction_kind<sum>} : vector<16xi1> -> vector<16xi32>
      %add3A_517 = arith.addi %add3A_495, %all_reduce_population_count3A_516 : vector<16xi32>
      %scan3A_518 = arith.constant 8 : i32
      %scan3A_519 = arith.addi %scan3A_346, %scan3A_518 : i32
      %mul3A_520 = arith.constant 16 : i32
      %mul3A_521 = arith.muli %scan3A_519, %mul3A_520 : i32
      %get3A_522 = arith.index_cast %mul3A_521 : i32 to index
      %get3A_523 = tpu.vector_load %arg11[%get3A_522] {strides = array<i32>} : memref<20480xf32, #tpu.memory_space<vmem>>, vector<16xf32>,
      %gt3A_524 = vector.broadcast %reduce_min3A_59 : f32 to vector<16xf32>
      %gt3A_525 = arith.cmpf ogt, %get3A_523, %gt3A_524 : vector<16xf32>
      %convert_element_type3A_526 = arith.extui %gt3A_525 : vector<16xi1> to vector<16xi32>
      %broadcast_in_dim3A_527 = arith.constant true
      %broadcast_in_dim3A_528 = vector.broadcast %broadcast_in_dim3A_527 : i1 to vector<16xi1>
      %masked_cumsum3A_529 = tpu.scan <sum>, %convert_element_type3A_526 masked %broadcast_in_dim3A_528 : vector<16xi32>, vector<16xi1> -> vector<16xi32>
      %add3A_530 = arith.addi %add3A_517, %masked_cumsum3A_529 : vector<16xi32>
      %sub3A_531 = arith.constant 1 : i32
      %sub3A_532 = vector.broadcast %sub3A_531 : i32 to vector<16xi32>
      %sub3A_533 = arith.subi %add3A_530, %sub3A_532 : vector<16xi32>
      tpu.vector_store_idx %arg17[%sub3A_533], %get3A_523 masked %gt3A_525 : memref<1024xf32, #tpu.memory_space<vmem>>[vector<16xi32>], vector<16xf32>, vector<16xi1>
      %mul3A_534 = arith.constant 16 : i32
      %mul3A_535 = arith.muli %scan3A_519, %mul3A_534 : i32
      %add3A_536 = vector.broadcast %mul3A_535 : i32 to vector<16xi32>
      %add3A_537 = arith.addi %add3A_536, %iota3A : vector<16xi32>
      tpu.vector_store_idx %arg18[%sub3A_533], %add3A_537 masked %gt3A_525 : memref<1024xi32, #tpu.memory_space<vmem>>[vector<16xi32>], vector<16xi32>, vector<16xi1>
      %all_reduce_population_count3A_538 = tpu.all_reduce %gt3A_525 {dim = 0 : i64, kind = #tpu.reduction_kind<sum>} : vector<16xi1> -> vector<16xi32>
      %add3A_539 = arith.addi %add3A_517, %all_reduce_population_count3A_538 : vector<16xi32>
      %scan3A_540 = arith.constant 9 : i32
      %scan3A_541 = arith.addi %scan3A_346, %scan3A_540 : i32
      %mul3A_542 = arith.constant 16 : i32
      %mul3A_543 = arith.muli %scan3A_541, %mul3A_542 : i32
      %get3A_544 = arith.index_cast %mul3A_543 : i32 to index
      %get3A_545 = tpu.vector_load %arg11[%get3A_544] {strides = array<i32>} : memref<20480xf32, #tpu.memory_space<vmem>>, vector<16xf32>,
      %gt3A_546 = vector.broadcast %reduce_min3A_59 : f32 to vector<16xf32>
      %gt3A_547 = arith.cmpf ogt, %get3A_545, %gt3A_546 : vector<16xf32>
      %convert_element_type3A_548 = arith.extui %gt3A_547 : vector<16xi1> to vector<16xi32>
      %broadcast_in_dim3A_549 = arith.constant true
      %broadcast_in_dim3A_550 = vector.broadcast %broadcast_in_dim3A_549 : i1 to vector<16xi1>
      %masked_cumsum3A_551 = tpu.scan <sum>, %convert_element_type3A_548 masked %broadcast_in_dim3A_550 : vector<16xi32>, vector<16xi1> -> vector<16xi32>
      %add3A_552 = arith.addi %add3A_539, %masked_cumsum3A_551 : vector<16xi32>
      %sub3A_553 = arith.constant 1 : i32
      %sub3A_554 = vector.broadcast %sub3A_553 : i32 to vector<16xi32>
      %sub3A_555 = arith.subi %add3A_552, %sub3A_554 : vector<16xi32>
      tpu.vector_store_idx %arg17[%sub3A_555], %get3A_545 masked %gt3A_547 : memref<1024xf32, #tpu.memory_space<vmem>>[vector<16xi32>], vector<16xf32>, vector<16xi1>
      %mul3A_556 = arith.constant 16 : i32
      %mul3A_557 = arith.muli %scan3A_541, %mul3A_556 : i32
      %add3A_558 = vector.broadcast %mul3A_557 : i32 to vector<16xi32>
      %add3A_559 = arith.addi %add3A_558, %iota3A : vector<16xi32>
      tpu.vector_store_idx %arg18[%sub3A_555], %add3A_559 masked %gt3A_547 : memref<1024xi32, #tpu.memory_space<vmem>>[vector<16xi32>], vector<16xi32>, vector<16xi1>
      %all_reduce_population_count3A_560 = tpu.all_reduce %gt3A_547 {dim = 0 : i64, kind = #tpu.reduction_kind<sum>} : vector<16xi1> -> vector<16xi32>
      %add3A_561 = arith.addi %add3A_539, %all_reduce_population_count3A_560 : vector<16xi32>
      %scan3A_562 = arith.constant 10 : i32
      %scan3A_563 = arith.addi %scan3A_346, %scan3A_562 : i32
      %mul3A_564 = arith.constant 16 : i32
      %mul3A_565 = arith.muli %scan3A_563, %mul3A_564 : i32
      %get3A_566 = arith.index_cast %mul3A_565 : i32 to index
      %get3A_567 = tpu.vector_load %arg11[%get3A_566] {strides = array<i32>} : memref<20480xf32, #tpu.memory_space<vmem>>, vector<16xf32>,
      %gt3A_568 = vector.broadcast %reduce_min3A_59 : f32 to vector<16xf32>
      %gt3A_569 = arith.cmpf ogt, %get3A_567, %gt3A_568 : vector<16xf32>
      %convert_element_type3A_570 = arith.extui %gt3A_569 : vector<16xi1> to vector<16xi32>
      %broadcast_in_dim3A_571 = arith.constant true
      %broadcast_in_dim3A_572 = vector.broadcast %broadcast_in_dim3A_571 : i1 to vector<16xi1>
      %masked_cumsum3A_573 = tpu.scan <sum>, %convert_element_type3A_570 masked %broadcast_in_dim3A_572 : vector<16xi32>, vector<16xi1> -> vector<16xi32>
      %add3A_574 = arith.addi %add3A_561, %masked_cumsum3A_573 : vector<16xi32>
      %sub3A_575 = arith.constant 1 : i32
      %sub3A_576 = vector.broadcast %sub3A_575 : i32 to vector<16xi32>
      %sub3A_577 = arith.subi %add3A_574, %sub3A_576 : vector<16xi32>
      tpu.vector_store_idx %arg17[%sub3A_577], %get3A_567 masked %gt3A_569 : memref<1024xf32, #tpu.memory_space<vmem>>[vector<16xi32>], vector<16xf32>, vector<16xi1>
      %mul3A_578 = arith.constant 16 : i32
      %mul3A_579 = arith.muli %scan3A_563, %mul3A_578 : i32
      %add3A_580 = vector.broadcast %mul3A_579 : i32 to vector<16xi32>
      %add3A_581 = arith.addi %add3A_580, %iota3A : vector<16xi32>
      tpu.vector_store_idx %arg18[%sub3A_577], %add3A_581 masked %gt3A_569 : memref<1024xi32, #tpu.memory_space<vmem>>[vector<16xi32>], vector<16xi32>, vector<16xi1>
      %all_reduce_population_count3A_582 = tpu.all_reduce %gt3A_569 {dim = 0 : i64, kind = #tpu.reduction_kind<sum>} : vector<16xi1> -> vector<16xi32>
      %add3A_583 = arith.addi %add3A_561, %all_reduce_population_count3A_582 : vector<16xi32>
      %scan3A_584 = arith.constant 11 : i32
      %scan3A_585 = arith.addi %scan3A_346, %scan3A_584 : i32
      %mul3A_586 = arith.constant 16 : i32
      %mul3A_587 = arith.muli %scan3A_585, %mul3A_586 : i32
      %get3A_588 = arith.index_cast %mul3A_587 : i32 to index
      %get3A_589 = tpu.vector_load %arg11[%get3A_588] {strides = array<i32>} : memref<20480xf32, #tpu.memory_space<vmem>>, vector<16xf32>,
      %gt3A_590 = vector.broadcast %reduce_min3A_59 : f32 to vector<16xf32>
      %gt3A_591 = arith.cmpf ogt, %get3A_589, %gt3A_590 : vector<16xf32>
      %convert_element_type3A_592 = arith.extui %gt3A_591 : vector<16xi1> to vector<16xi32>
      %broadcast_in_dim3A_593 = arith.constant true
      %broadcast_in_dim3A_594 = vector.broadcast %broadcast_in_dim3A_593 : i1 to vector<16xi1>
      %masked_cumsum3A_595 = tpu.scan <sum>, %convert_element_type3A_592 masked %broadcast_in_dim3A_594 : vector<16xi32>, vector<16xi1> -> vector<16xi32>
      %add3A_596 = arith.addi %add3A_583, %masked_cumsum3A_595 : vector<16xi32>
      %sub3A_597 = arith.constant 1 : i32
      %sub3A_598 = vector.broadcast %sub3A_597 : i32 to vector<16xi32>
      %sub3A_599 = arith.subi %add3A_596, %sub3A_598 : vector<16xi32>
      tpu.vector_store_idx %arg17[%sub3A_599], %get3A_589 masked %gt3A_591 : memref<1024xf32, #tpu.memory_space<vmem>>[vector<16xi32>], vector<16xf32>, vector<16xi1>
      %mul3A_600 = arith.constant 16 : i32
      %mul3A_601 = arith.muli %scan3A_585, %mul3A_600 : i32
      %add3A_602 = vector.broadcast %mul3A_601 : i32 to vector<16xi32>
      %add3A_603 = arith.addi %add3A_602, %iota3A : vector<16xi32>
      tpu.vector_store_idx %arg18[%sub3A_599], %add3A_603 masked %gt3A_591 : memref<1024xi32, #tpu.memory_space<vmem>>[vector<16xi32>], vector<16xi32>, vector<16xi1>
      %all_reduce_population_count3A_604 = tpu.all_reduce %gt3A_591 {dim = 0 : i64, kind = #tpu.reduction_kind<sum>} : vector<16xi1> -> vector<16xi32>
      %add3A_605 = arith.addi %add3A_583, %all_reduce_population_count3A_604 : vector<16xi32>
      %scan3A_606 = arith.constant 12 : i32
      %scan3A_607 = arith.addi %scan3A_346, %scan3A_606 : i32
      %mul3A_608 = arith.constant 16 : i32
      %mul3A_609 = arith.muli %scan3A_607, %mul3A_608 : i32
      %get3A_610 = arith.index_cast %mul3A_609 : i32 to index
      %get3A_611 = tpu.vector_load %arg11[%get3A_610] {strides = array<i32>} : memref<20480xf32, #tpu.memory_space<vmem>>, vector<16xf32>,
      %gt3A_612 = vector.broadcast %reduce_min3A_59 : f32 to vector<16xf32>
      %gt3A_613 = arith.cmpf ogt, %get3A_611, %gt3A_612 : vector<16xf32>
      %convert_element_type3A_614 = arith.extui %gt3A_613 : vector<16xi1> to vector<16xi32>
      %broadcast_in_dim3A_615 = arith.constant true
      %broadcast_in_dim3A_616 = vector.broadcast %broadcast_in_dim3A_615 : i1 to vector<16xi1>
      %masked_cumsum3A_617 = tpu.scan <sum>, %convert_element_type3A_614 masked %broadcast_in_dim3A_616 : vector<16xi32>, vector<16xi1> -> vector<16xi32>
      %add3A_618 = arith.addi %add3A_605, %masked_cumsum3A_617 : vector<16xi32>
      %sub3A_619 = arith.constant 1 : i32
      %sub3A_620 = vector.broadcast %sub3A_619 : i32 to vector<16xi32>
      %sub3A_621 = arith.subi %add3A_618, %sub3A_620 : vector<16xi32>
      tpu.vector_store_idx %arg17[%sub3A_621], %get3A_611 masked %gt3A_613 : memref<1024xf32, #tpu.memory_space<vmem>>[vector<16xi32>], vector<16xf32>, vector<16xi1>
      %mul3A_622 = arith.constant 16 : i32
      %mul3A_623 = arith.muli %scan3A_607, %mul3A_622 : i32
      %add3A_624 = vector.broadcast %mul3A_623 : i32 to vector<16xi32>
      %add3A_625 = arith.addi %add3A_624, %iota3A : vector<16xi32>
      tpu.vector_store_idx %arg18[%sub3A_621], %add3A_625 masked %gt3A_613 : memref<1024xi32, #tpu.memory_space<vmem>>[vector<16xi32>], vector<16xi32>, vector<16xi1>
      %all_reduce_population_count3A_626 = tpu.all_reduce %gt3A_613 {dim = 0 : i64, kind = #tpu.reduction_kind<sum>} : vector<16xi1> -> vector<16xi32>
      %add3A_627 = arith.addi %add3A_605, %all_reduce_population_count3A_626 : vector<16xi32>
      %scan3A_628 = arith.constant 13 : i32
      %scan3A_629 = arith.addi %scan3A_346, %scan3A_628 : i32
      %mul3A_630 = arith.constant 16 : i32
      %mul3A_631 = arith.muli %scan3A_629, %mul3A_630 : i32
      %get3A_632 = arith.index_cast %mul3A_631 : i32 to index
      %get3A_633 = tpu.vector_load %arg11[%get3A_632] {strides = array<i32>} : memref<20480xf32, #tpu.memory_space<vmem>>, vector<16xf32>,
      %gt3A_634 = vector.broadcast %reduce_min3A_59 : f32 to vector<16xf32>
      %gt3A_635 = arith.cmpf ogt, %get3A_633, %gt3A_634 : vector<16xf32>
      %convert_element_type3A_636 = arith.extui %gt3A_635 : vector<16xi1> to vector<16xi32>
      %broadcast_in_dim3A_637 = arith.constant true
      %broadcast_in_dim3A_638 = vector.broadcast %broadcast_in_dim3A_637 : i1 to vector<16xi1>
      %masked_cumsum3A_639 = tpu.scan <sum>, %convert_element_type3A_636 masked %broadcast_in_dim3A_638 : vector<16xi32>, vector<16xi1> -> vector<16xi32>
      %add3A_640 = arith.addi %add3A_627, %masked_cumsum3A_639 : vector<16xi32>
      %sub3A_641 = arith.constant 1 : i32
      %sub3A_642 = vector.broadcast %sub3A_641 : i32 to vector<16xi32>
      %sub3A_643 = arith.subi %add3A_640, %sub3A_642 : vector<16xi32>
      tpu.vector_store_idx %arg17[%sub3A_643], %get3A_633 masked %gt3A_635 : memref<1024xf32, #tpu.memory_space<vmem>>[vector<16xi32>], vector<16xf32>, vector<16xi1>
      %mul3A_644 = arith.constant 16 : i32
      %mul3A_645 = arith.muli %scan3A_629, %mul3A_644 : i32
      %add3A_646 = vector.broadcast %mul3A_645 : i32 to vector<16xi32>
      %add3A_647 = arith.addi %add3A_646, %iota3A : vector<16xi32>
      tpu.vector_store_idx %arg18[%sub3A_643], %add3A_647 masked %gt3A_635 : memref<1024xi32, #tpu.memory_space<vmem>>[vector<16xi32>], vector<16xi32>, vector<16xi1>
      %all_reduce_population_count3A_648 = tpu.all_reduce %gt3A_635 {dim = 0 : i64, kind = #tpu.reduction_kind<sum>} : vector<16xi1> -> vector<16xi32>
      %add3A_649 = arith.addi %add3A_627, %all_reduce_population_count3A_648 : vector<16xi32>
      %scan3A_650 = arith.constant 14 : i32
      %scan3A_651 = arith.addi %scan3A_346, %scan3A_650 : i32
      %mul3A_652 = arith.constant 16 : i32
      %mul3A_653 = arith.muli %scan3A_651, %mul3A_652 : i32
      %get3A_654 = arith.index_cast %mul3A_653 : i32 to index
      %get3A_655 = tpu.vector_load %arg11[%get3A_654] {strides = array<i32>} : memref<20480xf32, #tpu.memory_space<vmem>>, vector<16xf32>,
      %gt3A_656 = vector.broadcast %reduce_min3A_59 : f32 to vector<16xf32>
      %gt3A_657 = arith.cmpf ogt, %get3A_655, %gt3A_656 : vector<16xf32>
      %convert_element_type3A_658 = arith.extui %gt3A_657 : vector<16xi1> to vector<16xi32>
      %broadcast_in_dim3A_659 = arith.constant true
      %broadcast_in_dim3A_660 = vector.broadcast %broadcast_in_dim3A_659 : i1 to vector<16xi1>
      %masked_cumsum3A_661 = tpu.scan <sum>, %convert_element_type3A_658 masked %broadcast_in_dim3A_660 : vector<16xi32>, vector<16xi1> -> vector<16xi32>
      %add3A_662 = arith.addi %add3A_649, %masked_cumsum3A_661 : vector<16xi32>
      %sub3A_663 = arith.constant 1 : i32
      %sub3A_664 = vector.broadcast %sub3A_663 : i32 to vector<16xi32>
      %sub3A_665 = arith.subi %add3A_662, %sub3A_664 : vector<16xi32>
      tpu.vector_store_idx %arg17[%sub3A_665], %get3A_655 masked %gt3A_657 : memref<1024xf32, #tpu.memory_space<vmem>>[vector<16xi32>], vector<16xf32>, vector<16xi1>
      %mul3A_666 = arith.constant 16 : i32
      %mul3A_667 = arith.muli %scan3A_651, %mul3A_666 : i32
      %add3A_668 = vector.broadcast %mul3A_667 : i32 to vector<16xi32>
      %add3A_669 = arith.addi %add3A_668, %iota3A : vector<16xi32>
      tpu.vector_store_idx %arg18[%sub3A_665], %add3A_669 masked %gt3A_657 : memref<1024xi32, #tpu.memory_space<vmem>>[vector<16xi32>], vector<16xi32>, vector<16xi1>
      %all_reduce_population_count3A_670 = tpu.all_reduce %gt3A_657 {dim = 0 : i64, kind = #tpu.reduction_kind<sum>} : vector<16xi1> -> vector<16xi32>
      %add3A_671 = arith.addi %add3A_649, %all_reduce_population_count3A_670 : vector<16xi32>
      %scan3A_672 = arith.constant 15 : i32
      %scan3A_673 = arith.addi %scan3A_346, %scan3A_672 : i32
      %mul3A_674 = arith.constant 16 : i32
      %mul3A_675 = arith.muli %scan3A_673, %mul3A_674 : i32
      %get3A_676 = arith.index_cast %mul3A_675 : i32 to index
      %get3A_677 = tpu.vector_load %arg11[%get3A_676] {strides = array<i32>} : memref<20480xf32, #tpu.memory_space<vmem>>, vector<16xf32>,
      %gt3A_678 = vector.broadcast %reduce_min3A_59 : f32 to vector<16xf32>
      %gt3A_679 = arith.cmpf ogt, %get3A_677, %gt3A_678 : vector<16xf32>
      %convert_element_type3A_680 = arith.extui %gt3A_679 : vector<16xi1> to vector<16xi32>
      %broadcast_in_dim3A_681 = arith.constant true
      %broadcast_in_dim3A_682 = vector.broadcast %broadcast_in_dim3A_681 : i1 to vector<16xi1>
      %masked_cumsum3A_683 = tpu.scan <sum>, %convert_element_type3A_680 masked %broadcast_in_dim3A_682 : vector<16xi32>, vector<16xi1> -> vector<16xi32>
      %add3A_684 = arith.addi %add3A_671, %masked_cumsum3A_683 : vector<16xi32>
      %sub3A_685 = arith.constant 1 : i32
      %sub3A_686 = vector.broadcast %sub3A_685 : i32 to vector<16xi32>
      %sub3A_687 = arith.subi %add3A_684, %sub3A_686 : vector<16xi32>
      tpu.vector_store_idx %arg17[%sub3A_687], %get3A_677 masked %gt3A_679 : memref<1024xf32, #tpu.memory_space<vmem>>[vector<16xi32>], vector<16xf32>, vector<16xi1>
      %mul3A_688 = arith.constant 16 : i32
      %mul3A_689 = arith.muli %scan3A_673, %mul3A_688 : i32
      %add3A_690 = vector.broadcast %mul3A_689 : i32 to vector<16xi32>
      %add3A_691 = arith.addi %add3A_690, %iota3A : vector<16xi32>
      tpu.vector_store_idx %arg18[%sub3A_687], %add3A_691 masked %gt3A_679 : memref<1024xi32, #tpu.memory_space<vmem>>[vector<16xi32>], vector<16xi32>, vector<16xi1>
      %all_reduce_population_count3A_692 = tpu.all_reduce %gt3A_679 {dim = 0 : i64, kind = #tpu.reduction_kind<sum>} : vector<16xi1> -> vector<16xi32>
      %add3A_693 = arith.addi %add3A_671, %all_reduce_population_count3A_692 : vector<16xi32>
      scf.yield %add3A_693 : vector<16xi32>
    }
    %scan3A_66 = arith.constant 1280 : i32
    %parallel_loop3A_67 = arith.constant 0 : i32
    %parallel_loop3A_68 = arith.constant 64 : i32
    %parallel_loop3A_69 = arith.constant 1 : i32
    scf.for %parallel_loop3A_346 = %parallel_loop3A_67 to %parallel_loop3A_68 step %parallel_loop3A_69  : i32 {
      %parallel_loop3A_347 = arith.constant 16 : i32
      %parallel_loop3A_348 = arith.muli %parallel_loop3A_346, %parallel_loop3A_347 : i32
      %parallel_loop3A_349 = arith.index_cast %parallel_loop3A_348 : i32 to index
      %parallel_loop3A_350 = tpu.vector_load %arg18[%parallel_loop3A_349] {strides = array<i32>} : memref<1024xi32, #tpu.memory_space<vmem>>, vector<16xi32>,
      %parallel_loop3A_351 = tpu.vector_load_idx %arg13[%parallel_loop3A_350] : memref<20480xf32, #tpu.memory_space<vmem>>[vector<16xi32>], vector<16xf32>,
      %parallel_loop3A_352 = arith.index_cast %parallel_loop3A_348 : i32 to index
      %parallel_loop3A_353 = tpu.vector_load %arg19[%parallel_loop3A_352] {strides = array<i32>} : memref<1024xf32, #tpu.memory_space<vmem>>, vector<16xf32>,
      tpu.vector_store %arg19[%parallel_loop3A_352], %parallel_loop3A_351 {strides = array<i32>} : memref<1024xf32, #tpu.memory_space<vmem>>, vector<16xf32>,
      %parallel_loop3A_354 = tpu.vector_load_idx %arg14[%parallel_loop3A_350] : memref<20480xf32, #tpu.memory_space<vmem>>[vector<16xi32>], vector<16xf32>,
      %parallel_loop3A_355 = arith.index_cast %parallel_loop3A_348 : i32 to index
      %parallel_loop3A_356 = tpu.vector_load %arg20[%parallel_loop3A_355] {strides = array<i32>} : memref<1024xf32, #tpu.memory_space<vmem>>, vector<16xf32>,
      tpu.vector_store %arg20[%parallel_loop3A_355], %parallel_loop3A_354 {strides = array<i32>} : memref<1024xf32, #tpu.memory_space<vmem>>, vector<16xf32>,
      %parallel_loop3A_357 = tpu.vector_load_idx %arg15[%parallel_loop3A_350] : memref<20480xf32, #tpu.memory_space<vmem>>[vector<16xi32>], vector<16xf32>,
      %parallel_loop3A_358 = arith.index_cast %parallel_loop3A_348 : i32 to index
      %parallel_loop3A_359 = tpu.vector_load %arg21[%parallel_loop3A_358] {strides = array<i32>} : memref<1024xf32, #tpu.memory_space<vmem>>, vector<16xf32>,
      tpu.vector_store %arg21[%parallel_loop3A_358], %parallel_loop3A_357 {strides = array<i32>} : memref<1024xf32, #tpu.memory_space<vmem>>, vector<16xf32>,
      %parallel_loop3A_360 = tpu.vector_load_idx %arg16[%parallel_loop3A_350] : memref<20480xf32, #tpu.memory_space<vmem>>[vector<16xi32>], vector<16xf32>,
      %parallel_loop3A_361 = arith.index_cast %parallel_loop3A_348 : i32 to index
      %parallel_loop3A_362 = tpu.vector_load %arg22[%parallel_loop3A_361] {strides = array<i32>} : memref<1024xf32, #tpu.memory_space<vmem>>, vector<16xf32>,
      tpu.vector_store %arg22[%parallel_loop3A_361], %parallel_loop3A_360 {strides = array<i32>} : memref<1024xf32, #tpu.memory_space<vmem>>, vector<16xf32>,
    } {sc.loop_unroll_factor = 8 : i64, sc.parallel_access}
    %mul3A_70 = arith.constant 3 : i32
    %mul3A_71 = arith.muli %add3A, %mul3A_70 : i32
    %add3A_72 = arith.constant 0 : i32
    %add3A_73 = arith.addi %mul3A_71, %add3A_72 : i32
    %dma_start3A_74 = arith.constant 0 : i32
    %dma_start3A_75 = tpu.memref_slice %arg6[%add3A_73, %dma_start3A_74] : memref<96x1024xf32, #tpu.memory_space<hbm>> -> memref<1x1024xf32, #tpu.memory_space<hbm>>
    %dma_start3A_76 = tpu.memref_squeeze %dma_start3A_75 : memref<1x1024xf32, #tpu.memory_space<hbm>> -> memref<1024xf32, #tpu.memory_space<hbm>>
    %dma_start3A_77 = arith.constant 0 : i32
    %dma_start3A_78 = tpu.memref_slice %arg6[%add3A_73, %dma_start3A_77] : memref<96x1024xf32, #tpu.memory_space<hbm>> -> memref<1x1024xf32, #tpu.memory_space<hbm>>
    %dma_start3A_79 = tpu.memref_squeeze %dma_start3A_78 : memref<1x1024xf32, #tpu.memory_space<hbm>> -> memref<1024xf32, #tpu.memory_space<hbm>>
    tpu.enqueue_dma source(%arg17 : memref<1024xf32, #tpu.memory_space<vmem>>) target(%dma_start3A_79 : memref<1024xf32, #tpu.memory_space<hbm>>) target_semaphore(%arg26 : memref<!tpu.dma_semaphore, #tpu.memory_space<semaphore_mem>>)
    %dma_start3A_80 = arith.constant 0 : i32
    %dma_start3A_81 = tpu.memref_slice %arg7[%add3A_73, %dma_start3A_80] : memref<96x1024xf32, #tpu.memory_space<hbm>> -> memref<1x1024xf32, #tpu.memory_space<hbm>>
    %dma_start3A_82 = tpu.memref_squeeze %dma_start3A_81 : memref<1x1024xf32, #tpu.memory_space<hbm>> -> memref<1024xf32, #tpu.memory_space<hbm>>
    %dma_start3A_83 = arith.constant 0 : i32
    %dma_start3A_84 = tpu.memref_slice %arg7[%add3A_73, %dma_start3A_83] : memref<96x1024xf32, #tpu.memory_space<hbm>> -> memref<1x1024xf32, #tpu.memory_space<hbm>>
    %dma_start3A_85 = tpu.memref_squeeze %dma_start3A_84 : memref<1x1024xf32, #tpu.memory_space<hbm>> -> memref<1024xf32, #tpu.memory_space<hbm>>
    tpu.enqueue_dma source(%arg19 : memref<1024xf32, #tpu.memory_space<vmem>>) target(%dma_start3A_85 : memref<1024xf32, #tpu.memory_space<hbm>>) target_semaphore(%arg26 : memref<!tpu.dma_semaphore, #tpu.memory_space<semaphore_mem>>)
    %dma_start3A_86 = arith.constant 0 : i32
    %dma_start3A_87 = tpu.memref_slice %arg8[%add3A_73, %dma_start3A_86] : memref<96x1024xf32, #tpu.memory_space<hbm>> -> memref<1x1024xf32, #tpu.memory_space<hbm>>
    %dma_start3A_88 = tpu.memref_squeeze %dma_start3A_87 : memref<1x1024xf32, #tpu.memory_space<hbm>> -> memref<1024xf32, #tpu.memory_space<hbm>>
    %dma_start3A_89 = arith.constant 0 : i32
    %dma_start3A_90 = tpu.memref_slice %arg8[%add3A_73, %dma_start3A_89] : memref<96x1024xf32, #tpu.memory_space<hbm>> -> memref<1x1024xf32, #tpu.memory_space<hbm>>
    %dma_start3A_91 = tpu.memref_squeeze %dma_start3A_90 : memref<1x1024xf32, #tpu.memory_space<hbm>> -> memref<1024xf32, #tpu.memory_space<hbm>>
    tpu.enqueue_dma source(%arg20 : memref<1024xf32, #tpu.memory_space<vmem>>) target(%dma_start3A_91 : memref<1024xf32, #tpu.memory_space<hbm>>) target_semaphore(%arg26 : memref<!tpu.dma_semaphore, #tpu.memory_space<semaphore_mem>>)
    %dma_start3A_92 = arith.constant 0 : i32
    %dma_start3A_93 = tpu.memref_slice %arg9[%add3A_73, %dma_start3A_92] : memref<96x1024xf32, #tpu.memory_space<hbm>> -> memref<1x1024xf32, #tpu.memory_space<hbm>>
    %dma_start3A_94 = tpu.memref_squeeze %dma_start3A_93 : memref<1x1024xf32, #tpu.memory_space<hbm>> -> memref<1024xf32, #tpu.memory_space<hbm>>
    %dma_start3A_95 = arith.constant 0 : i32
    %dma_start3A_96 = tpu.memref_slice %arg9[%add3A_73, %dma_start3A_95] : memref<96x1024xf32, #tpu.memory_space<hbm>> -> memref<1x1024xf32, #tpu.memory_space<hbm>>
    %dma_start3A_97 = tpu.memref_squeeze %dma_start3A_96 : memref<1x1024xf32, #tpu.memory_space<hbm>> -> memref<1024xf32, #tpu.memory_space<hbm>>
    tpu.enqueue_dma source(%arg21 : memref<1024xf32, #tpu.memory_space<vmem>>) target(%dma_start3A_97 : memref<1024xf32, #tpu.memory_space<hbm>>) target_semaphore(%arg26 : memref<!tpu.dma_semaphore, #tpu.memory_space<semaphore_mem>>)
    %dma_start3A_98 = arith.constant 0 : i32
    %dma_start3A_99 = tpu.memref_slice %arg10[%add3A_73, %dma_start3A_98] : memref<96x1024xf32, #tpu.memory_space<hbm>> -> memref<1x1024xf32, #tpu.memory_space<hbm>>
    %dma_start3A_100 = tpu.memref_squeeze %dma_start3A_99 : memref<1x1024xf32, #tpu.memory_space<hbm>> -> memref<1024xf32, #tpu.memory_space<hbm>>
    %dma_start3A_101 = arith.constant 0 : i32
    %dma_start3A_102 = tpu.memref_slice %arg10[%add3A_73, %dma_start3A_101] : memref<96x1024xf32, #tpu.memory_space<hbm>> -> memref<1x1024xf32, #tpu.memory_space<hbm>>
    %dma_start3A_103 = tpu.memref_squeeze %dma_start3A_102 : memref<1x1024xf32, #tpu.memory_space<hbm>> -> memref<1024xf32, #tpu.memory_space<hbm>>
    tpu.enqueue_dma source(%arg22 : memref<1024xf32, #tpu.memory_space<vmem>>) target(%dma_start3A_103 : memref<1024xf32, #tpu.memory_space<hbm>>) target_semaphore(%arg26 : memref<!tpu.dma_semaphore, #tpu.memory_space<semaphore_mem>>)
    %dma_wait3A_104 = arith.constant 0 : i32
    %dma_wait3A_105 = tpu.memref_slice %arg2[%add3A_38, %dma_wait3A_104] : memref<96x20480xf32, #tpu.memory_space<hbm>> -> memref<1x20480xf32, #tpu.memory_space<hbm>>
    %dma_wait3A_106 = tpu.memref_squeeze %dma_wait3A_105 : memref<1x20480xf32, #tpu.memory_space<hbm>> -> memref<20480xf32, #tpu.memory_space<hbm>>
    %dma_wait3A_107 = arith.constant 0 : i32
    %dma_wait3A_108 = tpu.memref_slice %arg2[%add3A_38, %dma_wait3A_107] : memref<96x20480xf32, #tpu.memory_space<hbm>> -> memref<1x20480xf32, #tpu.memory_space<hbm>>
    %dma_wait3A_109 = tpu.memref_squeeze %dma_wait3A_108 : memref<1x20480xf32, #tpu.memory_space<hbm>> -> memref<20480xf32, #tpu.memory_space<hbm>>
    tpu.wait_dma2 semaphore(%arg25 : memref<!tpu.dma_semaphore, #tpu.memory_space<semaphore_mem>>) src(%dma_wait3A_109 : memref<20480xf32, #tpu.memory_space<hbm>>) dst(%arg12 : memref<20480xf32, #tpu.memory_space<vmem>>)
    %mul3A_110 = arith.constant 3 : i32
    %mul3A_111 = arith.muli %add3A, %mul3A_110 : i32
    %add3A_112 = arith.constant 1 : i32
    %add3A_113 = arith.addi %mul3A_111, %add3A_112 : i32
    %add3A_114 = arith.constant 1 : i32
    %add3A_115 = arith.addi %add3A_113, %add3A_114 : i32
    %dma_start3A_116 = arith.constant 0 : i32
    %dma_start3A_117 = tpu.memref_slice %arg2[%add3A_115, %dma_start3A_116] : memref<96x20480xf32, #tpu.memory_space<hbm>> -> memref<1x20480xf32, #tpu.memory_space<hbm>>
    %dma_start3A_118 = tpu.memref_squeeze %dma_start3A_117 : memref<1x20480xf32, #tpu.memory_space<hbm>> -> memref<20480xf32, #tpu.memory_space<hbm>>
    %dma_start3A_119 = arith.constant 0 : i32
    %dma_start3A_120 = tpu.memref_slice %arg2[%add3A_115, %dma_start3A_119] : memref<96x20480xf32, #tpu.memory_space<hbm>> -> memref<1x20480xf32, #tpu.memory_space<hbm>>
    %dma_start3A_121 = tpu.memref_squeeze %dma_start3A_120 : memref<1x20480xf32, #tpu.memory_space<hbm>> -> memref<20480xf32, #tpu.memory_space<hbm>>
    tpu.enqueue_dma source(%dma_start3A_121 : memref<20480xf32, #tpu.memory_space<hbm>>) target(%arg11 : memref<20480xf32, #tpu.memory_space<vmem>>) target_semaphore(%arg25 : memref<!tpu.dma_semaphore, #tpu.memory_space<semaphore_mem>>)
    %dma_wait3A_122 = arith.constant 0 : i32
    %dma_wait3A_123 = tpu.memref_slice %arg6[%add3A_73, %dma_wait3A_122] : memref<96x1024xf32, #tpu.memory_space<hbm>> -> memref<1x1024xf32, #tpu.memory_space<hbm>>
    %dma_wait3A_124 = tpu.memref_squeeze %dma_wait3A_123 : memref<1x1024xf32, #tpu.memory_space<hbm>> -> memref<1024xf32, #tpu.memory_space<hbm>>
    %dma_wait3A_125 = arith.constant 0 : i32
    %dma_wait3A_126 = tpu.memref_slice %arg6[%add3A_73, %dma_wait3A_125] : memref<96x1024xf32, #tpu.memory_space<hbm>> -> memref<1x1024xf32, #tpu.memory_space<hbm>>
    %dma_wait3A_127 = tpu.memref_squeeze %dma_wait3A_126 : memref<1x1024xf32, #tpu.memory_space<hbm>> -> memref<1024xf32, #tpu.memory_space<hbm>>
    tpu.wait_dma2 semaphore(%arg26 : memref<!tpu.dma_semaphore, #tpu.memory_space<semaphore_mem>>) src(%arg17 : memref<1024xf32, #tpu.memory_space<vmem>>) dst(%dma_wait3A_127 : memref<1024xf32, #tpu.memory_space<hbm>>)
    %dma_wait3A_128 = arith.constant 0 : i32
    %dma_wait3A_129 = tpu.memref_slice %arg7[%add3A_73, %dma_wait3A_128] : memref<96x1024xf32, #tpu.memory_space<hbm>> -> memref<1x1024xf32, #tpu.memory_space<hbm>>
    %dma_wait3A_130 = tpu.memref_squeeze %dma_wait3A_129 : memref<1x1024xf32, #tpu.memory_space<hbm>> -> memref<1024xf32, #tpu.memory_space<hbm>>
    %dma_wait3A_131 = arith.constant 0 : i32
    %dma_wait3A_132 = tpu.memref_slice %arg7[%add3A_73, %dma_wait3A_131] : memref<96x1024xf32, #tpu.memory_space<hbm>> -> memref<1x1024xf32, #tpu.memory_space<hbm>>
    %dma_wait3A_133 = tpu.memref_squeeze %dma_wait3A_132 : memref<1x1024xf32, #tpu.memory_space<hbm>> -> memref<1024xf32, #tpu.memory_space<hbm>>
    tpu.wait_dma2 semaphore(%arg26 : memref<!tpu.dma_semaphore, #tpu.memory_space<semaphore_mem>>) src(%arg19 : memref<1024xf32, #tpu.memory_space<vmem>>) dst(%dma_wait3A_133 : memref<1024xf32, #tpu.memory_space<hbm>>)
    %dma_wait3A_134 = arith.constant 0 : i32
    %dma_wait3A_135 = tpu.memref_slice %arg8[%add3A_73, %dma_wait3A_134] : memref<96x1024xf32, #tpu.memory_space<hbm>> -> memref<1x1024xf32, #tpu.memory_space<hbm>>
    %dma_wait3A_136 = tpu.memref_squeeze %dma_wait3A_135 : memref<1x1024xf32, #tpu.memory_space<hbm>> -> memref<1024xf32, #tpu.memory_space<hbm>>
    %dma_wait3A_137 = arith.constant 0 : i32
    %dma_wait3A_138 = tpu.memref_slice %arg8[%add3A_73, %dma_wait3A_137] : memref<96x1024xf32, #tpu.memory_space<hbm>> -> memref<1x1024xf32, #tpu.memory_space<hbm>>
    %dma_wait3A_139 = tpu.memref_squeeze %dma_wait3A_138 : memref<1x1024xf32, #tpu.memory_space<hbm>> -> memref<1024xf32, #tpu.memory_space<hbm>>
    tpu.wait_dma2 semaphore(%arg26 : memref<!tpu.dma_semaphore, #tpu.memory_space<semaphore_mem>>) src(%arg20 : memref<1024xf32, #tpu.memory_space<vmem>>) dst(%dma_wait3A_139 : memref<1024xf32, #tpu.memory_space<hbm>>)
    %dma_wait3A_140 = arith.constant 0 : i32
    %dma_wait3A_141 = tpu.memref_slice %arg9[%add3A_73, %dma_wait3A_140] : memref<96x1024xf32, #tpu.memory_space<hbm>> -> memref<1x1024xf32, #tpu.memory_space<hbm>>
    %dma_wait3A_142 = tpu.memref_squeeze %dma_wait3A_141 : memref<1x1024xf32, #tpu.memory_space<hbm>> -> memref<1024xf32, #tpu.memory_space<hbm>>
    %dma_wait3A_143 = arith.constant 0 : i32
    %dma_wait3A_144 = tpu.memref_slice %arg9[%add3A_73, %dma_wait3A_143] : memref<96x1024xf32, #tpu.memory_space<hbm>> -> memref<1x1024xf32, #tpu.memory_space<hbm>>
    %dma_wait3A_145 = tpu.memref_squeeze %dma_wait3A_144 : memref<1x1024xf32, #tpu.memory_space<hbm>> -> memref<1024xf32, #tpu.memory_space<hbm>>
    tpu.wait_dma2 semaphore(%arg26 : memref<!tpu.dma_semaphore, #tpu.memory_space<semaphore_mem>>) src(%arg21 : memref<1024xf32, #tpu.memory_space<vmem>>) dst(%dma_wait3A_145 : memref<1024xf32, #tpu.memory_space<hbm>>)
    %dma_wait3A_146 = arith.constant 0 : i32
    %dma_wait3A_147 = tpu.memref_slice %arg10[%add3A_73, %dma_wait3A_146] : memref<96x1024xf32, #tpu.memory_space<hbm>> -> memref<1x1024xf32, #tpu.memory_space<hbm>>
    %dma_wait3A_148 = tpu.memref_squeeze %dma_wait3A_147 : memref<1x1024xf32, #tpu.memory_space<hbm>> -> memref<1024xf32, #tpu.memory_space<hbm>>
    %dma_wait3A_149 = arith.constant 0 : i32
    %dma_wait3A_150 = tpu.memref_slice %arg10[%add3A_73, %dma_wait3A_149] : memref<96x1024xf32, #tpu.memory_space<hbm>> -> memref<1x1024xf32, #tpu.memory_space<hbm>>
    %dma_wait3A_151 = tpu.memref_squeeze %dma_wait3A_150 : memref<1x1024xf32, #tpu.memory_space<hbm>> -> memref<1024xf32, #tpu.memory_space<hbm>>
    tpu.wait_dma2 semaphore(%arg26 : memref<!tpu.dma_semaphore, #tpu.memory_space<semaphore_mem>>) src(%arg22 : memref<1024xf32, #tpu.memory_space<vmem>>) dst(%dma_wait3A_151 : memref<1024xf32, #tpu.memory_space<hbm>>)
    %parallel_loop3A_152 = arith.constant 0 : i32
    %parallel_loop3A_153 = arith.constant 64 : i32
    %parallel_loop3A_154 = arith.constant 1 : i32
    scf.for %parallel_loop3A_346 = %parallel_loop3A_152 to %parallel_loop3A_153 step %parallel_loop3A_154  : i32 {
      %parallel_loop3A_347 = arith.constant 16 : i32
      %parallel_loop3A_348 = arith.muli %parallel_loop3A_346, %parallel_loop3A_347 : i32
      %parallel_loop3A_349 = arith.constant -1.000000e+09 : f32
      %parallel_loop3A_350 = vector.broadcast %parallel_loop3A_349 : f32 to vector<16xf32>
      %parallel_loop3A_351 = arith.index_cast %parallel_loop3A_348 : i32 to index
      %parallel_loop3A_352 = tpu.vector_load %arg17[%parallel_loop3A_351] {strides = array<i32>} : memref<1024xf32, #tpu.memory_space<vmem>>, vector<16xf32>,
      tpu.vector_store %arg17[%parallel_loop3A_351], %parallel_loop3A_350 {strides = array<i32>} : memref<1024xf32, #tpu.memory_space<vmem>>, vector<16xf32>,
      %parallel_loop3A_353 = arith.constant 0 : i32
      %parallel_loop3A_354 = vector.broadcast %parallel_loop3A_353 : i32 to vector<16xi32>
      %parallel_loop3A_355 = arith.index_cast %parallel_loop3A_348 : i32 to index
      %parallel_loop3A_356 = tpu.vector_load %arg18[%parallel_loop3A_355] {strides = array<i32>} : memref<1024xi32, #tpu.memory_space<vmem>>, vector<16xi32>,
      tpu.vector_store %arg18[%parallel_loop3A_355], %parallel_loop3A_354 {strides = array<i32>} : memref<1024xi32, #tpu.memory_space<vmem>>, vector<16xi32>,
    } {sc.loop_unroll_factor = 8 : i64, sc.parallel_access}
    %mul3A_155 = arith.constant 3 : i32
    %mul3A_156 = arith.muli %add3A, %mul3A_155 : i32
    %add3A_157 = arith.constant 1 : i32
    %add3A_158 = arith.addi %mul3A_156, %add3A_157 : i32
    "tpu.region"() ({
      %run_scoped3A_346 = tpu.sem_alloc : memref<!tpu.dma_semaphore, #tpu.memory_space<semaphore_mem>>
      %dma_start3A_347 = arith.constant 0 : i32
      %dma_start3A_348 = tpu.memref_slice %arg4[%add3A_158, %dma_start3A_347] : memref<96x16xf32, #tpu.memory_space<hbm>> -> memref<1x16xf32, #tpu.memory_space<hbm>>
      %dma_start3A_349 = tpu.memref_squeeze %dma_start3A_348 : memref<1x16xf32, #tpu.memory_space<hbm>> -> memref<16xf32, #tpu.memory_space<hbm>>
      %dma_start3A_350 = arith.constant 0 : i32
      %dma_start3A_351 = tpu.memref_slice %arg4[%add3A_158, %dma_start3A_350] : memref<96x16xf32, #tpu.memory_space<hbm>> -> memref<1x16xf32, #tpu.memory_space<hbm>>
      %dma_start3A_352 = tpu.memref_squeeze %dma_start3A_351 : memref<1x16xf32, #tpu.memory_space<hbm>> -> memref<16xf32, #tpu.memory_space<hbm>>
      tpu.enqueue_dma source(%dma_start3A_352 : memref<16xf32, #tpu.memory_space<hbm>>) target(%arg23 : memref<16xf32, #tpu.memory_space<vmem>>) target_semaphore(%run_scoped3A_346 : memref<!tpu.dma_semaphore, #tpu.memory_space<semaphore_mem>>)
      %dma_wait3A_353 = arith.constant 0 : i32
      %dma_wait3A_354 = tpu.memref_slice %arg4[%add3A_158, %dma_wait3A_353] : memref<96x16xf32, #tpu.memory_space<hbm>> -> memref<1x16xf32, #tpu.memory_space<hbm>>
      %dma_wait3A_355 = tpu.memref_squeeze %dma_wait3A_354 : memref<1x16xf32, #tpu.memory_space<hbm>> -> memref<16xf32, #tpu.memory_space<hbm>>
      %dma_wait3A_356 = arith.constant 0 : i32
      %dma_wait3A_357 = tpu.memref_slice %arg4[%add3A_158, %dma_wait3A_356] : memref<96x16xf32, #tpu.memory_space<hbm>> -> memref<1x16xf32, #tpu.memory_space<hbm>>
      %dma_wait3A_358 = tpu.memref_squeeze %dma_wait3A_357 : memref<1x16xf32, #tpu.memory_space<hbm>> -> memref<16xf32, #tpu.memory_space<hbm>>
      tpu.wait_dma2 semaphore(%run_scoped3A_346 : memref<!tpu.dma_semaphore, #tpu.memory_space<semaphore_mem>>) src(%dma_wait3A_358 : memref<16xf32, #tpu.memory_space<hbm>>) dst(%arg23 : memref<16xf32, #tpu.memory_space<vmem>>)
      tpu.yield
    }) : () -> ()
    %get3A_159 = arith.constant 0 : index
    %get3A_160 = tpu.vector_load %arg23[%get3A_159] {strides = array<i32>} : memref<16xf32, #tpu.memory_space<vmem>>, vector<16xf32>,
    %le3A_161 = arith.constant 1.008000e+03 : f32
    %le3A_162 = vector.broadcast %le3A_161 : f32 to vector<16xf32>
    %le3A_163 = arith.cmpf ole, %get3A_160, %le3A_162 : vector<16xf32>
    %jit3A_164 = arith.constant 2.000000e+00 : f32
    %broadcast_in_dim3A_165 = vector.broadcast %jit3A_164 : f32 to vector<16xf32>
    %select_n3A_166 = arith.select %le3A_163, %get3A_17, %broadcast_in_dim3A_165 : vector<16xi1>, vector<16xf32>
    %reduce_min3A_167 = arith.constant true
    %reduce_min3A_168 = vector.broadcast %reduce_min3A_167 : i1 to vector<16xi1>
    %reduce_min3A_169 = tpu.scan <min>, %select_n3A_166 masked %reduce_min3A_168 : vector<16xf32>, vector<16xi1> -> vector<16xf32>
    %reduce_min3A_170 = vector.extract %reduce_min3A_169[15] : f32 from vector<16xf32>
    %broadcast_in_dim3A_171 = arith.constant 0 : i32
    %broadcast_in_dim3A_172 = vector.broadcast %broadcast_in_dim3A_171 : i32 to vector<16xi32>
    %scan3A_173 = arith.constant 0 : i32
    %scan3A_174 = arith.constant 1280 : i32
    %scan3A_175 = arith.addi %scan3A_173, %scan3A_174 : i32
    %scan3A_176 = arith.constant 16 : i32
    %scan3A_177 = scf.for %scan3A_346 = %scan3A_173 to %scan3A_175 step %scan3A_176 iter_args(%scan3A_347 = %broadcast_in_dim3A_172) -> (vector<16xi32>)  : i32 {
      %mul3A_348 = arith.constant 16 : i32
      %mul3A_349 = arith.muli %scan3A_346, %mul3A_348 : i32
      %get3A_350 = arith.index_cast %mul3A_349 : i32 to index
      %get3A_351 = tpu.vector_load %arg12[%get3A_350] {strides = array<i32>} : memref<20480xf32, #tpu.memory_space<vmem>>, vector<16xf32>,
      %gt3A = vector.broadcast %reduce_min3A_170 : f32 to vector<16xf32>
      %gt3A_352 = arith.cmpf ogt, %get3A_351, %gt3A : vector<16xf32>
      %convert_element_type3A = arith.extui %gt3A_352 : vector<16xi1> to vector<16xi32>
      %broadcast_in_dim3A_353 = arith.constant true
      %broadcast_in_dim3A_354 = vector.broadcast %broadcast_in_dim3A_353 : i1 to vector<16xi1>
      %masked_cumsum3A = tpu.scan <sum>, %convert_element_type3A masked %broadcast_in_dim3A_354 : vector<16xi32>, vector<16xi1> -> vector<16xi32>
      %add3A_355 = arith.addi %scan3A_347, %masked_cumsum3A : vector<16xi32>
      %sub3A_356 = arith.constant 1 : i32
      %sub3A_357 = vector.broadcast %sub3A_356 : i32 to vector<16xi32>
      %sub3A_358 = arith.subi %add3A_355, %sub3A_357 : vector<16xi32>
      tpu.vector_store_idx %arg17[%sub3A_358], %get3A_351 masked %gt3A_352 : memref<1024xf32, #tpu.memory_space<vmem>>[vector<16xi32>], vector<16xf32>, vector<16xi1>
      %mul3A_359 = arith.constant 16 : i32
      %mul3A_360 = arith.muli %scan3A_346, %mul3A_359 : i32
      %add3A_361 = vector.broadcast %mul3A_360 : i32 to vector<16xi32>
      %add3A_362 = arith.addi %add3A_361, %iota3A : vector<16xi32>
      tpu.vector_store_idx %arg18[%sub3A_358], %add3A_362 masked %gt3A_352 : memref<1024xi32, #tpu.memory_space<vmem>>[vector<16xi32>], vector<16xi32>, vector<16xi1>
      %all_reduce_population_count3A = tpu.all_reduce %gt3A_352 {dim = 0 : i64, kind = #tpu.reduction_kind<sum>} : vector<16xi1> -> vector<16xi32>
      %add3A_363 = arith.addi %scan3A_347, %all_reduce_population_count3A : vector<16xi32>
      %scan3A_364 = arith.constant 1 : i32
      %scan3A_365 = arith.addi %scan3A_346, %scan3A_364 : i32
      %mul3A_366 = arith.constant 16 : i32
      %mul3A_367 = arith.muli %scan3A_365, %mul3A_366 : i32
      %get3A_368 = arith.index_cast %mul3A_367 : i32 to index
      %get3A_369 = tpu.vector_load %arg12[%get3A_368] {strides = array<i32>} : memref<20480xf32, #tpu.memory_space<vmem>>, vector<16xf32>,
      %gt3A_370 = vector.broadcast %reduce_min3A_170 : f32 to vector<16xf32>
      %gt3A_371 = arith.cmpf ogt, %get3A_369, %gt3A_370 : vector<16xf32>
      %convert_element_type3A_372 = arith.extui %gt3A_371 : vector<16xi1> to vector<16xi32>
      %broadcast_in_dim3A_373 = arith.constant true
      %broadcast_in_dim3A_374 = vector.broadcast %broadcast_in_dim3A_373 : i1 to vector<16xi1>
      %masked_cumsum3A_375 = tpu.scan <sum>, %convert_element_type3A_372 masked %broadcast_in_dim3A_374 : vector<16xi32>, vector<16xi1> -> vector<16xi32>
      %add3A_376 = arith.addi %add3A_363, %masked_cumsum3A_375 : vector<16xi32>
      %sub3A_377 = arith.constant 1 : i32
      %sub3A_378 = vector.broadcast %sub3A_377 : i32 to vector<16xi32>
      %sub3A_379 = arith.subi %add3A_376, %sub3A_378 : vector<16xi32>
      tpu.vector_store_idx %arg17[%sub3A_379], %get3A_369 masked %gt3A_371 : memref<1024xf32, #tpu.memory_space<vmem>>[vector<16xi32>], vector<16xf32>, vector<16xi1>
      %mul3A_380 = arith.constant 16 : i32
      %mul3A_381 = arith.muli %scan3A_365, %mul3A_380 : i32
      %add3A_382 = vector.broadcast %mul3A_381 : i32 to vector<16xi32>
      %add3A_383 = arith.addi %add3A_382, %iota3A : vector<16xi32>
      tpu.vector_store_idx %arg18[%sub3A_379], %add3A_383 masked %gt3A_371 : memref<1024xi32, #tpu.memory_space<vmem>>[vector<16xi32>], vector<16xi32>, vector<16xi1>
      %all_reduce_population_count3A_384 = tpu.all_reduce %gt3A_371 {dim = 0 : i64, kind = #tpu.reduction_kind<sum>} : vector<16xi1> -> vector<16xi32>
      %add3A_385 = arith.addi %add3A_363, %all_reduce_population_count3A_384 : vector<16xi32>
      %scan3A_386 = arith.constant 2 : i32
      %scan3A_387 = arith.addi %scan3A_346, %scan3A_386 : i32
      %mul3A_388 = arith.constant 16 : i32
      %mul3A_389 = arith.muli %scan3A_387, %mul3A_388 : i32
      %get3A_390 = arith.index_cast %mul3A_389 : i32 to index
      %get3A_391 = tpu.vector_load %arg12[%get3A_390] {strides = array<i32>} : memref<20480xf32, #tpu.memory_space<vmem>>, vector<16xf32>,
      %gt3A_392 = vector.broadcast %reduce_min3A_170 : f32 to vector<16xf32>
      %gt3A_393 = arith.cmpf ogt, %get3A_391, %gt3A_392 : vector<16xf32>
      %convert_element_type3A_394 = arith.extui %gt3A_393 : vector<16xi1> to vector<16xi32>
      %broadcast_in_dim3A_395 = arith.constant true
      %broadcast_in_dim3A_396 = vector.broadcast %broadcast_in_dim3A_395 : i1 to vector<16xi1>
      %masked_cumsum3A_397 = tpu.scan <sum>, %convert_element_type3A_394 masked %broadcast_in_dim3A_396 : vector<16xi32>, vector<16xi1> -> vector<16xi32>
      %add3A_398 = arith.addi %add3A_385, %masked_cumsum3A_397 : vector<16xi32>
      %sub3A_399 = arith.constant 1 : i32
      %sub3A_400 = vector.broadcast %sub3A_399 : i32 to vector<16xi32>
      %sub3A_401 = arith.subi %add3A_398, %sub3A_400 : vector<16xi32>
      tpu.vector_store_idx %arg17[%sub3A_401], %get3A_391 masked %gt3A_393 : memref<1024xf32, #tpu.memory_space<vmem>>[vector<16xi32>], vector<16xf32>, vector<16xi1>
      %mul3A_402 = arith.constant 16 : i32
      %mul3A_403 = arith.muli %scan3A_387, %mul3A_402 : i32
      %add3A_404 = vector.broadcast %mul3A_403 : i32 to vector<16xi32>
      %add3A_405 = arith.addi %add3A_404, %iota3A : vector<16xi32>
      tpu.vector_store_idx %arg18[%sub3A_401], %add3A_405 masked %gt3A_393 : memref<1024xi32, #tpu.memory_space<vmem>>[vector<16xi32>], vector<16xi32>, vector<16xi1>
      %all_reduce_population_count3A_406 = tpu.all_reduce %gt3A_393 {dim = 0 : i64, kind = #tpu.reduction_kind<sum>} : vector<16xi1> -> vector<16xi32>
      %add3A_407 = arith.addi %add3A_385, %all_reduce_population_count3A_406 : vector<16xi32>
      %scan3A_408 = arith.constant 3 : i32
      %scan3A_409 = arith.addi %scan3A_346, %scan3A_408 : i32
      %mul3A_410 = arith.constant 16 : i32
      %mul3A_411 = arith.muli %scan3A_409, %mul3A_410 : i32
      %get3A_412 = arith.index_cast %mul3A_411 : i32 to index
      %get3A_413 = tpu.vector_load %arg12[%get3A_412] {strides = array<i32>} : memref<20480xf32, #tpu.memory_space<vmem>>, vector<16xf32>,
      %gt3A_414 = vector.broadcast %reduce_min3A_170 : f32 to vector<16xf32>
      %gt3A_415 = arith.cmpf ogt, %get3A_413, %gt3A_414 : vector<16xf32>
      %convert_element_type3A_416 = arith.extui %gt3A_415 : vector<16xi1> to vector<16xi32>
      %broadcast_in_dim3A_417 = arith.constant true
      %broadcast_in_dim3A_418 = vector.broadcast %broadcast_in_dim3A_417 : i1 to vector<16xi1>
      %masked_cumsum3A_419 = tpu.scan <sum>, %convert_element_type3A_416 masked %broadcast_in_dim3A_418 : vector<16xi32>, vector<16xi1> -> vector<16xi32>
      %add3A_420 = arith.addi %add3A_407, %masked_cumsum3A_419 : vector<16xi32>
      %sub3A_421 = arith.constant 1 : i32
      %sub3A_422 = vector.broadcast %sub3A_421 : i32 to vector<16xi32>
      %sub3A_423 = arith.subi %add3A_420, %sub3A_422 : vector<16xi32>
      tpu.vector_store_idx %arg17[%sub3A_423], %get3A_413 masked %gt3A_415 : memref<1024xf32, #tpu.memory_space<vmem>>[vector<16xi32>], vector<16xf32>, vector<16xi1>
      %mul3A_424 = arith.constant 16 : i32
      %mul3A_425 = arith.muli %scan3A_409, %mul3A_424 : i32
      %add3A_426 = vector.broadcast %mul3A_425 : i32 to vector<16xi32>
      %add3A_427 = arith.addi %add3A_426, %iota3A : vector<16xi32>
      tpu.vector_store_idx %arg18[%sub3A_423], %add3A_427 masked %gt3A_415 : memref<1024xi32, #tpu.memory_space<vmem>>[vector<16xi32>], vector<16xi32>, vector<16xi1>
      %all_reduce_population_count3A_428 = tpu.all_reduce %gt3A_415 {dim = 0 : i64, kind = #tpu.reduction_kind<sum>} : vector<16xi1> -> vector<16xi32>
      %add3A_429 = arith.addi %add3A_407, %all_reduce_population_count3A_428 : vector<16xi32>
      %scan3A_430 = arith.constant 4 : i32
      %scan3A_431 = arith.addi %scan3A_346, %scan3A_430 : i32
      %mul3A_432 = arith.constant 16 : i32
      %mul3A_433 = arith.muli %scan3A_431, %mul3A_432 : i32
      %get3A_434 = arith.index_cast %mul3A_433 : i32 to index
      %get3A_435 = tpu.vector_load %arg12[%get3A_434] {strides = array<i32>} : memref<20480xf32, #tpu.memory_space<vmem>>, vector<16xf32>,
      %gt3A_436 = vector.broadcast %reduce_min3A_170 : f32 to vector<16xf32>
      %gt3A_437 = arith.cmpf ogt, %get3A_435, %gt3A_436 : vector<16xf32>
      %convert_element_type3A_438 = arith.extui %gt3A_437 : vector<16xi1> to vector<16xi32>
      %broadcast_in_dim3A_439 = arith.constant true
      %broadcast_in_dim3A_440 = vector.broadcast %broadcast_in_dim3A_439 : i1 to vector<16xi1>
      %masked_cumsum3A_441 = tpu.scan <sum>, %convert_element_type3A_438 masked %broadcast_in_dim3A_440 : vector<16xi32>, vector<16xi1> -> vector<16xi32>
      %add3A_442 = arith.addi %add3A_429, %masked_cumsum3A_441 : vector<16xi32>
      %sub3A_443 = arith.constant 1 : i32
      %sub3A_444 = vector.broadcast %sub3A_443 : i32 to vector<16xi32>
      %sub3A_445 = arith.subi %add3A_442, %sub3A_444 : vector<16xi32>
      tpu.vector_store_idx %arg17[%sub3A_445], %get3A_435 masked %gt3A_437 : memref<1024xf32, #tpu.memory_space<vmem>>[vector<16xi32>], vector<16xf32>, vector<16xi1>
      %mul3A_446 = arith.constant 16 : i32
      %mul3A_447 = arith.muli %scan3A_431, %mul3A_446 : i32
      %add3A_448 = vector.broadcast %mul3A_447 : i32 to vector<16xi32>
      %add3A_449 = arith.addi %add3A_448, %iota3A : vector<16xi32>
      tpu.vector_store_idx %arg18[%sub3A_445], %add3A_449 masked %gt3A_437 : memref<1024xi32, #tpu.memory_space<vmem>>[vector<16xi32>], vector<16xi32>, vector<16xi1>
      %all_reduce_population_count3A_450 = tpu.all_reduce %gt3A_437 {dim = 0 : i64, kind = #tpu.reduction_kind<sum>} : vector<16xi1> -> vector<16xi32>
      %add3A_451 = arith.addi %add3A_429, %all_reduce_population_count3A_450 : vector<16xi32>
      %scan3A_452 = arith.constant 5 : i32
      %scan3A_453 = arith.addi %scan3A_346, %scan3A_452 : i32
      %mul3A_454 = arith.constant 16 : i32
      %mul3A_455 = arith.muli %scan3A_453, %mul3A_454 : i32
      %get3A_456 = arith.index_cast %mul3A_455 : i32 to index
      %get3A_457 = tpu.vector_load %arg12[%get3A_456] {strides = array<i32>} : memref<20480xf32, #tpu.memory_space<vmem>>, vector<16xf32>,
      %gt3A_458 = vector.broadcast %reduce_min3A_170 : f32 to vector<16xf32>
      %gt3A_459 = arith.cmpf ogt, %get3A_457, %gt3A_458 : vector<16xf32>
      %convert_element_type3A_460 = arith.extui %gt3A_459 : vector<16xi1> to vector<16xi32>
      %broadcast_in_dim3A_461 = arith.constant true
      %broadcast_in_dim3A_462 = vector.broadcast %broadcast_in_dim3A_461 : i1 to vector<16xi1>
      %masked_cumsum3A_463 = tpu.scan <sum>, %convert_element_type3A_460 masked %broadcast_in_dim3A_462 : vector<16xi32>, vector<16xi1> -> vector<16xi32>
      %add3A_464 = arith.addi %add3A_451, %masked_cumsum3A_463 : vector<16xi32>
      %sub3A_465 = arith.constant 1 : i32
      %sub3A_466 = vector.broadcast %sub3A_465 : i32 to vector<16xi32>
      %sub3A_467 = arith.subi %add3A_464, %sub3A_466 : vector<16xi32>
      tpu.vector_store_idx %arg17[%sub3A_467], %get3A_457 masked %gt3A_459 : memref<1024xf32, #tpu.memory_space<vmem>>[vector<16xi32>], vector<16xf32>, vector<16xi1>
      %mul3A_468 = arith.constant 16 : i32
      %mul3A_469 = arith.muli %scan3A_453, %mul3A_468 : i32
      %add3A_470 = vector.broadcast %mul3A_469 : i32 to vector<16xi32>
      %add3A_471 = arith.addi %add3A_470, %iota3A : vector<16xi32>
      tpu.vector_store_idx %arg18[%sub3A_467], %add3A_471 masked %gt3A_459 : memref<1024xi32, #tpu.memory_space<vmem>>[vector<16xi32>], vector<16xi32>, vector<16xi1>
      %all_reduce_population_count3A_472 = tpu.all_reduce %gt3A_459 {dim = 0 : i64, kind = #tpu.reduction_kind<sum>} : vector<16xi1> -> vector<16xi32>
      %add3A_473 = arith.addi %add3A_451, %all_reduce_population_count3A_472 : vector<16xi32>
      %scan3A_474 = arith.constant 6 : i32
      %scan3A_475 = arith.addi %scan3A_346, %scan3A_474 : i32
      %mul3A_476 = arith.constant 16 : i32
      %mul3A_477 = arith.muli %scan3A_475, %mul3A_476 : i32
      %get3A_478 = arith.index_cast %mul3A_477 : i32 to index
      %get3A_479 = tpu.vector_load %arg12[%get3A_478] {strides = array<i32>} : memref<20480xf32, #tpu.memory_space<vmem>>, vector<16xf32>,
      %gt3A_480 = vector.broadcast %reduce_min3A_170 : f32 to vector<16xf32>
      %gt3A_481 = arith.cmpf ogt, %get3A_479, %gt3A_480 : vector<16xf32>
      %convert_element_type3A_482 = arith.extui %gt3A_481 : vector<16xi1> to vector<16xi32>
      %broadcast_in_dim3A_483 = arith.constant true
      %broadcast_in_dim3A_484 = vector.broadcast %broadcast_in_dim3A_483 : i1 to vector<16xi1>
      %masked_cumsum3A_485 = tpu.scan <sum>, %convert_element_type3A_482 masked %broadcast_in_dim3A_484 : vector<16xi32>, vector<16xi1> -> vector<16xi32>
      %add3A_486 = arith.addi %add3A_473, %masked_cumsum3A_485 : vector<16xi32>
      %sub3A_487 = arith.constant 1 : i32
      %sub3A_488 = vector.broadcast %sub3A_487 : i32 to vector<16xi32>
      %sub3A_489 = arith.subi %add3A_486, %sub3A_488 : vector<16xi32>
      tpu.vector_store_idx %arg17[%sub3A_489], %get3A_479 masked %gt3A_481 : memref<1024xf32, #tpu.memory_space<vmem>>[vector<16xi32>], vector<16xf32>, vector<16xi1>
      %mul3A_490 = arith.constant 16 : i32
      %mul3A_491 = arith.muli %scan3A_475, %mul3A_490 : i32
      %add3A_492 = vector.broadcast %mul3A_491 : i32 to vector<16xi32>
      %add3A_493 = arith.addi %add3A_492, %iota3A : vector<16xi32>
      tpu.vector_store_idx %arg18[%sub3A_489], %add3A_493 masked %gt3A_481 : memref<1024xi32, #tpu.memory_space<vmem>>[vector<16xi32>], vector<16xi32>, vector<16xi1>
      %all_reduce_population_count3A_494 = tpu.all_reduce %gt3A_481 {dim = 0 : i64, kind = #tpu.reduction_kind<sum>} : vector<16xi1> -> vector<16xi32>
      %add3A_495 = arith.addi %add3A_473, %all_reduce_population_count3A_494 : vector<16xi32>
      %scan3A_496 = arith.constant 7 : i32
      %scan3A_497 = arith.addi %scan3A_346, %scan3A_496 : i32
      %mul3A_498 = arith.constant 16 : i32
      %mul3A_499 = arith.muli %scan3A_497, %mul3A_498 : i32
      %get3A_500 = arith.index_cast %mul3A_499 : i32 to index
      %get3A_501 = tpu.vector_load %arg12[%get3A_500] {strides = array<i32>} : memref<20480xf32, #tpu.memory_space<vmem>>, vector<16xf32>,
      %gt3A_502 = vector.broadcast %reduce_min3A_170 : f32 to vector<16xf32>
      %gt3A_503 = arith.cmpf ogt, %get3A_501, %gt3A_502 : vector<16xf32>
      %convert_element_type3A_504 = arith.extui %gt3A_503 : vector<16xi1> to vector<16xi32>
      %broadcast_in_dim3A_505 = arith.constant true
      %broadcast_in_dim3A_506 = vector.broadcast %broadcast_in_dim3A_505 : i1 to vector<16xi1>
      %masked_cumsum3A_507 = tpu.scan <sum>, %convert_element_type3A_504 masked %broadcast_in_dim3A_506 : vector<16xi32>, vector<16xi1> -> vector<16xi32>
      %add3A_508 = arith.addi %add3A_495, %masked_cumsum3A_507 : vector<16xi32>
      %sub3A_509 = arith.constant 1 : i32
      %sub3A_510 = vector.broadcast %sub3A_509 : i32 to vector<16xi32>
      %sub3A_511 = arith.subi %add3A_508, %sub3A_510 : vector<16xi32>
      tpu.vector_store_idx %arg17[%sub3A_511], %get3A_501 masked %gt3A_503 : memref<1024xf32, #tpu.memory_space<vmem>>[vector<16xi32>], vector<16xf32>, vector<16xi1>
      %mul3A_512 = arith.constant 16 : i32
      %mul3A_513 = arith.muli %scan3A_497, %mul3A_512 : i32
      %add3A_514 = vector.broadcast %mul3A_513 : i32 to vector<16xi32>
      %add3A_515 = arith.addi %add3A_514, %iota3A : vector<16xi32>
      tpu.vector_store_idx %arg18[%sub3A_511], %add3A_515 masked %gt3A_503 : memref<1024xi32, #tpu.memory_space<vmem>>[vector<16xi32>], vector<16xi32>, vector<16xi1>
      %all_reduce_population_count3A_516 = tpu.all_reduce %gt3A_503 {dim = 0 : i64, kind = #tpu.reduction_kind<sum>} : vector<16xi1> -> vector<16xi32>
      %add3A_517 = arith.addi %add3A_495, %all_reduce_population_count3A_516 : vector<16xi32>
      %scan3A_518 = arith.constant 8 : i32
      %scan3A_519 = arith.addi %scan3A_346, %scan3A_518 : i32
      %mul3A_520 = arith.constant 16 : i32
      %mul3A_521 = arith.muli %scan3A_519, %mul3A_520 : i32
      %get3A_522 = arith.index_cast %mul3A_521 : i32 to index
      %get3A_523 = tpu.vector_load %arg12[%get3A_522] {strides = array<i32>} : memref<20480xf32, #tpu.memory_space<vmem>>, vector<16xf32>,
      %gt3A_524 = vector.broadcast %reduce_min3A_170 : f32 to vector<16xf32>
      %gt3A_525 = arith.cmpf ogt, %get3A_523, %gt3A_524 : vector<16xf32>
      %convert_element_type3A_526 = arith.extui %gt3A_525 : vector<16xi1> to vector<16xi32>
      %broadcast_in_dim3A_527 = arith.constant true
      %broadcast_in_dim3A_528 = vector.broadcast %broadcast_in_dim3A_527 : i1 to vector<16xi1>
      %masked_cumsum3A_529 = tpu.scan <sum>, %convert_element_type3A_526 masked %broadcast_in_dim3A_528 : vector<16xi32>, vector<16xi1> -> vector<16xi32>
      %add3A_530 = arith.addi %add3A_517, %masked_cumsum3A_529 : vector<16xi32>
      %sub3A_531 = arith.constant 1 : i32
      %sub3A_532 = vector.broadcast %sub3A_531 : i32 to vector<16xi32>
      %sub3A_533 = arith.subi %add3A_530, %sub3A_532 : vector<16xi32>
      tpu.vector_store_idx %arg17[%sub3A_533], %get3A_523 masked %gt3A_525 : memref<1024xf32, #tpu.memory_space<vmem>>[vector<16xi32>], vector<16xf32>, vector<16xi1>
      %mul3A_534 = arith.constant 16 : i32
      %mul3A_535 = arith.muli %scan3A_519, %mul3A_534 : i32
      %add3A_536 = vector.broadcast %mul3A_535 : i32 to vector<16xi32>
      %add3A_537 = arith.addi %add3A_536, %iota3A : vector<16xi32>
      tpu.vector_store_idx %arg18[%sub3A_533], %add3A_537 masked %gt3A_525 : memref<1024xi32, #tpu.memory_space<vmem>>[vector<16xi32>], vector<16xi32>, vector<16xi1>
      %all_reduce_population_count3A_538 = tpu.all_reduce %gt3A_525 {dim = 0 : i64, kind = #tpu.reduction_kind<sum>} : vector<16xi1> -> vector<16xi32>
      %add3A_539 = arith.addi %add3A_517, %all_reduce_population_count3A_538 : vector<16xi32>
      %scan3A_540 = arith.constant 9 : i32
      %scan3A_541 = arith.addi %scan3A_346, %scan3A_540 : i32
      %mul3A_542 = arith.constant 16 : i32
      %mul3A_543 = arith.muli %scan3A_541, %mul3A_542 : i32
      %get3A_544 = arith.index_cast %mul3A_543 : i32 to index
      %get3A_545 = tpu.vector_load %arg12[%get3A_544] {strides = array<i32>} : memref<20480xf32, #tpu.memory_space<vmem>>, vector<16xf32>,
      %gt3A_546 = vector.broadcast %reduce_min3A_170 : f32 to vector<16xf32>
      %gt3A_547 = arith.cmpf ogt, %get3A_545, %gt3A_546 : vector<16xf32>
      %convert_element_type3A_548 = arith.extui %gt3A_547 : vector<16xi1> to vector<16xi32>
      %broadcast_in_dim3A_549 = arith.constant true
      %broadcast_in_dim3A_550 = vector.broadcast %broadcast_in_dim3A_549 : i1 to vector<16xi1>
      %masked_cumsum3A_551 = tpu.scan <sum>, %convert_element_type3A_548 masked %broadcast_in_dim3A_550 : vector<16xi32>, vector<16xi1> -> vector<16xi32>
      %add3A_552 = arith.addi %add3A_539, %masked_cumsum3A_551 : vector<16xi32>
      %sub3A_553 = arith.constant 1 : i32
      %sub3A_554 = vector.broadcast %sub3A_553 : i32 to vector<16xi32>
      %sub3A_555 = arith.subi %add3A_552, %sub3A_554 : vector<16xi32>
      tpu.vector_store_idx %arg17[%sub3A_555], %get3A_545 masked %gt3A_547 : memref<1024xf32, #tpu.memory_space<vmem>>[vector<16xi32>], vector<16xf32>, vector<16xi1>
      %mul3A_556 = arith.constant 16 : i32
      %mul3A_557 = arith.muli %scan3A_541, %mul3A_556 : i32
      %add3A_558 = vector.broadcast %mul3A_557 : i32 to vector<16xi32>
      %add3A_559 = arith.addi %add3A_558, %iota3A : vector<16xi32>
      tpu.vector_store_idx %arg18[%sub3A_555], %add3A_559 masked %gt3A_547 : memref<1024xi32, #tpu.memory_space<vmem>>[vector<16xi32>], vector<16xi32>, vector<16xi1>
      %all_reduce_population_count3A_560 = tpu.all_reduce %gt3A_547 {dim = 0 : i64, kind = #tpu.reduction_kind<sum>} : vector<16xi1> -> vector<16xi32>
      %add3A_561 = arith.addi %add3A_539, %all_reduce_population_count3A_560 : vector<16xi32>
      %scan3A_562 = arith.constant 10 : i32
      %scan3A_563 = arith.addi %scan3A_346, %scan3A_562 : i32
      %mul3A_564 = arith.constant 16 : i32
      %mul3A_565 = arith.muli %scan3A_563, %mul3A_564 : i32
      %get3A_566 = arith.index_cast %mul3A_565 : i32 to index
      %get3A_567 = tpu.vector_load %arg12[%get3A_566] {strides = array<i32>} : memref<20480xf32, #tpu.memory_space<vmem>>, vector<16xf32>,
      %gt3A_568 = vector.broadcast %reduce_min3A_170 : f32 to vector<16xf32>
      %gt3A_569 = arith.cmpf ogt, %get3A_567, %gt3A_568 : vector<16xf32>
      %convert_element_type3A_570 = arith.extui %gt3A_569 : vector<16xi1> to vector<16xi32>
      %broadcast_in_dim3A_571 = arith.constant true
      %broadcast_in_dim3A_572 = vector.broadcast %broadcast_in_dim3A_571 : i1 to vector<16xi1>
      %masked_cumsum3A_573 = tpu.scan <sum>, %convert_element_type3A_570 masked %broadcast_in_dim3A_572 : vector<16xi32>, vector<16xi1> -> vector<16xi32>
      %add3A_574 = arith.addi %add3A_561, %masked_cumsum3A_573 : vector<16xi32>
      %sub3A_575 = arith.constant 1 : i32
      %sub3A_576 = vector.broadcast %sub3A_575 : i32 to vector<16xi32>
      %sub3A_577 = arith.subi %add3A_574, %sub3A_576 : vector<16xi32>
      tpu.vector_store_idx %arg17[%sub3A_577], %get3A_567 masked %gt3A_569 : memref<1024xf32, #tpu.memory_space<vmem>>[vector<16xi32>], vector<16xf32>, vector<16xi1>
      %mul3A_578 = arith.constant 16 : i32
      %mul3A_579 = arith.muli %scan3A_563, %mul3A_578 : i32
      %add3A_580 = vector.broadcast %mul3A_579 : i32 to vector<16xi32>
      %add3A_581 = arith.addi %add3A_580, %iota3A : vector<16xi32>
      tpu.vector_store_idx %arg18[%sub3A_577], %add3A_581 masked %gt3A_569 : memref<1024xi32, #tpu.memory_space<vmem>>[vector<16xi32>], vector<16xi32>, vector<16xi1>
      %all_reduce_population_count3A_582 = tpu.all_reduce %gt3A_569 {dim = 0 : i64, kind = #tpu.reduction_kind<sum>} : vector<16xi1> -> vector<16xi32>
      %add3A_583 = arith.addi %add3A_561, %all_reduce_population_count3A_582 : vector<16xi32>
      %scan3A_584 = arith.constant 11 : i32
      %scan3A_585 = arith.addi %scan3A_346, %scan3A_584 : i32
      %mul3A_586 = arith.constant 16 : i32
      %mul3A_587 = arith.muli %scan3A_585, %mul3A_586 : i32
      %get3A_588 = arith.index_cast %mul3A_587 : i32 to index
      %get3A_589 = tpu.vector_load %arg12[%get3A_588] {strides = array<i32>} : memref<20480xf32, #tpu.memory_space<vmem>>, vector<16xf32>,
      %gt3A_590 = vector.broadcast %reduce_min3A_170 : f32 to vector<16xf32>
      %gt3A_591 = arith.cmpf ogt, %get3A_589, %gt3A_590 : vector<16xf32>
      %convert_element_type3A_592 = arith.extui %gt3A_591 : vector<16xi1> to vector<16xi32>
      %broadcast_in_dim3A_593 = arith.constant true
      %broadcast_in_dim3A_594 = vector.broadcast %broadcast_in_dim3A_593 : i1 to vector<16xi1>
      %masked_cumsum3A_595 = tpu.scan <sum>, %convert_element_type3A_592 masked %broadcast_in_dim3A_594 : vector<16xi32>, vector<16xi1> -> vector<16xi32>
      %add3A_596 = arith.addi %add3A_583, %masked_cumsum3A_595 : vector<16xi32>
      %sub3A_597 = arith.constant 1 : i32
      %sub3A_598 = vector.broadcast %sub3A_597 : i32 to vector<16xi32>
      %sub3A_599 = arith.subi %add3A_596, %sub3A_598 : vector<16xi32>
      tpu.vector_store_idx %arg17[%sub3A_599], %get3A_589 masked %gt3A_591 : memref<1024xf32, #tpu.memory_space<vmem>>[vector<16xi32>], vector<16xf32>, vector<16xi1>
      %mul3A_600 = arith.constant 16 : i32
      %mul3A_601 = arith.muli %scan3A_585, %mul3A_600 : i32
      %add3A_602 = vector.broadcast %mul3A_601 : i32 to vector<16xi32>
      %add3A_603 = arith.addi %add3A_602, %iota3A : vector<16xi32>
      tpu.vector_store_idx %arg18[%sub3A_599], %add3A_603 masked %gt3A_591 : memref<1024xi32, #tpu.memory_space<vmem>>[vector<16xi32>], vector<16xi32>, vector<16xi1>
      %all_reduce_population_count3A_604 = tpu.all_reduce %gt3A_591 {dim = 0 : i64, kind = #tpu.reduction_kind<sum>} : vector<16xi1> -> vector<16xi32>
      %add3A_605 = arith.addi %add3A_583, %all_reduce_population_count3A_604 : vector<16xi32>
      %scan3A_606 = arith.constant 12 : i32
      %scan3A_607 = arith.addi %scan3A_346, %scan3A_606 : i32
      %mul3A_608 = arith.constant 16 : i32
      %mul3A_609 = arith.muli %scan3A_607, %mul3A_608 : i32
      %get3A_610 = arith.index_cast %mul3A_609 : i32 to index
      %get3A_611 = tpu.vector_load %arg12[%get3A_610] {strides = array<i32>} : memref<20480xf32, #tpu.memory_space<vmem>>, vector<16xf32>,
      %gt3A_612 = vector.broadcast %reduce_min3A_170 : f32 to vector<16xf32>
      %gt3A_613 = arith.cmpf ogt, %get3A_611, %gt3A_612 : vector<16xf32>
      %convert_element_type3A_614 = arith.extui %gt3A_613 : vector<16xi1> to vector<16xi32>
      %broadcast_in_dim3A_615 = arith.constant true
      %broadcast_in_dim3A_616 = vector.broadcast %broadcast_in_dim3A_615 : i1 to vector<16xi1>
      %masked_cumsum3A_617 = tpu.scan <sum>, %convert_element_type3A_614 masked %broadcast_in_dim3A_616 : vector<16xi32>, vector<16xi1> -> vector<16xi32>
      %add3A_618 = arith.addi %add3A_605, %masked_cumsum3A_617 : vector<16xi32>
      %sub3A_619 = arith.constant 1 : i32
      %sub3A_620 = vector.broadcast %sub3A_619 : i32 to vector<16xi32>
      %sub3A_621 = arith.subi %add3A_618, %sub3A_620 : vector<16xi32>
      tpu.vector_store_idx %arg17[%sub3A_621], %get3A_611 masked %gt3A_613 : memref<1024xf32, #tpu.memory_space<vmem>>[vector<16xi32>], vector<16xf32>, vector<16xi1>
      %mul3A_622 = arith.constant 16 : i32
      %mul3A_623 = arith.muli %scan3A_607, %mul3A_622 : i32
      %add3A_624 = vector.broadcast %mul3A_623 : i32 to vector<16xi32>
      %add3A_625 = arith.addi %add3A_624, %iota3A : vector<16xi32>
      tpu.vector_store_idx %arg18[%sub3A_621], %add3A_625 masked %gt3A_613 : memref<1024xi32, #tpu.memory_space<vmem>>[vector<16xi32>], vector<16xi32>, vector<16xi1>
      %all_reduce_population_count3A_626 = tpu.all_reduce %gt3A_613 {dim = 0 : i64, kind = #tpu.reduction_kind<sum>} : vector<16xi1> -> vector<16xi32>
      %add3A_627 = arith.addi %add3A_605, %all_reduce_population_count3A_626 : vector<16xi32>
      %scan3A_628 = arith.constant 13 : i32
      %scan3A_629 = arith.addi %scan3A_346, %scan3A_628 : i32
      %mul3A_630 = arith.constant 16 : i32
      %mul3A_631 = arith.muli %scan3A_629, %mul3A_630 : i32
      %get3A_632 = arith.index_cast %mul3A_631 : i32 to index
      %get3A_633 = tpu.vector_load %arg12[%get3A_632] {strides = array<i32>} : memref<20480xf32, #tpu.memory_space<vmem>>, vector<16xf32>,
      %gt3A_634 = vector.broadcast %reduce_min3A_170 : f32 to vector<16xf32>
      %gt3A_635 = arith.cmpf ogt, %get3A_633, %gt3A_634 : vector<16xf32>
      %convert_element_type3A_636 = arith.extui %gt3A_635 : vector<16xi1> to vector<16xi32>
      %broadcast_in_dim3A_637 = arith.constant true
      %broadcast_in_dim3A_638 = vector.broadcast %broadcast_in_dim3A_637 : i1 to vector<16xi1>
      %masked_cumsum3A_639 = tpu.scan <sum>, %convert_element_type3A_636 masked %broadcast_in_dim3A_638 : vector<16xi32>, vector<16xi1> -> vector<16xi32>
      %add3A_640 = arith.addi %add3A_627, %masked_cumsum3A_639 : vector<16xi32>
      %sub3A_641 = arith.constant 1 : i32
      %sub3A_642 = vector.broadcast %sub3A_641 : i32 to vector<16xi32>
      %sub3A_643 = arith.subi %add3A_640, %sub3A_642 : vector<16xi32>
      tpu.vector_store_idx %arg17[%sub3A_643], %get3A_633 masked %gt3A_635 : memref<1024xf32, #tpu.memory_space<vmem>>[vector<16xi32>], vector<16xf32>, vector<16xi1>
      %mul3A_644 = arith.constant 16 : i32
      %mul3A_645 = arith.muli %scan3A_629, %mul3A_644 : i32
      %add3A_646 = vector.broadcast %mul3A_645 : i32 to vector<16xi32>
      %add3A_647 = arith.addi %add3A_646, %iota3A : vector<16xi32>
      tpu.vector_store_idx %arg18[%sub3A_643], %add3A_647 masked %gt3A_635 : memref<1024xi32, #tpu.memory_space<vmem>>[vector<16xi32>], vector<16xi32>, vector<16xi1>
      %all_reduce_population_count3A_648 = tpu.all_reduce %gt3A_635 {dim = 0 : i64, kind = #tpu.reduction_kind<sum>} : vector<16xi1> -> vector<16xi32>
      %add3A_649 = arith.addi %add3A_627, %all_reduce_population_count3A_648 : vector<16xi32>
      %scan3A_650 = arith.constant 14 : i32
      %scan3A_651 = arith.addi %scan3A_346, %scan3A_650 : i32
      %mul3A_652 = arith.constant 16 : i32
      %mul3A_653 = arith.muli %scan3A_651, %mul3A_652 : i32
      %get3A_654 = arith.index_cast %mul3A_653 : i32 to index
      %get3A_655 = tpu.vector_load %arg12[%get3A_654] {strides = array<i32>} : memref<20480xf32, #tpu.memory_space<vmem>>, vector<16xf32>,
      %gt3A_656 = vector.broadcast %reduce_min3A_170 : f32 to vector<16xf32>
      %gt3A_657 = arith.cmpf ogt, %get3A_655, %gt3A_656 : vector<16xf32>
      %convert_element_type3A_658 = arith.extui %gt3A_657 : vector<16xi1> to vector<16xi32>
      %broadcast_in_dim3A_659 = arith.constant true
      %broadcast_in_dim3A_660 = vector.broadcast %broadcast_in_dim3A_659 : i1 to vector<16xi1>
      %masked_cumsum3A_661 = tpu.scan <sum>, %convert_element_type3A_658 masked %broadcast_in_dim3A_660 : vector<16xi32>, vector<16xi1> -> vector<16xi32>
      %add3A_662 = arith.addi %add3A_649, %masked_cumsum3A_661 : vector<16xi32>
      %sub3A_663 = arith.constant 1 : i32
      %sub3A_664 = vector.broadcast %sub3A_663 : i32 to vector<16xi32>
      %sub3A_665 = arith.subi %add3A_662, %sub3A_664 : vector<16xi32>
      tpu.vector_store_idx %arg17[%sub3A_665], %get3A_655 masked %gt3A_657 : memref<1024xf32, #tpu.memory_space<vmem>>[vector<16xi32>], vector<16xf32>, vector<16xi1>
      %mul3A_666 = arith.constant 16 : i32
      %mul3A_667 = arith.muli %scan3A_651, %mul3A_666 : i32
      %add3A_668 = vector.broadcast %mul3A_667 : i32 to vector<16xi32>
      %add3A_669 = arith.addi %add3A_668, %iota3A : vector<16xi32>
      tpu.vector_store_idx %arg18[%sub3A_665], %add3A_669 masked %gt3A_657 : memref<1024xi32, #tpu.memory_space<vmem>>[vector<16xi32>], vector<16xi32>, vector<16xi1>
      %all_reduce_population_count3A_670 = tpu.all_reduce %gt3A_657 {dim = 0 : i64, kind = #tpu.reduction_kind<sum>} : vector<16xi1> -> vector<16xi32>
      %add3A_671 = arith.addi %add3A_649, %all_reduce_population_count3A_670 : vector<16xi32>
      %scan3A_672 = arith.constant 15 : i32
      %scan3A_673 = arith.addi %scan3A_346, %scan3A_672 : i32
      %mul3A_674 = arith.constant 16 : i32
      %mul3A_675 = arith.muli %scan3A_673, %mul3A_674 : i32
      %get3A_676 = arith.index_cast %mul3A_675 : i32 to index
      %get3A_677 = tpu.vector_load %arg12[%get3A_676] {strides = array<i32>} : memref<20480xf32, #tpu.memory_space<vmem>>, vector<16xf32>,
      %gt3A_678 = vector.broadcast %reduce_min3A_170 : f32 to vector<16xf32>
      %gt3A_679 = arith.cmpf ogt, %get3A_677, %gt3A_678 : vector<16xf32>
      %convert_element_type3A_680 = arith.extui %gt3A_679 : vector<16xi1> to vector<16xi32>
      %broadcast_in_dim3A_681 = arith.constant true
      %broadcast_in_dim3A_682 = vector.broadcast %broadcast_in_dim3A_681 : i1 to vector<16xi1>
      %masked_cumsum3A_683 = tpu.scan <sum>, %convert_element_type3A_680 masked %broadcast_in_dim3A_682 : vector<16xi32>, vector<16xi1> -> vector<16xi32>
      %add3A_684 = arith.addi %add3A_671, %masked_cumsum3A_683 : vector<16xi32>
      %sub3A_685 = arith.constant 1 : i32
      %sub3A_686 = vector.broadcast %sub3A_685 : i32 to vector<16xi32>
      %sub3A_687 = arith.subi %add3A_684, %sub3A_686 : vector<16xi32>
      tpu.vector_store_idx %arg17[%sub3A_687], %get3A_677 masked %gt3A_679 : memref<1024xf32, #tpu.memory_space<vmem>>[vector<16xi32>], vector<16xf32>, vector<16xi1>
      %mul3A_688 = arith.constant 16 : i32
      %mul3A_689 = arith.muli %scan3A_673, %mul3A_688 : i32
      %add3A_690 = vector.broadcast %mul3A_689 : i32 to vector<16xi32>
      %add3A_691 = arith.addi %add3A_690, %iota3A : vector<16xi32>
      tpu.vector_store_idx %arg18[%sub3A_687], %add3A_691 masked %gt3A_679 : memref<1024xi32, #tpu.memory_space<vmem>>[vector<16xi32>], vector<16xi32>, vector<16xi1>
      %all_reduce_population_count3A_692 = tpu.all_reduce %gt3A_679 {dim = 0 : i64, kind = #tpu.reduction_kind<sum>} : vector<16xi1> -> vector<16xi32>
      %add3A_693 = arith.addi %add3A_671, %all_reduce_population_count3A_692 : vector<16xi32>
      scf.yield %add3A_693 : vector<16xi32>
    }
    %scan3A_178 = arith.constant 1280 : i32
    %parallel_loop3A_179 = arith.constant 0 : i32
    %parallel_loop3A_180 = arith.constant 64 : i32
    %parallel_loop3A_181 = arith.constant 1 : i32
    scf.for %parallel_loop3A_346 = %parallel_loop3A_179 to %parallel_loop3A_180 step %parallel_loop3A_181  : i32 {
      %parallel_loop3A_347 = arith.constant 16 : i32
      %parallel_loop3A_348 = arith.muli %parallel_loop3A_346, %parallel_loop3A_347 : i32
      %parallel_loop3A_349 = arith.index_cast %parallel_loop3A_348 : i32 to index
      %parallel_loop3A_350 = tpu.vector_load %arg18[%parallel_loop3A_349] {strides = array<i32>} : memref<1024xi32, #tpu.memory_space<vmem>>, vector<16xi32>,
      %parallel_loop3A_351 = tpu.vector_load_idx %arg13[%parallel_loop3A_350] : memref<20480xf32, #tpu.memory_space<vmem>>[vector<16xi32>], vector<16xf32>,
      %parallel_loop3A_352 = arith.index_cast %parallel_loop3A_348 : i32 to index
      %parallel_loop3A_353 = tpu.vector_load %arg19[%parallel_loop3A_352] {strides = array<i32>} : memref<1024xf32, #tpu.memory_space<vmem>>, vector<16xf32>,
      tpu.vector_store %arg19[%parallel_loop3A_352], %parallel_loop3A_351 {strides = array<i32>} : memref<1024xf32, #tpu.memory_space<vmem>>, vector<16xf32>,
      %parallel_loop3A_354 = tpu.vector_load_idx %arg14[%parallel_loop3A_350] : memref<20480xf32, #tpu.memory_space<vmem>>[vector<16xi32>], vector<16xf32>,
      %parallel_loop3A_355 = arith.index_cast %parallel_loop3A_348 : i32 to index
      %parallel_loop3A_356 = tpu.vector_load %arg20[%parallel_loop3A_355] {strides = array<i32>} : memref<1024xf32, #tpu.memory_space<vmem>>, vector<16xf32>,
      tpu.vector_store %arg20[%parallel_loop3A_355], %parallel_loop3A_354 {strides = array<i32>} : memref<1024xf32, #tpu.memory_space<vmem>>, vector<16xf32>,
      %parallel_loop3A_357 = tpu.vector_load_idx %arg15[%parallel_loop3A_350] : memref<20480xf32, #tpu.memory_space<vmem>>[vector<16xi32>], vector<16xf32>,
      %parallel_loop3A_358 = arith.index_cast %parallel_loop3A_348 : i32 to index
      %parallel_loop3A_359 = tpu.vector_load %arg21[%parallel_loop3A_358] {strides = array<i32>} : memref<1024xf32, #tpu.memory_space<vmem>>, vector<16xf32>,
      tpu.vector_store %arg21[%parallel_loop3A_358], %parallel_loop3A_357 {strides = array<i32>} : memref<1024xf32, #tpu.memory_space<vmem>>, vector<16xf32>,
      %parallel_loop3A_360 = tpu.vector_load_idx %arg16[%parallel_loop3A_350] : memref<20480xf32, #tpu.memory_space<vmem>>[vector<16xi32>], vector<16xf32>,
      %parallel_loop3A_361 = arith.index_cast %parallel_loop3A_348 : i32 to index
      %parallel_loop3A_362 = tpu.vector_load %arg22[%parallel_loop3A_361] {strides = array<i32>} : memref<1024xf32, #tpu.memory_space<vmem>>, vector<16xf32>,
      tpu.vector_store %arg22[%parallel_loop3A_361], %parallel_loop3A_360 {strides = array<i32>} : memref<1024xf32, #tpu.memory_space<vmem>>, vector<16xf32>,
    } {sc.loop_unroll_factor = 8 : i64, sc.parallel_access}
    %mul3A_182 = arith.constant 3 : i32
    %mul3A_183 = arith.muli %add3A, %mul3A_182 : i32
    %add3A_184 = arith.constant 1 : i32
    %add3A_185 = arith.addi %mul3A_183, %add3A_184 : i32
    %dma_start3A_186 = arith.constant 0 : i32
    %dma_start3A_187 = tpu.memref_slice %arg6[%add3A_185, %dma_start3A_186] : memref<96x1024xf32, #tpu.memory_space<hbm>> -> memref<1x1024xf32, #tpu.memory_space<hbm>>
    %dma_start3A_188 = tpu.memref_squeeze %dma_start3A_187 : memref<1x1024xf32, #tpu.memory_space<hbm>> -> memref<1024xf32, #tpu.memory_space<hbm>>
    %dma_start3A_189 = arith.constant 0 : i32
    %dma_start3A_190 = tpu.memref_slice %arg6[%add3A_185, %dma_start3A_189] : memref<96x1024xf32, #tpu.memory_space<hbm>> -> memref<1x1024xf32, #tpu.memory_space<hbm>>
    %dma_start3A_191 = tpu.memref_squeeze %dma_start3A_190 : memref<1x1024xf32, #tpu.memory_space<hbm>> -> memref<1024xf32, #tpu.memory_space<hbm>>
    tpu.enqueue_dma source(%arg17 : memref<1024xf32, #tpu.memory_space<vmem>>) target(%dma_start3A_191 : memref<1024xf32, #tpu.memory_space<hbm>>) target_semaphore(%arg26 : memref<!tpu.dma_semaphore, #tpu.memory_space<semaphore_mem>>)
    %dma_start3A_192 = arith.constant 0 : i32
    %dma_start3A_193 = tpu.memref_slice %arg7[%add3A_185, %dma_start3A_192] : memref<96x1024xf32, #tpu.memory_space<hbm>> -> memref<1x1024xf32, #tpu.memory_space<hbm>>
    %dma_start3A_194 = tpu.memref_squeeze %dma_start3A_193 : memref<1x1024xf32, #tpu.memory_space<hbm>> -> memref<1024xf32, #tpu.memory_space<hbm>>
    %dma_start3A_195 = arith.constant 0 : i32
    %dma_start3A_196 = tpu.memref_slice %arg7[%add3A_185, %dma_start3A_195] : memref<96x1024xf32, #tpu.memory_space<hbm>> -> memref<1x1024xf32, #tpu.memory_space<hbm>>
    %dma_start3A_197 = tpu.memref_squeeze %dma_start3A_196 : memref<1x1024xf32, #tpu.memory_space<hbm>> -> memref<1024xf32, #tpu.memory_space<hbm>>
    tpu.enqueue_dma source(%arg19 : memref<1024xf32, #tpu.memory_space<vmem>>) target(%dma_start3A_197 : memref<1024xf32, #tpu.memory_space<hbm>>) target_semaphore(%arg26 : memref<!tpu.dma_semaphore, #tpu.memory_space<semaphore_mem>>)
    %dma_start3A_198 = arith.constant 0 : i32
    %dma_start3A_199 = tpu.memref_slice %arg8[%add3A_185, %dma_start3A_198] : memref<96x1024xf32, #tpu.memory_space<hbm>> -> memref<1x1024xf32, #tpu.memory_space<hbm>>
    %dma_start3A_200 = tpu.memref_squeeze %dma_start3A_199 : memref<1x1024xf32, #tpu.memory_space<hbm>> -> memref<1024xf32, #tpu.memory_space<hbm>>
    %dma_start3A_201 = arith.constant 0 : i32
    %dma_start3A_202 = tpu.memref_slice %arg8[%add3A_185, %dma_start3A_201] : memref<96x1024xf32, #tpu.memory_space<hbm>> -> memref<1x1024xf32, #tpu.memory_space<hbm>>
    %dma_start3A_203 = tpu.memref_squeeze %dma_start3A_202 : memref<1x1024xf32, #tpu.memory_space<hbm>> -> memref<1024xf32, #tpu.memory_space<hbm>>
    tpu.enqueue_dma source(%arg20 : memref<1024xf32, #tpu.memory_space<vmem>>) target(%dma_start3A_203 : memref<1024xf32, #tpu.memory_space<hbm>>) target_semaphore(%arg26 : memref<!tpu.dma_semaphore, #tpu.memory_space<semaphore_mem>>)
    %dma_start3A_204 = arith.constant 0 : i32
    %dma_start3A_205 = tpu.memref_slice %arg9[%add3A_185, %dma_start3A_204] : memref<96x1024xf32, #tpu.memory_space<hbm>> -> memref<1x1024xf32, #tpu.memory_space<hbm>>
    %dma_start3A_206 = tpu.memref_squeeze %dma_start3A_205 : memref<1x1024xf32, #tpu.memory_space<hbm>> -> memref<1024xf32, #tpu.memory_space<hbm>>
    %dma_start3A_207 = arith.constant 0 : i32
    %dma_start3A_208 = tpu.memref_slice %arg9[%add3A_185, %dma_start3A_207] : memref<96x1024xf32, #tpu.memory_space<hbm>> -> memref<1x1024xf32, #tpu.memory_space<hbm>>
    %dma_start3A_209 = tpu.memref_squeeze %dma_start3A_208 : memref<1x1024xf32, #tpu.memory_space<hbm>> -> memref<1024xf32, #tpu.memory_space<hbm>>
    tpu.enqueue_dma source(%arg21 : memref<1024xf32, #tpu.memory_space<vmem>>) target(%dma_start3A_209 : memref<1024xf32, #tpu.memory_space<hbm>>) target_semaphore(%arg26 : memref<!tpu.dma_semaphore, #tpu.memory_space<semaphore_mem>>)
    %dma_start3A_210 = arith.constant 0 : i32
    %dma_start3A_211 = tpu.memref_slice %arg10[%add3A_185, %dma_start3A_210] : memref<96x1024xf32, #tpu.memory_space<hbm>> -> memref<1x1024xf32, #tpu.memory_space<hbm>>
    %dma_start3A_212 = tpu.memref_squeeze %dma_start3A_211 : memref<1x1024xf32, #tpu.memory_space<hbm>> -> memref<1024xf32, #tpu.memory_space<hbm>>
    %dma_start3A_213 = arith.constant 0 : i32
    %dma_start3A_214 = tpu.memref_slice %arg10[%add3A_185, %dma_start3A_213] : memref<96x1024xf32, #tpu.memory_space<hbm>> -> memref<1x1024xf32, #tpu.memory_space<hbm>>
    %dma_start3A_215 = tpu.memref_squeeze %dma_start3A_214 : memref<1x1024xf32, #tpu.memory_space<hbm>> -> memref<1024xf32, #tpu.memory_space<hbm>>
    tpu.enqueue_dma source(%arg22 : memref<1024xf32, #tpu.memory_space<vmem>>) target(%dma_start3A_215 : memref<1024xf32, #tpu.memory_space<hbm>>) target_semaphore(%arg26 : memref<!tpu.dma_semaphore, #tpu.memory_space<semaphore_mem>>)
    %dma_wait3A_216 = arith.constant 0 : i32
    %dma_wait3A_217 = tpu.memref_slice %arg2[%add3A_115, %dma_wait3A_216] : memref<96x20480xf32, #tpu.memory_space<hbm>> -> memref<1x20480xf32, #tpu.memory_space<hbm>>
    %dma_wait3A_218 = tpu.memref_squeeze %dma_wait3A_217 : memref<1x20480xf32, #tpu.memory_space<hbm>> -> memref<20480xf32, #tpu.memory_space<hbm>>
    %dma_wait3A_219 = arith.constant 0 : i32
    %dma_wait3A_220 = tpu.memref_slice %arg2[%add3A_115, %dma_wait3A_219] : memref<96x20480xf32, #tpu.memory_space<hbm>> -> memref<1x20480xf32, #tpu.memory_space<hbm>>
    %dma_wait3A_221 = tpu.memref_squeeze %dma_wait3A_220 : memref<1x20480xf32, #tpu.memory_space<hbm>> -> memref<20480xf32, #tpu.memory_space<hbm>>
    tpu.wait_dma2 semaphore(%arg25 : memref<!tpu.dma_semaphore, #tpu.memory_space<semaphore_mem>>) src(%dma_wait3A_221 : memref<20480xf32, #tpu.memory_space<hbm>>) dst(%arg11 : memref<20480xf32, #tpu.memory_space<vmem>>)
    %dma_wait3A_222 = arith.constant 0 : i32
    %dma_wait3A_223 = tpu.memref_slice %arg6[%add3A_185, %dma_wait3A_222] : memref<96x1024xf32, #tpu.memory_space<hbm>> -> memref<1x1024xf32, #tpu.memory_space<hbm>>
    %dma_wait3A_224 = tpu.memref_squeeze %dma_wait3A_223 : memref<1x1024xf32, #tpu.memory_space<hbm>> -> memref<1024xf32, #tpu.memory_space<hbm>>
    %dma_wait3A_225 = arith.constant 0 : i32
    %dma_wait3A_226 = tpu.memref_slice %arg6[%add3A_185, %dma_wait3A_225] : memref<96x1024xf32, #tpu.memory_space<hbm>> -> memref<1x1024xf32, #tpu.memory_space<hbm>>
    %dma_wait3A_227 = tpu.memref_squeeze %dma_wait3A_226 : memref<1x1024xf32, #tpu.memory_space<hbm>> -> memref<1024xf32, #tpu.memory_space<hbm>>
    tpu.wait_dma2 semaphore(%arg26 : memref<!tpu.dma_semaphore, #tpu.memory_space<semaphore_mem>>) src(%arg17 : memref<1024xf32, #tpu.memory_space<vmem>>) dst(%dma_wait3A_227 : memref<1024xf32, #tpu.memory_space<hbm>>)
    %dma_wait3A_228 = arith.constant 0 : i32
    %dma_wait3A_229 = tpu.memref_slice %arg7[%add3A_185, %dma_wait3A_228] : memref<96x1024xf32, #tpu.memory_space<hbm>> -> memref<1x1024xf32, #tpu.memory_space<hbm>>
    %dma_wait3A_230 = tpu.memref_squeeze %dma_wait3A_229 : memref<1x1024xf32, #tpu.memory_space<hbm>> -> memref<1024xf32, #tpu.memory_space<hbm>>
    %dma_wait3A_231 = arith.constant 0 : i32
    %dma_wait3A_232 = tpu.memref_slice %arg7[%add3A_185, %dma_wait3A_231] : memref<96x1024xf32, #tpu.memory_space<hbm>> -> memref<1x1024xf32, #tpu.memory_space<hbm>>
    %dma_wait3A_233 = tpu.memref_squeeze %dma_wait3A_232 : memref<1x1024xf32, #tpu.memory_space<hbm>> -> memref<1024xf32, #tpu.memory_space<hbm>>
    tpu.wait_dma2 semaphore(%arg26 : memref<!tpu.dma_semaphore, #tpu.memory_space<semaphore_mem>>) src(%arg19 : memref<1024xf32, #tpu.memory_space<vmem>>) dst(%dma_wait3A_233 : memref<1024xf32, #tpu.memory_space<hbm>>)
    %dma_wait3A_234 = arith.constant 0 : i32
    %dma_wait3A_235 = tpu.memref_slice %arg8[%add3A_185, %dma_wait3A_234] : memref<96x1024xf32, #tpu.memory_space<hbm>> -> memref<1x1024xf32, #tpu.memory_space<hbm>>
    %dma_wait3A_236 = tpu.memref_squeeze %dma_wait3A_235 : memref<1x1024xf32, #tpu.memory_space<hbm>> -> memref<1024xf32, #tpu.memory_space<hbm>>
    %dma_wait3A_237 = arith.constant 0 : i32
    %dma_wait3A_238 = tpu.memref_slice %arg8[%add3A_185, %dma_wait3A_237] : memref<96x1024xf32, #tpu.memory_space<hbm>> -> memref<1x1024xf32, #tpu.memory_space<hbm>>
    %dma_wait3A_239 = tpu.memref_squeeze %dma_wait3A_238 : memref<1x1024xf32, #tpu.memory_space<hbm>> -> memref<1024xf32, #tpu.memory_space<hbm>>
    tpu.wait_dma2 semaphore(%arg26 : memref<!tpu.dma_semaphore, #tpu.memory_space<semaphore_mem>>) src(%arg20 : memref<1024xf32, #tpu.memory_space<vmem>>) dst(%dma_wait3A_239 : memref<1024xf32, #tpu.memory_space<hbm>>)
    %dma_wait3A_240 = arith.constant 0 : i32
    %dma_wait3A_241 = tpu.memref_slice %arg9[%add3A_185, %dma_wait3A_240] : memref<96x1024xf32, #tpu.memory_space<hbm>> -> memref<1x1024xf32, #tpu.memory_space<hbm>>
    %dma_wait3A_242 = tpu.memref_squeeze %dma_wait3A_241 : memref<1x1024xf32, #tpu.memory_space<hbm>> -> memref<1024xf32, #tpu.memory_space<hbm>>
    %dma_wait3A_243 = arith.constant 0 : i32
    %dma_wait3A_244 = tpu.memref_slice %arg9[%add3A_185, %dma_wait3A_243] : memref<96x1024xf32, #tpu.memory_space<hbm>> -> memref<1x1024xf32, #tpu.memory_space<hbm>>
    %dma_wait3A_245 = tpu.memref_squeeze %dma_wait3A_244 : memref<1x1024xf32, #tpu.memory_space<hbm>> -> memref<1024xf32, #tpu.memory_space<hbm>>
    tpu.wait_dma2 semaphore(%arg26 : memref<!tpu.dma_semaphore, #tpu.memory_space<semaphore_mem>>) src(%arg21 : memref<1024xf32, #tpu.memory_space<vmem>>) dst(%dma_wait3A_245 : memref<1024xf32, #tpu.memory_space<hbm>>)
    %dma_wait3A_246 = arith.constant 0 : i32
    %dma_wait3A_247 = tpu.memref_slice %arg10[%add3A_185, %dma_wait3A_246] : memref<96x1024xf32, #tpu.memory_space<hbm>> -> memref<1x1024xf32, #tpu.memory_space<hbm>>
    %dma_wait3A_248 = tpu.memref_squeeze %dma_wait3A_247 : memref<1x1024xf32, #tpu.memory_space<hbm>> -> memref<1024xf32, #tpu.memory_space<hbm>>
    %dma_wait3A_249 = arith.constant 0 : i32
    %dma_wait3A_250 = tpu.memref_slice %arg10[%add3A_185, %dma_wait3A_249] : memref<96x1024xf32, #tpu.memory_space<hbm>> -> memref<1x1024xf32, #tpu.memory_space<hbm>>
    %dma_wait3A_251 = tpu.memref_squeeze %dma_wait3A_250 : memref<1x1024xf32, #tpu.memory_space<hbm>> -> memref<1024xf32, #tpu.memory_space<hbm>>
    tpu.wait_dma2 semaphore(%arg26 : memref<!tpu.dma_semaphore, #tpu.memory_space<semaphore_mem>>) src(%arg22 : memref<1024xf32, #tpu.memory_space<vmem>>) dst(%dma_wait3A_251 : memref<1024xf32, #tpu.memory_space<hbm>>)
    %parallel_loop3A_252 = arith.constant 0 : i32
    %parallel_loop3A_253 = arith.constant 64 : i32
    %parallel_loop3A_254 = arith.constant 1 : i32
    scf.for %parallel_loop3A_346 = %parallel_loop3A_252 to %parallel_loop3A_253 step %parallel_loop3A_254  : i32 {
      %parallel_loop3A_347 = arith.constant 16 : i32
      %parallel_loop3A_348 = arith.muli %parallel_loop3A_346, %parallel_loop3A_347 : i32
      %parallel_loop3A_349 = arith.constant -1.000000e+09 : f32
      %parallel_loop3A_350 = vector.broadcast %parallel_loop3A_349 : f32 to vector<16xf32>
      %parallel_loop3A_351 = arith.index_cast %parallel_loop3A_348 : i32 to index
      %parallel_loop3A_352 = tpu.vector_load %arg17[%parallel_loop3A_351] {strides = array<i32>} : memref<1024xf32, #tpu.memory_space<vmem>>, vector<16xf32>,
      tpu.vector_store %arg17[%parallel_loop3A_351], %parallel_loop3A_350 {strides = array<i32>} : memref<1024xf32, #tpu.memory_space<vmem>>, vector<16xf32>,
      %parallel_loop3A_353 = arith.constant 0 : i32
      %parallel_loop3A_354 = vector.broadcast %parallel_loop3A_353 : i32 to vector<16xi32>
      %parallel_loop3A_355 = arith.index_cast %parallel_loop3A_348 : i32 to index
      %parallel_loop3A_356 = tpu.vector_load %arg18[%parallel_loop3A_355] {strides = array<i32>} : memref<1024xi32, #tpu.memory_space<vmem>>, vector<16xi32>,
      tpu.vector_store %arg18[%parallel_loop3A_355], %parallel_loop3A_354 {strides = array<i32>} : memref<1024xi32, #tpu.memory_space<vmem>>, vector<16xi32>,
    } {sc.loop_unroll_factor = 8 : i64, sc.parallel_access}
    %mul3A_255 = arith.constant 3 : i32
    %mul3A_256 = arith.muli %add3A, %mul3A_255 : i32
    %add3A_257 = arith.constant 2 : i32
    %add3A_258 = arith.addi %mul3A_256, %add3A_257 : i32
    "tpu.region"() ({
      %run_scoped3A_346 = tpu.sem_alloc : memref<!tpu.dma_semaphore, #tpu.memory_space<semaphore_mem>>
      %dma_start3A_347 = arith.constant 0 : i32
      %dma_start3A_348 = tpu.memref_slice %arg4[%add3A_258, %dma_start3A_347] : memref<96x16xf32, #tpu.memory_space<hbm>> -> memref<1x16xf32, #tpu.memory_space<hbm>>
      %dma_start3A_349 = tpu.memref_squeeze %dma_start3A_348 : memref<1x16xf32, #tpu.memory_space<hbm>> -> memref<16xf32, #tpu.memory_space<hbm>>
      %dma_start3A_350 = arith.constant 0 : i32
      %dma_start3A_351 = tpu.memref_slice %arg4[%add3A_258, %dma_start3A_350] : memref<96x16xf32, #tpu.memory_space<hbm>> -> memref<1x16xf32, #tpu.memory_space<hbm>>
      %dma_start3A_352 = tpu.memref_squeeze %dma_start3A_351 : memref<1x16xf32, #tpu.memory_space<hbm>> -> memref<16xf32, #tpu.memory_space<hbm>>
      tpu.enqueue_dma source(%dma_start3A_352 : memref<16xf32, #tpu.memory_space<hbm>>) target(%arg23 : memref<16xf32, #tpu.memory_space<vmem>>) target_semaphore(%run_scoped3A_346 : memref<!tpu.dma_semaphore, #tpu.memory_space<semaphore_mem>>)
      %dma_wait3A_353 = arith.constant 0 : i32
      %dma_wait3A_354 = tpu.memref_slice %arg4[%add3A_258, %dma_wait3A_353] : memref<96x16xf32, #tpu.memory_space<hbm>> -> memref<1x16xf32, #tpu.memory_space<hbm>>
      %dma_wait3A_355 = tpu.memref_squeeze %dma_wait3A_354 : memref<1x16xf32, #tpu.memory_space<hbm>> -> memref<16xf32, #tpu.memory_space<hbm>>
      %dma_wait3A_356 = arith.constant 0 : i32
      %dma_wait3A_357 = tpu.memref_slice %arg4[%add3A_258, %dma_wait3A_356] : memref<96x16xf32, #tpu.memory_space<hbm>> -> memref<1x16xf32, #tpu.memory_space<hbm>>
      %dma_wait3A_358 = tpu.memref_squeeze %dma_wait3A_357 : memref<1x16xf32, #tpu.memory_space<hbm>> -> memref<16xf32, #tpu.memory_space<hbm>>
      tpu.wait_dma2 semaphore(%run_scoped3A_346 : memref<!tpu.dma_semaphore, #tpu.memory_space<semaphore_mem>>) src(%dma_wait3A_358 : memref<16xf32, #tpu.memory_space<hbm>>) dst(%arg23 : memref<16xf32, #tpu.memory_space<vmem>>)
      tpu.yield
    }) : () -> ()
    %get3A_259 = arith.constant 0 : index
    %get3A_260 = tpu.vector_load %arg23[%get3A_259] {strides = array<i32>} : memref<16xf32, #tpu.memory_space<vmem>>, vector<16xf32>,
    %le3A_261 = arith.constant 1.008000e+03 : f32
    %le3A_262 = vector.broadcast %le3A_261 : f32 to vector<16xf32>
    %le3A_263 = arith.cmpf ole, %get3A_260, %le3A_262 : vector<16xf32>
    %jit3A_264 = arith.constant 2.000000e+00 : f32
    %broadcast_in_dim3A_265 = vector.broadcast %jit3A_264 : f32 to vector<16xf32>
    %select_n3A_266 = arith.select %le3A_263, %get3A_17, %broadcast_in_dim3A_265 : vector<16xi1>, vector<16xf32>
    %reduce_min3A_267 = arith.constant true
    %reduce_min3A_268 = vector.broadcast %reduce_min3A_267 : i1 to vector<16xi1>
    %reduce_min3A_269 = tpu.scan <min>, %select_n3A_266 masked %reduce_min3A_268 : vector<16xf32>, vector<16xi1> -> vector<16xf32>
    %reduce_min3A_270 = vector.extract %reduce_min3A_269[15] : f32 from vector<16xf32>
    %broadcast_in_dim3A_271 = arith.constant 0 : i32
    %broadcast_in_dim3A_272 = vector.broadcast %broadcast_in_dim3A_271 : i32 to vector<16xi32>
    %scan3A_273 = arith.constant 0 : i32
    %scan3A_274 = arith.constant 1280 : i32
    %scan3A_275 = arith.addi %scan3A_273, %scan3A_274 : i32
    %scan3A_276 = arith.constant 16 : i32
    %scan3A_277 = scf.for %scan3A_346 = %scan3A_273 to %scan3A_275 step %scan3A_276 iter_args(%scan3A_347 = %broadcast_in_dim3A_272) -> (vector<16xi32>)  : i32 {
      %mul3A_348 = arith.constant 16 : i32
      %mul3A_349 = arith.muli %scan3A_346, %mul3A_348 : i32
      %get3A_350 = arith.index_cast %mul3A_349 : i32 to index
      %get3A_351 = tpu.vector_load %arg11[%get3A_350] {strides = array<i32>} : memref<20480xf32, #tpu.memory_space<vmem>>, vector<16xf32>,
      %gt3A = vector.broadcast %reduce_min3A_270 : f32 to vector<16xf32>
      %gt3A_352 = arith.cmpf ogt, %get3A_351, %gt3A : vector<16xf32>
      %convert_element_type3A = arith.extui %gt3A_352 : vector<16xi1> to vector<16xi32>
      %broadcast_in_dim3A_353 = arith.constant true
      %broadcast_in_dim3A_354 = vector.broadcast %broadcast_in_dim3A_353 : i1 to vector<16xi1>
      %masked_cumsum3A = tpu.scan <sum>, %convert_element_type3A masked %broadcast_in_dim3A_354 : vector<16xi32>, vector<16xi1> -> vector<16xi32>
      %add3A_355 = arith.addi %scan3A_347, %masked_cumsum3A : vector<16xi32>
      %sub3A_356 = arith.constant 1 : i32
      %sub3A_357 = vector.broadcast %sub3A_356 : i32 to vector<16xi32>
      %sub3A_358 = arith.subi %add3A_355, %sub3A_357 : vector<16xi32>
      tpu.vector_store_idx %arg17[%sub3A_358], %get3A_351 masked %gt3A_352 : memref<1024xf32, #tpu.memory_space<vmem>>[vector<16xi32>], vector<16xf32>, vector<16xi1>
      %mul3A_359 = arith.constant 16 : i32
      %mul3A_360 = arith.muli %scan3A_346, %mul3A_359 : i32
      %add3A_361 = vector.broadcast %mul3A_360 : i32 to vector<16xi32>
      %add3A_362 = arith.addi %add3A_361, %iota3A : vector<16xi32>
      tpu.vector_store_idx %arg18[%sub3A_358], %add3A_362 masked %gt3A_352 : memref<1024xi32, #tpu.memory_space<vmem>>[vector<16xi32>], vector<16xi32>, vector<16xi1>
      %all_reduce_population_count3A = tpu.all_reduce %gt3A_352 {dim = 0 : i64, kind = #tpu.reduction_kind<sum>} : vector<16xi1> -> vector<16xi32>
      %add3A_363 = arith.addi %scan3A_347, %all_reduce_population_count3A : vector<16xi32>
      %scan3A_364 = arith.constant 1 : i32
      %scan3A_365 = arith.addi %scan3A_346, %scan3A_364 : i32
      %mul3A_366 = arith.constant 16 : i32
      %mul3A_367 = arith.muli %scan3A_365, %mul3A_366 : i32
      %get3A_368 = arith.index_cast %mul3A_367 : i32 to index
      %get3A_369 = tpu.vector_load %arg11[%get3A_368] {strides = array<i32>} : memref<20480xf32, #tpu.memory_space<vmem>>, vector<16xf32>,
      %gt3A_370 = vector.broadcast %reduce_min3A_270 : f32 to vector<16xf32>
      %gt3A_371 = arith.cmpf ogt, %get3A_369, %gt3A_370 : vector<16xf32>
      %convert_element_type3A_372 = arith.extui %gt3A_371 : vector<16xi1> to vector<16xi32>
      %broadcast_in_dim3A_373 = arith.constant true
      %broadcast_in_dim3A_374 = vector.broadcast %broadcast_in_dim3A_373 : i1 to vector<16xi1>
      %masked_cumsum3A_375 = tpu.scan <sum>, %convert_element_type3A_372 masked %broadcast_in_dim3A_374 : vector<16xi32>, vector<16xi1> -> vector<16xi32>
      %add3A_376 = arith.addi %add3A_363, %masked_cumsum3A_375 : vector<16xi32>
      %sub3A_377 = arith.constant 1 : i32
      %sub3A_378 = vector.broadcast %sub3A_377 : i32 to vector<16xi32>
      %sub3A_379 = arith.subi %add3A_376, %sub3A_378 : vector<16xi32>
      tpu.vector_store_idx %arg17[%sub3A_379], %get3A_369 masked %gt3A_371 : memref<1024xf32, #tpu.memory_space<vmem>>[vector<16xi32>], vector<16xf32>, vector<16xi1>
      %mul3A_380 = arith.constant 16 : i32
      %mul3A_381 = arith.muli %scan3A_365, %mul3A_380 : i32
      %add3A_382 = vector.broadcast %mul3A_381 : i32 to vector<16xi32>
      %add3A_383 = arith.addi %add3A_382, %iota3A : vector<16xi32>
      tpu.vector_store_idx %arg18[%sub3A_379], %add3A_383 masked %gt3A_371 : memref<1024xi32, #tpu.memory_space<vmem>>[vector<16xi32>], vector<16xi32>, vector<16xi1>
      %all_reduce_population_count3A_384 = tpu.all_reduce %gt3A_371 {dim = 0 : i64, kind = #tpu.reduction_kind<sum>} : vector<16xi1> -> vector<16xi32>
      %add3A_385 = arith.addi %add3A_363, %all_reduce_population_count3A_384 : vector<16xi32>
      %scan3A_386 = arith.constant 2 : i32
      %scan3A_387 = arith.addi %scan3A_346, %scan3A_386 : i32
      %mul3A_388 = arith.constant 16 : i32
      %mul3A_389 = arith.muli %scan3A_387, %mul3A_388 : i32
      %get3A_390 = arith.index_cast %mul3A_389 : i32 to index
      %get3A_391 = tpu.vector_load %arg11[%get3A_390] {strides = array<i32>} : memref<20480xf32, #tpu.memory_space<vmem>>, vector<16xf32>,
      %gt3A_392 = vector.broadcast %reduce_min3A_270 : f32 to vector<16xf32>
      %gt3A_393 = arith.cmpf ogt, %get3A_391, %gt3A_392 : vector<16xf32>
      %convert_element_type3A_394 = arith.extui %gt3A_393 : vector<16xi1> to vector<16xi32>
      %broadcast_in_dim3A_395 = arith.constant true
      %broadcast_in_dim3A_396 = vector.broadcast %broadcast_in_dim3A_395 : i1 to vector<16xi1>
      %masked_cumsum3A_397 = tpu.scan <sum>, %convert_element_type3A_394 masked %broadcast_in_dim3A_396 : vector<16xi32>, vector<16xi1> -> vector<16xi32>
      %add3A_398 = arith.addi %add3A_385, %masked_cumsum3A_397 : vector<16xi32>
      %sub3A_399 = arith.constant 1 : i32
      %sub3A_400 = vector.broadcast %sub3A_399 : i32 to vector<16xi32>
      %sub3A_401 = arith.subi %add3A_398, %sub3A_400 : vector<16xi32>
      tpu.vector_store_idx %arg17[%sub3A_401], %get3A_391 masked %gt3A_393 : memref<1024xf32, #tpu.memory_space<vmem>>[vector<16xi32>], vector<16xf32>, vector<16xi1>
      %mul3A_402 = arith.constant 16 : i32
      %mul3A_403 = arith.muli %scan3A_387, %mul3A_402 : i32
      %add3A_404 = vector.broadcast %mul3A_403 : i32 to vector<16xi32>
      %add3A_405 = arith.addi %add3A_404, %iota3A : vector<16xi32>
      tpu.vector_store_idx %arg18[%sub3A_401], %add3A_405 masked %gt3A_393 : memref<1024xi32, #tpu.memory_space<vmem>>[vector<16xi32>], vector<16xi32>, vector<16xi1>
      %all_reduce_population_count3A_406 = tpu.all_reduce %gt3A_393 {dim = 0 : i64, kind = #tpu.reduction_kind<sum>} : vector<16xi1> -> vector<16xi32>
      %add3A_407 = arith.addi %add3A_385, %all_reduce_population_count3A_406 : vector<16xi32>
      %scan3A_408 = arith.constant 3 : i32
      %scan3A_409 = arith.addi %scan3A_346, %scan3A_408 : i32
      %mul3A_410 = arith.constant 16 : i32
      %mul3A_411 = arith.muli %scan3A_409, %mul3A_410 : i32
      %get3A_412 = arith.index_cast %mul3A_411 : i32 to index
      %get3A_413 = tpu.vector_load %arg11[%get3A_412] {strides = array<i32>} : memref<20480xf32, #tpu.memory_space<vmem>>, vector<16xf32>,
      %gt3A_414 = vector.broadcast %reduce_min3A_270 : f32 to vector<16xf32>
      %gt3A_415 = arith.cmpf ogt, %get3A_413, %gt3A_414 : vector<16xf32>
      %convert_element_type3A_416 = arith.extui %gt3A_415 : vector<16xi1> to vector<16xi32>
      %broadcast_in_dim3A_417 = arith.constant true
      %broadcast_in_dim3A_418 = vector.broadcast %broadcast_in_dim3A_417 : i1 to vector<16xi1>
      %masked_cumsum3A_419 = tpu.scan <sum>, %convert_element_type3A_416 masked %broadcast_in_dim3A_418 : vector<16xi32>, vector<16xi1> -> vector<16xi32>
      %add3A_420 = arith.addi %add3A_407, %masked_cumsum3A_419 : vector<16xi32>
      %sub3A_421 = arith.constant 1 : i32
      %sub3A_422 = vector.broadcast %sub3A_421 : i32 to vector<16xi32>
      %sub3A_423 = arith.subi %add3A_420, %sub3A_422 : vector<16xi32>
      tpu.vector_store_idx %arg17[%sub3A_423], %get3A_413 masked %gt3A_415 : memref<1024xf32, #tpu.memory_space<vmem>>[vector<16xi32>], vector<16xf32>, vector<16xi1>
      %mul3A_424 = arith.constant 16 : i32
      %mul3A_425 = arith.muli %scan3A_409, %mul3A_424 : i32
      %add3A_426 = vector.broadcast %mul3A_425 : i32 to vector<16xi32>
      %add3A_427 = arith.addi %add3A_426, %iota3A : vector<16xi32>
      tpu.vector_store_idx %arg18[%sub3A_423], %add3A_427 masked %gt3A_415 : memref<1024xi32, #tpu.memory_space<vmem>>[vector<16xi32>], vector<16xi32>, vector<16xi1>
      %all_reduce_population_count3A_428 = tpu.all_reduce %gt3A_415 {dim = 0 : i64, kind = #tpu.reduction_kind<sum>} : vector<16xi1> -> vector<16xi32>
      %add3A_429 = arith.addi %add3A_407, %all_reduce_population_count3A_428 : vector<16xi32>
      %scan3A_430 = arith.constant 4 : i32
      %scan3A_431 = arith.addi %scan3A_346, %scan3A_430 : i32
      %mul3A_432 = arith.constant 16 : i32
      %mul3A_433 = arith.muli %scan3A_431, %mul3A_432 : i32
      %get3A_434 = arith.index_cast %mul3A_433 : i32 to index
      %get3A_435 = tpu.vector_load %arg11[%get3A_434] {strides = array<i32>} : memref<20480xf32, #tpu.memory_space<vmem>>, vector<16xf32>,
      %gt3A_436 = vector.broadcast %reduce_min3A_270 : f32 to vector<16xf32>
      %gt3A_437 = arith.cmpf ogt, %get3A_435, %gt3A_436 : vector<16xf32>
      %convert_element_type3A_438 = arith.extui %gt3A_437 : vector<16xi1> to vector<16xi32>
      %broadcast_in_dim3A_439 = arith.constant true
      %broadcast_in_dim3A_440 = vector.broadcast %broadcast_in_dim3A_439 : i1 to vector<16xi1>
      %masked_cumsum3A_441 = tpu.scan <sum>, %convert_element_type3A_438 masked %broadcast_in_dim3A_440 : vector<16xi32>, vector<16xi1> -> vector<16xi32>
      %add3A_442 = arith.addi %add3A_429, %masked_cumsum3A_441 : vector<16xi32>
      %sub3A_443 = arith.constant 1 : i32
      %sub3A_444 = vector.broadcast %sub3A_443 : i32 to vector<16xi32>
      %sub3A_445 = arith.subi %add3A_442, %sub3A_444 : vector<16xi32>
      tpu.vector_store_idx %arg17[%sub3A_445], %get3A_435 masked %gt3A_437 : memref<1024xf32, #tpu.memory_space<vmem>>[vector<16xi32>], vector<16xf32>, vector<16xi1>
      %mul3A_446 = arith.constant 16 : i32
      %mul3A_447 = arith.muli %scan3A_431, %mul3A_446 : i32
      %add3A_448 = vector.broadcast %mul3A_447 : i32 to vector<16xi32>
      %add3A_449 = arith.addi %add3A_448, %iota3A : vector<16xi32>
      tpu.vector_store_idx %arg18[%sub3A_445], %add3A_449 masked %gt3A_437 : memref<1024xi32, #tpu.memory_space<vmem>>[vector<16xi32>], vector<16xi32>, vector<16xi1>
      %all_reduce_population_count3A_450 = tpu.all_reduce %gt3A_437 {dim = 0 : i64, kind = #tpu.reduction_kind<sum>} : vector<16xi1> -> vector<16xi32>
      %add3A_451 = arith.addi %add3A_429, %all_reduce_population_count3A_450 : vector<16xi32>
      %scan3A_452 = arith.constant 5 : i32
      %scan3A_453 = arith.addi %scan3A_346, %scan3A_452 : i32
      %mul3A_454 = arith.constant 16 : i32
      %mul3A_455 = arith.muli %scan3A_453, %mul3A_454 : i32
      %get3A_456 = arith.index_cast %mul3A_455 : i32 to index
      %get3A_457 = tpu.vector_load %arg11[%get3A_456] {strides = array<i32>} : memref<20480xf32, #tpu.memory_space<vmem>>, vector<16xf32>,
      %gt3A_458 = vector.broadcast %reduce_min3A_270 : f32 to vector<16xf32>
      %gt3A_459 = arith.cmpf ogt, %get3A_457, %gt3A_458 : vector<16xf32>
      %convert_element_type3A_460 = arith.extui %gt3A_459 : vector<16xi1> to vector<16xi32>
      %broadcast_in_dim3A_461 = arith.constant true
      %broadcast_in_dim3A_462 = vector.broadcast %broadcast_in_dim3A_461 : i1 to vector<16xi1>
      %masked_cumsum3A_463 = tpu.scan <sum>, %convert_element_type3A_460 masked %broadcast_in_dim3A_462 : vector<16xi32>, vector<16xi1> -> vector<16xi32>
      %add3A_464 = arith.addi %add3A_451, %masked_cumsum3A_463 : vector<16xi32>
      %sub3A_465 = arith.constant 1 : i32
      %sub3A_466 = vector.broadcast %sub3A_465 : i32 to vector<16xi32>
      %sub3A_467 = arith.subi %add3A_464, %sub3A_466 : vector<16xi32>
      tpu.vector_store_idx %arg17[%sub3A_467], %get3A_457 masked %gt3A_459 : memref<1024xf32, #tpu.memory_space<vmem>>[vector<16xi32>], vector<16xf32>, vector<16xi1>
      %mul3A_468 = arith.constant 16 : i32
      %mul3A_469 = arith.muli %scan3A_453, %mul3A_468 : i32
      %add3A_470 = vector.broadcast %mul3A_469 : i32 to vector<16xi32>
      %add3A_471 = arith.addi %add3A_470, %iota3A : vector<16xi32>
      tpu.vector_store_idx %arg18[%sub3A_467], %add3A_471 masked %gt3A_459 : memref<1024xi32, #tpu.memory_space<vmem>>[vector<16xi32>], vector<16xi32>, vector<16xi1>
      %all_reduce_population_count3A_472 = tpu.all_reduce %gt3A_459 {dim = 0 : i64, kind = #tpu.reduction_kind<sum>} : vector<16xi1> -> vector<16xi32>
      %add3A_473 = arith.addi %add3A_451, %all_reduce_population_count3A_472 : vector<16xi32>
      %scan3A_474 = arith.constant 6 : i32
      %scan3A_475 = arith.addi %scan3A_346, %scan3A_474 : i32
      %mul3A_476 = arith.constant 16 : i32
      %mul3A_477 = arith.muli %scan3A_475, %mul3A_476 : i32
      %get3A_478 = arith.index_cast %mul3A_477 : i32 to index
      %get3A_479 = tpu.vector_load %arg11[%get3A_478] {strides = array<i32>} : memref<20480xf32, #tpu.memory_space<vmem>>, vector<16xf32>,
      %gt3A_480 = vector.broadcast %reduce_min3A_270 : f32 to vector<16xf32>
      %gt3A_481 = arith.cmpf ogt, %get3A_479, %gt3A_480 : vector<16xf32>
      %convert_element_type3A_482 = arith.extui %gt3A_481 : vector<16xi1> to vector<16xi32>
      %broadcast_in_dim3A_483 = arith.constant true
      %broadcast_in_dim3A_484 = vector.broadcast %broadcast_in_dim3A_483 : i1 to vector<16xi1>
      %masked_cumsum3A_485 = tpu.scan <sum>, %convert_element_type3A_482 masked %broadcast_in_dim3A_484 : vector<16xi32>, vector<16xi1> -> vector<16xi32>
      %add3A_486 = arith.addi %add3A_473, %masked_cumsum3A_485 : vector<16xi32>
      %sub3A_487 = arith.constant 1 : i32
      %sub3A_488 = vector.broadcast %sub3A_487 : i32 to vector<16xi32>
      %sub3A_489 = arith.subi %add3A_486, %sub3A_488 : vector<16xi32>
      tpu.vector_store_idx %arg17[%sub3A_489], %get3A_479 masked %gt3A_481 : memref<1024xf32, #tpu.memory_space<vmem>>[vector<16xi32>], vector<16xf32>, vector<16xi1>
      %mul3A_490 = arith.constant 16 : i32
      %mul3A_491 = arith.muli %scan3A_475, %mul3A_490 : i32
      %add3A_492 = vector.broadcast %mul3A_491 : i32 to vector<16xi32>
      %add3A_493 = arith.addi %add3A_492, %iota3A : vector<16xi32>
      tpu.vector_store_idx %arg18[%sub3A_489], %add3A_493 masked %gt3A_481 : memref<1024xi32, #tpu.memory_space<vmem>>[vector<16xi32>], vector<16xi32>, vector<16xi1>
      %all_reduce_population_count3A_494 = tpu.all_reduce %gt3A_481 {dim = 0 : i64, kind = #tpu.reduction_kind<sum>} : vector<16xi1> -> vector<16xi32>
      %add3A_495 = arith.addi %add3A_473, %all_reduce_population_count3A_494 : vector<16xi32>
      %scan3A_496 = arith.constant 7 : i32
      %scan3A_497 = arith.addi %scan3A_346, %scan3A_496 : i32
      %mul3A_498 = arith.constant 16 : i32
      %mul3A_499 = arith.muli %scan3A_497, %mul3A_498 : i32
      %get3A_500 = arith.index_cast %mul3A_499 : i32 to index
      %get3A_501 = tpu.vector_load %arg11[%get3A_500] {strides = array<i32>} : memref<20480xf32, #tpu.memory_space<vmem>>, vector<16xf32>,
      %gt3A_502 = vector.broadcast %reduce_min3A_270 : f32 to vector<16xf32>
      %gt3A_503 = arith.cmpf ogt, %get3A_501, %gt3A_502 : vector<16xf32>
      %convert_element_type3A_504 = arith.extui %gt3A_503 : vector<16xi1> to vector<16xi32>
      %broadcast_in_dim3A_505 = arith.constant true
      %broadcast_in_dim3A_506 = vector.broadcast %broadcast_in_dim3A_505 : i1 to vector<16xi1>
      %masked_cumsum3A_507 = tpu.scan <sum>, %convert_element_type3A_504 masked %broadcast_in_dim3A_506 : vector<16xi32>, vector<16xi1> -> vector<16xi32>
      %add3A_508 = arith.addi %add3A_495, %masked_cumsum3A_507 : vector<16xi32>
      %sub3A_509 = arith.constant 1 : i32
      %sub3A_510 = vector.broadcast %sub3A_509 : i32 to vector<16xi32>
      %sub3A_511 = arith.subi %add3A_508, %sub3A_510 : vector<16xi32>
      tpu.vector_store_idx %arg17[%sub3A_511], %get3A_501 masked %gt3A_503 : memref<1024xf32, #tpu.memory_space<vmem>>[vector<16xi32>], vector<16xf32>, vector<16xi1>
      %mul3A_512 = arith.constant 16 : i32
      %mul3A_513 = arith.muli %scan3A_497, %mul3A_512 : i32
      %add3A_514 = vector.broadcast %mul3A_513 : i32 to vector<16xi32>
      %add3A_515 = arith.addi %add3A_514, %iota3A : vector<16xi32>
      tpu.vector_store_idx %arg18[%sub3A_511], %add3A_515 masked %gt3A_503 : memref<1024xi32, #tpu.memory_space<vmem>>[vector<16xi32>], vector<16xi32>, vector<16xi1>
      %all_reduce_population_count3A_516 = tpu.all_reduce %gt3A_503 {dim = 0 : i64, kind = #tpu.reduction_kind<sum>} : vector<16xi1> -> vector<16xi32>
      %add3A_517 = arith.addi %add3A_495, %all_reduce_population_count3A_516 : vector<16xi32>
      %scan3A_518 = arith.constant 8 : i32
      %scan3A_519 = arith.addi %scan3A_346, %scan3A_518 : i32
      %mul3A_520 = arith.constant 16 : i32
      %mul3A_521 = arith.muli %scan3A_519, %mul3A_520 : i32
      %get3A_522 = arith.index_cast %mul3A_521 : i32 to index
      %get3A_523 = tpu.vector_load %arg11[%get3A_522] {strides = array<i32>} : memref<20480xf32, #tpu.memory_space<vmem>>, vector<16xf32>,
      %gt3A_524 = vector.broadcast %reduce_min3A_270 : f32 to vector<16xf32>
      %gt3A_525 = arith.cmpf ogt, %get3A_523, %gt3A_524 : vector<16xf32>
      %convert_element_type3A_526 = arith.extui %gt3A_525 : vector<16xi1> to vector<16xi32>
      %broadcast_in_dim3A_527 = arith.constant true
      %broadcast_in_dim3A_528 = vector.broadcast %broadcast_in_dim3A_527 : i1 to vector<16xi1>
      %masked_cumsum3A_529 = tpu.scan <sum>, %convert_element_type3A_526 masked %broadcast_in_dim3A_528 : vector<16xi32>, vector<16xi1> -> vector<16xi32>
      %add3A_530 = arith.addi %add3A_517, %masked_cumsum3A_529 : vector<16xi32>
      %sub3A_531 = arith.constant 1 : i32
      %sub3A_532 = vector.broadcast %sub3A_531 : i32 to vector<16xi32>
      %sub3A_533 = arith.subi %add3A_530, %sub3A_532 : vector<16xi32>
      tpu.vector_store_idx %arg17[%sub3A_533], %get3A_523 masked %gt3A_525 : memref<1024xf32, #tpu.memory_space<vmem>>[vector<16xi32>], vector<16xf32>, vector<16xi1>
      %mul3A_534 = arith.constant 16 : i32
      %mul3A_535 = arith.muli %scan3A_519, %mul3A_534 : i32
      %add3A_536 = vector.broadcast %mul3A_535 : i32 to vector<16xi32>
      %add3A_537 = arith.addi %add3A_536, %iota3A : vector<16xi32>
      tpu.vector_store_idx %arg18[%sub3A_533], %add3A_537 masked %gt3A_525 : memref<1024xi32, #tpu.memory_space<vmem>>[vector<16xi32>], vector<16xi32>, vector<16xi1>
      %all_reduce_population_count3A_538 = tpu.all_reduce %gt3A_525 {dim = 0 : i64, kind = #tpu.reduction_kind<sum>} : vector<16xi1> -> vector<16xi32>
      %add3A_539 = arith.addi %add3A_517, %all_reduce_population_count3A_538 : vector<16xi32>
      %scan3A_540 = arith.constant 9 : i32
      %scan3A_541 = arith.addi %scan3A_346, %scan3A_540 : i32
      %mul3A_542 = arith.constant 16 : i32
      %mul3A_543 = arith.muli %scan3A_541, %mul3A_542 : i32
      %get3A_544 = arith.index_cast %mul3A_543 : i32 to index
      %get3A_545 = tpu.vector_load %arg11[%get3A_544] {strides = array<i32>} : memref<20480xf32, #tpu.memory_space<vmem>>, vector<16xf32>,
      %gt3A_546 = vector.broadcast %reduce_min3A_270 : f32 to vector<16xf32>
      %gt3A_547 = arith.cmpf ogt, %get3A_545, %gt3A_546 : vector<16xf32>
      %convert_element_type3A_548 = arith.extui %gt3A_547 : vector<16xi1> to vector<16xi32>
      %broadcast_in_dim3A_549 = arith.constant true
      %broadcast_in_dim3A_550 = vector.broadcast %broadcast_in_dim3A_549 : i1 to vector<16xi1>
      %masked_cumsum3A_551 = tpu.scan <sum>, %convert_element_type3A_548 masked %broadcast_in_dim3A_550 : vector<16xi32>, vector<16xi1> -> vector<16xi32>
      %add3A_552 = arith.addi %add3A_539, %masked_cumsum3A_551 : vector<16xi32>
      %sub3A_553 = arith.constant 1 : i32
      %sub3A_554 = vector.broadcast %sub3A_553 : i32 to vector<16xi32>
      %sub3A_555 = arith.subi %add3A_552, %sub3A_554 : vector<16xi32>
      tpu.vector_store_idx %arg17[%sub3A_555], %get3A_545 masked %gt3A_547 : memref<1024xf32, #tpu.memory_space<vmem>>[vector<16xi32>], vector<16xf32>, vector<16xi1>
      %mul3A_556 = arith.constant 16 : i32
      %mul3A_557 = arith.muli %scan3A_541, %mul3A_556 : i32
      %add3A_558 = vector.broadcast %mul3A_557 : i32 to vector<16xi32>
      %add3A_559 = arith.addi %add3A_558, %iota3A : vector<16xi32>
      tpu.vector_store_idx %arg18[%sub3A_555], %add3A_559 masked %gt3A_547 : memref<1024xi32, #tpu.memory_space<vmem>>[vector<16xi32>], vector<16xi32>, vector<16xi1>
      %all_reduce_population_count3A_560 = tpu.all_reduce %gt3A_547 {dim = 0 : i64, kind = #tpu.reduction_kind<sum>} : vector<16xi1> -> vector<16xi32>
      %add3A_561 = arith.addi %add3A_539, %all_reduce_population_count3A_560 : vector<16xi32>
      %scan3A_562 = arith.constant 10 : i32
      %scan3A_563 = arith.addi %scan3A_346, %scan3A_562 : i32
      %mul3A_564 = arith.constant 16 : i32
      %mul3A_565 = arith.muli %scan3A_563, %mul3A_564 : i32
      %get3A_566 = arith.index_cast %mul3A_565 : i32 to index
      %get3A_567 = tpu.vector_load %arg11[%get3A_566] {strides = array<i32>} : memref<20480xf32, #tpu.memory_space<vmem>>, vector<16xf32>,
      %gt3A_568 = vector.broadcast %reduce_min3A_270 : f32 to vector<16xf32>
      %gt3A_569 = arith.cmpf ogt, %get3A_567, %gt3A_568 : vector<16xf32>
      %convert_element_type3A_570 = arith.extui %gt3A_569 : vector<16xi1> to vector<16xi32>
      %broadcast_in_dim3A_571 = arith.constant true
      %broadcast_in_dim3A_572 = vector.broadcast %broadcast_in_dim3A_571 : i1 to vector<16xi1>
      %masked_cumsum3A_573 = tpu.scan <sum>, %convert_element_type3A_570 masked %broadcast_in_dim3A_572 : vector<16xi32>, vector<16xi1> -> vector<16xi32>
      %add3A_574 = arith.addi %add3A_561, %masked_cumsum3A_573 : vector<16xi32>
      %sub3A_575 = arith.constant 1 : i32
      %sub3A_576 = vector.broadcast %sub3A_575 : i32 to vector<16xi32>
      %sub3A_577 = arith.subi %add3A_574, %sub3A_576 : vector<16xi32>
      tpu.vector_store_idx %arg17[%sub3A_577], %get3A_567 masked %gt3A_569 : memref<1024xf32, #tpu.memory_space<vmem>>[vector<16xi32>], vector<16xf32>, vector<16xi1>
      %mul3A_578 = arith.constant 16 : i32
      %mul3A_579 = arith.muli %scan3A_563, %mul3A_578 : i32
      %add3A_580 = vector.broadcast %mul3A_579 : i32 to vector<16xi32>
      %add3A_581 = arith.addi %add3A_580, %iota3A : vector<16xi32>
      tpu.vector_store_idx %arg18[%sub3A_577], %add3A_581 masked %gt3A_569 : memref<1024xi32, #tpu.memory_space<vmem>>[vector<16xi32>], vector<16xi32>, vector<16xi1>
      %all_reduce_population_count3A_582 = tpu.all_reduce %gt3A_569 {dim = 0 : i64, kind = #tpu.reduction_kind<sum>} : vector<16xi1> -> vector<16xi32>
      %add3A_583 = arith.addi %add3A_561, %all_reduce_population_count3A_582 : vector<16xi32>
      %scan3A_584 = arith.constant 11 : i32
      %scan3A_585 = arith.addi %scan3A_346, %scan3A_584 : i32
      %mul3A_586 = arith.constant 16 : i32
      %mul3A_587 = arith.muli %scan3A_585, %mul3A_586 : i32
      %get3A_588 = arith.index_cast %mul3A_587 : i32 to index
      %get3A_589 = tpu.vector_load %arg11[%get3A_588] {strides = array<i32>} : memref<20480xf32, #tpu.memory_space<vmem>>, vector<16xf32>,
      %gt3A_590 = vector.broadcast %reduce_min3A_270 : f32 to vector<16xf32>
      %gt3A_591 = arith.cmpf ogt, %get3A_589, %gt3A_590 : vector<16xf32>
      %convert_element_type3A_592 = arith.extui %gt3A_591 : vector<16xi1> to vector<16xi32>
      %broadcast_in_dim3A_593 = arith.constant true
      %broadcast_in_dim3A_594 = vector.broadcast %broadcast_in_dim3A_593 : i1 to vector<16xi1>
      %masked_cumsum3A_595 = tpu.scan <sum>, %convert_element_type3A_592 masked %broadcast_in_dim3A_594 : vector<16xi32>, vector<16xi1> -> vector<16xi32>
      %add3A_596 = arith.addi %add3A_583, %masked_cumsum3A_595 : vector<16xi32>
      %sub3A_597 = arith.constant 1 : i32
      %sub3A_598 = vector.broadcast %sub3A_597 : i32 to vector<16xi32>
      %sub3A_599 = arith.subi %add3A_596, %sub3A_598 : vector<16xi32>
      tpu.vector_store_idx %arg17[%sub3A_599], %get3A_589 masked %gt3A_591 : memref<1024xf32, #tpu.memory_space<vmem>>[vector<16xi32>], vector<16xf32>, vector<16xi1>
      %mul3A_600 = arith.constant 16 : i32
      %mul3A_601 = arith.muli %scan3A_585, %mul3A_600 : i32
      %add3A_602 = vector.broadcast %mul3A_601 : i32 to vector<16xi32>
      %add3A_603 = arith.addi %add3A_602, %iota3A : vector<16xi32>
      tpu.vector_store_idx %arg18[%sub3A_599], %add3A_603 masked %gt3A_591 : memref<1024xi32, #tpu.memory_space<vmem>>[vector<16xi32>], vector<16xi32>, vector<16xi1>
      %all_reduce_population_count3A_604 = tpu.all_reduce %gt3A_591 {dim = 0 : i64, kind = #tpu.reduction_kind<sum>} : vector<16xi1> -> vector<16xi32>
      %add3A_605 = arith.addi %add3A_583, %all_reduce_population_count3A_604 : vector<16xi32>
      %scan3A_606 = arith.constant 12 : i32
      %scan3A_607 = arith.addi %scan3A_346, %scan3A_606 : i32
      %mul3A_608 = arith.constant 16 : i32
      %mul3A_609 = arith.muli %scan3A_607, %mul3A_608 : i32
      %get3A_610 = arith.index_cast %mul3A_609 : i32 to index
      %get3A_611 = tpu.vector_load %arg11[%get3A_610] {strides = array<i32>} : memref<20480xf32, #tpu.memory_space<vmem>>, vector<16xf32>,
      %gt3A_612 = vector.broadcast %reduce_min3A_270 : f32 to vector<16xf32>
      %gt3A_613 = arith.cmpf ogt, %get3A_611, %gt3A_612 : vector<16xf32>
      %convert_element_type3A_614 = arith.extui %gt3A_613 : vector<16xi1> to vector<16xi32>
      %broadcast_in_dim3A_615 = arith.constant true
      %broadcast_in_dim3A_616 = vector.broadcast %broadcast_in_dim3A_615 : i1 to vector<16xi1>
      %masked_cumsum3A_617 = tpu.scan <sum>, %convert_element_type3A_614 masked %broadcast_in_dim3A_616 : vector<16xi32>, vector<16xi1> -> vector<16xi32>
      %add3A_618 = arith.addi %add3A_605, %masked_cumsum3A_617 : vector<16xi32>
      %sub3A_619 = arith.constant 1 : i32
      %sub3A_620 = vector.broadcast %sub3A_619 : i32 to vector<16xi32>
      %sub3A_621 = arith.subi %add3A_618, %sub3A_620 : vector<16xi32>
      tpu.vector_store_idx %arg17[%sub3A_621], %get3A_611 masked %gt3A_613 : memref<1024xf32, #tpu.memory_space<vmem>>[vector<16xi32>], vector<16xf32>, vector<16xi1>
      %mul3A_622 = arith.constant 16 : i32
      %mul3A_623 = arith.muli %scan3A_607, %mul3A_622 : i32
      %add3A_624 = vector.broadcast %mul3A_623 : i32 to vector<16xi32>
      %add3A_625 = arith.addi %add3A_624, %iota3A : vector<16xi32>
      tpu.vector_store_idx %arg18[%sub3A_621], %add3A_625 masked %gt3A_613 : memref<1024xi32, #tpu.memory_space<vmem>>[vector<16xi32>], vector<16xi32>, vector<16xi1>
      %all_reduce_population_count3A_626 = tpu.all_reduce %gt3A_613 {dim = 0 : i64, kind = #tpu.reduction_kind<sum>} : vector<16xi1> -> vector<16xi32>
      %add3A_627 = arith.addi %add3A_605, %all_reduce_population_count3A_626 : vector<16xi32>
      %scan3A_628 = arith.constant 13 : i32
      %scan3A_629 = arith.addi %scan3A_346, %scan3A_628 : i32
      %mul3A_630 = arith.constant 16 : i32
      %mul3A_631 = arith.muli %scan3A_629, %mul3A_630 : i32
      %get3A_632 = arith.index_cast %mul3A_631 : i32 to index
      %get3A_633 = tpu.vector_load %arg11[%get3A_632] {strides = array<i32>} : memref<20480xf32, #tpu.memory_space<vmem>>, vector<16xf32>,
      %gt3A_634 = vector.broadcast %reduce_min3A_270 : f32 to vector<16xf32>
      %gt3A_635 = arith.cmpf ogt, %get3A_633, %gt3A_634 : vector<16xf32>
      %convert_element_type3A_636 = arith.extui %gt3A_635 : vector<16xi1> to vector<16xi32>
      %broadcast_in_dim3A_637 = arith.constant true
      %broadcast_in_dim3A_638 = vector.broadcast %broadcast_in_dim3A_637 : i1 to vector<16xi1>
      %masked_cumsum3A_639 = tpu.scan <sum>, %convert_element_type3A_636 masked %broadcast_in_dim3A_638 : vector<16xi32>, vector<16xi1> -> vector<16xi32>
      %add3A_640 = arith.addi %add3A_627, %masked_cumsum3A_639 : vector<16xi32>
      %sub3A_641 = arith.constant 1 : i32
      %sub3A_642 = vector.broadcast %sub3A_641 : i32 to vector<16xi32>
      %sub3A_643 = arith.subi %add3A_640, %sub3A_642 : vector<16xi32>
      tpu.vector_store_idx %arg17[%sub3A_643], %get3A_633 masked %gt3A_635 : memref<1024xf32, #tpu.memory_space<vmem>>[vector<16xi32>], vector<16xf32>, vector<16xi1>
      %mul3A_644 = arith.constant 16 : i32
      %mul3A_645 = arith.muli %scan3A_629, %mul3A_644 : i32
      %add3A_646 = vector.broadcast %mul3A_645 : i32 to vector<16xi32>
      %add3A_647 = arith.addi %add3A_646, %iota3A : vector<16xi32>
      tpu.vector_store_idx %arg18[%sub3A_643], %add3A_647 masked %gt3A_635 : memref<1024xi32, #tpu.memory_space<vmem>>[vector<16xi32>], vector<16xi32>, vector<16xi1>
      %all_reduce_population_count3A_648 = tpu.all_reduce %gt3A_635 {dim = 0 : i64, kind = #tpu.reduction_kind<sum>} : vector<16xi1> -> vector<16xi32>
      %add3A_649 = arith.addi %add3A_627, %all_reduce_population_count3A_648 : vector<16xi32>
      %scan3A_650 = arith.constant 14 : i32
      %scan3A_651 = arith.addi %scan3A_346, %scan3A_650 : i32
      %mul3A_652 = arith.constant 16 : i32
      %mul3A_653 = arith.muli %scan3A_651, %mul3A_652 : i32
      %get3A_654 = arith.index_cast %mul3A_653 : i32 to index
      %get3A_655 = tpu.vector_load %arg11[%get3A_654] {strides = array<i32>} : memref<20480xf32, #tpu.memory_space<vmem>>, vector<16xf32>,
      %gt3A_656 = vector.broadcast %reduce_min3A_270 : f32 to vector<16xf32>
      %gt3A_657 = arith.cmpf ogt, %get3A_655, %gt3A_656 : vector<16xf32>
      %convert_element_type3A_658 = arith.extui %gt3A_657 : vector<16xi1> to vector<16xi32>
      %broadcast_in_dim3A_659 = arith.constant true
      %broadcast_in_dim3A_660 = vector.broadcast %broadcast_in_dim3A_659 : i1 to vector<16xi1>
      %masked_cumsum3A_661 = tpu.scan <sum>, %convert_element_type3A_658 masked %broadcast_in_dim3A_660 : vector<16xi32>, vector<16xi1> -> vector<16xi32>
      %add3A_662 = arith.addi %add3A_649, %masked_cumsum3A_661 : vector<16xi32>
      %sub3A_663 = arith.constant 1 : i32
      %sub3A_664 = vector.broadcast %sub3A_663 : i32 to vector<16xi32>
      %sub3A_665 = arith.subi %add3A_662, %sub3A_664 : vector<16xi32>
      tpu.vector_store_idx %arg17[%sub3A_665], %get3A_655 masked %gt3A_657 : memref<1024xf32, #tpu.memory_space<vmem>>[vector<16xi32>], vector<16xf32>, vector<16xi1>
      %mul3A_666 = arith.constant 16 : i32
      %mul3A_667 = arith.muli %scan3A_651, %mul3A_666 : i32
      %add3A_668 = vector.broadcast %mul3A_667 : i32 to vector<16xi32>
      %add3A_669 = arith.addi %add3A_668, %iota3A : vector<16xi32>
      tpu.vector_store_idx %arg18[%sub3A_665], %add3A_669 masked %gt3A_657 : memref<1024xi32, #tpu.memory_space<vmem>>[vector<16xi32>], vector<16xi32>, vector<16xi1>
      %all_reduce_population_count3A_670 = tpu.all_reduce %gt3A_657 {dim = 0 : i64, kind = #tpu.reduction_kind<sum>} : vector<16xi1> -> vector<16xi32>
      %add3A_671 = arith.addi %add3A_649, %all_reduce_population_count3A_670 : vector<16xi32>
      %scan3A_672 = arith.constant 15 : i32
      %scan3A_673 = arith.addi %scan3A_346, %scan3A_672 : i32
      %mul3A_674 = arith.constant 16 : i32
      %mul3A_675 = arith.muli %scan3A_673, %mul3A_674 : i32
      %get3A_676 = arith.index_cast %mul3A_675 : i32 to index
      %get3A_677 = tpu.vector_load %arg11[%get3A_676] {strides = array<i32>} : memref<20480xf32, #tpu.memory_space<vmem>>, vector<16xf32>,
      %gt3A_678 = vector.broadcast %reduce_min3A_270 : f32 to vector<16xf32>
      %gt3A_679 = arith.cmpf ogt, %get3A_677, %gt3A_678 : vector<16xf32>
      %convert_element_type3A_680 = arith.extui %gt3A_679 : vector<16xi1> to vector<16xi32>
      %broadcast_in_dim3A_681 = arith.constant true
      %broadcast_in_dim3A_682 = vector.broadcast %broadcast_in_dim3A_681 : i1 to vector<16xi1>
      %masked_cumsum3A_683 = tpu.scan <sum>, %convert_element_type3A_680 masked %broadcast_in_dim3A_682 : vector<16xi32>, vector<16xi1> -> vector<16xi32>
      %add3A_684 = arith.addi %add3A_671, %masked_cumsum3A_683 : vector<16xi32>
      %sub3A_685 = arith.constant 1 : i32
      %sub3A_686 = vector.broadcast %sub3A_685 : i32 to vector<16xi32>
      %sub3A_687 = arith.subi %add3A_684, %sub3A_686 : vector<16xi32>
      tpu.vector_store_idx %arg17[%sub3A_687], %get3A_677 masked %gt3A_679 : memref<1024xf32, #tpu.memory_space<vmem>>[vector<16xi32>], vector<16xf32>, vector<16xi1>
      %mul3A_688 = arith.constant 16 : i32
      %mul3A_689 = arith.muli %scan3A_673, %mul3A_688 : i32
      %add3A_690 = vector.broadcast %mul3A_689 : i32 to vector<16xi32>
      %add3A_691 = arith.addi %add3A_690, %iota3A : vector<16xi32>
      tpu.vector_store_idx %arg18[%sub3A_687], %add3A_691 masked %gt3A_679 : memref<1024xi32, #tpu.memory_space<vmem>>[vector<16xi32>], vector<16xi32>, vector<16xi1>
      %all_reduce_population_count3A_692 = tpu.all_reduce %gt3A_679 {dim = 0 : i64, kind = #tpu.reduction_kind<sum>} : vector<16xi1> -> vector<16xi32>
      %add3A_693 = arith.addi %add3A_671, %all_reduce_population_count3A_692 : vector<16xi32>
      scf.yield %add3A_693 : vector<16xi32>
    }
    %scan3A_278 = arith.constant 1280 : i32
    %parallel_loop3A_279 = arith.constant 0 : i32
    %parallel_loop3A_280 = arith.constant 64 : i32
    %parallel_loop3A_281 = arith.constant 1 : i32
    scf.for %parallel_loop3A_346 = %parallel_loop3A_279 to %parallel_loop3A_280 step %parallel_loop3A_281  : i32 {
      %parallel_loop3A_347 = arith.constant 16 : i32
      %parallel_loop3A_348 = arith.muli %parallel_loop3A_346, %parallel_loop3A_347 : i32
      %parallel_loop3A_349 = arith.index_cast %parallel_loop3A_348 : i32 to index
      %parallel_loop3A_350 = tpu.vector_load %arg18[%parallel_loop3A_349] {strides = array<i32>} : memref<1024xi32, #tpu.memory_space<vmem>>, vector<16xi32>,
      %parallel_loop3A_351 = tpu.vector_load_idx %arg13[%parallel_loop3A_350] : memref<20480xf32, #tpu.memory_space<vmem>>[vector<16xi32>], vector<16xf32>,
      %parallel_loop3A_352 = arith.index_cast %parallel_loop3A_348 : i32 to index
      %parallel_loop3A_353 = tpu.vector_load %arg19[%parallel_loop3A_352] {strides = array<i32>} : memref<1024xf32, #tpu.memory_space<vmem>>, vector<16xf32>,
      tpu.vector_store %arg19[%parallel_loop3A_352], %parallel_loop3A_351 {strides = array<i32>} : memref<1024xf32, #tpu.memory_space<vmem>>, vector<16xf32>,
      %parallel_loop3A_354 = tpu.vector_load_idx %arg14[%parallel_loop3A_350] : memref<20480xf32, #tpu.memory_space<vmem>>[vector<16xi32>], vector<16xf32>,
      %parallel_loop3A_355 = arith.index_cast %parallel_loop3A_348 : i32 to index
      %parallel_loop3A_356 = tpu.vector_load %arg20[%parallel_loop3A_355] {strides = array<i32>} : memref<1024xf32, #tpu.memory_space<vmem>>, vector<16xf32>,
      tpu.vector_store %arg20[%parallel_loop3A_355], %parallel_loop3A_354 {strides = array<i32>} : memref<1024xf32, #tpu.memory_space<vmem>>, vector<16xf32>,
      %parallel_loop3A_357 = tpu.vector_load_idx %arg15[%parallel_loop3A_350] : memref<20480xf32, #tpu.memory_space<vmem>>[vector<16xi32>], vector<16xf32>,
      %parallel_loop3A_358 = arith.index_cast %parallel_loop3A_348 : i32 to index
      %parallel_loop3A_359 = tpu.vector_load %arg21[%parallel_loop3A_358] {strides = array<i32>} : memref<1024xf32, #tpu.memory_space<vmem>>, vector<16xf32>,
      tpu.vector_store %arg21[%parallel_loop3A_358], %parallel_loop3A_357 {strides = array<i32>} : memref<1024xf32, #tpu.memory_space<vmem>>, vector<16xf32>,
      %parallel_loop3A_360 = tpu.vector_load_idx %arg16[%parallel_loop3A_350] : memref<20480xf32, #tpu.memory_space<vmem>>[vector<16xi32>], vector<16xf32>,
      %parallel_loop3A_361 = arith.index_cast %parallel_loop3A_348 : i32 to index
      %parallel_loop3A_362 = tpu.vector_load %arg22[%parallel_loop3A_361] {strides = array<i32>} : memref<1024xf32, #tpu.memory_space<vmem>>, vector<16xf32>,
      tpu.vector_store %arg22[%parallel_loop3A_361], %parallel_loop3A_360 {strides = array<i32>} : memref<1024xf32, #tpu.memory_space<vmem>>, vector<16xf32>,
    } {sc.loop_unroll_factor = 8 : i64, sc.parallel_access}
    %mul3A_282 = arith.constant 3 : i32
    %mul3A_283 = arith.muli %add3A, %mul3A_282 : i32
    %add3A_284 = arith.constant 2 : i32
    %add3A_285 = arith.addi %mul3A_283, %add3A_284 : i32
    %dma_start3A_286 = arith.constant 0 : i32
    %dma_start3A_287 = tpu.memref_slice %arg6[%add3A_285, %dma_start3A_286] : memref<96x1024xf32, #tpu.memory_space<hbm>> -> memref<1x1024xf32, #tpu.memory_space<hbm>>
    %dma_start3A_288 = tpu.memref_squeeze %dma_start3A_287 : memref<1x1024xf32, #tpu.memory_space<hbm>> -> memref<1024xf32, #tpu.memory_space<hbm>>
    %dma_start3A_289 = arith.constant 0 : i32
    %dma_start3A_290 = tpu.memref_slice %arg6[%add3A_285, %dma_start3A_289] : memref<96x1024xf32, #tpu.memory_space<hbm>> -> memref<1x1024xf32, #tpu.memory_space<hbm>>
    %dma_start3A_291 = tpu.memref_squeeze %dma_start3A_290 : memref<1x1024xf32, #tpu.memory_space<hbm>> -> memref<1024xf32, #tpu.memory_space<hbm>>
    tpu.enqueue_dma source(%arg17 : memref<1024xf32, #tpu.memory_space<vmem>>) target(%dma_start3A_291 : memref<1024xf32, #tpu.memory_space<hbm>>) target_semaphore(%arg26 : memref<!tpu.dma_semaphore, #tpu.memory_space<semaphore_mem>>)
    %dma_start3A_292 = arith.constant 0 : i32
    %dma_start3A_293 = tpu.memref_slice %arg7[%add3A_285, %dma_start3A_292] : memref<96x1024xf32, #tpu.memory_space<hbm>> -> memref<1x1024xf32, #tpu.memory_space<hbm>>
    %dma_start3A_294 = tpu.memref_squeeze %dma_start3A_293 : memref<1x1024xf32, #tpu.memory_space<hbm>> -> memref<1024xf32, #tpu.memory_space<hbm>>
    %dma_start3A_295 = arith.constant 0 : i32
    %dma_start3A_296 = tpu.memref_slice %arg7[%add3A_285, %dma_start3A_295] : memref<96x1024xf32, #tpu.memory_space<hbm>> -> memref<1x1024xf32, #tpu.memory_space<hbm>>
    %dma_start3A_297 = tpu.memref_squeeze %dma_start3A_296 : memref<1x1024xf32, #tpu.memory_space<hbm>> -> memref<1024xf32, #tpu.memory_space<hbm>>
    tpu.enqueue_dma source(%arg19 : memref<1024xf32, #tpu.memory_space<vmem>>) target(%dma_start3A_297 : memref<1024xf32, #tpu.memory_space<hbm>>) target_semaphore(%arg26 : memref<!tpu.dma_semaphore, #tpu.memory_space<semaphore_mem>>)
    %dma_start3A_298 = arith.constant 0 : i32
    %dma_start3A_299 = tpu.memref_slice %arg8[%add3A_285, %dma_start3A_298] : memref<96x1024xf32, #tpu.memory_space<hbm>> -> memref<1x1024xf32, #tpu.memory_space<hbm>>
    %dma_start3A_300 = tpu.memref_squeeze %dma_start3A_299 : memref<1x1024xf32, #tpu.memory_space<hbm>> -> memref<1024xf32, #tpu.memory_space<hbm>>
    %dma_start3A_301 = arith.constant 0 : i32
    %dma_start3A_302 = tpu.memref_slice %arg8[%add3A_285, %dma_start3A_301] : memref<96x1024xf32, #tpu.memory_space<hbm>> -> memref<1x1024xf32, #tpu.memory_space<hbm>>
    %dma_start3A_303 = tpu.memref_squeeze %dma_start3A_302 : memref<1x1024xf32, #tpu.memory_space<hbm>> -> memref<1024xf32, #tpu.memory_space<hbm>>
    tpu.enqueue_dma source(%arg20 : memref<1024xf32, #tpu.memory_space<vmem>>) target(%dma_start3A_303 : memref<1024xf32, #tpu.memory_space<hbm>>) target_semaphore(%arg26 : memref<!tpu.dma_semaphore, #tpu.memory_space<semaphore_mem>>)
    %dma_start3A_304 = arith.constant 0 : i32
    %dma_start3A_305 = tpu.memref_slice %arg9[%add3A_285, %dma_start3A_304] : memref<96x1024xf32, #tpu.memory_space<hbm>> -> memref<1x1024xf32, #tpu.memory_space<hbm>>
    %dma_start3A_306 = tpu.memref_squeeze %dma_start3A_305 : memref<1x1024xf32, #tpu.memory_space<hbm>> -> memref<1024xf32, #tpu.memory_space<hbm>>
    %dma_start3A_307 = arith.constant 0 : i32
    %dma_start3A_308 = tpu.memref_slice %arg9[%add3A_285, %dma_start3A_307] : memref<96x1024xf32, #tpu.memory_space<hbm>> -> memref<1x1024xf32, #tpu.memory_space<hbm>>
    %dma_start3A_309 = tpu.memref_squeeze %dma_start3A_308 : memref<1x1024xf32, #tpu.memory_space<hbm>> -> memref<1024xf32, #tpu.memory_space<hbm>>
    tpu.enqueue_dma source(%arg21 : memref<1024xf32, #tpu.memory_space<vmem>>) target(%dma_start3A_309 : memref<1024xf32, #tpu.memory_space<hbm>>) target_semaphore(%arg26 : memref<!tpu.dma_semaphore, #tpu.memory_space<semaphore_mem>>)
    %dma_start3A_310 = arith.constant 0 : i32
    %dma_start3A_311 = tpu.memref_slice %arg10[%add3A_285, %dma_start3A_310] : memref<96x1024xf32, #tpu.memory_space<hbm>> -> memref<1x1024xf32, #tpu.memory_space<hbm>>
    %dma_start3A_312 = tpu.memref_squeeze %dma_start3A_311 : memref<1x1024xf32, #tpu.memory_space<hbm>> -> memref<1024xf32, #tpu.memory_space<hbm>>
    %dma_start3A_313 = arith.constant 0 : i32
    %dma_start3A_314 = tpu.memref_slice %arg10[%add3A_285, %dma_start3A_313] : memref<96x1024xf32, #tpu.memory_space<hbm>> -> memref<1x1024xf32, #tpu.memory_space<hbm>>
    %dma_start3A_315 = tpu.memref_squeeze %dma_start3A_314 : memref<1x1024xf32, #tpu.memory_space<hbm>> -> memref<1024xf32, #tpu.memory_space<hbm>>
    tpu.enqueue_dma source(%arg22 : memref<1024xf32, #tpu.memory_space<vmem>>) target(%dma_start3A_315 : memref<1024xf32, #tpu.memory_space<hbm>>) target_semaphore(%arg26 : memref<!tpu.dma_semaphore, #tpu.memory_space<semaphore_mem>>)
    %dma_wait3A_316 = arith.constant 0 : i32
    %dma_wait3A_317 = tpu.memref_slice %arg6[%add3A_285, %dma_wait3A_316] : memref<96x1024xf32, #tpu.memory_space<hbm>> -> memref<1x1024xf32, #tpu.memory_space<hbm>>
    %dma_wait3A_318 = tpu.memref_squeeze %dma_wait3A_317 : memref<1x1024xf32, #tpu.memory_space<hbm>> -> memref<1024xf32, #tpu.memory_space<hbm>>
    %dma_wait3A_319 = arith.constant 0 : i32
    %dma_wait3A_320 = tpu.memref_slice %arg6[%add3A_285, %dma_wait3A_319] : memref<96x1024xf32, #tpu.memory_space<hbm>> -> memref<1x1024xf32, #tpu.memory_space<hbm>>
    %dma_wait3A_321 = tpu.memref_squeeze %dma_wait3A_320 : memref<1x1024xf32, #tpu.memory_space<hbm>> -> memref<1024xf32, #tpu.memory_space<hbm>>
    tpu.wait_dma2 semaphore(%arg26 : memref<!tpu.dma_semaphore, #tpu.memory_space<semaphore_mem>>) src(%arg17 : memref<1024xf32, #tpu.memory_space<vmem>>) dst(%dma_wait3A_321 : memref<1024xf32, #tpu.memory_space<hbm>>)
    %dma_wait3A_322 = arith.constant 0 : i32
    %dma_wait3A_323 = tpu.memref_slice %arg7[%add3A_285, %dma_wait3A_322] : memref<96x1024xf32, #tpu.memory_space<hbm>> -> memref<1x1024xf32, #tpu.memory_space<hbm>>
    %dma_wait3A_324 = tpu.memref_squeeze %dma_wait3A_323 : memref<1x1024xf32, #tpu.memory_space<hbm>> -> memref<1024xf32, #tpu.memory_space<hbm>>
    %dma_wait3A_325 = arith.constant 0 : i32
    %dma_wait3A_326 = tpu.memref_slice %arg7[%add3A_285, %dma_wait3A_325] : memref<96x1024xf32, #tpu.memory_space<hbm>> -> memref<1x1024xf32, #tpu.memory_space<hbm>>
    %dma_wait3A_327 = tpu.memref_squeeze %dma_wait3A_326 : memref<1x1024xf32, #tpu.memory_space<hbm>> -> memref<1024xf32, #tpu.memory_space<hbm>>
    tpu.wait_dma2 semaphore(%arg26 : memref<!tpu.dma_semaphore, #tpu.memory_space<semaphore_mem>>) src(%arg19 : memref<1024xf32, #tpu.memory_space<vmem>>) dst(%dma_wait3A_327 : memref<1024xf32, #tpu.memory_space<hbm>>)
    %dma_wait3A_328 = arith.constant 0 : i32
    %dma_wait3A_329 = tpu.memref_slice %arg8[%add3A_285, %dma_wait3A_328] : memref<96x1024xf32, #tpu.memory_space<hbm>> -> memref<1x1024xf32, #tpu.memory_space<hbm>>
    %dma_wait3A_330 = tpu.memref_squeeze %dma_wait3A_329 : memref<1x1024xf32, #tpu.memory_space<hbm>> -> memref<1024xf32, #tpu.memory_space<hbm>>
    %dma_wait3A_331 = arith.constant 0 : i32
    %dma_wait3A_332 = tpu.memref_slice %arg8[%add3A_285, %dma_wait3A_331] : memref<96x1024xf32, #tpu.memory_space<hbm>> -> memref<1x1024xf32, #tpu.memory_space<hbm>>
    %dma_wait3A_333 = tpu.memref_squeeze %dma_wait3A_332 : memref<1x1024xf32, #tpu.memory_space<hbm>> -> memref<1024xf32, #tpu.memory_space<hbm>>
    tpu.wait_dma2 semaphore(%arg26 : memref<!tpu.dma_semaphore, #tpu.memory_space<semaphore_mem>>) src(%arg20 : memref<1024xf32, #tpu.memory_space<vmem>>) dst(%dma_wait3A_333 : memref<1024xf32, #tpu.memory_space<hbm>>)
    %dma_wait3A_334 = arith.constant 0 : i32
    %dma_wait3A_335 = tpu.memref_slice %arg9[%add3A_285, %dma_wait3A_334] : memref<96x1024xf32, #tpu.memory_space<hbm>> -> memref<1x1024xf32, #tpu.memory_space<hbm>>
    %dma_wait3A_336 = tpu.memref_squeeze %dma_wait3A_335 : memref<1x1024xf32, #tpu.memory_space<hbm>> -> memref<1024xf32, #tpu.memory_space<hbm>>
    %dma_wait3A_337 = arith.constant 0 : i32
    %dma_wait3A_338 = tpu.memref_slice %arg9[%add3A_285, %dma_wait3A_337] : memref<96x1024xf32, #tpu.memory_space<hbm>> -> memref<1x1024xf32, #tpu.memory_space<hbm>>
    %dma_wait3A_339 = tpu.memref_squeeze %dma_wait3A_338 : memref<1x1024xf32, #tpu.memory_space<hbm>> -> memref<1024xf32, #tpu.memory_space<hbm>>
    tpu.wait_dma2 semaphore(%arg26 : memref<!tpu.dma_semaphore, #tpu.memory_space<semaphore_mem>>) src(%arg21 : memref<1024xf32, #tpu.memory_space<vmem>>) dst(%dma_wait3A_339 : memref<1024xf32, #tpu.memory_space<hbm>>)
    %dma_wait3A_340 = arith.constant 0 : i32
    %dma_wait3A_341 = tpu.memref_slice %arg10[%add3A_285, %dma_wait3A_340] : memref<96x1024xf32, #tpu.memory_space<hbm>> -> memref<1x1024xf32, #tpu.memory_space<hbm>>
    %dma_wait3A_342 = tpu.memref_squeeze %dma_wait3A_341 : memref<1x1024xf32, #tpu.memory_space<hbm>> -> memref<1024xf32, #tpu.memory_space<hbm>>
    %dma_wait3A_343 = arith.constant 0 : i32
    %dma_wait3A_344 = tpu.memref_slice %arg10[%add3A_285, %dma_wait3A_343] : memref<96x1024xf32, #tpu.memory_space<hbm>> -> memref<1x1024xf32, #tpu.memory_space<hbm>>
    %dma_wait3A_345 = tpu.memref_squeeze %dma_wait3A_344 : memref<1x1024xf32, #tpu.memory_space<hbm>> -> memref<1024xf32, #tpu.memory_space<hbm>>
    tpu.wait_dma2 semaphore(%arg26 : memref<!tpu.dma_semaphore, #tpu.memory_space<semaphore_mem>>) src(%arg22 : memref<1024xf32, #tpu.memory_space<vmem>>) dst(%dma_wait3A_345 : memref<1024xf32, #tpu.memory_space<hbm>>)
    return
  }
}

module attributes {stable_mosaic.version = 14 : i64} {
  func.func @_prep_body(%arg0: i32, %arg1: memref<1x8x20480xf32, #tpu.memory_space<vmem>>, %arg2: memref<8x20480xf32, #tpu.memory_space<vmem>>, %arg3: memref<1x24x20480xf32, #tpu.memory_space<vmem>>, %arg4: memref<1x24x20480xf32, #tpu.memory_space<vmem>>, %arg5: memref<1x8x20480xf32, #tpu.memory_space<vmem>>, %arg6: memref<1x24x16xf32, #tpu.memory_space<vmem>>) attributes {dimension_semantics = [#tpu.dimension_semantics<arbitrary>], iteration_bounds = array<i64: 4>, scalar_prefetch = 0 : i64, scratch_operands = 0 : i64, tpu.core_type = #tpu.core_type<tc>, window_params = [{transform_indices = @transform_0, window_bounds = array<i64: 1, 8, 20480>}, {pipeline_mode = #tpu.pipeline_mode<synchronous>, transform_indices = @transform_1, window_bounds = array<i64: 8, 20480>}, {transform_indices = @transform_2, window_bounds = array<i64: 1, 24, 20480>}, {transform_indices = @transform_3, window_bounds = array<i64: 1, 24, 20480>}, {transform_indices = @transform_4, window_bounds = array<i64: 1, 8, 20480>}, {transform_indices = @transform_5, window_bounds = array<i64: 1, 24, 16>}]} {
    %get3A = arith.constant 0 : index
    %get3A_0 = arith.constant 0 : index
    %get3A_1 = vector.load %arg2[%get3A, %get3A_0] : memref<8x20480xf32, #tpu.memory_space<vmem>>, vector<1x20480xf32>
    %get3A_2 = arith.constant 1 : index
    %get3A_3 = arith.constant 0 : index
    %get3A_4 = vector.load %arg2[%get3A_2, %get3A_3] : memref<8x20480xf32, #tpu.memory_space<vmem>>, vector<1x20480xf32>
    %get3A_5 = arith.constant 2 : index
    %get3A_6 = arith.constant 0 : index
    %get3A_7 = vector.load %arg2[%get3A_5, %get3A_6] : memref<8x20480xf32, #tpu.memory_space<vmem>>, vector<1x20480xf32>
    %get3A_8 = arith.constant 3 : index
    %get3A_9 = arith.constant 0 : index
    %get3A_10 = vector.load %arg2[%get3A_8, %get3A_9] : memref<8x20480xf32, #tpu.memory_space<vmem>>, vector<1x20480xf32>
    %add3A = arith.addf %get3A_1, %get3A_7 : vector<1x20480xf32>
    %div3A = arith.constant 2.000000e+00 : f32
    %div3A_11 = vector.broadcast %div3A : f32 to vector<1x20480xf32>
    %div3A_12 = arith.divf %add3A, %div3A_11 : vector<1x20480xf32>
    %add3A_13 = arith.addf %get3A_4, %get3A_10 : vector<1x20480xf32>
    %div3A_14 = arith.constant 2.000000e+00 : f32
    %div3A_15 = vector.broadcast %div3A_14 : f32 to vector<1x20480xf32>
    %div3A_16 = arith.divf %add3A_13, %div3A_15 : vector<1x20480xf32>
    %sub3A = arith.subf %get3A_7, %get3A_1 : vector<1x20480xf32>
    %sub3A_17 = arith.subf %get3A_10, %get3A_4 : vector<1x20480xf32>
    %get3A_18 = arith.constant 0 : index
    %get3A_19 = arith.constant 0 : index
    %get3A_20 = arith.constant 0 : index
    %get3A_21 = vector.load %arg1[%get3A_18, %get3A_19, %get3A_20] : memref<1x8x20480xf32, #tpu.memory_space<vmem>>, vector<1x1x20480xf32>
    %get3A_22 = vector.shape_cast %get3A_21 : vector<1x1x20480xf32> to vector<1x20480xf32>
    %div3A_23 = arith.constant 1.000000e+01 : f32
    %div3A_24 = vector.broadcast %div3A_23 : f32 to vector<1x20480xf32>
    %div3A_25 = arith.divf %get3A_22, %div3A_24 : vector<1x20480xf32>
    %get3A_26 = arith.constant 0 : index
    %get3A_27 = arith.constant 1 : index
    %get3A_28 = arith.constant 0 : index
    %get3A_29 = vector.load %arg1[%get3A_26, %get3A_27, %get3A_28] : memref<1x8x20480xf32, #tpu.memory_space<vmem>>, vector<1x1x20480xf32>
    %get3A_30 = vector.shape_cast %get3A_29 : vector<1x1x20480xf32> to vector<1x20480xf32>
    %div3A_31 = arith.constant 1.000000e+01 : f32
    %div3A_32 = vector.broadcast %div3A_31 : f32 to vector<1x20480xf32>
    %div3A_33 = arith.divf %get3A_30, %div3A_32 : vector<1x20480xf32>
    %get3A_34 = arith.constant 0 : index
    %get3A_35 = arith.constant 2 : index
    %get3A_36 = arith.constant 0 : index
    %get3A_37 = vector.load %arg1[%get3A_34, %get3A_35, %get3A_36] : memref<1x8x20480xf32, #tpu.memory_space<vmem>>, vector<1x1x20480xf32>
    %get3A_38 = vector.shape_cast %get3A_37 : vector<1x1x20480xf32> to vector<1x20480xf32>
    %div3A_39 = arith.constant 5.000000e+00 : f32
    %div3A_40 = vector.broadcast %div3A_39 : f32 to vector<1x20480xf32>
    %div3A_41 = arith.divf %get3A_38, %div3A_40 : vector<1x20480xf32>
    %get3A_42 = arith.constant 0 : index
    %get3A_43 = arith.constant 3 : index
    %get3A_44 = arith.constant 0 : index
    %get3A_45 = vector.load %arg1[%get3A_42, %get3A_43, %get3A_44] : memref<1x8x20480xf32, #tpu.memory_space<vmem>>, vector<1x1x20480xf32>
    %get3A_46 = vector.shape_cast %get3A_45 : vector<1x1x20480xf32> to vector<1x20480xf32>
    %div3A_47 = arith.constant 5.000000e+00 : f32
    %div3A_48 = vector.broadcast %div3A_47 : f32 to vector<1x20480xf32>
    %div3A_49 = arith.divf %get3A_46, %div3A_48 : vector<1x20480xf32>
    %exp3A = math.exp %div3A_41 : vector<1x20480xf32>
    %mul3A = arith.mulf %exp3A, %sub3A : vector<1x20480xf32>
    %exp3A_50 = math.exp %div3A_49 : vector<1x20480xf32>
    %mul3A_51 = arith.mulf %exp3A_50, %sub3A_17 : vector<1x20480xf32>
    %mul3A_52 = arith.mulf %div3A_25, %sub3A : vector<1x20480xf32>
    %add3A_53 = arith.addf %mul3A_52, %div3A_12 : vector<1x20480xf32>
    %mul3A_54 = arith.mulf %div3A_33, %sub3A_17 : vector<1x20480xf32>
    %add3A_55 = arith.addf %mul3A_54, %div3A_16 : vector<1x20480xf32>
    %div3A_56 = arith.constant 2.000000e+00 : f32
    %div3A_57 = vector.broadcast %div3A_56 : f32 to vector<1x20480xf32>
    %div3A_58 = arith.divf %mul3A, %div3A_57 : vector<1x20480xf32>
    %sub3A_59 = arith.subf %add3A_53, %div3A_58 : vector<1x20480xf32>
    %jit3A = arith.constant 0.000000e+00 : f32
    %jit3A_60 = arith.constant 5.120000e+02 : f32
    %max3A = vector.broadcast %jit3A : f32 to vector<1x20480xf32>
    %max3A_61 = arith.maximumf %max3A, %sub3A_59 : vector<1x20480xf32>
    %min3A = vector.broadcast %jit3A_60 : f32 to vector<1x20480xf32>
    %min3A_62 = arith.minimumf %min3A, %max3A_61 : vector<1x20480xf32>
    %div3A_63 = arith.constant 2.000000e+00 : f32
    %div3A_64 = vector.broadcast %div3A_63 : f32 to vector<1x20480xf32>
    %div3A_65 = arith.divf %mul3A_51, %div3A_64 : vector<1x20480xf32>
    %sub3A_66 = arith.subf %add3A_55, %div3A_65 : vector<1x20480xf32>
    %jit3A_67 = arith.constant 0.000000e+00 : f32
    %jit3A_68 = arith.constant 5.120000e+02 : f32
    %max3A_69 = vector.broadcast %jit3A_67 : f32 to vector<1x20480xf32>
    %max3A_70 = arith.maximumf %max3A_69, %sub3A_66 : vector<1x20480xf32>
    %min3A_71 = vector.broadcast %jit3A_68 : f32 to vector<1x20480xf32>
    %min3A_72 = arith.minimumf %min3A_71, %max3A_70 : vector<1x20480xf32>
    %div3A_73 = arith.constant 2.000000e+00 : f32
    %div3A_74 = vector.broadcast %div3A_73 : f32 to vector<1x20480xf32>
    %div3A_75 = arith.divf %mul3A, %div3A_74 : vector<1x20480xf32>
    %add3A_76 = arith.addf %add3A_53, %div3A_75 : vector<1x20480xf32>
    %jit3A_77 = arith.constant 0.000000e+00 : f32
    %jit3A_78 = arith.constant 5.120000e+02 : f32
    %max3A_79 = vector.broadcast %jit3A_77 : f32 to vector<1x20480xf32>
    %max3A_80 = arith.maximumf %max3A_79, %add3A_76 : vector<1x20480xf32>
    %min3A_81 = vector.broadcast %jit3A_78 : f32 to vector<1x20480xf32>
    %min3A_82 = arith.minimumf %min3A_81, %max3A_80 : vector<1x20480xf32>
    %div3A_83 = arith.constant 2.000000e+00 : f32
    %div3A_84 = vector.broadcast %div3A_83 : f32 to vector<1x20480xf32>
    %div3A_85 = arith.divf %mul3A_51, %div3A_84 : vector<1x20480xf32>
    %add3A_86 = arith.addf %add3A_55, %div3A_85 : vector<1x20480xf32>
    %jit3A_87 = arith.constant 0.000000e+00 : f32
    %jit3A_88 = arith.constant 5.120000e+02 : f32
    %max3A_89 = vector.broadcast %jit3A_87 : f32 to vector<1x20480xf32>
    %max3A_90 = arith.maximumf %max3A_89, %add3A_86 : vector<1x20480xf32>
    %min3A_91 = vector.broadcast %jit3A_88 : f32 to vector<1x20480xf32>
    %min3A_92 = arith.minimumf %min3A_91, %max3A_90 : vector<1x20480xf32>
    %broadcast_in_dim3A = arith.constant 0.000000e+00 : f32
    %broadcast_in_dim3A_93 = vector.broadcast %broadcast_in_dim3A : f32 to vector<1x20480xf32>
    %concatenate3A = tpu.concatenate %min3A_62, %min3A_72, %min3A_82, %min3A_92, %broadcast_in_dim3A_93, %broadcast_in_dim3A_93, %broadcast_in_dim3A_93, %broadcast_in_dim3A_93 in 0 : vector<1x20480xf32>, vector<1x20480xf32>, vector<1x20480xf32>, vector<1x20480xf32>, vector<1x20480xf32>, vector<1x20480xf32>, vector<1x20480xf32>, vector<1x20480xf32> -> vector<8x20480xf32>
    %swap3A = arith.constant 0 : index
    %swap3A_94 = arith.constant 0 : index
    %swap3A_95 = arith.constant 0 : index
    %swap3A_96 = vector.load %arg5[%swap3A, %swap3A_94, %swap3A_95] : memref<1x8x20480xf32, #tpu.memory_space<vmem>>, vector<1x8x20480xf32>
    %swap3A_97 = vector.shape_cast %swap3A_96 : vector<1x8x20480xf32> to vector<8x20480xf32>
    %swap3A_98 = vector.shape_cast %concatenate3A : vector<8x20480xf32> to vector<1x8x20480xf32>
    tpu.vector_store %arg5[%swap3A, %swap3A_94, %swap3A_95], %swap3A_98 {strides = array<i32>} : memref<1x8x20480xf32, #tpu.memory_space<vmem>>, vector<1x8x20480xf32>,
    %get3A_99 = arith.constant 0 : index
    %get3A_100 = arith.constant 0 : index
    %get3A_101 = arith.constant 0 : index
    %get3A_102 = vector.load %arg3[%get3A_99, %get3A_100, %get3A_101] : memref<1x24x20480xf32, #tpu.memory_space<vmem>>, vector<1x24x20480xf32>
    %get3A_103 = vector.shape_cast %get3A_102 : vector<1x24x20480xf32> to vector<24x20480xf32>
    %logistic3A = arith.negf %get3A_103 : vector<24x20480xf32>
    %logistic3A_104 = math.exp %logistic3A : vector<24x20480xf32>
    %logistic3A_105 = arith.constant 1.000000e+00 : f32
    %logistic3A_106 = vector.broadcast %logistic3A_105 : f32 to vector<24x20480xf32>
    %logistic3A_107 = arith.addf %logistic3A_106, %logistic3A_104 : vector<24x20480xf32>
    %logistic3A_108 = arith.divf %logistic3A_106, %logistic3A_107 : vector<24x20480xf32>
    %gt3A = arith.constant 3.000000e-01 : f32
    %gt3A_109 = vector.broadcast %gt3A : f32 to vector<24x20480xf32>
    %gt3A_110 = arith.cmpf ogt, %logistic3A_108, %gt3A_109 : vector<24x20480xf32>
    %jit3A_111 = arith.constant -1.000000e+09 : f32
    %broadcast_in_dim3A_112 = vector.broadcast %jit3A_111 : f32 to vector<24x20480xf32>
    %select_n3A = arith.select %gt3A_110, %logistic3A_108, %broadcast_in_dim3A_112 : vector<24x20480xi1>, vector<24x20480xf32>
    %swap3A_113 = arith.constant 0 : index
    %swap3A_114 = arith.constant 0 : index
    %swap3A_115 = arith.constant 0 : index
    %swap3A_116 = vector.load %arg4[%swap3A_113, %swap3A_114, %swap3A_115] : memref<1x24x20480xf32, #tpu.memory_space<vmem>>, vector<1x24x20480xf32>
    %swap3A_117 = vector.shape_cast %swap3A_116 : vector<1x24x20480xf32> to vector<24x20480xf32>
    %swap3A_118 = vector.shape_cast %select_n3A : vector<24x20480xf32> to vector<1x24x20480xf32>
    tpu.vector_store %arg4[%swap3A_113, %swap3A_114, %swap3A_115], %swap3A_118 {strides = array<i32>} : memref<1x24x20480xf32, #tpu.memory_space<vmem>>, vector<1x24x20480xf32>,
    %gt3A_119 = arith.constant 0.000000e+00 : f32
    %gt3A_120 = vector.broadcast %gt3A_119 : f32 to vector<24x20480xf32>
    %gt3A_121 = arith.cmpf ogt, %select_n3A, %gt3A_120 : vector<24x20480xf32>
    %convert_element_type3A = arith.extui %gt3A_121 : vector<24x20480xi1> to vector<24x20480xi32>
    %convert_element_type3A_122 = arith.sitofp %convert_element_type3A : vector<24x20480xi32> to vector<24x20480xf32>
    %reduce_sum3A = arith.constant dense<0.000000e+00> : vector<24xf32>
    %reduce_sum3A_123 = vector.multi_reduction <add>, %convert_element_type3A_122, %reduce_sum3A [1] : vector<24x20480xf32> to vector<24xf32>
    %broadcast_in_dim3A_124 = vector.shape_cast %reduce_sum3A_123 : vector<24xf32> to vector<24x1xf32>
    %gt3A_125 = arith.constant 0.622459352 : f32
    %gt3A_126 = vector.broadcast %gt3A_125 : f32 to vector<24x20480xf32>
    %gt3A_127 = arith.cmpf ogt, %select_n3A, %gt3A_126 : vector<24x20480xf32>
    %convert_element_type3A_128 = arith.extui %gt3A_127 : vector<24x20480xi1> to vector<24x20480xi32>
    %convert_element_type3A_129 = arith.sitofp %convert_element_type3A_128 : vector<24x20480xi32> to vector<24x20480xf32>
    %reduce_sum3A_130 = arith.constant dense<0.000000e+00> : vector<24xf32>
    %reduce_sum3A_131 = vector.multi_reduction <add>, %convert_element_type3A_129, %reduce_sum3A_130 [1] : vector<24x20480xf32> to vector<24xf32>
    %broadcast_in_dim3A_132 = vector.shape_cast %reduce_sum3A_131 : vector<24xf32> to vector<24x1xf32>
    %gt3A_133 = arith.constant 0.731058597 : f32
    %gt3A_134 = vector.broadcast %gt3A_133 : f32 to vector<24x20480xf32>
    %gt3A_135 = arith.cmpf ogt, %select_n3A, %gt3A_134 : vector<24x20480xf32>
    %convert_element_type3A_136 = arith.extui %gt3A_135 : vector<24x20480xi1> to vector<24x20480xi32>
    %convert_element_type3A_137 = arith.sitofp %convert_element_type3A_136 : vector<24x20480xi32> to vector<24x20480xf32>
    %reduce_sum3A_138 = arith.constant dense<0.000000e+00> : vector<24xf32>
    %reduce_sum3A_139 = vector.multi_reduction <add>, %convert_element_type3A_137, %reduce_sum3A_138 [1] : vector<24x20480xf32> to vector<24xf32>
    %broadcast_in_dim3A_140 = vector.shape_cast %reduce_sum3A_139 : vector<24xf32> to vector<24x1xf32>
    %gt3A_141 = arith.constant 0.817574501 : f32
    %gt3A_142 = vector.broadcast %gt3A_141 : f32 to vector<24x20480xf32>
    %gt3A_143 = arith.cmpf ogt, %select_n3A, %gt3A_142 : vector<24x20480xf32>
    %convert_element_type3A_144 = arith.extui %gt3A_143 : vector<24x20480xi1> to vector<24x20480xi32>
    %convert_element_type3A_145 = arith.sitofp %convert_element_type3A_144 : vector<24x20480xi32> to vector<24x20480xf32>
    %reduce_sum3A_146 = arith.constant dense<0.000000e+00> : vector<24xf32>
    %reduce_sum3A_147 = vector.multi_reduction <add>, %convert_element_type3A_145, %reduce_sum3A_146 [1] : vector<24x20480xf32> to vector<24xf32>
    %broadcast_in_dim3A_148 = vector.shape_cast %reduce_sum3A_147 : vector<24xf32> to vector<24x1xf32>
    %gt3A_149 = arith.constant 0.880797088 : f32
    %gt3A_150 = vector.broadcast %gt3A_149 : f32 to vector<24x20480xf32>
    %gt3A_151 = arith.cmpf ogt, %select_n3A, %gt3A_150 : vector<24x20480xf32>
    %convert_element_type3A_152 = arith.extui %gt3A_151 : vector<24x20480xi1> to vector<24x20480xi32>
    %convert_element_type3A_153 = arith.sitofp %convert_element_type3A_152 : vector<24x20480xi32> to vector<24x20480xf32>
    %reduce_sum3A_154 = arith.constant dense<0.000000e+00> : vector<24xf32>
    %reduce_sum3A_155 = vector.multi_reduction <add>, %convert_element_type3A_153, %reduce_sum3A_154 [1] : vector<24x20480xf32> to vector<24xf32>
    %broadcast_in_dim3A_156 = vector.shape_cast %reduce_sum3A_155 : vector<24xf32> to vector<24x1xf32>
    %gt3A_157 = arith.constant 0.924141824 : f32
    %gt3A_158 = vector.broadcast %gt3A_157 : f32 to vector<24x20480xf32>
    %gt3A_159 = arith.cmpf ogt, %select_n3A, %gt3A_158 : vector<24x20480xf32>
    %convert_element_type3A_160 = arith.extui %gt3A_159 : vector<24x20480xi1> to vector<24x20480xi32>
    %convert_element_type3A_161 = arith.sitofp %convert_element_type3A_160 : vector<24x20480xi32> to vector<24x20480xf32>
    %reduce_sum3A_162 = arith.constant dense<0.000000e+00> : vector<24xf32>
    %reduce_sum3A_163 = vector.multi_reduction <add>, %convert_element_type3A_161, %reduce_sum3A_162 [1] : vector<24x20480xf32> to vector<24xf32>
    %broadcast_in_dim3A_164 = vector.shape_cast %reduce_sum3A_163 : vector<24xf32> to vector<24x1xf32>
    %gt3A_165 = arith.constant 0.952574133 : f32
    %gt3A_166 = vector.broadcast %gt3A_165 : f32 to vector<24x20480xf32>
    %gt3A_167 = arith.cmpf ogt, %select_n3A, %gt3A_166 : vector<24x20480xf32>
    %convert_element_type3A_168 = arith.extui %gt3A_167 : vector<24x20480xi1> to vector<24x20480xi32>
    %convert_element_type3A_169 = arith.sitofp %convert_element_type3A_168 : vector<24x20480xi32> to vector<24x20480xf32>
    %reduce_sum3A_170 = arith.constant dense<0.000000e+00> : vector<24xf32>
    %reduce_sum3A_171 = vector.multi_reduction <add>, %convert_element_type3A_169, %reduce_sum3A_170 [1] : vector<24x20480xf32> to vector<24xf32>
    %broadcast_in_dim3A_172 = vector.shape_cast %reduce_sum3A_171 : vector<24xf32> to vector<24x1xf32>
    %gt3A_173 = arith.constant 0.970687747 : f32
    %gt3A_174 = vector.broadcast %gt3A_173 : f32 to vector<24x20480xf32>
    %gt3A_175 = arith.cmpf ogt, %select_n3A, %gt3A_174 : vector<24x20480xf32>
    %convert_element_type3A_176 = arith.extui %gt3A_175 : vector<24x20480xi1> to vector<24x20480xi32>
    %convert_element_type3A_177 = arith.sitofp %convert_element_type3A_176 : vector<24x20480xi32> to vector<24x20480xf32>
    %reduce_sum3A_178 = arith.constant dense<0.000000e+00> : vector<24xf32>
    %reduce_sum3A_179 = vector.multi_reduction <add>, %convert_element_type3A_177, %reduce_sum3A_178 [1] : vector<24x20480xf32> to vector<24xf32>
    %broadcast_in_dim3A_180 = vector.shape_cast %reduce_sum3A_179 : vector<24xf32> to vector<24x1xf32>
    %gt3A_181 = arith.constant 0.982013761 : f32
    %gt3A_182 = vector.broadcast %gt3A_181 : f32 to vector<24x20480xf32>
    %gt3A_183 = arith.cmpf ogt, %select_n3A, %gt3A_182 : vector<24x20480xf32>
    %convert_element_type3A_184 = arith.extui %gt3A_183 : vector<24x20480xi1> to vector<24x20480xi32>
    %convert_element_type3A_185 = arith.sitofp %convert_element_type3A_184 : vector<24x20480xi32> to vector<24x20480xf32>
    %reduce_sum3A_186 = arith.constant dense<0.000000e+00> : vector<24xf32>
    %reduce_sum3A_187 = vector.multi_reduction <add>, %convert_element_type3A_185, %reduce_sum3A_186 [1] : vector<24x20480xf32> to vector<24xf32>
    %broadcast_in_dim3A_188 = vector.shape_cast %reduce_sum3A_187 : vector<24xf32> to vector<24x1xf32>
    %gt3A_189 = arith.constant 0.989013075 : f32
    %gt3A_190 = vector.broadcast %gt3A_189 : f32 to vector<24x20480xf32>
    %gt3A_191 = arith.cmpf ogt, %select_n3A, %gt3A_190 : vector<24x20480xf32>
    %convert_element_type3A_192 = arith.extui %gt3A_191 : vector<24x20480xi1> to vector<24x20480xi32>
    %convert_element_type3A_193 = arith.sitofp %convert_element_type3A_192 : vector<24x20480xi32> to vector<24x20480xf32>
    %reduce_sum3A_194 = arith.constant dense<0.000000e+00> : vector<24xf32>
    %reduce_sum3A_195 = vector.multi_reduction <add>, %convert_element_type3A_193, %reduce_sum3A_194 [1] : vector<24x20480xf32> to vector<24xf32>
    %broadcast_in_dim3A_196 = vector.shape_cast %reduce_sum3A_195 : vector<24xf32> to vector<24x1xf32>
    %gt3A_197 = arith.constant 0.993307173 : f32
    %gt3A_198 = vector.broadcast %gt3A_197 : f32 to vector<24x20480xf32>
    %gt3A_199 = arith.cmpf ogt, %select_n3A, %gt3A_198 : vector<24x20480xf32>
    %convert_element_type3A_200 = arith.extui %gt3A_199 : vector<24x20480xi1> to vector<24x20480xi32>
    %convert_element_type3A_201 = arith.sitofp %convert_element_type3A_200 : vector<24x20480xi32> to vector<24x20480xf32>
    %reduce_sum3A_202 = arith.constant dense<0.000000e+00> : vector<24xf32>
    %reduce_sum3A_203 = vector.multi_reduction <add>, %convert_element_type3A_201, %reduce_sum3A_202 [1] : vector<24x20480xf32> to vector<24xf32>
    %broadcast_in_dim3A_204 = vector.shape_cast %reduce_sum3A_203 : vector<24xf32> to vector<24x1xf32>
    %gt3A_205 = arith.constant 0.995929837 : f32
    %gt3A_206 = vector.broadcast %gt3A_205 : f32 to vector<24x20480xf32>
    %gt3A_207 = arith.cmpf ogt, %select_n3A, %gt3A_206 : vector<24x20480xf32>
    %convert_element_type3A_208 = arith.extui %gt3A_207 : vector<24x20480xi1> to vector<24x20480xi32>
    %convert_element_type3A_209 = arith.sitofp %convert_element_type3A_208 : vector<24x20480xi32> to vector<24x20480xf32>
    %reduce_sum3A_210 = arith.constant dense<0.000000e+00> : vector<24xf32>
    %reduce_sum3A_211 = vector.multi_reduction <add>, %convert_element_type3A_209, %reduce_sum3A_210 [1] : vector<24x20480xf32> to vector<24xf32>
    %broadcast_in_dim3A_212 = vector.shape_cast %reduce_sum3A_211 : vector<24xf32> to vector<24x1xf32>
    %gt3A_213 = arith.constant 0.99752736 : f32
    %gt3A_214 = vector.broadcast %gt3A_213 : f32 to vector<24x20480xf32>
    %gt3A_215 = arith.cmpf ogt, %select_n3A, %gt3A_214 : vector<24x20480xf32>
    %convert_element_type3A_216 = arith.extui %gt3A_215 : vector<24x20480xi1> to vector<24x20480xi32>
    %convert_element_type3A_217 = arith.sitofp %convert_element_type3A_216 : vector<24x20480xi32> to vector<24x20480xf32>
    %reduce_sum3A_218 = arith.constant dense<0.000000e+00> : vector<24xf32>
    %reduce_sum3A_219 = vector.multi_reduction <add>, %convert_element_type3A_217, %reduce_sum3A_218 [1] : vector<24x20480xf32> to vector<24xf32>
    %broadcast_in_dim3A_220 = vector.shape_cast %reduce_sum3A_219 : vector<24xf32> to vector<24x1xf32>
    %gt3A_221 = arith.constant 0.998498797 : f32
    %gt3A_222 = vector.broadcast %gt3A_221 : f32 to vector<24x20480xf32>
    %gt3A_223 = arith.cmpf ogt, %select_n3A, %gt3A_222 : vector<24x20480xf32>
    %convert_element_type3A_224 = arith.extui %gt3A_223 : vector<24x20480xi1> to vector<24x20480xi32>
    %convert_element_type3A_225 = arith.sitofp %convert_element_type3A_224 : vector<24x20480xi32> to vector<24x20480xf32>
    %reduce_sum3A_226 = arith.constant dense<0.000000e+00> : vector<24xf32>
    %reduce_sum3A_227 = vector.multi_reduction <add>, %convert_element_type3A_225, %reduce_sum3A_226 [1] : vector<24x20480xf32> to vector<24xf32>
    %broadcast_in_dim3A_228 = vector.shape_cast %reduce_sum3A_227 : vector<24xf32> to vector<24x1xf32>
    %gt3A_229 = arith.constant 0.999088943 : f32
    %gt3A_230 = vector.broadcast %gt3A_229 : f32 to vector<24x20480xf32>
    %gt3A_231 = arith.cmpf ogt, %select_n3A, %gt3A_230 : vector<24x20480xf32>
    %convert_element_type3A_232 = arith.extui %gt3A_231 : vector<24x20480xi1> to vector<24x20480xi32>
    %convert_element_type3A_233 = arith.sitofp %convert_element_type3A_232 : vector<24x20480xi32> to vector<24x20480xf32>
    %reduce_sum3A_234 = arith.constant dense<0.000000e+00> : vector<24xf32>
    %reduce_sum3A_235 = vector.multi_reduction <add>, %convert_element_type3A_233, %reduce_sum3A_234 [1] : vector<24x20480xf32> to vector<24xf32>
    %broadcast_in_dim3A_236 = vector.shape_cast %reduce_sum3A_235 : vector<24xf32> to vector<24x1xf32>
    %gt3A_237 = arith.constant 0.999447226 : f32
    %gt3A_238 = vector.broadcast %gt3A_237 : f32 to vector<24x20480xf32>
    %gt3A_239 = arith.cmpf ogt, %select_n3A, %gt3A_238 : vector<24x20480xf32>
    %convert_element_type3A_240 = arith.extui %gt3A_239 : vector<24x20480xi1> to vector<24x20480xi32>
    %convert_element_type3A_241 = arith.sitofp %convert_element_type3A_240 : vector<24x20480xi32> to vector<24x20480xf32>
    %reduce_sum3A_242 = arith.constant dense<0.000000e+00> : vector<24xf32>
    %reduce_sum3A_243 = vector.multi_reduction <add>, %convert_element_type3A_241, %reduce_sum3A_242 [1] : vector<24x20480xf32> to vector<24xf32>
    %broadcast_in_dim3A_244 = vector.shape_cast %reduce_sum3A_243 : vector<24xf32> to vector<24x1xf32>
    %concatenate3A_245 = tpu.concatenate %broadcast_in_dim3A_124, %broadcast_in_dim3A_132, %broadcast_in_dim3A_140, %broadcast_in_dim3A_148, %broadcast_in_dim3A_156, %broadcast_in_dim3A_164, %broadcast_in_dim3A_172, %broadcast_in_dim3A_180, %broadcast_in_dim3A_188, %broadcast_in_dim3A_196, %broadcast_in_dim3A_204, %broadcast_in_dim3A_212, %broadcast_in_dim3A_220, %broadcast_in_dim3A_228, %broadcast_in_dim3A_236, %broadcast_in_dim3A_244 in 1 : vector<24x1xf32>, vector<24x1xf32>, vector<24x1xf32>, vector<24x1xf32>, vector<24x1xf32>, vector<24x1xf32>, vector<24x1xf32>, vector<24x1xf32>, vector<24x1xf32>, vector<24x1xf32>, vector<24x1xf32>, vector<24x1xf32>, vector<24x1xf32>, vector<24x1xf32>, vector<24x1xf32>, vector<24x1xf32> -> vector<24x16xf32>
    %swap3A_246 = arith.constant 0 : index
    %swap3A_247 = arith.constant 0 : index
    %swap3A_248 = arith.constant 0 : index
    %swap3A_249 = vector.load %arg6[%swap3A_246, %swap3A_247, %swap3A_248] : memref<1x24x16xf32, #tpu.memory_space<vmem>>, vector<1x24x16xf32>
    %swap3A_250 = vector.shape_cast %swap3A_249 : vector<1x24x16xf32> to vector<24x16xf32>
    %swap3A_251 = vector.shape_cast %concatenate3A_245 : vector<24x16xf32> to vector<1x24x16xf32>
    tpu.vector_store %arg6[%swap3A_246, %swap3A_247, %swap3A_248], %swap3A_251 {strides = array<i32>} : memref<1x24x16xf32, #tpu.memory_space<vmem>>, vector<1x24x16xf32>,
    return
  }
  func.func @transform_0(%arg0: i32) -> (i32, i32, i32) {
    %c0_i32 = arith.constant 0 : i32
    %c0_i32_0 = arith.constant 0 : i32
    %c0_i32_1 = arith.constant 0 : i32
    return %arg0, %c0_i32, %c0_i32_0 : i32, i32, i32
  }
  func.func @transform_1(%arg0: i32) -> (i32, i32) {
    %c0_i32 = arith.constant 0 : i32
    %c0_i32_0 = arith.constant 0 : i32
    %c0_i32_1 = arith.constant 0 : i32
    return %c0_i32, %c0_i32_0 : i32, i32
  }
  func.func @transform_2(%arg0: i32) -> (i32, i32, i32) {
    %c0_i32 = arith.constant 0 : i32
    %c0_i32_0 = arith.constant 0 : i32
    %c0_i32_1 = arith.constant 0 : i32
    return %arg0, %c0_i32, %c0_i32_0 : i32, i32, i32
  }
  func.func @transform_3(%arg0: i32) -> (i32, i32, i32) {
    %c0_i32 = arith.constant 0 : i32
    %c0_i32_0 = arith.constant 0 : i32
    %c0_i32_1 = arith.constant 0 : i32
    return %arg0, %c0_i32, %c0_i32_0 : i32, i32, i32
  }
  func.func @transform_4(%arg0: i32) -> (i32, i32, i32) {
    %c0_i32 = arith.constant 0 : i32
    %c0_i32_0 = arith.constant 0 : i32
    %c0_i32_1 = arith.constant 0 : i32
    return %arg0, %c0_i32, %c0_i32_0 : i32, i32, i32
  }
  func.func @transform_5(%arg0: i32) -> (i32, i32, i32) {
    %c0_i32 = arith.constant 0 : i32
    %c0_i32_0 = arith.constant 0 : i32
    %c0_i32_1 = arith.constant 0 : i32
    return %arg0, %c0_i32, %c0_i32_0 : i32, i32, i32
  }
}

module attributes {stable_mosaic.version = 14 : i64} {
  func.func @_rnms_body(%arg0: memref<96x1024xf32, #tpu.memory_space<vmem>>, %arg1: memref<96x1024xf32, #tpu.memory_space<vmem>>, %arg2: memref<96x1024xf32, #tpu.memory_space<vmem>>, %arg3: memref<96x1024xf32, #tpu.memory_space<vmem>>, %arg4: memref<96x1024xf32, #tpu.memory_space<vmem>>, %arg5: memref<4x24x16xf32, #tpu.memory_space<vmem>>, %arg6: memref<4x8x128xf32, #tpu.memory_space<vmem>>) attributes {dimension_semantics = [], scalar_prefetch = 0 : i64, scratch_operands = 0 : i64, tpu.core_type = #tpu.core_type<tc>} {
    %get3A = arith.constant 0 : index
    %get3A_0 = arith.constant 0 : index
    %get3A_1 = vector.load %arg0[%get3A, %get3A_0] : memref<96x1024xf32, #tpu.memory_space<vmem>>, vector<96x1024xf32>
    %get3A_2 = arith.constant 0 : index
    %get3A_3 = arith.constant 0 : index
    %get3A_4 = vector.load %arg1[%get3A_2, %get3A_3] : memref<96x1024xf32, #tpu.memory_space<vmem>>, vector<96x1024xf32>
    %get3A_5 = arith.constant 0 : index
    %get3A_6 = arith.constant 0 : index
    %get3A_7 = vector.load %arg2[%get3A_5, %get3A_6] : memref<96x1024xf32, #tpu.memory_space<vmem>>, vector<96x1024xf32>
    %get3A_8 = arith.constant 0 : index
    %get3A_9 = arith.constant 0 : index
    %get3A_10 = vector.load %arg3[%get3A_8, %get3A_9] : memref<96x1024xf32, #tpu.memory_space<vmem>>, vector<96x1024xf32>
    %get3A_11 = arith.constant 0 : index
    %get3A_12 = arith.constant 0 : index
    %get3A_13 = vector.load %arg4[%get3A_11, %get3A_12] : memref<96x1024xf32, #tpu.memory_space<vmem>>, vector<96x1024xf32>
    %sub3A = arith.subf %get3A_10, %get3A_4 : vector<96x1024xf32>
    %sub3A_14 = arith.subf %get3A_13, %get3A_7 : vector<96x1024xf32>
    %mul3A = arith.mulf %sub3A, %sub3A_14 : vector<96x1024xf32>
    %iota3A = tpu.iota {dimensions = array<i32: 1>} : vector<1x1024xi32>
    %convert_element_type3A = arith.sitofp %iota3A : vector<1x1024xi32> to vector<1x1024xf32>
    %iota3A_15 = tpu.iota {dimensions = array<i32: 1>} : vector<1x128xi32>
    %convert_element_type3A_16 = arith.sitofp %iota3A_15 : vector<1x128xi32> to vector<1x128xf32>
    %broadcast_in_dim3A = arith.constant -1.000000e+09 : f32
    %broadcast_in_dim3A_17 = vector.broadcast %broadcast_in_dim3A : f32 to vector<96x128xf32>
    %broadcast_in_dim3A_18 = arith.constant 0.000000e+00 : f32
    %broadcast_in_dim3A_19 = vector.broadcast %broadcast_in_dim3A_18 : f32 to vector<96x128xf32>
    %scan3A = arith.constant 0 : i32
    %scan3A_20 = arith.constant 100 : i32
    %scan3A_21 = arith.addi %scan3A, %scan3A_20 : i32
    %scan3A_22 = arith.constant 1 : i32
    %scan3A_23:6 = scf.for %scan3A_76 = %scan3A to %scan3A_21 step %scan3A_22 iter_args(%scan3A_77 = %get3A_1, %scan3A_78 = %broadcast_in_dim3A_17, %scan3A_79 = %broadcast_in_dim3A_19, %scan3A_80 = %broadcast_in_dim3A_19, %scan3A_81 = %broadcast_in_dim3A_19, %scan3A_82 = %broadcast_in_dim3A_19) -> (vector<96x1024xf32>, vector<96x128xf32>, vector<96x128xf32>, vector<96x128xf32>, vector<96x128xf32>, vector<96x128xf32>)  : i32 {
      %reduce_max3A = arith.constant dense<0xFF800000> : vector<96xf32>
      %reduce_max3A_83 = vector.multi_reduction <maximumf>, %scan3A_77, %reduce_max3A [1] : vector<96x1024xf32> to vector<96xf32>
      %broadcast_in_dim3A_84 = vector.shape_cast %reduce_max3A_83 : vector<96xf32> to vector<96x1xf32>
      %eq3A = vector.broadcast %broadcast_in_dim3A_84 : vector<96x1xf32> to vector<96x1024xf32>
      %eq3A_85 = arith.cmpf oeq, %scan3A_77, %eq3A : vector<96x1024xf32>
      %jit3A_86 = arith.constant 1.024000e+03 : f32
      %broadcast_in_dim3A_87 = vector.shape_cast %convert_element_type3A : vector<1x1024xf32> to vector<1x1024xf32>
      %broadcast_in_dim3A_88 = vector.broadcast %broadcast_in_dim3A_87 : vector<1x1024xf32> to vector<96x1024xf32>
      %broadcast_in_dim3A_89 = vector.broadcast %jit3A_86 : f32 to vector<96x1024xf32>
      %select_n3A_90 = arith.select %eq3A_85, %broadcast_in_dim3A_88, %broadcast_in_dim3A_89 : vector<96x1024xi1>, vector<96x1024xf32>
      %reduce_min3A_91 = arith.constant dense<0x7F800000> : vector<96xf32>
      %reduce_min3A_92 = vector.multi_reduction <minimumf>, %select_n3A_90, %reduce_min3A_91 [1] : vector<96x1024xf32> to vector<96xf32>
      %broadcast_in_dim3A_93 = vector.shape_cast %reduce_min3A_92 : vector<96xf32> to vector<96x1xf32>
      %eq3A_94 = vector.broadcast %convert_element_type3A : vector<1x1024xf32> to vector<96x1024xf32>
      %eq3A_95 = vector.broadcast %broadcast_in_dim3A_93 : vector<96x1xf32> to vector<96x1024xf32>
      %eq3A_96 = arith.cmpf oeq, %eq3A_94, %eq3A_95 : vector<96x1024xf32>
      %jit3A_97 = arith.constant 0.000000e+00 : f32
      %broadcast_in_dim3A_98 = vector.broadcast %jit3A_97 : f32 to vector<96x1024xf32>
      %select_n3A_99 = arith.select %eq3A_96, %get3A_4, %broadcast_in_dim3A_98 : vector<96x1024xi1>, vector<96x1024xf32>
      %reduce_sum3A_100 = arith.constant dense<0.000000e+00> : vector<96xf32>
      %reduce_sum3A_101 = vector.multi_reduction <add>, %select_n3A_99, %reduce_sum3A_100 [1] : vector<96x1024xf32> to vector<96xf32>
      %broadcast_in_dim3A_102 = vector.shape_cast %reduce_sum3A_101 : vector<96xf32> to vector<96x1xf32>
      %jit3A_103 = arith.constant 0.000000e+00 : f32
      %broadcast_in_dim3A_104 = vector.broadcast %jit3A_103 : f32 to vector<96x1024xf32>
      %select_n3A_105 = arith.select %eq3A_96, %get3A_7, %broadcast_in_dim3A_104 : vector<96x1024xi1>, vector<96x1024xf32>
      %reduce_sum3A_106 = arith.constant dense<0.000000e+00> : vector<96xf32>
      %reduce_sum3A_107 = vector.multi_reduction <add>, %select_n3A_105, %reduce_sum3A_106 [1] : vector<96x1024xf32> to vector<96xf32>
      %broadcast_in_dim3A_108 = vector.shape_cast %reduce_sum3A_107 : vector<96xf32> to vector<96x1xf32>
      %jit3A_109 = arith.constant 0.000000e+00 : f32
      %broadcast_in_dim3A_110 = vector.broadcast %jit3A_109 : f32 to vector<96x1024xf32>
      %select_n3A_111 = arith.select %eq3A_96, %get3A_10, %broadcast_in_dim3A_110 : vector<96x1024xi1>, vector<96x1024xf32>
      %reduce_sum3A_112 = arith.constant dense<0.000000e+00> : vector<96xf32>
      %reduce_sum3A_113 = vector.multi_reduction <add>, %select_n3A_111, %reduce_sum3A_112 [1] : vector<96x1024xf32> to vector<96xf32>
      %broadcast_in_dim3A_114 = vector.shape_cast %reduce_sum3A_113 : vector<96xf32> to vector<96x1xf32>
      %jit3A_115 = arith.constant 0.000000e+00 : f32
      %broadcast_in_dim3A_116 = vector.broadcast %jit3A_115 : f32 to vector<96x1024xf32>
      %select_n3A_117 = arith.select %eq3A_96, %get3A_13, %broadcast_in_dim3A_116 : vector<96x1024xi1>, vector<96x1024xf32>
      %reduce_sum3A_118 = arith.constant dense<0.000000e+00> : vector<96xf32>
      %reduce_sum3A_119 = vector.multi_reduction <add>, %select_n3A_117, %reduce_sum3A_118 [1] : vector<96x1024xf32> to vector<96xf32>
      %broadcast_in_dim3A_120 = vector.shape_cast %reduce_sum3A_119 : vector<96xf32> to vector<96x1xf32>
      %max3A = vector.broadcast %broadcast_in_dim3A_102 : vector<96x1xf32> to vector<96x1024xf32>
      %max3A_121 = arith.maximumf %max3A, %get3A_4 : vector<96x1024xf32>
      %max3A_122 = vector.broadcast %broadcast_in_dim3A_108 : vector<96x1xf32> to vector<96x1024xf32>
      %max3A_123 = arith.maximumf %max3A_122, %get3A_7 : vector<96x1024xf32>
      %min3A_124 = vector.broadcast %broadcast_in_dim3A_114 : vector<96x1xf32> to vector<96x1024xf32>
      %min3A_125 = arith.minimumf %min3A_124, %get3A_10 : vector<96x1024xf32>
      %min3A_126 = vector.broadcast %broadcast_in_dim3A_120 : vector<96x1xf32> to vector<96x1024xf32>
      %min3A_127 = arith.minimumf %min3A_126, %get3A_13 : vector<96x1024xf32>
      %sub3A_128 = arith.subf %min3A_125, %max3A_121 : vector<96x1024xf32>
      %max3A_129 = arith.constant 0.000000e+00 : f32
      %max3A_130 = vector.broadcast %max3A_129 : f32 to vector<96x1024xf32>
      %max3A_131 = arith.maximumf %sub3A_128, %max3A_130 : vector<96x1024xf32>
      %sub3A_132 = arith.subf %min3A_127, %max3A_123 : vector<96x1024xf32>
      %max3A_133 = arith.constant 0.000000e+00 : f32
      %max3A_134 = vector.broadcast %max3A_133 : f32 to vector<96x1024xf32>
      %max3A_135 = arith.maximumf %sub3A_132, %max3A_134 : vector<96x1024xf32>
      %mul3A_136 = arith.mulf %max3A_131, %max3A_135 : vector<96x1024xf32>
      %sub3A_137 = arith.subf %broadcast_in_dim3A_114, %broadcast_in_dim3A_102 : vector<96x1xf32>
      %sub3A_138 = arith.subf %broadcast_in_dim3A_120, %broadcast_in_dim3A_108 : vector<96x1xf32>
      %mul3A_139 = arith.mulf %sub3A_137, %sub3A_138 : vector<96x1xf32>
      %add3A_140 = vector.broadcast %mul3A_139 : vector<96x1xf32> to vector<96x1024xf32>
      %add3A_141 = arith.addf %add3A_140, %mul3A : vector<96x1024xf32>
      %sub3A_142 = arith.subf %add3A_141, %mul3A_136 : vector<96x1024xf32>
      %add3A_143 = arith.constant 9.99999993E-9 : f32
      %add3A_144 = vector.broadcast %add3A_143 : f32 to vector<96x1024xf32>
      %add3A_145 = arith.addf %sub3A_142, %add3A_144 : vector<96x1024xf32>
      %div3A = arith.divf %mul3A_136, %add3A_145 : vector<96x1024xf32>
      %gt3A_146 = arith.constant 5.000000e-01 : f32
      %gt3A_147 = vector.broadcast %gt3A_146 : f32 to vector<96x1024xf32>
      %gt3A_148 = arith.cmpf ogt, %div3A, %gt3A_147 : vector<96x1024xf32>
      %or3A_149 = arith.ori %gt3A_148, %eq3A_96 : vector<96x1024xi1>
      %jit3A_150 = arith.constant -1.000000e+09 : f32
      %broadcast_in_dim3A_151 = vector.broadcast %jit3A_150 : f32 to vector<96x1024xf32>
      %select_n3A_152 = arith.select %or3A_149, %broadcast_in_dim3A_151, %scan3A_77 : vector<96x1024xi1>, vector<96x1024xf32>
      %convert_element_type3A_153 = arith.sitofp %scan3A_76 : i32 to f32
      %eq3A_154 = vector.broadcast %convert_element_type3A_153 : f32 to vector<1x128xf32>
      %eq3A_155 = arith.cmpf oeq, %convert_element_type3A_16, %eq3A_154 : vector<1x128xf32>
      %broadcast_in_dim3A_156 = vector.shape_cast %eq3A_155 : vector<1x128xi1> to vector<1x128xi1>
      %broadcast_in_dim3A_157 = vector.broadcast %broadcast_in_dim3A_156 : vector<1x128xi1> to vector<96x128xi1>
      %broadcast_in_dim3A_158 = vector.shape_cast %broadcast_in_dim3A_84 : vector<96x1xf32> to vector<96x1xf32>
      %broadcast_in_dim3A_159 = vector.broadcast %broadcast_in_dim3A_158 : vector<96x1xf32> to vector<96x128xf32>
      %select_n3A_160 = arith.select %broadcast_in_dim3A_157, %broadcast_in_dim3A_159, %scan3A_78 : vector<96x128xi1>, vector<96x128xf32>
      %broadcast_in_dim3A_161 = vector.shape_cast %eq3A_155 : vector<1x128xi1> to vector<1x128xi1>
      %broadcast_in_dim3A_162 = vector.broadcast %broadcast_in_dim3A_161 : vector<1x128xi1> to vector<96x128xi1>
      %broadcast_in_dim3A_163 = vector.shape_cast %broadcast_in_dim3A_102 : vector<96x1xf32> to vector<96x1xf32>
      %broadcast_in_dim3A_164 = vector.broadcast %broadcast_in_dim3A_163 : vector<96x1xf32> to vector<96x128xf32>
      %select_n3A_165 = arith.select %broadcast_in_dim3A_162, %broadcast_in_dim3A_164, %scan3A_79 : vector<96x128xi1>, vector<96x128xf32>
      %broadcast_in_dim3A_166 = vector.shape_cast %eq3A_155 : vector<1x128xi1> to vector<1x128xi1>
      %broadcast_in_dim3A_167 = vector.broadcast %broadcast_in_dim3A_166 : vector<1x128xi1> to vector<96x128xi1>
      %broadcast_in_dim3A_168 = vector.shape_cast %broadcast_in_dim3A_108 : vector<96x1xf32> to vector<96x1xf32>
      %broadcast_in_dim3A_169 = vector.broadcast %broadcast_in_dim3A_168 : vector<96x1xf32> to vector<96x128xf32>
      %select_n3A_170 = arith.select %broadcast_in_dim3A_167, %broadcast_in_dim3A_169, %scan3A_80 : vector<96x128xi1>, vector<96x128xf32>
      %broadcast_in_dim3A_171 = vector.shape_cast %eq3A_155 : vector<1x128xi1> to vector<1x128xi1>
      %broadcast_in_dim3A_172 = vector.broadcast %broadcast_in_dim3A_171 : vector<1x128xi1> to vector<96x128xi1>
      %broadcast_in_dim3A_173 = vector.shape_cast %broadcast_in_dim3A_114 : vector<96x1xf32> to vector<96x1xf32>
      %broadcast_in_dim3A_174 = vector.broadcast %broadcast_in_dim3A_173 : vector<96x1xf32> to vector<96x128xf32>
      %select_n3A_175 = arith.select %broadcast_in_dim3A_172, %broadcast_in_dim3A_174, %scan3A_81 : vector<96x128xi1>, vector<96x128xf32>
      %broadcast_in_dim3A_176 = vector.shape_cast %eq3A_155 : vector<1x128xi1> to vector<1x128xi1>
      %broadcast_in_dim3A_177 = vector.broadcast %broadcast_in_dim3A_176 : vector<1x128xi1> to vector<96x128xi1>
      %broadcast_in_dim3A_178 = vector.shape_cast %broadcast_in_dim3A_120 : vector<96x1xf32> to vector<96x1xf32>
      %broadcast_in_dim3A_179 = vector.broadcast %broadcast_in_dim3A_178 : vector<96x1xf32> to vector<96x128xf32>
      %select_n3A_180 = arith.select %broadcast_in_dim3A_177, %broadcast_in_dim3A_179, %scan3A_82 : vector<96x128xi1>, vector<96x128xf32>
      scf.yield %select_n3A_152, %select_n3A_160, %select_n3A_165, %select_n3A_170, %select_n3A_175, %select_n3A_180 : vector<96x1024xf32>, vector<96x128xf32>, vector<96x128xf32>, vector<96x128xf32>, vector<96x128xf32>, vector<96x128xf32>
    }
    %scan3A_24 = arith.constant 100 : i32
    %reshape3A = vector.shape_cast %scan3A_23#1 : vector<96x128xf32> to vector<4x24x128xf32>
    %reshape3A_25 = vector.shape_cast %scan3A_23#2 : vector<96x128xf32> to vector<4x24x128xf32>
    %reshape3A_26 = vector.shape_cast %scan3A_23#3 : vector<96x128xf32> to vector<4x24x128xf32>
    %reshape3A_27 = vector.shape_cast %scan3A_23#4 : vector<96x128xf32> to vector<4x24x128xf32>
    %reshape3A_28 = vector.shape_cast %scan3A_23#5 : vector<96x128xf32> to vector<4x24x128xf32>
    %gt3A = arith.constant -5.000000e+08 : f32
    %gt3A_29 = vector.broadcast %gt3A : f32 to vector<4x24x128xf32>
    %gt3A_30 = arith.cmpf ogt, %reshape3A, %gt3A_29 : vector<4x24x128xf32>
    %convert_element_type3A_31 = arith.extui %gt3A_30 : vector<4x24x128xi1> to vector<4x24x128xi32>
    %convert_element_type3A_32 = arith.sitofp %convert_element_type3A_31 : vector<4x24x128xi32> to vector<4x24x128xf32>
    %reduce_sum3A = arith.constant dense<0.000000e+00> : vector<4x24xf32>
    %reduce_sum3A_33 = vector.multi_reduction <add>, %convert_element_type3A_32, %reduce_sum3A [2] : vector<4x24x128xf32> to vector<4x24xf32>
    %broadcast_in_dim3A_34 = vector.shape_cast %reduce_sum3A_33 : vector<4x24xf32> to vector<4x24x1xf32>
    %get3A_35 = arith.constant 0 : index
    %get3A_36 = arith.constant 0 : index
    %get3A_37 = arith.constant 0 : index
    %get3A_38 = vector.load %arg5[%get3A_35, %get3A_36, %get3A_37] : memref<4x24x16xf32, #tpu.memory_space<vmem>>, vector<4x24x1xf32>
    %ge3A = arith.constant 9.950000e+01 : f32
    %ge3A_39 = vector.broadcast %ge3A : f32 to vector<4x24x1xf32>
    %ge3A_40 = arith.cmpf oge, %broadcast_in_dim3A_34, %ge3A_39 : vector<4x24x1xf32>
    %le3A = arith.constant 1.007500e+03 : f32
    %le3A_41 = vector.broadcast %le3A : f32 to vector<4x24x1xf32>
    %le3A_42 = arith.cmpf ole, %get3A_38, %le3A_41 : vector<4x24x1xf32>
    %or3A = arith.ori %ge3A_40, %le3A_42 : vector<4x24x1xi1>
    %jit3A = arith.constant 1.000000e+00 : f32
    %jit3A_43 = arith.constant 0.000000e+00 : f32
    %broadcast_in_dim3A_44 = vector.broadcast %jit3A : f32 to vector<4x24x1xf32>
    %broadcast_in_dim3A_45 = vector.broadcast %jit3A_43 : f32 to vector<4x24x1xf32>
    %select_n3A = arith.select %or3A, %broadcast_in_dim3A_44, %broadcast_in_dim3A_45 : vector<4x24x1xi1>, vector<4x24x1xf32>
    %reduce_min3A = arith.constant dense<0x7F800000> : vector<4x1xf32>
    %reduce_min3A_46 = vector.multi_reduction <minimumf>, %select_n3A, %reduce_min3A [1] : vector<4x24x1xf32> to vector<4x1xf32>
    %broadcast_in_dim3A_47 = vector.shape_cast %reduce_min3A_46 : vector<4x1xf32> to vector<4x1x1xf32>
    %reduce_sum3A_48 = arith.constant dense<0.000000e+00> : vector<4x1xf32>
    %reduce_sum3A_49 = vector.multi_reduction <add>, %broadcast_in_dim3A_34, %reduce_sum3A_48 [1] : vector<4x24x1xf32> to vector<4x1xf32>
    %broadcast_in_dim3A_50 = vector.shape_cast %reduce_sum3A_49 : vector<4x1xf32> to vector<4x1x1xf32>
    %min3A = arith.constant 1.000000e+02 : f32
    %min3A_51 = vector.broadcast %min3A : f32 to vector<4x1x1xf32>
    %min3A_52 = arith.minimumf %broadcast_in_dim3A_50, %min3A_51 : vector<4x1x1xf32>
    %iota3A_53 = tpu.iota {dimensions = array<i32: 1>} : vector<1x24x128xi32>
    %convert_element_type3A_54 = arith.sitofp %iota3A_53 : vector<1x24x128xi32> to vector<1x24x128xf32>
    %iota3A_55 = tpu.iota {dimensions = array<i32: 2>} : vector<1x1x128xi32>
    %convert_element_type3A_56 = arith.sitofp %iota3A_55 : vector<1x1x128xi32> to vector<1x1x128xf32>
    %mul3A_57 = arith.constant 1.280000e+02 : f32
    %mul3A_58 = vector.broadcast %mul3A_57 : f32 to vector<1x24x128xf32>
    %mul3A_59 = arith.mulf %convert_element_type3A_54, %mul3A_58 : vector<1x24x128xf32>
    %add3A = vector.broadcast %convert_element_type3A_56 : vector<1x1x128xf32> to vector<1x24x128xf32>
    %add3A_60 = arith.addf %mul3A_59, %add3A : vector<1x24x128xf32>
    %broadcast_in_dim3A_61 = arith.constant 0.000000e+00 : f32
    %broadcast_in_dim3A_62 = vector.broadcast %broadcast_in_dim3A_61 : f32 to vector<4x1x128xf32>
    %scan3A_63 = arith.constant 0 : i32
    %scan3A_64 = arith.constant 100 : i32
    %scan3A_65 = arith.addi %scan3A_63, %scan3A_64 : i32
    %scan3A_66 = arith.constant 1 : i32
    %scan3A_67:7 = scf.for %scan3A_76 = %scan3A_63 to %scan3A_65 step %scan3A_66 iter_args(%scan3A_77 = %reshape3A, %scan3A_78 = %broadcast_in_dim3A_62, %scan3A_79 = %broadcast_in_dim3A_62, %scan3A_80 = %broadcast_in_dim3A_62, %scan3A_81 = %broadcast_in_dim3A_62, %scan3A_82 = %broadcast_in_dim3A_62, %scan3A_83 = %broadcast_in_dim3A_62) -> (vector<4x24x128xf32>, vector<4x1x128xf32>, vector<4x1x128xf32>, vector<4x1x128xf32>, vector<4x1x128xf32>, vector<4x1x128xf32>, vector<4x1x128xf32>)  : i32 {
      %reduce_max3A = arith.constant dense<0xFF800000> : vector<4x24xf32>
      %reduce_max3A_84 = vector.multi_reduction <maximumf>, %scan3A_77, %reduce_max3A [2] : vector<4x24x128xf32> to vector<4x24xf32>
      %reduce_max3A_85 = arith.constant dense<0xFF800000> : vector<4xf32>
      %reduce_max3A_86 = vector.multi_reduction <maximumf>, %reduce_max3A_84, %reduce_max3A_85 [1] : vector<4x24xf32> to vector<4xf32>
      %reshape3A_87 = vector.shape_cast %reduce_max3A_86 : vector<4xf32> to vector<4x1x1xf32>
      %eq3A = vector.broadcast %reshape3A_87 : vector<4x1x1xf32> to vector<4x24x128xf32>
      %eq3A_88 = arith.cmpf oeq, %scan3A_77, %eq3A : vector<4x24x128xf32>
      %jit3A_89 = arith.constant 3.072000e+03 : f32
      %broadcast_in_dim3A_90 = vector.shape_cast %add3A_60 : vector<1x24x128xf32> to vector<1x24x128xf32>
      %broadcast_in_dim3A_91 = vector.broadcast %broadcast_in_dim3A_90 : vector<1x24x128xf32> to vector<4x24x128xf32>
      %broadcast_in_dim3A_92 = vector.broadcast %jit3A_89 : f32 to vector<4x24x128xf32>
      %select_n3A_93 = arith.select %eq3A_88, %broadcast_in_dim3A_91, %broadcast_in_dim3A_92 : vector<4x24x128xi1>, vector<4x24x128xf32>
      %reduce_min3A_94 = arith.constant dense<0x7F800000> : vector<4x24xf32>
      %reduce_min3A_95 = vector.multi_reduction <minimumf>, %select_n3A_93, %reduce_min3A_94 [2] : vector<4x24x128xf32> to vector<4x24xf32>
      %reduce_min3A_96 = arith.constant dense<0x7F800000> : vector<4xf32>
      %reduce_min3A_97 = vector.multi_reduction <minimumf>, %reduce_min3A_95, %reduce_min3A_96 [1] : vector<4x24xf32> to vector<4xf32>
      %reshape3A_98 = vector.shape_cast %reduce_min3A_97 : vector<4xf32> to vector<4x1x1xf32>
      %eq3A_99 = vector.broadcast %add3A_60 : vector<1x24x128xf32> to vector<4x24x128xf32>
      %eq3A_100 = vector.broadcast %reshape3A_98 : vector<4x1x1xf32> to vector<4x24x128xf32>
      %eq3A_101 = arith.cmpf oeq, %eq3A_99, %eq3A_100 : vector<4x24x128xf32>
      %gt3A_102 = arith.constant -5.000000e+08 : f32
      %gt3A_103 = vector.broadcast %gt3A_102 : f32 to vector<4x1x1xf32>
      %gt3A_104 = arith.cmpf ogt, %reshape3A_87, %gt3A_103 : vector<4x1x1xf32>
      %jit3A_105 = arith.constant 0.000000e+00 : f32
      %broadcast_in_dim3A_106 = vector.broadcast %jit3A_105 : f32 to vector<4x24x128xf32>
      %select_n3A_107 = arith.select %eq3A_101, %reshape3A_25, %broadcast_in_dim3A_106 : vector<4x24x128xi1>, vector<4x24x128xf32>
      %reduce_sum3A_108 = arith.constant dense<0.000000e+00> : vector<4x24xf32>
      %reduce_sum3A_109 = vector.multi_reduction <add>, %select_n3A_107, %reduce_sum3A_108 [2] : vector<4x24x128xf32> to vector<4x24xf32>
      %reduce_sum3A_110 = arith.constant dense<0.000000e+00> : vector<4xf32>
      %reduce_sum3A_111 = vector.multi_reduction <add>, %reduce_sum3A_109, %reduce_sum3A_110 [1] : vector<4x24xf32> to vector<4xf32>
      %reshape3A_112 = vector.shape_cast %reduce_sum3A_111 : vector<4xf32> to vector<4x1x1xf32>
      %jit3A_113 = arith.constant 0.000000e+00 : f32
      %broadcast_in_dim3A_114 = vector.broadcast %jit3A_113 : f32 to vector<4x24x128xf32>
      %select_n3A_115 = arith.select %eq3A_101, %reshape3A_26, %broadcast_in_dim3A_114 : vector<4x24x128xi1>, vector<4x24x128xf32>
      %reduce_sum3A_116 = arith.constant dense<0.000000e+00> : vector<4x24xf32>
      %reduce_sum3A_117 = vector.multi_reduction <add>, %select_n3A_115, %reduce_sum3A_116 [2] : vector<4x24x128xf32> to vector<4x24xf32>
      %reduce_sum3A_118 = arith.constant dense<0.000000e+00> : vector<4xf32>
      %reduce_sum3A_119 = vector.multi_reduction <add>, %reduce_sum3A_117, %reduce_sum3A_118 [1] : vector<4x24xf32> to vector<4xf32>
      %reshape3A_120 = vector.shape_cast %reduce_sum3A_119 : vector<4xf32> to vector<4x1x1xf32>
      %jit3A_121 = arith.constant 0.000000e+00 : f32
      %broadcast_in_dim3A_122 = vector.broadcast %jit3A_121 : f32 to vector<4x24x128xf32>
      %select_n3A_123 = arith.select %eq3A_101, %reshape3A_27, %broadcast_in_dim3A_122 : vector<4x24x128xi1>, vector<4x24x128xf32>
      %reduce_sum3A_124 = arith.constant dense<0.000000e+00> : vector<4x24xf32>
      %reduce_sum3A_125 = vector.multi_reduction <add>, %select_n3A_123, %reduce_sum3A_124 [2] : vector<4x24x128xf32> to vector<4x24xf32>
      %reduce_sum3A_126 = arith.constant dense<0.000000e+00> : vector<4xf32>
      %reduce_sum3A_127 = vector.multi_reduction <add>, %reduce_sum3A_125, %reduce_sum3A_126 [1] : vector<4x24xf32> to vector<4xf32>
      %reshape3A_128 = vector.shape_cast %reduce_sum3A_127 : vector<4xf32> to vector<4x1x1xf32>
      %jit3A_129 = arith.constant 0.000000e+00 : f32
      %broadcast_in_dim3A_130 = vector.broadcast %jit3A_129 : f32 to vector<4x24x128xf32>
      %select_n3A_131 = arith.select %eq3A_101, %reshape3A_28, %broadcast_in_dim3A_130 : vector<4x24x128xi1>, vector<4x24x128xf32>
      %reduce_sum3A_132 = arith.constant dense<0.000000e+00> : vector<4x24xf32>
      %reduce_sum3A_133 = vector.multi_reduction <add>, %select_n3A_131, %reduce_sum3A_132 [2] : vector<4x24x128xf32> to vector<4x24xf32>
      %reduce_sum3A_134 = arith.constant dense<0.000000e+00> : vector<4xf32>
      %reduce_sum3A_135 = vector.multi_reduction <add>, %reduce_sum3A_133, %reduce_sum3A_134 [1] : vector<4x24xf32> to vector<4xf32>
      %reshape3A_136 = vector.shape_cast %reduce_sum3A_135 : vector<4xf32> to vector<4x1x1xf32>
      %broadcast_in_dim3A_137 = vector.shape_cast %convert_element_type3A_54 : vector<1x24x128xf32> to vector<1x24x128xf32>
      %broadcast_in_dim3A_138 = vector.broadcast %broadcast_in_dim3A_137 : vector<1x24x128xf32> to vector<4x24x128xf32>
      %jit3A_139 = arith.constant 0.000000e+00 : f32
      %broadcast_in_dim3A_140 = vector.broadcast %jit3A_139 : f32 to vector<4x24x128xf32>
      %select_n3A_141 = arith.select %eq3A_101, %broadcast_in_dim3A_138, %broadcast_in_dim3A_140 : vector<4x24x128xi1>, vector<4x24x128xf32>
      %reduce_sum3A_142 = arith.constant dense<0.000000e+00> : vector<4x24xf32>
      %reduce_sum3A_143 = vector.multi_reduction <add>, %select_n3A_141, %reduce_sum3A_142 [2] : vector<4x24x128xf32> to vector<4x24xf32>
      %reduce_sum3A_144 = arith.constant dense<0.000000e+00> : vector<4xf32>
      %reduce_sum3A_145 = vector.multi_reduction <add>, %reduce_sum3A_143, %reduce_sum3A_144 [1] : vector<4x24xf32> to vector<4xf32>
      %reshape3A_146 = vector.shape_cast %reduce_sum3A_145 : vector<4xf32> to vector<4x1x1xf32>
      %convert_element_type3A_147 = arith.sitofp %scan3A_76 : i32 to f32
      %eq3A_148 = vector.broadcast %convert_element_type3A_147 : f32 to vector<1x1x128xf32>
      %eq3A_149 = arith.cmpf oeq, %convert_element_type3A_56, %eq3A_148 : vector<1x1x128xf32>
      %jit3A_150 = arith.constant 0.000000e+00 : f32
      %broadcast_in_dim3A_151 = vector.broadcast %jit3A_150 : f32 to vector<4x1x1xf32>
      %select_n3A_152 = arith.select %gt3A_104, %reshape3A_112, %broadcast_in_dim3A_151 : vector<4x1x1xi1>, vector<4x1x1xf32>
      %broadcast_in_dim3A_153 = vector.shape_cast %eq3A_149 : vector<1x1x128xi1> to vector<1x1x128xi1>
      %broadcast_in_dim3A_154 = vector.broadcast %broadcast_in_dim3A_153 : vector<1x1x128xi1> to vector<4x1x128xi1>
      %broadcast_in_dim3A_155 = vector.shape_cast %select_n3A_152 : vector<4x1x1xf32> to vector<4x1x1xf32>
      %broadcast_in_dim3A_156 = vector.broadcast %broadcast_in_dim3A_155 : vector<4x1x1xf32> to vector<4x1x128xf32>
      %select_n3A_157 = arith.select %broadcast_in_dim3A_154, %broadcast_in_dim3A_156, %scan3A_78 : vector<4x1x128xi1>, vector<4x1x128xf32>
      %jit3A_158 = arith.constant 0.000000e+00 : f32
      %broadcast_in_dim3A_159 = vector.broadcast %jit3A_158 : f32 to vector<4x1x1xf32>
      %select_n3A_160 = arith.select %gt3A_104, %reshape3A_120, %broadcast_in_dim3A_159 : vector<4x1x1xi1>, vector<4x1x1xf32>
      %broadcast_in_dim3A_161 = vector.shape_cast %eq3A_149 : vector<1x1x128xi1> to vector<1x1x128xi1>
      %broadcast_in_dim3A_162 = vector.broadcast %broadcast_in_dim3A_161 : vector<1x1x128xi1> to vector<4x1x128xi1>
      %broadcast_in_dim3A_163 = vector.shape_cast %select_n3A_160 : vector<4x1x1xf32> to vector<4x1x1xf32>
      %broadcast_in_dim3A_164 = vector.broadcast %broadcast_in_dim3A_163 : vector<4x1x1xf32> to vector<4x1x128xf32>
      %select_n3A_165 = arith.select %broadcast_in_dim3A_162, %broadcast_in_dim3A_164, %scan3A_79 : vector<4x1x128xi1>, vector<4x1x128xf32>
      %jit3A_166 = arith.constant 0.000000e+00 : f32
      %broadcast_in_dim3A_167 = vector.broadcast %jit3A_166 : f32 to vector<4x1x1xf32>
      %select_n3A_168 = arith.select %gt3A_104, %reshape3A_128, %broadcast_in_dim3A_167 : vector<4x1x1xi1>, vector<4x1x1xf32>
      %broadcast_in_dim3A_169 = vector.shape_cast %eq3A_149 : vector<1x1x128xi1> to vector<1x1x128xi1>
      %broadcast_in_dim3A_170 = vector.broadcast %broadcast_in_dim3A_169 : vector<1x1x128xi1> to vector<4x1x128xi1>
      %broadcast_in_dim3A_171 = vector.shape_cast %select_n3A_168 : vector<4x1x1xf32> to vector<4x1x1xf32>
      %broadcast_in_dim3A_172 = vector.broadcast %broadcast_in_dim3A_171 : vector<4x1x1xf32> to vector<4x1x128xf32>
      %select_n3A_173 = arith.select %broadcast_in_dim3A_170, %broadcast_in_dim3A_172, %scan3A_80 : vector<4x1x128xi1>, vector<4x1x128xf32>
      %jit3A_174 = arith.constant 0.000000e+00 : f32
      %broadcast_in_dim3A_175 = vector.broadcast %jit3A_174 : f32 to vector<4x1x1xf32>
      %select_n3A_176 = arith.select %gt3A_104, %reshape3A_136, %broadcast_in_dim3A_175 : vector<4x1x1xi1>, vector<4x1x1xf32>
      %broadcast_in_dim3A_177 = vector.shape_cast %eq3A_149 : vector<1x1x128xi1> to vector<1x1x128xi1>
      %broadcast_in_dim3A_178 = vector.broadcast %broadcast_in_dim3A_177 : vector<1x1x128xi1> to vector<4x1x128xi1>
      %broadcast_in_dim3A_179 = vector.shape_cast %select_n3A_176 : vector<4x1x1xf32> to vector<4x1x1xf32>
      %broadcast_in_dim3A_180 = vector.broadcast %broadcast_in_dim3A_179 : vector<4x1x1xf32> to vector<4x1x128xf32>
      %select_n3A_181 = arith.select %broadcast_in_dim3A_178, %broadcast_in_dim3A_180, %scan3A_81 : vector<4x1x128xi1>, vector<4x1x128xf32>
      %jit3A_182 = arith.constant 0.000000e+00 : f32
      %broadcast_in_dim3A_183 = vector.broadcast %jit3A_182 : f32 to vector<4x1x1xf32>
      %select_n3A_184 = arith.select %gt3A_104, %reshape3A_87, %broadcast_in_dim3A_183 : vector<4x1x1xi1>, vector<4x1x1xf32>
      %broadcast_in_dim3A_185 = vector.shape_cast %eq3A_149 : vector<1x1x128xi1> to vector<1x1x128xi1>
      %broadcast_in_dim3A_186 = vector.broadcast %broadcast_in_dim3A_185 : vector<1x1x128xi1> to vector<4x1x128xi1>
      %broadcast_in_dim3A_187 = vector.shape_cast %select_n3A_184 : vector<4x1x1xf32> to vector<4x1x1xf32>
      %broadcast_in_dim3A_188 = vector.broadcast %broadcast_in_dim3A_187 : vector<4x1x1xf32> to vector<4x1x128xf32>
      %select_n3A_189 = arith.select %broadcast_in_dim3A_186, %broadcast_in_dim3A_188, %scan3A_82 : vector<4x1x128xi1>, vector<4x1x128xf32>
      %jit3A_190 = arith.constant 0.000000e+00 : f32
      %broadcast_in_dim3A_191 = vector.broadcast %jit3A_190 : f32 to vector<4x1x1xf32>
      %select_n3A_192 = arith.select %gt3A_104, %reshape3A_146, %broadcast_in_dim3A_191 : vector<4x1x1xi1>, vector<4x1x1xf32>
      %broadcast_in_dim3A_193 = vector.shape_cast %eq3A_149 : vector<1x1x128xi1> to vector<1x1x128xi1>
      %broadcast_in_dim3A_194 = vector.broadcast %broadcast_in_dim3A_193 : vector<1x1x128xi1> to vector<4x1x128xi1>
      %broadcast_in_dim3A_195 = vector.shape_cast %select_n3A_192 : vector<4x1x1xf32> to vector<4x1x1xf32>
      %broadcast_in_dim3A_196 = vector.broadcast %broadcast_in_dim3A_195 : vector<4x1x1xf32> to vector<4x1x128xf32>
      %select_n3A_197 = arith.select %broadcast_in_dim3A_194, %broadcast_in_dim3A_196, %scan3A_83 : vector<4x1x128xi1>, vector<4x1x128xf32>
      %jit3A_198 = arith.constant -1.000000e+09 : f32
      %broadcast_in_dim3A_199 = vector.broadcast %jit3A_198 : f32 to vector<4x24x128xf32>
      %select_n3A_200 = arith.select %eq3A_101, %broadcast_in_dim3A_199, %scan3A_77 : vector<4x24x128xi1>, vector<4x24x128xf32>
      scf.yield %select_n3A_200, %select_n3A_157, %select_n3A_165, %select_n3A_173, %select_n3A_181, %select_n3A_189, %select_n3A_197 : vector<4x24x128xf32>, vector<4x1x128xf32>, vector<4x1x128xf32>, vector<4x1x128xf32>, vector<4x1x128xf32>, vector<4x1x128xf32>, vector<4x1x128xf32>
    }
    %scan3A_68 = arith.constant 100 : i32
    %broadcast_in_dim3A_69 = vector.shape_cast %min3A_52 : vector<4x1x1xf32> to vector<4x1x1xf32>
    %broadcast_in_dim3A_70 = vector.broadcast %broadcast_in_dim3A_69 : vector<4x1x1xf32> to vector<4x1x128xf32>
    %broadcast_in_dim3A_71 = vector.shape_cast %broadcast_in_dim3A_47 : vector<4x1x1xf32> to vector<4x1x1xf32>
    %broadcast_in_dim3A_72 = vector.broadcast %broadcast_in_dim3A_71 : vector<4x1x1xf32> to vector<4x1x128xf32>
    %concatenate3A = tpu.concatenate %scan3A_67#1, %scan3A_67#2, %scan3A_67#3, %scan3A_67#4, %scan3A_67#5, %scan3A_67#6, %broadcast_in_dim3A_70, %broadcast_in_dim3A_72 in 1 : vector<4x1x128xf32>, vector<4x1x128xf32>, vector<4x1x128xf32>, vector<4x1x128xf32>, vector<4x1x128xf32>, vector<4x1x128xf32>, vector<4x1x128xf32>, vector<4x1x128xf32> -> vector<4x8x128xf32>
    %swap3A = arith.constant 0 : index
    %swap3A_73 = arith.constant 0 : index
    %swap3A_74 = arith.constant 0 : index
    %swap3A_75 = vector.load %arg6[%swap3A, %swap3A_73, %swap3A_74] : memref<4x8x128xf32, #tpu.memory_space<vmem>>, vector<4x8x128xf32>
    tpu.vector_store %arg6[%swap3A, %swap3A_73, %swap3A_74], %concatenate3A {strides = array<i32>} : memref<4x8x128xf32, #tpu.memory_space<vmem>>, vector<4x8x128xf32>,
    return
  }
}

module attributes {stable_mosaic.version = 14 : i64} {
  func.func @_full_body(%arg0: i32, %arg1: memref<1x8x20480xf32, #tpu.memory_space<vmem>>, %arg2: memref<8x20480xf32, #tpu.memory_space<vmem>>, %arg3: memref<1x24x20480xf32, #tpu.memory_space<vmem>>, %arg4: memref<1x8x128xf32, #tpu.memory_space<vmem>>) attributes {dimension_semantics = [#tpu.dimension_semantics<arbitrary>], iteration_bounds = array<i64: 4>, scalar_prefetch = 0 : i64, scratch_operands = 0 : i64, tpu.core_type = #tpu.core_type<tc>, window_params = [{transform_indices = @transform_0, window_bounds = array<i64: 1, 8, 20480>}, {pipeline_mode = #tpu.pipeline_mode<synchronous>, transform_indices = @transform_1, window_bounds = array<i64: 8, 20480>}, {transform_indices = @transform_2, window_bounds = array<i64: 1, 24, 20480>}, {transform_indices = @transform_3, window_bounds = array<i64: 1, 8, 128>}]} {
    %get3A = arith.constant 0 : index
    %get3A_0 = arith.constant 0 : index
    %get3A_1 = vector.load %arg2[%get3A, %get3A_0] : memref<8x20480xf32, #tpu.memory_space<vmem>>, vector<1x20480xf32>
    %get3A_2 = arith.constant 1 : index
    %get3A_3 = arith.constant 0 : index
    %get3A_4 = vector.load %arg2[%get3A_2, %get3A_3] : memref<8x20480xf32, #tpu.memory_space<vmem>>, vector<1x20480xf32>
    %get3A_5 = arith.constant 2 : index
    %get3A_6 = arith.constant 0 : index
    %get3A_7 = vector.load %arg2[%get3A_5, %get3A_6] : memref<8x20480xf32, #tpu.memory_space<vmem>>, vector<1x20480xf32>
    %get3A_8 = arith.constant 3 : index
    %get3A_9 = arith.constant 0 : index
    %get3A_10 = vector.load %arg2[%get3A_8, %get3A_9] : memref<8x20480xf32, #tpu.memory_space<vmem>>, vector<1x20480xf32>
    %add3A = arith.addf %get3A_1, %get3A_7 : vector<1x20480xf32>
    %div3A = arith.constant 2.000000e+00 : f32
    %div3A_11 = vector.broadcast %div3A : f32 to vector<1x20480xf32>
    %div3A_12 = arith.divf %add3A, %div3A_11 : vector<1x20480xf32>
    %add3A_13 = arith.addf %get3A_4, %get3A_10 : vector<1x20480xf32>
    %div3A_14 = arith.constant 2.000000e+00 : f32
    %div3A_15 = vector.broadcast %div3A_14 : f32 to vector<1x20480xf32>
    %div3A_16 = arith.divf %add3A_13, %div3A_15 : vector<1x20480xf32>
    %sub3A = arith.subf %get3A_7, %get3A_1 : vector<1x20480xf32>
    %sub3A_17 = arith.subf %get3A_10, %get3A_4 : vector<1x20480xf32>
    %get3A_18 = arith.constant 0 : index
    %get3A_19 = arith.constant 0 : index
    %get3A_20 = arith.constant 0 : index
    %get3A_21 = vector.load %arg1[%get3A_18, %get3A_19, %get3A_20] : memref<1x8x20480xf32, #tpu.memory_space<vmem>>, vector<1x1x20480xf32>
    %get3A_22 = vector.shape_cast %get3A_21 : vector<1x1x20480xf32> to vector<1x20480xf32>
    %div3A_23 = arith.constant 1.000000e+01 : f32
    %div3A_24 = vector.broadcast %div3A_23 : f32 to vector<1x20480xf32>
    %div3A_25 = arith.divf %get3A_22, %div3A_24 : vector<1x20480xf32>
    %get3A_26 = arith.constant 0 : index
    %get3A_27 = arith.constant 1 : index
    %get3A_28 = arith.constant 0 : index
    %get3A_29 = vector.load %arg1[%get3A_26, %get3A_27, %get3A_28] : memref<1x8x20480xf32, #tpu.memory_space<vmem>>, vector<1x1x20480xf32>
    %get3A_30 = vector.shape_cast %get3A_29 : vector<1x1x20480xf32> to vector<1x20480xf32>
    %div3A_31 = arith.constant 1.000000e+01 : f32
    %div3A_32 = vector.broadcast %div3A_31 : f32 to vector<1x20480xf32>
    %div3A_33 = arith.divf %get3A_30, %div3A_32 : vector<1x20480xf32>
    %get3A_34 = arith.constant 0 : index
    %get3A_35 = arith.constant 2 : index
    %get3A_36 = arith.constant 0 : index
    %get3A_37 = vector.load %arg1[%get3A_34, %get3A_35, %get3A_36] : memref<1x8x20480xf32, #tpu.memory_space<vmem>>, vector<1x1x20480xf32>
    %get3A_38 = vector.shape_cast %get3A_37 : vector<1x1x20480xf32> to vector<1x20480xf32>
    %div3A_39 = arith.constant 5.000000e+00 : f32
    %div3A_40 = vector.broadcast %div3A_39 : f32 to vector<1x20480xf32>
    %div3A_41 = arith.divf %get3A_38, %div3A_40 : vector<1x20480xf32>
    %get3A_42 = arith.constant 0 : index
    %get3A_43 = arith.constant 3 : index
    %get3A_44 = arith.constant 0 : index
    %get3A_45 = vector.load %arg1[%get3A_42, %get3A_43, %get3A_44] : memref<1x8x20480xf32, #tpu.memory_space<vmem>>, vector<1x1x20480xf32>
    %get3A_46 = vector.shape_cast %get3A_45 : vector<1x1x20480xf32> to vector<1x20480xf32>
    %div3A_47 = arith.constant 5.000000e+00 : f32
    %div3A_48 = vector.broadcast %div3A_47 : f32 to vector<1x20480xf32>
    %div3A_49 = arith.divf %get3A_46, %div3A_48 : vector<1x20480xf32>
    %exp3A = math.exp %div3A_41 : vector<1x20480xf32>
    %mul3A = arith.mulf %exp3A, %sub3A : vector<1x20480xf32>
    %exp3A_50 = math.exp %div3A_49 : vector<1x20480xf32>
    %mul3A_51 = arith.mulf %exp3A_50, %sub3A_17 : vector<1x20480xf32>
    %mul3A_52 = arith.mulf %div3A_25, %sub3A : vector<1x20480xf32>
    %add3A_53 = arith.addf %mul3A_52, %div3A_12 : vector<1x20480xf32>
    %mul3A_54 = arith.mulf %div3A_33, %sub3A_17 : vector<1x20480xf32>
    %add3A_55 = arith.addf %mul3A_54, %div3A_16 : vector<1x20480xf32>
    %div3A_56 = arith.constant 2.000000e+00 : f32
    %div3A_57 = vector.broadcast %div3A_56 : f32 to vector<1x20480xf32>
    %div3A_58 = arith.divf %mul3A, %div3A_57 : vector<1x20480xf32>
    %sub3A_59 = arith.subf %add3A_53, %div3A_58 : vector<1x20480xf32>
    %jit3A = arith.constant 0.000000e+00 : f32
    %jit3A_60 = arith.constant 5.120000e+02 : f32
    %max3A = vector.broadcast %jit3A : f32 to vector<1x20480xf32>
    %max3A_61 = arith.maximumf %max3A, %sub3A_59 : vector<1x20480xf32>
    %min3A = vector.broadcast %jit3A_60 : f32 to vector<1x20480xf32>
    %min3A_62 = arith.minimumf %min3A, %max3A_61 : vector<1x20480xf32>
    %div3A_63 = arith.constant 2.000000e+00 : f32
    %div3A_64 = vector.broadcast %div3A_63 : f32 to vector<1x20480xf32>
    %div3A_65 = arith.divf %mul3A_51, %div3A_64 : vector<1x20480xf32>
    %sub3A_66 = arith.subf %add3A_55, %div3A_65 : vector<1x20480xf32>
    %jit3A_67 = arith.constant 0.000000e+00 : f32
    %jit3A_68 = arith.constant 5.120000e+02 : f32
    %max3A_69 = vector.broadcast %jit3A_67 : f32 to vector<1x20480xf32>
    %max3A_70 = arith.maximumf %max3A_69, %sub3A_66 : vector<1x20480xf32>
    %min3A_71 = vector.broadcast %jit3A_68 : f32 to vector<1x20480xf32>
    %min3A_72 = arith.minimumf %min3A_71, %max3A_70 : vector<1x20480xf32>
    %div3A_73 = arith.constant 2.000000e+00 : f32
    %div3A_74 = vector.broadcast %div3A_73 : f32 to vector<1x20480xf32>
    %div3A_75 = arith.divf %mul3A, %div3A_74 : vector<1x20480xf32>
    %add3A_76 = arith.addf %add3A_53, %div3A_75 : vector<1x20480xf32>
    %jit3A_77 = arith.constant 0.000000e+00 : f32
    %jit3A_78 = arith.constant 5.120000e+02 : f32
    %max3A_79 = vector.broadcast %jit3A_77 : f32 to vector<1x20480xf32>
    %max3A_80 = arith.maximumf %max3A_79, %add3A_76 : vector<1x20480xf32>
    %min3A_81 = vector.broadcast %jit3A_78 : f32 to vector<1x20480xf32>
    %min3A_82 = arith.minimumf %min3A_81, %max3A_80 : vector<1x20480xf32>
    %div3A_83 = arith.constant 2.000000e+00 : f32
    %div3A_84 = vector.broadcast %div3A_83 : f32 to vector<1x20480xf32>
    %div3A_85 = arith.divf %mul3A_51, %div3A_84 : vector<1x20480xf32>
    %add3A_86 = arith.addf %add3A_55, %div3A_85 : vector<1x20480xf32>
    %jit3A_87 = arith.constant 0.000000e+00 : f32
    %jit3A_88 = arith.constant 5.120000e+02 : f32
    %max3A_89 = vector.broadcast %jit3A_87 : f32 to vector<1x20480xf32>
    %max3A_90 = arith.maximumf %max3A_89, %add3A_86 : vector<1x20480xf32>
    %min3A_91 = vector.broadcast %jit3A_88 : f32 to vector<1x20480xf32>
    %min3A_92 = arith.minimumf %min3A_91, %max3A_90 : vector<1x20480xf32>
    %sub3A_93 = arith.subf %min3A_82, %min3A_62 : vector<1x20480xf32>
    %sub3A_94 = arith.subf %min3A_92, %min3A_72 : vector<1x20480xf32>
    %mul3A_95 = arith.mulf %sub3A_93, %sub3A_94 : vector<1x20480xf32>
    %get3A_96 = arith.constant 0 : index
    %get3A_97 = arith.constant 0 : index
    %get3A_98 = arith.constant 0 : index
    %get3A_99 = vector.load %arg3[%get3A_96, %get3A_97, %get3A_98] : memref<1x24x20480xf32, #tpu.memory_space<vmem>>, vector<1x24x20480xf32>
    %get3A_100 = vector.shape_cast %get3A_99 : vector<1x24x20480xf32> to vector<24x20480xf32>
    %logistic3A = arith.negf %get3A_100 : vector<24x20480xf32>
    %logistic3A_101 = math.exp %logistic3A : vector<24x20480xf32>
    %logistic3A_102 = arith.constant 1.000000e+00 : f32
    %logistic3A_103 = vector.broadcast %logistic3A_102 : f32 to vector<24x20480xf32>
    %logistic3A_104 = arith.addf %logistic3A_103, %logistic3A_101 : vector<24x20480xf32>
    %logistic3A_105 = arith.divf %logistic3A_103, %logistic3A_104 : vector<24x20480xf32>
    %gt3A = arith.constant 3.000000e-01 : f32
    %gt3A_106 = vector.broadcast %gt3A : f32 to vector<24x20480xf32>
    %gt3A_107 = arith.cmpf ogt, %logistic3A_105, %gt3A_106 : vector<24x20480xf32>
    %jit3A_108 = arith.constant -1.000000e+09 : f32
    %broadcast_in_dim3A = vector.broadcast %jit3A_108 : f32 to vector<24x20480xf32>
    %select_n3A = arith.select %gt3A_107, %logistic3A_105, %broadcast_in_dim3A : vector<24x20480xi1>, vector<24x20480xf32>
    %iota3A = tpu.iota {dimensions = array<i32: 1>} : vector<1x20480xi32>
    %convert_element_type3A = arith.sitofp %iota3A : vector<1x20480xi32> to vector<1x20480xf32>
    %iota3A_109 = tpu.iota {dimensions = array<i32: 1>} : vector<1x128xi32>
    %convert_element_type3A_110 = arith.sitofp %iota3A_109 : vector<1x128xi32> to vector<1x128xf32>
    %broadcast_in_dim3A_111 = arith.constant -1.000000e+09 : f32
    %broadcast_in_dim3A_112 = vector.broadcast %broadcast_in_dim3A_111 : f32 to vector<24x128xf32>
    %broadcast_in_dim3A_113 = arith.constant 0.000000e+00 : f32
    %broadcast_in_dim3A_114 = vector.broadcast %broadcast_in_dim3A_113 : f32 to vector<24x128xf32>
    %scan3A = arith.constant 0 : i32
    %scan3A_115 = arith.constant 100 : i32
    %scan3A_116 = arith.addi %scan3A, %scan3A_115 : i32
    %scan3A_117 = arith.constant 1 : i32
    %scan3A_118:6 = scf.for %scan3A_149 = %scan3A to %scan3A_116 step %scan3A_117 iter_args(%scan3A_150 = %select_n3A, %scan3A_151 = %broadcast_in_dim3A_112, %scan3A_152 = %broadcast_in_dim3A_114, %scan3A_153 = %broadcast_in_dim3A_114, %scan3A_154 = %broadcast_in_dim3A_114, %scan3A_155 = %broadcast_in_dim3A_114) -> (vector<24x20480xf32>, vector<24x128xf32>, vector<24x128xf32>, vector<24x128xf32>, vector<24x128xf32>, vector<24x128xf32>)  : i32 {
      %reduce_max3A = arith.constant dense<0xFF800000> : vector<24xf32>
      %reduce_max3A_156 = vector.multi_reduction <maximumf>, %scan3A_150, %reduce_max3A [1] : vector<24x20480xf32> to vector<24xf32>
      %broadcast_in_dim3A_157 = vector.shape_cast %reduce_max3A_156 : vector<24xf32> to vector<24x1xf32>
      %eq3A = vector.broadcast %broadcast_in_dim3A_157 : vector<24x1xf32> to vector<24x20480xf32>
      %eq3A_158 = arith.cmpf oeq, %scan3A_150, %eq3A : vector<24x20480xf32>
      %jit3A_159 = arith.constant 2.048000e+04 : f32
      %broadcast_in_dim3A_160 = vector.shape_cast %convert_element_type3A : vector<1x20480xf32> to vector<1x20480xf32>
      %broadcast_in_dim3A_161 = vector.broadcast %broadcast_in_dim3A_160 : vector<1x20480xf32> to vector<24x20480xf32>
      %broadcast_in_dim3A_162 = vector.broadcast %jit3A_159 : f32 to vector<24x20480xf32>
      %select_n3A_163 = arith.select %eq3A_158, %broadcast_in_dim3A_161, %broadcast_in_dim3A_162 : vector<24x20480xi1>, vector<24x20480xf32>
      %reduce_min3A = arith.constant dense<0x7F800000> : vector<24xf32>
      %reduce_min3A_164 = vector.multi_reduction <minimumf>, %select_n3A_163, %reduce_min3A [1] : vector<24x20480xf32> to vector<24xf32>
      %broadcast_in_dim3A_165 = vector.shape_cast %reduce_min3A_164 : vector<24xf32> to vector<24x1xf32>
      %eq3A_166 = vector.broadcast %convert_element_type3A : vector<1x20480xf32> to vector<24x20480xf32>
      %eq3A_167 = vector.broadcast %broadcast_in_dim3A_165 : vector<24x1xf32> to vector<24x20480xf32>
      %eq3A_168 = arith.cmpf oeq, %eq3A_166, %eq3A_167 : vector<24x20480xf32>
      %jit3A_169 = arith.constant 0.000000e+00 : f32
      %broadcast_in_dim3A_170 = vector.shape_cast %min3A_62 : vector<1x20480xf32> to vector<1x20480xf32>
      %broadcast_in_dim3A_171 = vector.broadcast %broadcast_in_dim3A_170 : vector<1x20480xf32> to vector<24x20480xf32>
      %broadcast_in_dim3A_172 = vector.broadcast %jit3A_169 : f32 to vector<24x20480xf32>
      %select_n3A_173 = arith.select %eq3A_168, %broadcast_in_dim3A_171, %broadcast_in_dim3A_172 : vector<24x20480xi1>, vector<24x20480xf32>
      %reduce_sum3A_174 = arith.constant dense<0.000000e+00> : vector<24xf32>
      %reduce_sum3A_175 = vector.multi_reduction <add>, %select_n3A_173, %reduce_sum3A_174 [1] : vector<24x20480xf32> to vector<24xf32>
      %broadcast_in_dim3A_176 = vector.shape_cast %reduce_sum3A_175 : vector<24xf32> to vector<24x1xf32>
      %jit3A_177 = arith.constant 0.000000e+00 : f32
      %broadcast_in_dim3A_178 = vector.shape_cast %min3A_72 : vector<1x20480xf32> to vector<1x20480xf32>
      %broadcast_in_dim3A_179 = vector.broadcast %broadcast_in_dim3A_178 : vector<1x20480xf32> to vector<24x20480xf32>
      %broadcast_in_dim3A_180 = vector.broadcast %jit3A_177 : f32 to vector<24x20480xf32>
      %select_n3A_181 = arith.select %eq3A_168, %broadcast_in_dim3A_179, %broadcast_in_dim3A_180 : vector<24x20480xi1>, vector<24x20480xf32>
      %reduce_sum3A_182 = arith.constant dense<0.000000e+00> : vector<24xf32>
      %reduce_sum3A_183 = vector.multi_reduction <add>, %select_n3A_181, %reduce_sum3A_182 [1] : vector<24x20480xf32> to vector<24xf32>
      %broadcast_in_dim3A_184 = vector.shape_cast %reduce_sum3A_183 : vector<24xf32> to vector<24x1xf32>
      %jit3A_185 = arith.constant 0.000000e+00 : f32
      %broadcast_in_dim3A_186 = vector.shape_cast %min3A_82 : vector<1x20480xf32> to vector<1x20480xf32>
      %broadcast_in_dim3A_187 = vector.broadcast %broadcast_in_dim3A_186 : vector<1x20480xf32> to vector<24x20480xf32>
      %broadcast_in_dim3A_188 = vector.broadcast %jit3A_185 : f32 to vector<24x20480xf32>
      %select_n3A_189 = arith.select %eq3A_168, %broadcast_in_dim3A_187, %broadcast_in_dim3A_188 : vector<24x20480xi1>, vector<24x20480xf32>
      %reduce_sum3A_190 = arith.constant dense<0.000000e+00> : vector<24xf32>
      %reduce_sum3A_191 = vector.multi_reduction <add>, %select_n3A_189, %reduce_sum3A_190 [1] : vector<24x20480xf32> to vector<24xf32>
      %broadcast_in_dim3A_192 = vector.shape_cast %reduce_sum3A_191 : vector<24xf32> to vector<24x1xf32>
      %jit3A_193 = arith.constant 0.000000e+00 : f32
      %broadcast_in_dim3A_194 = vector.shape_cast %min3A_92 : vector<1x20480xf32> to vector<1x20480xf32>
      %broadcast_in_dim3A_195 = vector.broadcast %broadcast_in_dim3A_194 : vector<1x20480xf32> to vector<24x20480xf32>
      %broadcast_in_dim3A_196 = vector.broadcast %jit3A_193 : f32 to vector<24x20480xf32>
      %select_n3A_197 = arith.select %eq3A_168, %broadcast_in_dim3A_195, %broadcast_in_dim3A_196 : vector<24x20480xi1>, vector<24x20480xf32>
      %reduce_sum3A_198 = arith.constant dense<0.000000e+00> : vector<24xf32>
      %reduce_sum3A_199 = vector.multi_reduction <add>, %select_n3A_197, %reduce_sum3A_198 [1] : vector<24x20480xf32> to vector<24xf32>
      %broadcast_in_dim3A_200 = vector.shape_cast %reduce_sum3A_199 : vector<24xf32> to vector<24x1xf32>
      %max3A_201 = vector.broadcast %broadcast_in_dim3A_176 : vector<24x1xf32> to vector<24x20480xf32>
      %max3A_202 = vector.broadcast %min3A_62 : vector<1x20480xf32> to vector<24x20480xf32>
      %max3A_203 = arith.maximumf %max3A_201, %max3A_202 : vector<24x20480xf32>
      %max3A_204 = vector.broadcast %broadcast_in_dim3A_184 : vector<24x1xf32> to vector<24x20480xf32>
      %max3A_205 = vector.broadcast %min3A_72 : vector<1x20480xf32> to vector<24x20480xf32>
      %max3A_206 = arith.maximumf %max3A_204, %max3A_205 : vector<24x20480xf32>
      %min3A_207 = vector.broadcast %broadcast_in_dim3A_192 : vector<24x1xf32> to vector<24x20480xf32>
      %min3A_208 = vector.broadcast %min3A_82 : vector<1x20480xf32> to vector<24x20480xf32>
      %min3A_209 = arith.minimumf %min3A_207, %min3A_208 : vector<24x20480xf32>
      %min3A_210 = vector.broadcast %broadcast_in_dim3A_200 : vector<24x1xf32> to vector<24x20480xf32>
      %min3A_211 = vector.broadcast %min3A_92 : vector<1x20480xf32> to vector<24x20480xf32>
      %min3A_212 = arith.minimumf %min3A_210, %min3A_211 : vector<24x20480xf32>
      %sub3A_213 = arith.subf %min3A_209, %max3A_203 : vector<24x20480xf32>
      %max3A_214 = arith.constant 0.000000e+00 : f32
      %max3A_215 = vector.broadcast %max3A_214 : f32 to vector<24x20480xf32>
      %max3A_216 = arith.maximumf %sub3A_213, %max3A_215 : vector<24x20480xf32>
      %sub3A_217 = arith.subf %min3A_212, %max3A_206 : vector<24x20480xf32>
      %max3A_218 = arith.constant 0.000000e+00 : f32
      %max3A_219 = vector.broadcast %max3A_218 : f32 to vector<24x20480xf32>
      %max3A_220 = arith.maximumf %sub3A_217, %max3A_219 : vector<24x20480xf32>
      %mul3A_221 = arith.mulf %max3A_216, %max3A_220 : vector<24x20480xf32>
      %sub3A_222 = arith.subf %broadcast_in_dim3A_192, %broadcast_in_dim3A_176 : vector<24x1xf32>
      %sub3A_223 = arith.subf %broadcast_in_dim3A_200, %broadcast_in_dim3A_184 : vector<24x1xf32>
      %mul3A_224 = arith.mulf %sub3A_222, %sub3A_223 : vector<24x1xf32>
      %add3A_225 = vector.broadcast %mul3A_224 : vector<24x1xf32> to vector<24x20480xf32>
      %add3A_226 = vector.broadcast %mul3A_95 : vector<1x20480xf32> to vector<24x20480xf32>
      %add3A_227 = arith.addf %add3A_225, %add3A_226 : vector<24x20480xf32>
      %sub3A_228 = arith.subf %add3A_227, %mul3A_221 : vector<24x20480xf32>
      %add3A_229 = arith.constant 9.99999993E-9 : f32
      %add3A_230 = vector.broadcast %add3A_229 : f32 to vector<24x20480xf32>
      %add3A_231 = arith.addf %sub3A_228, %add3A_230 : vector<24x20480xf32>
      %div3A_232 = arith.divf %mul3A_221, %add3A_231 : vector<24x20480xf32>
      %gt3A_233 = arith.constant 5.000000e-01 : f32
      %gt3A_234 = vector.broadcast %gt3A_233 : f32 to vector<24x20480xf32>
      %gt3A_235 = arith.cmpf ogt, %div3A_232, %gt3A_234 : vector<24x20480xf32>
      %or3A = arith.ori %gt3A_235, %eq3A_168 : vector<24x20480xi1>
      %jit3A_236 = arith.constant -1.000000e+09 : f32
      %broadcast_in_dim3A_237 = vector.broadcast %jit3A_236 : f32 to vector<24x20480xf32>
      %select_n3A_238 = arith.select %or3A, %broadcast_in_dim3A_237, %scan3A_150 : vector<24x20480xi1>, vector<24x20480xf32>
      %convert_element_type3A_239 = arith.sitofp %scan3A_149 : i32 to f32
      %eq3A_240 = vector.broadcast %convert_element_type3A_239 : f32 to vector<1x128xf32>
      %eq3A_241 = arith.cmpf oeq, %convert_element_type3A_110, %eq3A_240 : vector<1x128xf32>
      %broadcast_in_dim3A_242 = vector.shape_cast %eq3A_241 : vector<1x128xi1> to vector<1x128xi1>
      %broadcast_in_dim3A_243 = vector.broadcast %broadcast_in_dim3A_242 : vector<1x128xi1> to vector<24x128xi1>
      %broadcast_in_dim3A_244 = vector.shape_cast %broadcast_in_dim3A_157 : vector<24x1xf32> to vector<24x1xf32>
      %broadcast_in_dim3A_245 = vector.broadcast %broadcast_in_dim3A_244 : vector<24x1xf32> to vector<24x128xf32>
      %select_n3A_246 = arith.select %broadcast_in_dim3A_243, %broadcast_in_dim3A_245, %scan3A_151 : vector<24x128xi1>, vector<24x128xf32>
      %broadcast_in_dim3A_247 = vector.shape_cast %eq3A_241 : vector<1x128xi1> to vector<1x128xi1>
      %broadcast_in_dim3A_248 = vector.broadcast %broadcast_in_dim3A_247 : vector<1x128xi1> to vector<24x128xi1>
      %broadcast_in_dim3A_249 = vector.shape_cast %broadcast_in_dim3A_176 : vector<24x1xf32> to vector<24x1xf32>
      %broadcast_in_dim3A_250 = vector.broadcast %broadcast_in_dim3A_249 : vector<24x1xf32> to vector<24x128xf32>
      %select_n3A_251 = arith.select %broadcast_in_dim3A_248, %broadcast_in_dim3A_250, %scan3A_152 : vector<24x128xi1>, vector<24x128xf32>
      %broadcast_in_dim3A_252 = vector.shape_cast %eq3A_241 : vector<1x128xi1> to vector<1x128xi1>
      %broadcast_in_dim3A_253 = vector.broadcast %broadcast_in_dim3A_252 : vector<1x128xi1> to vector<24x128xi1>
      %broadcast_in_dim3A_254 = vector.shape_cast %broadcast_in_dim3A_184 : vector<24x1xf32> to vector<24x1xf32>
      %broadcast_in_dim3A_255 = vector.broadcast %broadcast_in_dim3A_254 : vector<24x1xf32> to vector<24x128xf32>
      %select_n3A_256 = arith.select %broadcast_in_dim3A_253, %broadcast_in_dim3A_255, %scan3A_153 : vector<24x128xi1>, vector<24x128xf32>
      %broadcast_in_dim3A_257 = vector.shape_cast %eq3A_241 : vector<1x128xi1> to vector<1x128xi1>
      %broadcast_in_dim3A_258 = vector.broadcast %broadcast_in_dim3A_257 : vector<1x128xi1> to vector<24x128xi1>
      %broadcast_in_dim3A_259 = vector.shape_cast %broadcast_in_dim3A_192 : vector<24x1xf32> to vector<24x1xf32>
      %broadcast_in_dim3A_260 = vector.broadcast %broadcast_in_dim3A_259 : vector<24x1xf32> to vector<24x128xf32>
      %select_n3A_261 = arith.select %broadcast_in_dim3A_258, %broadcast_in_dim3A_260, %scan3A_154 : vector<24x128xi1>, vector<24x128xf32>
      %broadcast_in_dim3A_262 = vector.shape_cast %eq3A_241 : vector<1x128xi1> to vector<1x128xi1>
      %broadcast_in_dim3A_263 = vector.broadcast %broadcast_in_dim3A_262 : vector<1x128xi1> to vector<24x128xi1>
      %broadcast_in_dim3A_264 = vector.shape_cast %broadcast_in_dim3A_200 : vector<24x1xf32> to vector<24x1xf32>
      %broadcast_in_dim3A_265 = vector.broadcast %broadcast_in_dim3A_264 : vector<24x1xf32> to vector<24x128xf32>
      %select_n3A_266 = arith.select %broadcast_in_dim3A_263, %broadcast_in_dim3A_265, %scan3A_155 : vector<24x128xi1>, vector<24x128xf32>
      scf.yield %select_n3A_238, %select_n3A_246, %select_n3A_251, %select_n3A_256, %select_n3A_261, %select_n3A_266 : vector<24x20480xf32>, vector<24x128xf32>, vector<24x128xf32>, vector<24x128xf32>, vector<24x128xf32>, vector<24x128xf32>
    }
    %scan3A_119 = arith.constant 100 : i32
    %gt3A_120 = arith.constant -5.000000e+08 : f32
    %gt3A_121 = vector.broadcast %gt3A_120 : f32 to vector<24x128xf32>
    %gt3A_122 = arith.cmpf ogt, %scan3A_118#1, %gt3A_121 : vector<24x128xf32>
    %convert_element_type3A_123 = arith.extui %gt3A_122 : vector<24x128xi1> to vector<24x128xi32>
    %convert_element_type3A_124 = arith.sitofp %convert_element_type3A_123 : vector<24x128xi32> to vector<24x128xf32>
    %reduce_sum3A = vector.shape_cast %convert_element_type3A_124 : vector<24x128xf32> to vector<1x24x128xf32>
    %reduce_sum3A_125 = arith.constant dense<0.000000e+00> : vector<1xf32>
    %reduce_sum3A_126 = vector.multi_reduction <add>, %reduce_sum3A, %reduce_sum3A_125 [1, 2] : vector<1x24x128xf32> to vector<1xf32>
    %reduce_sum3A_127 = vector.shape_cast %reduce_sum3A_126 : vector<1xf32> to vector<1x1x1xf32>
    %reduce_sum3A_128 = vector.extract %reduce_sum3A_127[0, 0, 0] : f32 from vector<1x1x1xf32>
    %min3A_129 = arith.constant 1.000000e+02 : f32
    %min3A_130 = arith.minimumf %reduce_sum3A_128, %min3A_129 : f32
    %iota3A_131 = tpu.iota {dimensions = array<i32: 0>} : vector<24x128xi32>
    %convert_element_type3A_132 = arith.sitofp %iota3A_131 : vector<24x128xi32> to vector<24x128xf32>
    %broadcast_in_dim3A_133 = arith.constant 0.000000e+00 : f32
    %broadcast_in_dim3A_134 = vector.broadcast %broadcast_in_dim3A_133 : f32 to vector<1x128xf32>
    %scan3A_135 = arith.constant 0 : i32
    %scan3A_136 = arith.constant 100 : i32
    %scan3A_137 = arith.addi %scan3A_135, %scan3A_136 : i32
    %scan3A_138 = arith.constant 1 : i32
    %scan3A_139:7 = scf.for %scan3A_149 = %scan3A_135 to %scan3A_137 step %scan3A_138 iter_args(%scan3A_150 = %scan3A_118#1, %scan3A_151 = %broadcast_in_dim3A_134, %scan3A_152 = %broadcast_in_dim3A_134, %scan3A_153 = %broadcast_in_dim3A_134, %scan3A_154 = %broadcast_in_dim3A_134, %scan3A_155 = %broadcast_in_dim3A_134, %scan3A_156 = %broadcast_in_dim3A_134) -> (vector<24x128xf32>, vector<1x128xf32>, vector<1x128xf32>, vector<1x128xf32>, vector<1x128xf32>, vector<1x128xf32>, vector<1x128xf32>)  : i32 {
      %reduce_max3A = vector.shape_cast %scan3A_150 : vector<24x128xf32> to vector<1x24x128xf32>
      %reduce_max3A_157 = arith.constant dense<0xFF800000> : vector<1xf32>
      %reduce_max3A_158 = vector.multi_reduction <maximumf>, %reduce_max3A, %reduce_max3A_157 [1, 2] : vector<1x24x128xf32> to vector<1xf32>
      %reduce_max3A_159 = vector.shape_cast %reduce_max3A_158 : vector<1xf32> to vector<1x1x1xf32>
      %reduce_max3A_160 = vector.extract %reduce_max3A_159[0, 0, 0] : f32 from vector<1x1x1xf32>
      %mul3A_161 = arith.constant 1.280000e+02 : f32
      %mul3A_162 = vector.broadcast %mul3A_161 : f32 to vector<24x128xf32>
      %mul3A_163 = arith.mulf %convert_element_type3A_132, %mul3A_162 : vector<24x128xf32>
      %add3A_164 = vector.broadcast %convert_element_type3A_110 : vector<1x128xf32> to vector<24x128xf32>
      %add3A_165 = arith.addf %mul3A_163, %add3A_164 : vector<24x128xf32>
      %eq3A = vector.broadcast %reduce_max3A_160 : f32 to vector<24x128xf32>
      %eq3A_166 = arith.cmpf oeq, %scan3A_150, %eq3A : vector<24x128xf32>
      %jit3A_167 = arith.constant 3.072000e+03 : f32
      %broadcast_in_dim3A_168 = vector.broadcast %jit3A_167 : f32 to vector<24x128xf32>
      %select_n3A_169 = arith.select %eq3A_166, %add3A_165, %broadcast_in_dim3A_168 : vector<24x128xi1>, vector<24x128xf32>
      %reduce_min3A = vector.shape_cast %select_n3A_169 : vector<24x128xf32> to vector<1x24x128xf32>
      %reduce_min3A_170 = arith.constant dense<0x7F800000> : vector<1xf32>
      %reduce_min3A_171 = vector.multi_reduction <minimumf>, %reduce_min3A, %reduce_min3A_170 [1, 2] : vector<1x24x128xf32> to vector<1xf32>
      %reduce_min3A_172 = vector.shape_cast %reduce_min3A_171 : vector<1xf32> to vector<1x1x1xf32>
      %reduce_min3A_173 = vector.extract %reduce_min3A_172[0, 0, 0] : f32 from vector<1x1x1xf32>
      %eq3A_174 = vector.broadcast %reduce_min3A_173 : f32 to vector<24x128xf32>
      %eq3A_175 = arith.cmpf oeq, %add3A_165, %eq3A_174 : vector<24x128xf32>
      %gt3A_176 = arith.constant -5.000000e+08 : f32
      %gt3A_177 = arith.cmpf ogt, %reduce_max3A_160, %gt3A_176 : f32
      %jit3A_178 = arith.constant 0.000000e+00 : f32
      %broadcast_in_dim3A_179 = vector.broadcast %jit3A_178 : f32 to vector<24x128xf32>
      %select_n3A_180 = arith.select %eq3A_175, %scan3A_118#2, %broadcast_in_dim3A_179 : vector<24x128xi1>, vector<24x128xf32>
      %reduce_sum3A_181 = vector.shape_cast %select_n3A_180 : vector<24x128xf32> to vector<1x24x128xf32>
      %reduce_sum3A_182 = arith.constant dense<0.000000e+00> : vector<1xf32>
      %reduce_sum3A_183 = vector.multi_reduction <add>, %reduce_sum3A_181, %reduce_sum3A_182 [1, 2] : vector<1x24x128xf32> to vector<1xf32>
      %reduce_sum3A_184 = vector.shape_cast %reduce_sum3A_183 : vector<1xf32> to vector<1x1x1xf32>
      %reduce_sum3A_185 = vector.extract %reduce_sum3A_184[0, 0, 0] : f32 from vector<1x1x1xf32>
      %jit3A_186 = arith.constant 0.000000e+00 : f32
      %broadcast_in_dim3A_187 = vector.broadcast %jit3A_186 : f32 to vector<24x128xf32>
      %select_n3A_188 = arith.select %eq3A_175, %scan3A_118#3, %broadcast_in_dim3A_187 : vector<24x128xi1>, vector<24x128xf32>
      %reduce_sum3A_189 = vector.shape_cast %select_n3A_188 : vector<24x128xf32> to vector<1x24x128xf32>
      %reduce_sum3A_190 = arith.constant dense<0.000000e+00> : vector<1xf32>
      %reduce_sum3A_191 = vector.multi_reduction <add>, %reduce_sum3A_189, %reduce_sum3A_190 [1, 2] : vector<1x24x128xf32> to vector<1xf32>
      %reduce_sum3A_192 = vector.shape_cast %reduce_sum3A_191 : vector<1xf32> to vector<1x1x1xf32>
      %reduce_sum3A_193 = vector.extract %reduce_sum3A_192[0, 0, 0] : f32 from vector<1x1x1xf32>
      %jit3A_194 = arith.constant 0.000000e+00 : f32
      %broadcast_in_dim3A_195 = vector.broadcast %jit3A_194 : f32 to vector<24x128xf32>
      %select_n3A_196 = arith.select %eq3A_175, %scan3A_118#4, %broadcast_in_dim3A_195 : vector<24x128xi1>, vector<24x128xf32>
      %reduce_sum3A_197 = vector.shape_cast %select_n3A_196 : vector<24x128xf32> to vector<1x24x128xf32>
      %reduce_sum3A_198 = arith.constant dense<0.000000e+00> : vector<1xf32>
      %reduce_sum3A_199 = vector.multi_reduction <add>, %reduce_sum3A_197, %reduce_sum3A_198 [1, 2] : vector<1x24x128xf32> to vector<1xf32>
      %reduce_sum3A_200 = vector.shape_cast %reduce_sum3A_199 : vector<1xf32> to vector<1x1x1xf32>
      %reduce_sum3A_201 = vector.extract %reduce_sum3A_200[0, 0, 0] : f32 from vector<1x1x1xf32>
      %jit3A_202 = arith.constant 0.000000e+00 : f32
      %broadcast_in_dim3A_203 = vector.broadcast %jit3A_202 : f32 to vector<24x128xf32>
      %select_n3A_204 = arith.select %eq3A_175, %scan3A_118#5, %broadcast_in_dim3A_203 : vector<24x128xi1>, vector<24x128xf32>
      %reduce_sum3A_205 = vector.shape_cast %select_n3A_204 : vector<24x128xf32> to vector<1x24x128xf32>
      %reduce_sum3A_206 = arith.constant dense<0.000000e+00> : vector<1xf32>
      %reduce_sum3A_207 = vector.multi_reduction <add>, %reduce_sum3A_205, %reduce_sum3A_206 [1, 2] : vector<1x24x128xf32> to vector<1xf32>
      %reduce_sum3A_208 = vector.shape_cast %reduce_sum3A_207 : vector<1xf32> to vector<1x1x1xf32>
      %reduce_sum3A_209 = vector.extract %reduce_sum3A_208[0, 0, 0] : f32 from vector<1x1x1xf32>
      %jit3A_210 = arith.constant 0.000000e+00 : f32
      %broadcast_in_dim3A_211 = vector.broadcast %jit3A_210 : f32 to vector<24x128xf32>
      %select_n3A_212 = arith.select %eq3A_175, %convert_element_type3A_132, %broadcast_in_dim3A_211 : vector<24x128xi1>, vector<24x128xf32>
      %reduce_sum3A_213 = vector.shape_cast %select_n3A_212 : vector<24x128xf32> to vector<1x24x128xf32>
      %reduce_sum3A_214 = arith.constant dense<0.000000e+00> : vector<1xf32>
      %reduce_sum3A_215 = vector.multi_reduction <add>, %reduce_sum3A_213, %reduce_sum3A_214 [1, 2] : vector<1x24x128xf32> to vector<1xf32>
      %reduce_sum3A_216 = vector.shape_cast %reduce_sum3A_215 : vector<1xf32> to vector<1x1x1xf32>
      %reduce_sum3A_217 = vector.extract %reduce_sum3A_216[0, 0, 0] : f32 from vector<1x1x1xf32>
      %convert_element_type3A_218 = arith.sitofp %scan3A_149 : i32 to f32
      %eq3A_219 = vector.broadcast %convert_element_type3A_218 : f32 to vector<1x128xf32>
      %eq3A_220 = arith.cmpf oeq, %convert_element_type3A_110, %eq3A_219 : vector<1x128xf32>
      %jit3A_221 = arith.constant 0.000000e+00 : f32
      %select_n3A_222 = arith.select %gt3A_177, %reduce_sum3A_185, %jit3A_221 : f32
      %broadcast_in_dim3A_223 = vector.broadcast %select_n3A_222 : f32 to vector<1x128xf32>
      %select_n3A_224 = arith.select %eq3A_220, %broadcast_in_dim3A_223, %scan3A_151 : vector<1x128xi1>, vector<1x128xf32>
      %jit3A_225 = arith.constant 0.000000e+00 : f32
      %select_n3A_226 = arith.select %gt3A_177, %reduce_sum3A_193, %jit3A_225 : f32
      %broadcast_in_dim3A_227 = vector.broadcast %select_n3A_226 : f32 to vector<1x128xf32>
      %select_n3A_228 = arith.select %eq3A_220, %broadcast_in_dim3A_227, %scan3A_152 : vector<1x128xi1>, vector<1x128xf32>
      %jit3A_229 = arith.constant 0.000000e+00 : f32
      %select_n3A_230 = arith.select %gt3A_177, %reduce_sum3A_201, %jit3A_229 : f32
      %broadcast_in_dim3A_231 = vector.broadcast %select_n3A_230 : f32 to vector<1x128xf32>
      %select_n3A_232 = arith.select %eq3A_220, %broadcast_in_dim3A_231, %scan3A_153 : vector<1x128xi1>, vector<1x128xf32>
      %jit3A_233 = arith.constant 0.000000e+00 : f32
      %select_n3A_234 = arith.select %gt3A_177, %reduce_sum3A_209, %jit3A_233 : f32
      %broadcast_in_dim3A_235 = vector.broadcast %select_n3A_234 : f32 to vector<1x128xf32>
      %select_n3A_236 = arith.select %eq3A_220, %broadcast_in_dim3A_235, %scan3A_154 : vector<1x128xi1>, vector<1x128xf32>
      %jit3A_237 = arith.constant 0.000000e+00 : f32
      %select_n3A_238 = arith.select %gt3A_177, %reduce_max3A_160, %jit3A_237 : f32
      %broadcast_in_dim3A_239 = vector.broadcast %select_n3A_238 : f32 to vector<1x128xf32>
      %select_n3A_240 = arith.select %eq3A_220, %broadcast_in_dim3A_239, %scan3A_155 : vector<1x128xi1>, vector<1x128xf32>
      %jit3A_241 = arith.constant 0.000000e+00 : f32
      %select_n3A_242 = arith.select %gt3A_177, %reduce_sum3A_217, %jit3A_241 : f32
      %broadcast_in_dim3A_243 = vector.broadcast %select_n3A_242 : f32 to vector<1x128xf32>
      %select_n3A_244 = arith.select %eq3A_220, %broadcast_in_dim3A_243, %scan3A_156 : vector<1x128xi1>, vector<1x128xf32>
      %jit3A_245 = arith.constant -1.000000e+09 : f32
      %broadcast_in_dim3A_246 = vector.broadcast %jit3A_245 : f32 to vector<24x128xf32>
      %select_n3A_247 = arith.select %eq3A_175, %broadcast_in_dim3A_246, %scan3A_150 : vector<24x128xi1>, vector<24x128xf32>
      scf.yield %select_n3A_247, %select_n3A_224, %select_n3A_228, %select_n3A_232, %select_n3A_236, %select_n3A_240, %select_n3A_244 : vector<24x128xf32>, vector<1x128xf32>, vector<1x128xf32>, vector<1x128xf32>, vector<1x128xf32>, vector<1x128xf32>, vector<1x128xf32>
    }
    %scan3A_140 = arith.constant 100 : i32
    %broadcast_in_dim3A_141 = arith.constant 0.000000e+00 : f32
    %broadcast_in_dim3A_142 = vector.broadcast %broadcast_in_dim3A_141 : f32 to vector<1x128xf32>
    %broadcast_in_dim3A_143 = vector.broadcast %min3A_130 : f32 to vector<1x128xf32>
    %concatenate3A = tpu.concatenate %scan3A_139#1, %scan3A_139#2, %scan3A_139#3, %scan3A_139#4, %scan3A_139#5, %scan3A_139#6, %broadcast_in_dim3A_143, %broadcast_in_dim3A_142 in 0 : vector<1x128xf32>, vector<1x128xf32>, vector<1x128xf32>, vector<1x128xf32>, vector<1x128xf32>, vector<1x128xf32>, vector<1x128xf32>, vector<1x128xf32> -> vector<8x128xf32>
    %swap3A = arith.constant 0 : index
    %swap3A_144 = arith.constant 0 : index
    %swap3A_145 = arith.constant 0 : index
    %swap3A_146 = vector.load %arg4[%swap3A, %swap3A_144, %swap3A_145] : memref<1x8x128xf32, #tpu.memory_space<vmem>>, vector<1x8x128xf32>
    %swap3A_147 = vector.shape_cast %swap3A_146 : vector<1x8x128xf32> to vector<8x128xf32>
    %swap3A_148 = vector.shape_cast %concatenate3A : vector<8x128xf32> to vector<1x8x128xf32>
    tpu.vector_store %arg4[%swap3A, %swap3A_144, %swap3A_145], %swap3A_148 {strides = array<i32>} : memref<1x8x128xf32, #tpu.memory_space<vmem>>, vector<1x8x128xf32>,
    return
  }
  func.func @transform_0(%arg0: i32) -> (i32, i32, i32) {
    %c0_i32 = arith.constant 0 : i32
    %c0_i32_0 = arith.constant 0 : i32
    %c0_i32_1 = arith.constant 0 : i32
    return %arg0, %c0_i32, %c0_i32_0 : i32, i32, i32
  }
  func.func @transform_1(%arg0: i32) -> (i32, i32) {
    %c0_i32 = arith.constant 0 : i32
    %c0_i32_0 = arith.constant 0 : i32
    %c0_i32_1 = arith.constant 0 : i32
    return %c0_i32, %c0_i32_0 : i32, i32
  }
  func.func @transform_2(%arg0: i32) -> (i32, i32, i32) {
    %c0_i32 = arith.constant 0 : i32
    %c0_i32_0 = arith.constant 0 : i32
    %c0_i32_1 = arith.constant 0 : i32
    return %arg0, %c0_i32, %c0_i32_0 : i32, i32, i32
  }
  func.func @transform_3(%arg0: i32) -> (i32, i32, i32) {
    %c0_i32 = arith.constant 0 : i32
    %c0_i32_0 = arith.constant 0 : i32
    %c0_i32_1 = arith.constant 0 : i32
    return %arg0, %c0_i32, %c0_i32_0 : i32, i32, i32
  }
}

</mosaic_0001>

<sc_bundles>
// kernel: kernel.5.cloned.1.call-start
scs
__scs_entry_jumppad:
0x0: {  	(pc) =	sbr.rel $0x88, $3  }
0x1: {  	(tag) =	ssettag $0x0;
	lr =	simm.s32 $0x1  }
0x2: {  	[smem:$0x3F9E] =	sst lr;
	_ =	strace $0xD0000000  }
0x3: {  	_ = 	snop  }
0x4: {  	_ = 	snop  }
0x5: {  	_ = 	snop  }
0x6: {  	_ = 	snop  }
0x7: {  	_ = 	snop  }
__scs_overlays_trampoline_lowered:
0x8: {  	[smem:$0x3FAD] =	sst s0  }
0x9: {  	[smem:$0x3FAE] =	sst s1  }
0xa: {  	[smem:$0x3FAF] =	sst s2  }
0xb: {  	[smem:$0x3FB0] =	sst s3  }
0xc: {  	[smem:$0x3FB1] =	sst s4  }
0xd: {  	[smem:$0x3FB2] =	sst s5  }
0xe: {  	[smem:$0x3FB3] =	sst s6  }
0xf: {  	[smem:$0x3FB4] =	sst s7  }
0x10: {  	[smem:$0x3FB5] =	sst s8  }
0x11: {  	[smem:$0x3FB6] =	sst s9;
	s0 =	simm.s32 @!p0 $0x0  }
0x12: {  	s1 =	sld [smem:$0x3F9C];
	s0 =	simm.s32 @p0 $0x1  }
0x13: {  	[smem:$0x3FB7] =	sst s0;
	s0 =	simm.s32 @!p1 $0x0  }
0x14: {  	s2 =	sld [smem:$0x3F9B];
	s0 =	simm.s32 @p1 $0x1  }
0x15: {  	[smem:$0x3FB8] =	sst s0;
	s0 =	simm.s32 @!p2 $0x0  }
0x16: {  	s3 =	sld [smem:$0x3FDB];
	s0 =	simm.s32 @p2 $0x1  }
0x17: {  	s4 =	simm.s32 $0x1BF5;
	[smem:$0x3FBA] =	sst s0  }
0x18: {  	s0 =	sld [smem:$0x3F9D];
	_ =	swait.ge [sflag:s4], $0x0  }
0x19: {  	s7 =	sld [smem:$0x3F9E]  }
0x1a: {  	s8 =	sadd.s32 $0xFFFFE003, lr  }
0x1b: {  	s9 =	sadd.s32 $0xFFFFFEF7, lr;
	s5 =	simm.s32 $0xFFFFFFFF;
	p2 =	slt.u32 s8, $0xFFFFF086  }
0x1c: {  	p1 =	slt.u32 s9, $0xF7A;
	s5 =	simm.s32 @!p2 $0x0  }
0x1d: {  	s5 =	simm.s32 @p1 $0x1;
	p0 =	seq.s32 s7, s2  }
0x1e: {  	s7 =	smul.u32 @!p0 $0xF7A, s2;
	p2 =	seq.s32 @!p0 s5, $0x0  }
0x1f: {  	s9 =	smul.u32 $0xF7A, s1;
	s8 =	simm.s32 @!p0 $0x1BF5;
	p2 =	por !p2, p0  }
0x20: {  	[sflag:s8] =	ssyncset.s32 @!p0 $0xFFFFF086;
	s6 =	sadd.s32 @!p0 s3, s7;
	s7 =	simm.s32 @!p0 $0x108  }
0x21: {  	s3 =	sadd.s32 s3, s9;
	s6 =	sadd.s32 @!p0 $0x88, s6;
	s7 =	simm.s32 @p2 $0x1082  }
0x22: {  	[simem:s7], [sflag:s8] =	dma.local @!p0 [hbm:s6], $0xF7A  }
0x23: {  	s9 =	sor.u32 $0xD0000000, s2;
	s6 =	simm.s32 $0x108;
	_ =	swait.ge @!p0 [sflag:s8], $0x0  }
0x24: {  	s3 =	sadd.s32 $0x88, s3;
	s6 =	simm.s32 @!p1 $0x1082;
	[sflag:s4] =	ssyncset.s32 $0xFFFFF086  }
0x25: {  	[simem:s6], [sflag:s4] =	dma.local [hbm:s3], $0xF7A  }
0x26: {  	[smem:$0x3F9E] =	sst s1;
	(tag) =	ssettag s2;
	_ =	strace s9  }
0x27: {  	s1 =	sld [smem:$0x3FAE]  }
0x28: {  	s2 =	sld [smem:$0x3FAF]  }
0x29: {  	s4 =	sld [smem:$0x3FB1]  }
0x2a: {  	p0 =	seq.s32 s5, $0x0;
	s5 =	sld [smem:$0x3FB2]  }
0x2b: {  	s6 =	sld [smem:$0x3FB3]  }
0x2c: {  	s7 =	sld [smem:$0x3FB4]  }
0x2d: {  	s3 =	simm.s32 $0x108;
	s8 =	sld [smem:$0x3FB5]  }
0x2e: {  	s3 =	simm.s32 @!p0 $0x1082;
	s9 =	sld [smem:$0x3FB6]  }
0x2f: {  	lr =	sadd.s32 s0, s3;
	s0 =	sld [smem:$0x3FAD]  }
0x30: {  	s3 =	sld [smem:$0x3FB0]  }
0x31: {  	[smem:$0x3FB9] =	sst s10  }
0x32: {  	s10 =	sld [smem:$0x3FB7];
	_ =	sdelay $0x3  }
0x33: {  	p0 =	seq.s32 s10, $0x1;
	s10 =	sld [smem:$0x3FB9];
	_ =	sdelay $0x3  }
0x34: {  	[smem:$0x3FB9] =	sst s10  }
0x35: {  	s10 =	sld [smem:$0x3FB8];
	_ =	sdelay $0x3  }
0x36: {  	p1 =	seq.s32 s10, $0x1;
	s10 =	sld [smem:$0x3FB9];
	_ =	sdelay $0x3  }
0x37: {  	[smem:$0x3FB9] =	sst s10  }
0x38: {  	s10 =	sld [smem:$0x3FBA]  }
0x39: {  	_ = 	snop;
	(pc) =	sbr.ind lr, $3  }
0x3a: {  	_ = 	snop  }
0x3b: {  	_ = 	snop  }
0x3c: {  	p2 =	seq.s32 s10, $0x1;
	s10 =	sld [smem:$0x3FB9]  }
0x3d: {  	_ =	shalt  }
0x3e: {  	_ =	shalt  }
0x3f: {  	_ =	shalt  }
0x40: {  	_ =	shalt  }
0x41: {  	_ =	shalt  }
0x42: {  	_ =	shalt  }
0x43: {  	_ =	shalt  }
0x44: {  	_ =	shalt  }
0x45: {  	_ =	shalt  }
0x46: {  	_ =	shalt  }
0x47: {  	_ =	shalt  }
0x48: {  	_ =	shalt  }
0x49: {  	_ =	shalt  }
0x4a: {  	_ =	shalt  }
0x4b: {  	_ =	shalt  }
0x4c: {  	_ =	shalt  }
0x4d: {  	_ =	shalt  }
0x4e: {  	_ =	shalt  }
0x4f: {  	_ =	shalt  }
0x50: {  	_ =	shalt  }
0x51: {  	_ =	shalt  }
0x52: {  	_ =	shalt  }
0x53: {  	_ =	shalt  }
0x54: {  	_ =	shalt  }
0x55: {  	_ =	shalt  }
0x56: {  	_ =	shalt  }
0x57: {  	_ =	shalt  }
0x58: {  	_ =	shalt  }
0x59: {  	_ =	shalt  }
0x5a: {  	_ =	shalt  }
0x5b: {  	_ =	shalt  }
0x5c: {  	_ =	shalt  }
0x5d: {  	_ =	shalt  }
0x5e: {  	_ =	shalt  }
0x5f: {  	_ =	shalt  }
0x60: {  	_ =	shalt  }
0x61: {  	_ =	shalt  }
0x62: {  	_ =	shalt  }
0x63: {  	_ =	shalt  }
0x64: {  	_ =	shalt  }
0x65: {  	_ =	shalt  }
0x66: {  	_ =	shalt  }
0x67: {  	_ =	shalt  }
0x68: {  	_ =	shalt  }
0x69: {  	_ =	shalt  }
0x6a: {  	_ =	shalt  }
0x6b: {  	_ =	shalt  }
0x6c: {  	_ =	shalt  }
0x6d: {  	_ =	shalt  }
0x6e: {  	_ =	shalt  }
0x6f: {  	_ =	shalt  }
0x70: {  	_ =	shalt  }
0x71: {  	_ =	shalt  }
0x72: {  	_ =	shalt  }
0x73: {  	_ =	shalt  }
0x74: {  	_ =	shalt  }
0x75: {  	_ =	shalt  }
0x76: {  	_ =	shalt  }
0x77: {  	_ =	shalt  }
0x78: {  	_ =	shalt  }
0x79: {  	_ =	shalt  }
0x7a: {  	_ =	shalt  }
0x7b: {  	_ =	shalt  }
0x7c: {  	_ =	shalt  }
0x7d: {  	_ =	shalt  }
0x7e: {  	_ =	shalt  }
0x7f: {  	_ =	shalt  }
0x80: {  	_ =	shalt  }
0x81: {  	_ =	shalt  }
0x82: {  	_ =	shalt  }
0x83: {  	_ =	shalt  }
0x84: {  	_ =	shalt  }
0x85: {  	_ =	shalt  }
0x86: {  	_ =	shalt  }
0x87: {  	_ =	shalt  }
.Lfunc_end0:
.L_simem_size_0:
called_computation_lowered:
.L_overlay_start_0:
0x88: {  	s2 =	sld [smem:$0x3FD9]  }
0x89: {  	s3 =	sld [smem:$0x3FFE];
	_ =	sdelay $0x1  }
0x8a: {  	s1 =	srdreg.scid  }
0x8b: {  	s0 =	sand.u32 $0x1, s1  }
0x8c: {  	s14 =	sshll.u32 s0, $0xA;
	s2 =	sadd.s32 s3, s2  }
0x8d: {  	s2 =	sadd.s32 s2, s14  }
0x8e: {  	[smem:$0x3FC5] =	sst s2  }
0x8f: {  	_ = 	snop  }
0x90: {  	s2 =	sld [smem:$0x3FD0];
	_ =	sdelay $0x2  }
0x91: {  	s15 =	simm.s32 $0xA;
	s4 =	simm.s32 $0x10  }
0x92: {  	[smem:s4], [sflag:s15] =	dma.local [hbm:s2], $0x1  }
0x93: {  	_ =	swait.eq [sflag:s15], $0x1  }
0x94: {  	[sflag:s15] =	ssyncset.done $0x0  }
0x95: {  	[sflag:s15] =	ssyncadd.s32 $0xFFFFFFFF  }
0x96: {  	s16 =	sld [smem:$0x13];
	(tm) =	ssettm $0x1  }
0x97: {  	s17 =	sld [smem:$0x3FFB];
	_ =	sdelay $0x3  }
0x98: {  	_ =	strace s17  }
0x99: {  	s3 =	sld [smem:$0x3FFC];
	_ =	sdelay $0x3  }
0x9a: {  	_ =	strace s3  }
0x9b: {  	s3 =	sld [smem:$0x3FFD];
	_ =	sdelay $0x3  }
0x9c: {  	_ =	strace s3  }
0x9d: {  	_ =	strace $0x8FFFFFFF  }
0x9e: {  	s18 =	sld [smem:$0x3FDB];
	_ =	sdelay $0x1  }
0x9f: {  	s19 =	simm.s32 $_scs_section_size  }
0xa0: {  	s5 =	simm.s32 $_size__tile_overlayer_lowered;
	s6 =	simm.s32 $_tile_overlayer_lowered  }
0xa1: {  	s22 =	simm.s32 $0x1BFF;
	s21 =	sshll.u32 s6, $0x1;
	s3 =	sadd.s32 s19, s18  }
0xa2: {  	s7 =	simm.s32 $0x0;
	s20 =	sshll.u32 s5, $0x1;
	s5 =	sadd.s32 s21, s3  }
0xa3: {  	[timem:s7], [sflag:s22] =	dma.local [hbm:s5], s20  }
0xa4: {  	_ =	swait.ge [sflag:s22], s20  }
0xa5: {  	s4 =	ssub.s32 $0x0, s20;
	[sflag:s22] =	ssyncset.done $0x0  }
0xa6: {  	[sflag:s22] =	ssyncadd.s32 s4;
	_ =	sdelay $0x1  }
0xa7: {  	s23 =	simm.s32 $0x1B8B  }
0xa8: {  	_ =	swait.ge [sflag:s23], $0x1  }
0xa9: {  	[sflag:s23] =	ssyncset.done $0x0  }
0xaa: {  	s25 =	simm.s32 $0x1B8E;
	s24 =	sld [smem:$0x3FFE];
	[sflag:s23] =	ssyncadd.s32 $0xFFFFFFFF  }
0xab: {  	s26 =	simm.s32 $execute0_lowered;
	[smem:$0x3FD2] =	sst s25  }
0xac: {  	s5 =	sshll.u32 s26, $0x1;
	_ =	strace $0x80000046;
	[dreg:$0x1] =	wrdreg $0xFFFFFFFF  }
0xad: {  	s28 =	simm.s32 $_size_execute0_lowered;
	s3 =	sadd.s32 s3, s5;
	[dreg:$0x0] =	wrdreg $0x0  }
0xae: {  	s5 =	sshll.u32 s28, $0x1;
	[dreg:$0x2] =	wrdreg s3  }
0xaf: {  	[dreg:$0x3] =	wrdreg s5  }
0xb0: {  	[dreg:$0x4] =	wrdreg $0xC0  }
0xb1: {  	_ =	task [dreg:s7], $0x5FFFF  }
0xb2: {  	[dreg:$0x1] =	wrdreg $0xFFFFFFFF  }
0xb3: {  	[dreg:$0x0] =	wrdreg $0x60  }
0xb4: {  	[dreg:$0x2] =	wrdreg s24  }
0xb5: {  	[dreg:$0x3] =	wrdreg s16  }
0xb6: {  	[dreg:$0x4] =	wrdreg $0x9  }
0xb7: {  	_ =	task.clear_ibuf [dreg:s7], $0x5FFFF;
	_ =	strace $0x90000046  }
0xb8: {  	s29 =	simm.s32 $0x9;
	_ =	strace $0x80000048  }
0xb9: {  	_ =	swait.ge [sflag:s29], $0x1  }
0xba: {  	[sflag:s29] =	ssyncadd.s32 $0xFFFFFFFF  }
0xbb: {  	_ =	strace $0x90000048  }
0xbc: {  	_ =	sfence  }
0xbd: {  	s30 =	sld [smem:$0x0];
	_ =	sdelay $0x2  }
0xbe: {  	s31 =	sshll.u32 s1, $0xD;
	s1 =	sshrl.u32 s1, $0x2  }
0xbf: {  	s3 =	sand.u32 $0x4000, s31;
	s1 =	sadd.s32 s1, s30  }
0xc0: {  	s0 =	sor.u32 s3, s0;
	s1 =	sshll.u32 s1, $0x11  }
0xc1: {  	s0 =	sor.u32 s1, s0  }
0xc2: {  	s0 =	sadd.s32 $0x8F2B, s0  }
0xc3: {  	[sflag:s0] =	ssyncadd.remote.s32 $0x1  }
0xc4: {  	_ =	sfence.sel $0xFFFF  }
0xc5: {  	[dreg:$0x0] =	wrdreg $0xFFFFFFFF;
	(pc) =	sbr.abs _section_cstart, $3  }
0xc6: {  	[dreg:$0x1] =	wrdreg $0xFFFFFFFF  }
0xc7: {  	_ =	task.clear_ibuf [dreg:s7], $0x2FFFF;
	_ =	strace $0x9FFFFFFF  }
0xc8: {  	(tm) =	ssettm $0x7FFFFFFF  }
0xc9: {  	_ =	shalt  }
tec
execute0_lowered:
.L_overlay_start_1:
0x0: {  	(tag) =	ssettag $0x1  }
0x1: {  	s4 =	stileid.u32;
	s3 =	rddreg [dreg:$0x0];
	s1 =	simm.s32 $0x0  }
0x2: {  	s2 =	srdreg.scid;
	s31 =	simm.s32 $0xA000;
	s0 =	sshrl.u32 s4, $0x2  }
0x3: {  	[smem:$0x7FF] =	sst s1;
	s7 =	sand.u32 $0x1, s2;
	s24 =	sshll.u32 s4, $0x1  }
0x4: {  	s8 =	sadd.s32 $0x2A00, s3;
	s10 =	sadd.s32 $0x52A00, s3;
	s4 =	sadd.s32 $0x53000, s3  }
0x5: {  	s5 =	sadd.s32 $0x56000, s3;
	s0 =	smul.u32 $0x5000, s0;
	s9 =	sor.u32 s7, s24  }
0x6: {  	s6 =	sadd.s32 $0x59000, s3;
	s7 =	ssub.s32 $0x2, s7;
	s11 =	smul.u32 $0x3, s9  }
0x7: {  	s2 =	sadd.s32 $0x5C000, s3;
	s9 =	smul.u32 $0x180, s9;
	s15 =	sshrl.u32 s7, $0x1  }
0x8: {  	s0 =	sadd.s32 s0, s3;
	s3 =	sadd.s32 $0x5F000, s3;
	s7 =	ssub.s32 s7, s15  }
0x9: {  	s12 =	sshrl.u32 s11, $0x3;
	s14 =	sadd.s32 $0x1, s11;
	s9 =	sand.u32 $0x380, s9  }
0xa: {  	s11 =	sadd.s32 $0x2, s11;
	s28 =	sadd.s32 $0x3EA20, s0;
	s29 =	sadd.s32 $0x3EA30, s0  }
0xb: {  	s30 =	smax.u32 s7, $0x1;
	s7 =	simm.s32 $0x1E000;
	s13 =	smul.u32 $0x28000, s12  }
0xc: {  	s16 =	sshrl.u32 s14, $0x3;
	s14 =	sshll.u32 s14, $0x7;
	s26 =	sshll.u32 s12, $0xA  }
0xd: {  	s12 =	sshll.u32 s12, $0xD;
	s20 =	sshrl.u32 s11, $0x3;
	s11 =	sshll.u32 s11, $0x7  }
0xe: {  	s17 =	smul.u32 $0x28000, s16;
	s14 =	sand.u32 $0x380, s14;
	s15 =	sor.u32 s9, s26  }
0xf: {  	s22 =	smul.u32 $0x28000, s20;
	s24 =	sand.u32 $0x380, s11;
	s26 =	sshll.u32 s16, $0xD  }
0x10: {  	s13 =	sor.u32 s9, s13;
	s15 =	sshrl.u32 s15, $0x3;
	s9 =	sor.u32 s9, s12  }
0x11: {  	s13 =	sshrl.u32 s13, $0x3;
	s25 =	sor.u32 s14, s17;
	s17 =	sadd.s32 s10, s15  }
0x12: {  	s9 =	sshrl.u32 s9, $0x3;
	s13 =	sadd.s32 s8, s13;
	[dreg:$0x5] =	wrdreg s17  }
0x13: {  	s12 =	sshll.u32 s20, $0xD;
	s18 =	sadd.s32 s4, s9;
	[dreg:$0x3] =	wrdreg s13  }
0x14: {  	s11 =	sor.u32 s24, s22;
	s19 =	sadd.s32 s5, s9;
	[dreg:$0x6] =	wrdreg s18  }
0x15: {  	s21 =	sadd.s32 s6, s9;
	s23 =	sadd.s32 s2, s9;
	[dreg:$0x7] =	wrdreg s19  }
0x16: {  	s9 =	sadd.s32 s3, s9;
	s11 =	sshrl.u32 s11, $0x3;
	[dreg:$0x8] =	wrdreg s21  }
0x17: {  	s17 =	sshll.u32 s20, $0xA;
	s13 =	sshrl.u32 s25, $0x3;
	[dreg:$0x9] =	wrdreg s23  }
0x18: {  	[dreg:$0xa] =	wrdreg s9;
	s25 =	sshll.u32 s16, $0xA;
	s9 =	sor.u32 s24, s12  }
0x19: {  	s12 =	simm.s32 $0x1F400;
	s13 =	sadd.s32 s8, s13;
	s8 =	sadd.s32 s8, s11  }
0x1a: {  	s21 =	sshrl.u32 s9, $0x3;
	[dreg:$0x4] =	wrdreg s13;
	s13 =	sor.u32 s14, s25  }
0x1b: {  	s14 =	sor.u32 s14, s26;
	[dreg:$0xb] =	wrdreg s8;
	s23 =	sadd.s32 s5, s21  }
0x1c: {  	s25 =	sadd.s32 s3, s21;
	s13 =	sshrl.u32 s13, $0x3;
	[dreg:$0x14] =	wrdreg s23  }
0x1d: {  	s15 =	sshrl.u32 s14, $0x3;
	[dreg:$0x17] =	wrdreg s25;
	s8 =	sadd.s32 s10, s13  }
0x1e: {  	s9 =	simm.s32 $0x1E800;
	s16 =	sadd.s32 s4, s15;
	[dreg:$0xc] =	wrdreg s8  }
0x1f: {  	s11 =	simm.s32 $0x1F000;
	s18 =	sadd.s32 s5, s15;
	[dreg:$0xd] =	wrdreg s16  }
0x20: {  	s26 =	sadd.s32 $0x3EA00, s0;
	s19 =	sadd.s32 s6, s15;
	[dreg:$0xe] =	wrdreg s18  }
0x21: {  	s14 =	simm.s32 $0x0;
	s20 =	sadd.s32 s2, s15;
	[dreg:$0xf] =	wrdreg s19  }
0x22: {  	s22 =	sadd.s32 s3, s15;
	s4 =	sadd.s32 s4, s21;
	[dreg:$0x11] =	wrdreg s20  }
0x23: {  	s2 =	sadd.s32 s2, s21;
	s3 =	simm.s32 $0x14000;
	[dreg:$0x12] =	wrdreg s22  }
0x24: {  	s5 =	simm.s32 $0x1;
	s13 =	simm.s32 $0x2;
	[dreg:$0x13] =	wrdreg s4  }
0x25: {  	s8 =	sor.u32 s24, s17;
	s24 =	sadd.s32 s6, s21;
	[dreg:$0x16] =	wrdreg s2  }
0x26: {  	s17 =	simm.s32 $0x3;
	s20 =	simm.s32 $0x400;
	s8 =	sshrl.u32 s8, $0x3  }
0x27: {  	s2 =	simm.s32 $0xF000;
	[dreg:$0x15] =	wrdreg s24;
	s8 =	sadd.s32 s10, s8  }
0x28: {  	s4 =	simm.s32 $0x19000;
	s6 =	simm.s32 $0x1F800;
	[dreg:$0x10] =	wrdreg s8  }
0x29: {  	s10 =	simm.s32 $0x1EC00;
	s8 =	simm.s32 $0x1E400;
	_ =	strace $0x80000047  }
0x2a: {  	v0 =	vimm.f32 $-1.000000000e+09;
	v1 =	vimm.s32 $0x0;
	v2 =	vlaneseq.u32;
	[dreg:$0x18] =	wrdreg s26;
	s26 =	sadd.s32 $0x3EA10, s0;
	s0 =	simm.s32 $0x80  }
.LBB2_1:
0x2b: {  	s15 =	rddreg [dreg:$0x1];
	s16 =	simm.s32 $0x1F880  }
0x2c: {  	[tilespmem:s16], [sflag:$0x3] =	stream.linear.gather [hbm4b:s15+s1], $0x80, $0x38;
	[tilespmem:$0x1F900] =	vst v63  }
0x2d: {  	_ =	swait.ge [sflag:s17], $0x80  }
0x2e: {  	[sflag:s17] =	ssyncset.done $0x0  }
0x2f: {  	s22 =	rddreg [dreg:$0x18];
	[sflag:s17] =	ssyncadd.s32 $0xFFFFFF80  }
0x30: {  	v3 =	vld [tilespmem:$0x1F880];
	[tilespmem:s31], [sflag:$0x3] =	stream.strided.gather [hbm4b:s22+s0], $0x5000, s20, s0, $0x38  }
0x31: {  	_ =	swait.ge [sflag:s17], $0x5000  }
0x32: {  	[sflag:s17] =	ssyncset.done $0x0  }
0x33: {  	[sflag:s17] =	ssyncadd.s32 $0xFFFFB000  }
0x34: {  	[tilespmem:s2], [sflag:$0x3] =	stream.strided.gather [hbm4b:s26+s0], $0x5000, s20, s0, $0x38;
	[tilespmem:$0x1F900] =	vst v63  }
0x35: {  	_ =	swait.ge [sflag:s17], $0x5000  }
0x36: {  	[sflag:s17] =	ssyncset.done $0x0  }
0x37: {  	[sflag:s17] =	ssyncadd.s32 $0xFFFFB000  }
0x38: {  	[tilespmem:s3], [sflag:$0x3] =	stream.strided.gather [hbm4b:s28+s0], $0x5000, s20, s0, $0x38;
	[tilespmem:$0x1F900] =	vst v63  }
0x39: {  	_ =	swait.ge [sflag:s17], $0x5000  }
0x3a: {  	[sflag:s17] =	ssyncset.done $0x0  }
0x3b: {  	[sflag:s17] =	ssyncadd.s32 $0xFFFFB000  }
0x3c: {  	[tilespmem:s4], [sflag:$0x3] =	stream.strided.gather [hbm4b:s29+s0], $0x5000, s20, s0, $0x38;
	[tilespmem:$0x1F900] =	vst v63  }
0x3d: {  	_ =	swait.ge [sflag:s17], $0x5000  }
0x3e: {  	[sflag:s17] =	ssyncset.done $0x0  }
0x3f: {  	s23 =	rddreg [dreg:$0x3];
	[sflag:s17] =	ssyncadd.s32 $0xFFFFB000  }
0x40: {  	[tilespmem:s1], [sflag:$0x1] =	stream.strided.gather [hbm4b:s23+s0], $0x5000, s20, s0, $0x38;
	[tilespmem:$0x1F900] =	vst v63  }
0x41: {  	_ =	swait.ge [sflag:s5], $0x5000  }
0x42: {  	s25 =	simm.s32 $0x5000;
	[sflag:s5] =	ssyncset.done $0x0  }
0x43: {  	s15 =	simm.s32 $0x1E040;
	s24 =	rddreg [dreg:$0x4];
	[sflag:s5] =	ssyncadd.s32 $0xFFFFB000  }
0x44: {  	[tilespmem:s25], [sflag:$0x1] =	stream.strided.gather [hbm4b:s24+s0], $0x5000, s20, s0, $0x38;
	[tilespmem:$0x1F900] =	vst v63  }
0x45: {  	[tilespmem:s15+$0x30] =	vst v0  }
0x46: {  	[tilespmem:s15+$0xFFFFFFF0] =	vst v0  }
0x47: {  	[tilespmem:s15+$0xFFFFFFC0] =	vst v0  }
0x48: {  	[tilespmem:s15+$0xFFFFFFE0] =	vst v0  }
0x49: {  	[tilespmem:s15+$0x10] =	vst v0  }
0x4a: {  	[tilespmem:s15+$0x20] =	vst v0  }
0x4b: {  	[tilespmem:s15+$0x0] =	vst v0  }
0x4c: {  	s16 =	simm.s32 $0x1E440;
	[tilespmem:s15+$0xFFFFFFD0] =	vst v0  }
0x4d: {  	[tilespmem:s16+$0xFFFFFFC0] =	vst v1  }
0x4e: {  	[tilespmem:s16+$0x30] =	vst v1  }
0x4f: {  	[tilespmem:s16+$0x20] =	vst v1  }
0x50: {  	[tilespmem:s16+$0x10] =	vst v1  }
0x51: {  	[tilespmem:s16+$0xFFFFFFE0] =	vst v1  }
0x52: {  	[tilespmem:s16+$0x0] =	vst v1  }
0x53: {  	s18 =	simm.s32 $0x0;
	[tilespmem:s16+$0xFFFFFFF0] =	vst v1  }
.LBB2_2:
0x54: {  	s18 =	sadd.s32 $0x8, s18;
	[tilespmem:s16+$0xFFFFFFD0] =	vst v1;
	s15 =	sadd.s32 $0x80, s15;
	s16 =	sadd.s32 $0x80, s16  }
0x55: {  	[tilespmem:s15+$0x30] =	vst v0;
	p0 =	slt.u32 s18, $0x38  }
0x56: {  	[tilespmem:s15+$0xFFFFFFF0] =	vst v0  }
0x57: {  	[tilespmem:s15+$0xFFFFFFC0] =	vst v0  }
0x58: {  	[tilespmem:s16+$0xFFFFFFC0] =	vst v1  }
0x59: {  	[tilespmem:s16+$0x30] =	vst v1  }
0x5a: {  	[tilespmem:s15+$0xFFFFFFE0] =	vst v0  }
0x5b: {  	[tilespmem:s15+$0x10] =	vst v0  }
0x5c: {  	[tilespmem:s15+$0x20] =	vst v0  }
0x5d: {  	[tilespmem:s16+$0x20] =	vst v1  }
0x5e: {  	[tilespmem:s16+$0x10] =	vst v1  }
.Ltmp0:
0x5f: {  	[tilespmem:s16+$0xFFFFFFE0] =	vst v1;
	(pc) =	sbr.rel @p0 .LBB2_2-.Ltmp0, $4  }
0x60: {  	[tilespmem:s15+$0x0] =	vst v0  }
0x61: {  	[tilespmem:s16+$0x0] =	vst v1  }
0x62: {  	[tilespmem:s16+$0xFFFFFFF0] =	vst v1  }
0x63: {  	[tilespmem:s15+$0xFFFFFFD0] =	vst v0  }
0x64: {  	[tilespmem:s16+$0xFFFFFFD0] =	vst v1  }
0x65: {  	s15 =	rddreg [dreg:$0x5]  }
0x66: {  	[tilespmem:s6], [sflag:$0x3] =	stream.linear.gather [hbm4b:s15+s1], $0x80, $0x38;
	[tilespmem:$0x1F900] =	vst v63  }
0x67: {  	_ =	swait.ge [sflag:s17], $0x80  }
0x68: {  	[sflag:s17] =	ssyncset.done $0x0  }
0x69: {  	[sflag:s17] =	ssyncadd.s32 $0xFFFFFF80  }
0x6a: {  	v4 =	vld [tilespmem:$0x1F800];
	_ =	sdelay $0x4  }
0x6b: {  	vm0 =	vle.f32 v4, $1.008000000e+03  }
0x6c: {  	v4 =	vnsel vm0, $0x40000000, v3  }
0x6d: {  	(xrf0) =	vmin.scan.msk.f32 $0xffff, v4;
	_ =	sdelay $0x5  }
0x6e: {  	v4, _, _ =	vpop (xrf0)  }
0x6f: {  	v5 =	vimm.s32 $0x0;
	s16 =	simm.s32 $0xF0;
	s18 =	simm.s32 $0x80;
	s15 =	simm.s32 $0xFFFFFFF0;
	v4 =	vbroadcast v4, $0xF  }
.LBB2_4:
0x70: {  	v6 =	vld [tilespmem:s18+$0xFFFFFF80];
	_ =	sdelay $0x4  }
0x71: {  	vm0 =	vgt.f32 v6, v4  }
0x72: {  	v7 =	vsel vm0, $0x1, v1  }
0x73: {  	(xrf0) =	vadd.scan.msk.s32 $0xffff, v7;
	_ =	sdelay $0x5  }
0x74: {  	v7, _, _ =	vpop (xrf0)  }
0x75: {  	v7 =	vadd.s32 v7, v5  }
0x76: {  	v7 =	vadd.s32 $0xFFFFFFFF, v7;
	_ =	sdelay $0x3  }
0x77: {  	s19 =	sadd.s32 $0xFFFFFF10, s16  }
0x78: {  	[tilespmem:v7+s7+$0x0] =	vst.idx.msk vm0, v6;
	v6 =	vor.u32 s19, v2  }
0x79: {  	[tilespmem:v7+s8+$0x0] =	vst.idx.msk vm0, v6  }
0x7a: {  	v6 =	vld [tilespmem:s18+$0xFFFFFF90];
	_ =	sdelay $0x4  }
0x7b: {  	vm1 =	vgt.f32 v6, v4  }
0x7c: {  	v7 =	vsel vm1, $0x1, v1  }
0x7d: {  	(xrf0) =	vadd.scan.msk.s32 $0xffff, v7;
	_ =	sdelay $0x1  }
0x7e: {  	v7 =	vmpcnt.ones.xlane vm0;
	_ =	sdelay $0x3  }
0x7f: {  	v5 =	vadd.s32 v5, v7;
	v7, _, _ =	vpop (xrf0)  }
0x80: {  	v7 =	vadd.s32 v7, v5  }
0x81: {  	v7 =	vadd.s32 $0xFFFFFFFF, v7;
	_ =	sdelay $0x3  }
0x82: {  	s22 =	sadd.s32 $0xFFFFFF20, s16  }
0x83: {  	[tilespmem:v7+s7+$0x0] =	vst.idx.msk vm1, v6;
	v6 =	vor.u32 s22, v2  }
0x84: {  	[tilespmem:v7+s8+$0x0] =	vst.idx.msk vm1, v6  }
0x85: {  	v6 =	vld [tilespmem:s18+$0xFFFFFFA0];
	_ =	sdelay $0x4  }
0x86: {  	vm14 =	vgt.f32 v6, v4  }
0x87: {  	v7 =	vsel vm14, $0x1, v1  }
0x88: {  	(xrf0) =	vadd.scan.msk.s32 $0xffff, v7;
	_ =	sdelay $0x1  }
0x89: {  	v7 =	vmpcnt.ones.xlane vm1;
	_ =	sdelay $0x3  }
0x8a: {  	v5 =	vadd.s32 v5, v7;
	v7, _, _ =	vpop (xrf0)  }
0x8b: {  	v7 =	vadd.s32 v7, v5  }
0x8c: {  	v7 =	vadd.s32 $0xFFFFFFFF, v7;
	_ =	sdelay $0x3  }
0x8d: {  	s23 =	sadd.s32 $0xFFFFFF30, s16  }
0x8e: {  	[tilespmem:v7+s7+$0x0] =	vst.idx.msk vm14, v6;
	v6 =	vor.u32 s23, v2  }
0x8f: {  	[tilespmem:v7+s8+$0x0] =	vst.idx.msk vm14, v6  }
0x90: {  	v6 =	vld [tilespmem:s18+$0xFFFFFFB0];
	_ =	sdelay $0x4  }
0x91: {  	vm15 =	vgt.f32 v6, v4  }
0x92: {  	v7 =	vsel vm15, $0x1, v1  }
0x93: {  	(xrf0) =	vadd.scan.msk.s32 $0xffff, v7;
	_ =	sdelay $0x1  }
0x94: {  	v7 =	vmpcnt.ones.xlane vm14;
	_ =	sdelay $0x3  }
0x95: {  	v5 =	vadd.s32 v5, v7;
	v7, _, _ =	vpop (xrf0)  }
0x96: {  	v7 =	vadd.s32 v7, v5  }
0x97: {  	v7 =	vadd.s32 $0xFFFFFFFF, v7;
	_ =	sdelay $0x3  }
0x98: {  	s24 =	sadd.s32 $0xFFFFFF40, s16  }
0x99: {  	[tilespmem:v7+s7+$0x0] =	vst.idx.msk vm15, v6;
	v6 =	vor.u32 s24, v2  }
0x9a: {  	[tilespmem:v7+s8+$0x0] =	vst.idx.msk vm15, v6  }
0x9b: {  	v6 =	vld [tilespmem:s18+$0xFFFFFFC0];
	_ =	sdelay $0x4  }
0x9c: {  	vm4 =	vgt.f32 v6, v4  }
0x9d: {  	v7 =	vsel vm4, $0x1, v1  }
0x9e: {  	(xrf0) =	vadd.scan.msk.s32 $0xffff, v7;
	_ =	sdelay $0x1  }
0x9f: {  	v7 =	vmpcnt.ones.xlane vm15;
	_ =	sdelay $0x3  }
0xa0: {  	v5 =	vadd.s32 v5, v7;
	v7, _, _ =	vpop (xrf0)  }
0xa1: {  	v7 =	vadd.s32 v7, v5  }
0xa2: {  	v7 =	vadd.s32 $0xFFFFFFFF, v7;
	_ =	sdelay $0x3  }
0xa3: {  	s25 =	sadd.s32 $0xFFFFFF50, s16  }
0xa4: {  	[tilespmem:v7+s7+$0x0] =	vst.idx.msk vm4, v6;
	v6 =	vor.u32 s25, v2  }
0xa5: {  	[tilespmem:v7+s8+$0x0] =	vst.idx.msk vm4, v6  }
0xa6: {  	v6 =	vld [tilespmem:s18+$0xFFFFFFD0];
	_ =	sdelay $0x4  }
0xa7: {  	vm5 =	vgt.f32 v6, v4  }
0xa8: {  	v7 =	vsel vm5, $0x1, v1  }
0xa9: {  	(xrf0) =	vadd.scan.msk.s32 $0xffff, v7;
	_ =	sdelay $0x1  }
0xaa: {  	v7 =	vmpcnt.ones.xlane vm4;
	_ =	sdelay $0x3  }
0xab: {  	v5 =	vadd.s32 v5, v7;
	v7, _, _ =	vpop (xrf0)  }
0xac: {  	v7 =	vadd.s32 v7, v5  }
0xad: {  	v7 =	vadd.s32 $0xFFFFFFFF, v7;
	_ =	sdelay $0x3  }
0xae: {  	s21 =	sadd.s32 $0xFFFFFF60, s16  }
0xaf: {  	[tilespmem:v7+s7+$0x0] =	vst.idx.msk vm5, v6;
	v6 =	vor.u32 s21, v2  }
0xb0: {  	[tilespmem:v7+s8+$0x0] =	vst.idx.msk vm5, v6  }
0xb1: {  	v6 =	vld [tilespmem:s18+$0xFFFFFFE0];
	_ =	sdelay $0x4  }
0xb2: {  	vm6 =	vgt.f32 v6, v4  }
0xb3: {  	v7 =	vsel vm6, $0x1, v1  }
0xb4: {  	(xrf0) =	vadd.scan.msk.s32 $0xffff, v7;
	_ =	sdelay $0x1  }
0xb5: {  	v7 =	vmpcnt.ones.xlane vm5;
	_ =	sdelay $0x3  }
0xb6: {  	v5 =	vadd.s32 v5, v7;
	v7, _, _ =	vpop (xrf0)  }
0xb7: {  	v7 =	vadd.s32 v7, v5  }
0xb8: {  	v7 =	vadd.s32 $0xFFFFFFFF, v7;
	_ =	sdelay $0x3  }
0xb9: {  	s22 =	sadd.s32 $0xFFFFFF70, s16  }
0xba: {  	[tilespmem:v7+s7+$0x0] =	vst.idx.msk vm6, v6;
	v6 =	vor.u32 s22, v2  }
0xbb: {  	[tilespmem:v7+s8+$0x0] =	vst.idx.msk vm6, v6  }
0xbc: {  	v6 =	vld [tilespmem:s18+$0xFFFFFFF0];
	_ =	sdelay $0x4  }
0xbd: {  	vm7 =	vgt.f32 v6, v4  }
0xbe: {  	v7 =	vsel vm7, $0x1, v1  }
0xbf: {  	(xrf0) =	vadd.scan.msk.s32 $0xffff, v7;
	_ =	sdelay $0x1  }
0xc0: {  	v7 =	vmpcnt.ones.xlane vm6;
	_ =	sdelay $0x3  }
0xc1: {  	v5 =	vadd.s32 v5, v7;
	v7, _, _ =	vpop (xrf0)  }
0xc2: {  	v7 =	vadd.s32 v7, v5  }
0xc3: {  	v7 =	vadd.s32 $0xFFFFFFFF, v7;
	_ =	sdelay $0x3  }
0xc4: {  	s23 =	sadd.s32 $0xFFFFFF80, s16  }
0xc5: {  	[tilespmem:v7+s7+$0x0] =	vst.idx.msk vm7, v6;
	v6 =	vor.u32 s23, v2  }
0xc6: {  	[tilespmem:v7+s8+$0x0] =	vst.idx.msk vm7, v6  }
0xc7: {  	v6 =	vld [tilespmem:s18+$0x0];
	_ =	sdelay $0x4  }
0xc8: {  	vm8 =	vgt.f32 v6, v4  }
0xc9: {  	v7 =	vsel vm8, $0x1, v1  }
0xca: {  	(xrf0) =	vadd.scan.msk.s32 $0xffff, v7;
	_ =	sdelay $0x1  }
0xcb: {  	v7 =	vmpcnt.ones.xlane vm7;
	_ =	sdelay $0x3  }
0xcc: {  	v5 =	vadd.s32 v5, v7;
	v7, _, _ =	vpop (xrf0)  }
0xcd: {  	v7 =	vadd.s32 v7, v5  }
0xce: {  	v7 =	vadd.s32 $0xFFFFFFFF, v7;
	_ =	sdelay $0x3  }
0xcf: {  	s24 =	sadd.s32 $0xFFFFFF90, s16  }
0xd0: {  	[tilespmem:v7+s7+$0x0] =	vst.idx.msk vm8, v6;
	v6 =	vor.u32 s24, v2  }
0xd1: {  	[tilespmem:v7+s8+$0x0] =	vst.idx.msk vm8, v6  }
0xd2: {  	v6 =	vld [tilespmem:s18+$0x10];
	_ =	sdelay $0x4  }
0xd3: {  	vm9 =	vgt.f32 v6, v4  }
0xd4: {  	v7 =	vsel vm9, $0x1, v1  }
0xd5: {  	(xrf0) =	vadd.scan.msk.s32 $0xffff, v7;
	_ =	sdelay $0x1  }
0xd6: {  	v7 =	vmpcnt.ones.xlane vm8;
	_ =	sdelay $0x3  }
0xd7: {  	v5 =	vadd.s32 v5, v7;
	v7, _, _ =	vpop (xrf0)  }
0xd8: {  	v7 =	vadd.s32 v7, v5  }
0xd9: {  	v7 =	vadd.s32 $0xFFFFFFFF, v7;
	_ =	sdelay $0x3  }
0xda: {  	s25 =	sadd.s32 $0xFFFFFFA0, s16  }
0xdb: {  	[tilespmem:v7+s7+$0x0] =	vst.idx.msk vm9, v6;
	v6 =	vor.u32 s25, v2  }
0xdc: {  	[tilespmem:v7+s8+$0x0] =	vst.idx.msk vm9, v6  }
0xdd: {  	v6 =	vld [tilespmem:s18+$0x20];
	_ =	sdelay $0x4  }
0xde: {  	vm10 =	vgt.f32 v6, v4  }
0xdf: {  	v7 =	vsel vm10, $0x1, v1  }
0xe0: {  	(xrf0) =	vadd.scan.msk.s32 $0xffff, v7;
	_ =	sdelay $0x1  }
0xe1: {  	v7 =	vmpcnt.ones.xlane vm9;
	_ =	sdelay $0x3  }
0xe2: {  	v5 =	vadd.s32 v5, v7;
	v7, _, _ =	vpop (xrf0)  }
0xe3: {  	v7 =	vadd.s32 v7, v5  }
0xe4: {  	v7 =	vadd.s32 $0xFFFFFFFF, v7;
	_ =	sdelay $0x3  }
0xe5: {  	s21 =	sadd.s32 $0xFFFFFFB0, s16  }
0xe6: {  	[tilespmem:v7+s7+$0x0] =	vst.idx.msk vm10, v6;
	v6 =	vor.u32 s21, v2  }
0xe7: {  	[tilespmem:v7+s8+$0x0] =	vst.idx.msk vm10, v6  }
0xe8: {  	v6 =	vld [tilespmem:s18+$0x30];
	_ =	sdelay $0x4  }
0xe9: {  	vm11 =	vgt.f32 v6, v4  }
0xea: {  	v7 =	vsel vm11, $0x1, v1  }
0xeb: {  	(xrf0) =	vadd.scan.msk.s32 $0xffff, v7;
	_ =	sdelay $0x1  }
0xec: {  	v7 =	vmpcnt.ones.xlane vm10;
	_ =	sdelay $0x3  }
0xed: {  	v5 =	vadd.s32 v5, v7;
	v7, _, _ =	vpop (xrf0)  }
0xee: {  	v7 =	vadd.s32 v7, v5  }
0xef: {  	v7 =	vadd.s32 $0xFFFFFFFF, v7;
	_ =	sdelay $0x3  }
0xf0: {  	s22 =	sadd.s32 $0xFFFFFFC0, s16  }
0xf1: {  	[tilespmem:v7+s7+$0x0] =	vst.idx.msk vm11, v6;
	v6 =	vor.u32 s22, v2  }
0xf2: {  	[tilespmem:v7+s8+$0x0] =	vst.idx.msk vm11, v6  }
0xf3: {  	v6 =	vld [tilespmem:s18+$0x40];
	_ =	sdelay $0x4  }
0xf4: {  	vm12 =	vgt.f32 v6, v4  }
0xf5: {  	v7 =	vsel vm12, $0x1, v1  }
0xf6: {  	(xrf0) =	vadd.scan.msk.s32 $0xffff, v7;
	_ =	sdelay $0x1  }
0xf7: {  	v7 =	vmpcnt.ones.xlane vm11;
	_ =	sdelay $0x3  }
0xf8: {  	v5 =	vadd.s32 v5, v7;
	v7, _, _ =	vpop (xrf0)  }
0xf9: {  	v7 =	vadd.s32 v7, v5  }
0xfa: {  	v7 =	vadd.s32 $0xFFFFFFFF, v7;
	_ =	sdelay $0x3  }
0xfb: {  	s23 =	sadd.s32 $0xFFFFFFD0, s16  }
0xfc: {  	[tilespmem:v7+s7+$0x0] =	vst.idx.msk vm12, v6;
	v6 =	vor.u32 s23, v2  }
0xfd: {  	[tilespmem:v7+s8+$0x0] =	vst.idx.msk vm12, v6  }
0xfe: {  	v6 =	vld [tilespmem:s18+$0x50];
	_ =	sdelay $0x4  }
0xff: {  	vm13 =	vgt.f32 v6, v4  }
0x100: {  	v7 =	vsel vm13, $0x1, v1  }
0x101: {  	(xrf0) =	vadd.scan.msk.s32 $0xffff, v7;
	_ =	sdelay $0x1  }
0x102: {  	v7 =	vmpcnt.ones.xlane vm12;
	_ =	sdelay $0x3  }
0x103: {  	v5 =	vadd.s32 v5, v7;
	v7, _, _ =	vpop (xrf0)  }
0x104: {  	v7 =	vadd.s32 v7, v5  }
0x105: {  	v7 =	vadd.s32 $0xFFFFFFFF, v7;
	_ =	sdelay $0x3  }
0x106: {  	s24 =	sadd.s32 $0xFFFFFFE0, s16  }
0x107: {  	[tilespmem:v7+s7+$0x0] =	vst.idx.msk vm13, v6;
	v6 =	vor.u32 s24, v2  }
0x108: {  	[tilespmem:v7+s8+$0x0] =	vst.idx.msk vm13, v6  }
0x109: {  	v6 =	vld [tilespmem:s18+$0x60];
	_ =	sdelay $0x4  }
0x10a: {  	vm14 =	vgt.f32 v6, v4  }
0x10b: {  	v7 =	vsel vm14, $0x1, v1  }
0x10c: {  	(xrf0) =	vadd.scan.msk.s32 $0xffff, v7;
	_ =	sdelay $0x1  }
0x10d: {  	v7 =	vmpcnt.ones.xlane vm13;
	_ =	sdelay $0x3  }
0x10e: {  	v5 =	vadd.s32 v5, v7;
	v7, _, _ =	vpop (xrf0)  }
0x10f: {  	v7 =	vadd.s32 v7, v5  }
0x110: {  	v7 =	vadd.s32 $0xFFFFFFFF, v7;
	_ =	sdelay $0x3  }
0x111: {  	s25 =	sadd.s32 $0xFFFFFFF0, s16  }
0x112: {  	[tilespmem:v7+s7+$0x0] =	vst.idx.msk vm14, v6;
	v6 =	vor.u32 s25, v2  }
0x113: {  	[tilespmem:v7+s8+$0x0] =	vst.idx.msk vm14, v6  }
0x114: {  	v6 =	vld [tilespmem:s18+$0x70];
	_ =	sdelay $0x4  }
0x115: {  	vm15 =	vgt.f32 v6, v4  }
0x116: {  	v7 =	vsel vm15, $0x1, v1  }
0x117: {  	(xrf0) =	vadd.scan.msk.s32 $0xffff, v7;
	_ =	sdelay $0x1  }
0x118: {  	v7 =	vmpcnt.ones.xlane vm14;
	_ =	sdelay $0x3  }
0x119: {  	v5 =	vadd.s32 v5, v7;
	v7, _, _ =	vpop (xrf0)  }
0x11a: {  	v7 =	vadd.s32 v7, v5  }
0x11b: {  	s15 =	sadd.s32 $0x10, s15;
	v7 =	vadd.s32 $0xFFFFFFFF, v7  }
0x11c: {  	p0 =	slt.u32 s15, $0x4F0  }
.Ltmp1:
0x11d: {  	_ = 	snop;
	(pc) =	sbr.rel @p0 .LBB2_4-.Ltmp1, $4  }
0x11e: {  	_ = 	snop  }
0x11f: {  	v8 =	vor.u32 s16, v2;
	s19 =	simm.s32 $0x1F440;
	s16 =	sadd.s32 $0x100, s16;
	v9 =	vmpcnt.ones.xlane vm15  }
0x120: {  	s21 =	simm.s32 $0x1E840;
	s22 =	simm.s32 $0x1EC40;
	s23 =	simm.s32 $0x1F040;
	[tilespmem:v7+s7+$0x0] =	vst.idx.msk vm15, v6  }
0x121: {  	s24 =	simm.s32 $0x1E440;
	s25 =	simm.s32 $0xFFFFFFF8;
	s18 =	sadd.s32 $0x100, s18;
	v5 =	vadd.s32 v5, v9;
	[tilespmem:v7+s8+$0x0] =	vst.idx.msk vm15, v8  }
0x122: {  	v4 =	vld [tilespmem:s24+$0x30]  }
0x123: {  	v5 =	vld [tilespmem:s24+$0xFFFFFFD0]  }
0x124: {  	v6 =	vld [tilespmem:s24+$0xFFFFFFE0]  }
0x125: {  	v7 =	vld [tilespmem:s24+$0xFFFFFFF0]  }
0x126: {  	v8 =	vld [tilespmem:s24+$0x0]  }
0x127: {  	v9 =	vld [tilespmem:s24+$0x10]  }
0x128: {  	v10 =	vld [tilespmem:s24+$0x20]  }
0x129: {  	v11 =	vld [tilespmem:s24+$0xFFFFFFC0]  }
0x12a: {  	v12 =	vld.idx.msk [tilespmem:v4+s31+$0x0], $0xffff  }
0x12b: {  	v13 =	vld.idx.msk [tilespmem:v5+s31+$0x0], $0xffff  }
0x12c: {  	v14 =	vld.idx.msk [tilespmem:v6+s31+$0x0], $0xffff  }
0x12d: {  	v15 =	vld.idx.msk [tilespmem:v7+s31+$0x0], $0xffff  }
0x12e: {  	v16 =	vld.idx.msk [tilespmem:v8+s31+$0x0], $0xffff  }
0x12f: {  	v17 =	vld.idx.msk [tilespmem:v9+s31+$0x0], $0xffff  }
0x130: {  	v18 =	vld.idx.msk [tilespmem:v10+s31+$0x0], $0xffff;
	[tilespmem:s21+$0x30] =	vst v12  }
0x131: {  	v50 =	vld.idx.msk [tilespmem:v11+s31+$0x0], $0xffff;
	[tilespmem:s21+$0xFFFFFFD0] =	vst v13  }
0x132: {  	[tilespmem:s21+$0xFFFFFFE0] =	vst v14;
	v12 =	vld.idx.msk [tilespmem:v4+s2+$0x0], $0xffff  }
0x133: {  	[tilespmem:s21+$0xFFFFFFF0] =	vst v15;
	v51 =	vld.idx.msk [tilespmem:v5+s2+$0x0], $0xffff  }
0x134: {  	[tilespmem:s21+$0x0] =	vst v16;
	v52 =	vld.idx.msk [tilespmem:v6+s2+$0x0], $0xffff  }
0x135: {  	[tilespmem:s21+$0x10] =	vst v17;
	v53 =	vld.idx.msk [tilespmem:v7+s2+$0x0], $0xffff  }
0x136: {  	[tilespmem:s21+$0x20] =	vst v18;
	v54 =	vld.idx.msk [tilespmem:v8+s2+$0x0], $0xffff  }
0x137: {  	[tilespmem:s21+$0xFFFFFFC0] =	vst v50;
	v55 =	vld.idx.msk [tilespmem:v9+s2+$0x0], $0xffff  }
0x138: {  	v13 =	vld.idx.msk [tilespmem:v11+s2+$0x0], $0xffff;
	[tilespmem:s22+$0x30] =	vst v12  }
0x139: {  	v56 =	vld.idx.msk [tilespmem:v10+s2+$0x0], $0xffff;
	[tilespmem:s22+$0xFFFFFFD0] =	vst v51  }
0x13a: {  	[tilespmem:s22+$0xFFFFFFE0] =	vst v52;
	v12 =	vld.idx.msk [tilespmem:v4+s3+$0x0], $0xffff  }
0x13b: {  	[tilespmem:s22+$0xFFFFFFF0] =	vst v53;
	v57 =	vld.idx.msk [tilespmem:v5+s3+$0x0], $0xffff  }
0x13c: {  	[tilespmem:s22+$0x0] =	vst v54;
	v58 =	vld.idx.msk [tilespmem:v6+s3+$0x0], $0xffff  }
0x13d: {  	[tilespmem:s22+$0x10] =	vst v55;
	v59 =	vld.idx.msk [tilespmem:v7+s3+$0x0], $0xffff  }
0x13e: {  	[tilespmem:s22+$0xFFFFFFC0] =	vst v13;
	v60 =	vld.idx.msk [tilespmem:v8+s3+$0x0], $0xffff  }
0x13f: {  	[tilespmem:s22+$0x20] =	vst v56;
	v13 =	vld.idx.msk [tilespmem:v11+s3+$0x0], $0xffff  }
0x140: {  	v61 =	vld.idx.msk [tilespmem:v9+s3+$0x0], $0xffff;
	[tilespmem:s23+$0x30] =	vst v12  }
0x141: {  	v62 =	vld.idx.msk [tilespmem:v10+s3+$0x0], $0xffff;
	[tilespmem:s23+$0xFFFFFFD0] =	vst v57  }
0x142: {  	[tilespmem:s23+$0xFFFFFFE0] =	vst v58;
	v12 =	vld.idx.msk [tilespmem:v4+s4+$0x0], $0xffff  }
0x143: {  	[tilespmem:s23+$0xFFFFFFF0] =	vst v59;
	v63 =	vld.idx.msk [tilespmem:v5+s4+$0x0], $0xffff  }
0x144: {  	[tilespmem:s23+$0x0] =	vst v60;
	v4 =	vld.idx.msk [tilespmem:v6+s4+$0x0], $0xffff  }
0x145: {  	[tilespmem:s23+$0xFFFFFFC0] =	vst v13;
	v5 =	vld.idx.msk [tilespmem:v7+s4+$0x0], $0xffff  }
0x146: {  	[tilespmem:s23+$0x10] =	vst v61;
	v7 =	vld.idx.msk [tilespmem:v8+s4+$0x0], $0xffff  }
0x147: {  	[tilespmem:s23+$0x20] =	vst v62;
	v6 =	vld.idx.msk [tilespmem:v11+s4+$0x0], $0xffff  }
0x148: {  	v8 =	vld.idx.msk [tilespmem:v9+s4+$0x0], $0xffff;
	[tilespmem:s19+$0x30] =	vst v12  }
0x149: {  	s15 =	sadd.s32 $0x8, s25;
	s16 =	sadd.s32 $0x80, s24;
	v9 =	vld.idx.msk [tilespmem:v10+s4+$0x0], $0xffff;
	[tilespmem:s19+$0xFFFFFFD0] =	vst v63  }
.LBB2_6:
0x14a: {  	v10 =	vld [tilespmem:s16+$0x30];
	s15 =	sadd.s32 $0x8, s15;
	[tilespmem:s19+$0xFFFFFFE0] =	vst v4  }
0x14b: {  	v4 =	vld [tilespmem:s16+$0xFFFFFFD0];
	p0 =	slt.u32 s15, $0x38;
	[tilespmem:s19+$0xFFFFFFF0] =	vst v5  }
0x14c: {  	v5 =	vld [tilespmem:s16+$0xFFFFFFE0];
	[tilespmem:s19+$0x0] =	vst v7  }
0x14d: {  	v7 =	vld [tilespmem:s16+$0xFFFFFFF0];
	[tilespmem:s19+$0xFFFFFFC0] =	vst v6  }
0x14e: {  	v6 =	vld [tilespmem:s16+$0x0];
	[tilespmem:s19+$0x10] =	vst v8  }
0x14f: {  	v8 =	vld [tilespmem:s16+$0x10];
	[tilespmem:s19+$0x20] =	vst v9  }
0x150: {  	v9 =	vld [tilespmem:s16+$0x20]  }
0x151: {  	v11 =	vld [tilespmem:s16+$0xFFFFFFC0]  }
0x152: {  	v12 =	vld.idx.msk [tilespmem:v10+s31+$0x0], $0xffff  }
0x153: {  	v13 =	vld.idx.msk [tilespmem:v4+s31+$0x0], $0xffff  }
0x154: {  	v14 =	vld.idx.msk [tilespmem:v5+s31+$0x0], $0xffff  }
0x155: {  	v15 =	vld.idx.msk [tilespmem:v7+s31+$0x0], $0xffff  }
0x156: {  	v16 =	vld.idx.msk [tilespmem:v6+s31+$0x0], $0xffff  }
0x157: {  	s21 =	sadd.s32 $0x80, s21;
	v17 =	vld.idx.msk [tilespmem:v8+s31+$0x0], $0xffff  }
0x158: {  	v18 =	vld.idx.msk [tilespmem:v9+s31+$0x0], $0xffff;
	[tilespmem:s21+$0x30] =	vst v12  }
0x159: {  	[tilespmem:s21+$0xFFFFFFD0] =	vst v13;
	v12 =	vld.idx.msk [tilespmem:v10+s2+$0x0], $0xffff  }
0x15a: {  	v13 =	vld.idx.msk [tilespmem:v11+s31+$0x0], $0xffff;
	[tilespmem:s21+$0xFFFFFFE0] =	vst v14  }
0x15b: {  	v14 =	vld.idx.msk [tilespmem:v4+s2+$0x0], $0xffff;
	[tilespmem:s21+$0xFFFFFFF0] =	vst v15  }
0x15c: {  	v15 =	vld.idx.msk [tilespmem:v5+s2+$0x0], $0xffff;
	[tilespmem:s21+$0x0] =	vst v16  }
0x15d: {  	v16 =	vld.idx.msk [tilespmem:v7+s2+$0x0], $0xffff;
	[tilespmem:s21+$0x10] =	vst v17  }
0x15e: {  	s22 =	sadd.s32 $0x80, s22;
	v17 =	vld.idx.msk [tilespmem:v6+s2+$0x0], $0xffff;
	[tilespmem:s21+$0x20] =	vst v18  }
0x15f: {  	v18 =	vld.idx.msk [tilespmem:v8+s2+$0x0], $0xffff;
	[tilespmem:s22+$0x30] =	vst v12  }
0x160: {  	[tilespmem:s21+$0xFFFFFFC0] =	vst v13;
	v12 =	vld.idx.msk [tilespmem:v10+s3+$0x0], $0xffff  }
0x161: {  	v13 =	vld.idx.msk [tilespmem:v11+s2+$0x0], $0xffff;
	[tilespmem:s22+$0xFFFFFFD0] =	vst v14  }
0x162: {  	[tilespmem:s22+$0xFFFFFFE0] =	vst v15;
	v14 =	vld.idx.msk [tilespmem:v9+s2+$0x0], $0xffff  }
0x163: {  	v15 =	vld.idx.msk [tilespmem:v4+s3+$0x0], $0xffff;
	[tilespmem:s22+$0xFFFFFFF0] =	vst v16  }
0x164: {  	v16 =	vld.idx.msk [tilespmem:v5+s3+$0x0], $0xffff;
	[tilespmem:s22+$0x0] =	vst v17  }
0x165: {  	s23 =	sadd.s32 $0x80, s23;
	v17 =	vld.idx.msk [tilespmem:v7+s3+$0x0], $0xffff;
	[tilespmem:s22+$0x10] =	vst v18  }
0x166: {  	v18 =	vld.idx.msk [tilespmem:v6+s3+$0x0], $0xffff;
	[tilespmem:s23+$0x30] =	vst v12  }
0x167: {  	[tilespmem:s22+$0xFFFFFFC0] =	vst v13;
	v10 =	vld.idx.msk [tilespmem:v10+s4+$0x0], $0xffff  }
0x168: {  	v12 =	vld.idx.msk [tilespmem:v11+s3+$0x0], $0xffff;
	[tilespmem:s22+$0x20] =	vst v14  }
0x169: {  	[tilespmem:s23+$0xFFFFFFD0] =	vst v15;
	v13 =	vld.idx.msk [tilespmem:v8+s3+$0x0], $0xffff  }
0x16a: {  	[tilespmem:s23+$0xFFFFFFE0] =	vst v16;
	v14 =	vld.idx.msk [tilespmem:v9+s3+$0x0], $0xffff  }
0x16b: {  	v15 =	vld.idx.msk [tilespmem:v4+s4+$0x0], $0xffff;
	[tilespmem:s23+$0xFFFFFFF0] =	vst v17  }
0x16c: {  	s19 =	sadd.s32 $0x80, s19;
	v4 =	vld.idx.msk [tilespmem:v5+s4+$0x0], $0xffff;
	[tilespmem:s23+$0x0] =	vst v18  }
.Ltmp2:
0x16d: {  	v5 =	vld.idx.msk [tilespmem:v7+s4+$0x0], $0xffff;
	[tilespmem:s19+$0x30] =	vst v10;
	(pc) =	sbr.rel @p0 .LBB2_6-.Ltmp2, $4  }
0x16e: {  	[tilespmem:s23+$0xFFFFFFC0] =	vst v12;
	v7 =	vld.idx.msk [tilespmem:v6+s4+$0x0], $0xffff  }
0x16f: {  	v6 =	vld.idx.msk [tilespmem:v11+s4+$0x0], $0xffff;
	[tilespmem:s23+$0x10] =	vst v13  }
0x170: {  	v8 =	vld.idx.msk [tilespmem:v8+s4+$0x0], $0xffff;
	[tilespmem:s23+$0x20] =	vst v14  }
0x171: {  	s16 =	sadd.s32 $0x80, s16;
	[tilespmem:s19+$0xFFFFFFD0] =	vst v15;
	v9 =	vld.idx.msk [tilespmem:v9+s4+$0x0], $0xffff  }
0x172: {  	[tilespmem:s19+$0xFFFFFFE0] =	vst v4  }
0x173: {  	[tilespmem:s19+$0xFFFFFFF0] =	vst v5  }
0x174: {  	[tilespmem:s19+$0x0] =	vst v7  }
0x175: {  	[tilespmem:s19+$0xFFFFFFC0] =	vst v6  }
0x176: {  	[tilespmem:s19+$0x10] =	vst v8  }
0x177: {  	[tilespmem:s19+$0x20] =	vst v9  }
0x178: {  	s15 =	rddreg [dreg:$0x6]  }
0x179: {  	[hbm4b:s15+s0] =	stream.strided.scatter [tilespmem:s7], [sflag:$0x2], $0x400, s20, s0, $0x38;
	[tilespmem:$0x1F900] =	vst v63  }
0x17a: {  	s21 =	rddreg [dreg:$0x7]  }
0x17b: {  	[hbm4b:s21+s0] =	stream.strided.scatter [tilespmem:s9], [sflag:$0x2], $0x400, s20, s0, $0x38;
	[tilespmem:$0x1F900] =	vst v63  }
0x17c: {  	s22 =	rddreg [dreg:$0x8]  }
0x17d: {  	[hbm4b:s22+s0] =	stream.strided.scatter [tilespmem:s10], [sflag:$0x2], $0x400, s20, s0, $0x38;
	[tilespmem:$0x1F900] =	vst v63  }
0x17e: {  	s23 =	rddreg [dreg:$0x9]  }
0x17f: {  	[hbm4b:s23+s0] =	stream.strided.scatter [tilespmem:s11], [sflag:$0x2], $0x400, s20, s0, $0x38;
	[tilespmem:$0x1F900] =	vst v63  }
0x180: {  	s24 =	rddreg [dreg:$0xa]  }
0x181: {  	[hbm4b:s24+s0] =	stream.strided.scatter [tilespmem:s12], [sflag:$0x2], $0x400, s20, s0, $0x38;
	[tilespmem:$0x1F900] =	vst v63  }
0x182: {  	_ =	swait.ge [sflag:s5], $0x5000  }
0x183: {  	[sflag:s5] =	ssyncset.done $0x0  }
0x184: {  	s25 =	rddreg [dreg:$0xb];
	[sflag:s5] =	ssyncadd.s32 $0xFFFFB000  }
0x185: {  	[tilespmem:s1], [sflag:$0x1] =	stream.strided.gather [hbm4b:s25+s0], $0x5000, s20, s0, $0x38;
	[tilespmem:$0x1F900] =	vst v63  }
0x186: {  	_ =	swait.ge [sflag:s13], $0x400  }
0x187: {  	[sflag:s13] =	ssyncset.done $0x0  }
0x188: {  	[sflag:s13] =	ssyncadd.s32 $0xFFFFFC00  }
0x189: {  	_ =	swait.ge [sflag:s13], $0x400  }
0x18a: {  	[sflag:s13] =	ssyncset.done $0x0  }
0x18b: {  	[sflag:s13] =	ssyncadd.s32 $0xFFFFFC00  }
0x18c: {  	_ =	swait.ge [sflag:s13], $0x400  }
0x18d: {  	[sflag:s13] =	ssyncset.done $0x0  }
0x18e: {  	[sflag:s13] =	ssyncadd.s32 $0xFFFFFC00  }
0x18f: {  	_ =	swait.ge [sflag:s13], $0x400  }
0x190: {  	[sflag:s13] =	ssyncset.done $0x0  }
0x191: {  	[sflag:s13] =	ssyncadd.s32 $0xFFFFFC00  }
0x192: {  	_ =	swait.ge [sflag:s13], $0x400  }
0x193: {  	[sflag:s13] =	ssyncset.done $0x0  }
0x194: {  	s15 =	simm.s32 $0x1E040;
	[sflag:s13] =	ssyncadd.s32 $0xFFFFFC00  }
0x195: {  	[tilespmem:s15+$0x30] =	vst v0  }
0x196: {  	[tilespmem:s15+$0xFFFFFFF0] =	vst v0  }
0x197: {  	[tilespmem:s15+$0xFFFFFFC0] =	vst v0  }
0x198: {  	[tilespmem:s15+$0xFFFFFFE0] =	vst v0  }
0x199: {  	[tilespmem:s15+$0x10] =	vst v0  }
0x19a: {  	[tilespmem:s15+$0x20] =	vst v0  }
0x19b: {  	[tilespmem:s15+$0x0] =	vst v0  }
0x19c: {  	s16 =	simm.s32 $0x1E440;
	[tilespmem:s15+$0xFFFFFFD0] =	vst v0  }
0x19d: {  	[tilespmem:s16+$0xFFFFFFC0] =	vst v1  }
0x19e: {  	[tilespmem:s16+$0x30] =	vst v1  }
0x19f: {  	[tilespmem:s16+$0x20] =	vst v1  }
0x1a0: {  	[tilespmem:s16+$0x10] =	vst v1  }
0x1a1: {  	[tilespmem:s16+$0xFFFFFFE0] =	vst v1  }
0x1a2: {  	[tilespmem:s16+$0x0] =	vst v1  }
0x1a3: {  	s18 =	simm.s32 $0x0;
	[tilespmem:s16+$0xFFFFFFF0] =	vst v1  }
.LBB2_8:
0x1a4: {  	s18 =	sadd.s32 $0x8, s18;
	[tilespmem:s16+$0xFFFFFFD0] =	vst v1;
	s15 =	sadd.s32 $0x80, s15;
	s16 =	sadd.s32 $0x80, s16  }
0x1a5: {  	[tilespmem:s15+$0x30] =	vst v0;
	p0 =	slt.u32 s18, $0x38  }
0x1a6: {  	[tilespmem:s15+$0xFFFFFFF0] =	vst v0  }
0x1a7: {  	[tilespmem:s15+$0xFFFFFFC0] =	vst v0  }
0x1a8: {  	[tilespmem:s16+$0xFFFFFFC0] =	vst v1  }
0x1a9: {  	[tilespmem:s16+$0x30] =	vst v1  }
0x1aa: {  	[tilespmem:s15+$0xFFFFFFE0] =	vst v0  }
0x1ab: {  	[tilespmem:s15+$0x10] =	vst v0  }
0x1ac: {  	[tilespmem:s15+$0x20] =	vst v0  }
0x1ad: {  	[tilespmem:s16+$0x20] =	vst v1  }
0x1ae: {  	[tilespmem:s16+$0x10] =	vst v1  }
.Ltmp3:
0x1af: {  	[tilespmem:s16+$0xFFFFFFE0] =	vst v1;
	(pc) =	sbr.rel @p0 .LBB2_8-.Ltmp3, $4  }
0x1b0: {  	[tilespmem:s15+$0x0] =	vst v0  }
0x1b1: {  	[tilespmem:s16+$0x0] =	vst v1  }
0x1b2: {  	[tilespmem:s16+$0xFFFFFFF0] =	vst v1  }
0x1b3: {  	[tilespmem:s15+$0xFFFFFFD0] =	vst v0  }
0x1b4: {  	[tilespmem:s16+$0xFFFFFFD0] =	vst v1  }
0x1b5: {  	s15 =	rddreg [dreg:$0xc]  }
0x1b6: {  	[tilespmem:s6], [sflag:$0x3] =	stream.linear.gather [hbm4b:s15+s1], $0x80, $0x38;
	[tilespmem:$0x1F900] =	vst v63  }
0x1b7: {  	_ =	swait.ge [sflag:s17], $0x80  }
0x1b8: {  	[sflag:s17] =	ssyncset.done $0x0  }
0x1b9: {  	[sflag:s17] =	ssyncadd.s32 $0xFFFFFF80  }
0x1ba: {  	v4 =	vld [tilespmem:$0x1F800];
	_ =	sdelay $0x4  }
0x1bb: {  	vm0 =	vle.f32 v4, $1.008000000e+03  }
0x1bc: {  	v4 =	vnsel vm0, $0x40000000, v3  }
0x1bd: {  	(xrf0) =	vmin.scan.msk.f32 $0xffff, v4;
	_ =	sdelay $0x5  }
0x1be: {  	v4, _, _ =	vpop (xrf0)  }
0x1bf: {  	v5 =	vimm.s32 $0x0;
	s16 =	simm.s32 $0xF0;
	s18 =	simm.s32 $0x5080;
	s15 =	simm.s32 $0xFFFFFFF0;
	v4 =	vbroadcast v4, $0xF  }
.LBB2_10:
0x1c0: {  	v6 =	vld [tilespmem:s18+$0xFFFFFF80];
	_ =	sdelay $0x4  }
0x1c1: {  	vm0 =	vgt.f32 v6, v4  }
0x1c2: {  	v7 =	vsel vm0, $0x1, v1  }
0x1c3: {  	(xrf0) =	vadd.scan.msk.s32 $0xffff, v7;
	_ =	sdelay $0x5  }
0x1c4: {  	v7, _, _ =	vpop (xrf0)  }
0x1c5: {  	v7 =	vadd.s32 v7, v5  }
0x1c6: {  	v7 =	vadd.s32 $0xFFFFFFFF, v7;
	_ =	sdelay $0x3  }
0x1c7: {  	s19 =	sadd.s32 $0xFFFFFF10, s16  }
0x1c8: {  	[tilespmem:v7+s7+$0x0] =	vst.idx.msk vm0, v6;
	v6 =	vor.u32 s19, v2  }
0x1c9: {  	[tilespmem:v7+s8+$0x0] =	vst.idx.msk vm0, v6  }
0x1ca: {  	v6 =	vld [tilespmem:s18+$0xFFFFFF90];
	_ =	sdelay $0x4  }
0x1cb: {  	vm1 =	vgt.f32 v6, v4  }
0x1cc: {  	v7 =	vsel vm1, $0x1, v1  }
0x1cd: {  	(xrf0) =	vadd.scan.msk.s32 $0xffff, v7;
	_ =	sdelay $0x1  }
0x1ce: {  	v7 =	vmpcnt.ones.xlane vm0;
	_ =	sdelay $0x3  }
0x1cf: {  	v5 =	vadd.s32 v5, v7;
	v7, _, _ =	vpop (xrf0)  }
0x1d0: {  	v7 =	vadd.s32 v7, v5  }
0x1d1: {  	v7 =	vadd.s32 $0xFFFFFFFF, v7;
	_ =	sdelay $0x3  }
0x1d2: {  	s22 =	sadd.s32 $0xFFFFFF20, s16  }
0x1d3: {  	[tilespmem:v7+s7+$0x0] =	vst.idx.msk vm1, v6;
	v6 =	vor.u32 s22, v2  }
0x1d4: {  	[tilespmem:v7+s8+$0x0] =	vst.idx.msk vm1, v6  }
0x1d5: {  	v6 =	vld [tilespmem:s18+$0xFFFFFFA0];
	_ =	sdelay $0x4  }
0x1d6: {  	vm14 =	vgt.f32 v6, v4  }
0x1d7: {  	v7 =	vsel vm14, $0x1, v1  }
0x1d8: {  	(xrf0) =	vadd.scan.msk.s32 $0xffff, v7;
	_ =	sdelay $0x1  }
0x1d9: {  	v7 =	vmpcnt.ones.xlane vm1;
	_ =	sdelay $0x3  }
0x1da: {  	v5 =	vadd.s32 v5, v7;
	v7, _, _ =	vpop (xrf0)  }
0x1db: {  	v7 =	vadd.s32 v7, v5  }
0x1dc: {  	v7 =	vadd.s32 $0xFFFFFFFF, v7;
	_ =	sdelay $0x3  }
0x1dd: {  	s23 =	sadd.s32 $0xFFFFFF30, s16  }
0x1de: {  	[tilespmem:v7+s7+$0x0] =	vst.idx.msk vm14, v6;
	v6 =	vor.u32 s23, v2  }
0x1df: {  	[tilespmem:v7+s8+$0x0] =	vst.idx.msk vm14, v6  }
0x1e0: {  	v6 =	vld [tilespmem:s18+$0xFFFFFFB0];
	_ =	sdelay $0x4  }
0x1e1: {  	vm15 =	vgt.f32 v6, v4  }
0x1e2: {  	v7 =	vsel vm15, $0x1, v1  }
0x1e3: {  	(xrf0) =	vadd.scan.msk.s32 $0xffff, v7;
	_ =	sdelay $0x1  }
0x1e4: {  	v7 =	vmpcnt.ones.xlane vm14;
	_ =	sdelay $0x3  }
0x1e5: {  	v5 =	vadd.s32 v5, v7;
	v7, _, _ =	vpop (xrf0)  }
0x1e6: {  	v7 =	vadd.s32 v7, v5  }
0x1e7: {  	v7 =	vadd.s32 $0xFFFFFFFF, v7;
	_ =	sdelay $0x3  }
0x1e8: {  	s24 =	sadd.s32 $0xFFFFFF40, s16  }
0x1e9: {  	[tilespmem:v7+s7+$0x0] =	vst.idx.msk vm15, v6;
	v6 =	vor.u32 s24, v2  }
0x1ea: {  	[tilespmem:v7+s8+$0x0] =	vst.idx.msk vm15, v6  }
0x1eb: {  	v6 =	vld [tilespmem:s18+$0xFFFFFFC0];
	_ =	sdelay $0x4  }
0x1ec: {  	vm4 =	vgt.f32 v6, v4  }
0x1ed: {  	v7 =	vsel vm4, $0x1, v1  }
0x1ee: {  	(xrf0) =	vadd.scan.msk.s32 $0xffff, v7;
	_ =	sdelay $0x1  }
0x1ef: {  	v7 =	vmpcnt.ones.xlane vm15;
	_ =	sdelay $0x3  }
0x1f0: {  	v5 =	vadd.s32 v5, v7;
	v7, _, _ =	vpop (xrf0)  }
0x1f1: {  	v7 =	vadd.s32 v7, v5  }
0x1f2: {  	v7 =	vadd.s32 $0xFFFFFFFF, v7;
	_ =	sdelay $0x3  }
0x1f3: {  	s25 =	sadd.s32 $0xFFFFFF50, s16  }
0x1f4: {  	[tilespmem:v7+s7+$0x0] =	vst.idx.msk vm4, v6;
	v6 =	vor.u32 s25, v2  }
0x1f5: {  	[tilespmem:v7+s8+$0x0] =	vst.idx.msk vm4, v6  }
0x1f6: {  	v6 =	vld [tilespmem:s18+$0xFFFFFFD0];
	_ =	sdelay $0x4  }
0x1f7: {  	vm5 =	vgt.f32 v6, v4  }
0x1f8: {  	v7 =	vsel vm5, $0x1, v1  }
0x1f9: {  	(xrf0) =	vadd.scan.msk.s32 $0xffff, v7;
	_ =	sdelay $0x1  }
0x1fa: {  	v7 =	vmpcnt.ones.xlane vm4;
	_ =	sdelay $0x3  }
0x1fb: {  	v5 =	vadd.s32 v5, v7;
	v7, _, _ =	vpop (xrf0)  }
0x1fc: {  	v7 =	vadd.s32 v7, v5  }
0x1fd: {  	v7 =	vadd.s32 $0xFFFFFFFF, v7;
	_ =	sdelay $0x3  }
0x1fe: {  	s21 =	sadd.s32 $0xFFFFFF60, s16  }
0x1ff: {  	[tilespmem:v7+s7+$0x0] =	vst.idx.msk vm5, v6;
	v6 =	vor.u32 s21, v2  }
0x200: {  	[tilespmem:v7+s8+$0x0] =	vst.idx.msk vm5, v6  }
0x201: {  	v6 =	vld [tilespmem:s18+$0xFFFFFFE0];
	_ =	sdelay $0x4  }
0x202: {  	vm6 =	vgt.f32 v6, v4  }
0x203: {  	v7 =	vsel vm6, $0x1, v1  }
0x204: {  	(xrf0) =	vadd.scan.msk.s32 $0xffff, v7;
	_ =	sdelay $0x1  }
0x205: {  	v7 =	vmpcnt.ones.xlane vm5;
	_ =	sdelay $0x3  }
0x206: {  	v5 =	vadd.s32 v5, v7;
	v7, _, _ =	vpop (xrf0)  }
0x207: {  	v7 =	vadd.s32 v7, v5  }
0x208: {  	v7 =	vadd.s32 $0xFFFFFFFF, v7;
	_ =	sdelay $0x3  }
0x209: {  	s22 =	sadd.s32 $0xFFFFFF70, s16  }
0x20a: {  	[tilespmem:v7+s7+$0x0] =	vst.idx.msk vm6, v6;
	v6 =	vor.u32 s22, v2  }
0x20b: {  	[tilespmem:v7+s8+$0x0] =	vst.idx.msk vm6, v6  }
0x20c: {  	v6 =	vld [tilespmem:s18+$0xFFFFFFF0];
	_ =	sdelay $0x4  }
0x20d: {  	vm7 =	vgt.f32 v6, v4  }
0x20e: {  	v7 =	vsel vm7, $0x1, v1  }
0x20f: {  	(xrf0) =	vadd.scan.msk.s32 $0xffff, v7;
	_ =	sdelay $0x1  }
0x210: {  	v7 =	vmpcnt.ones.xlane vm6;
	_ =	sdelay $0x3  }
0x211: {  	v5 =	vadd.s32 v5, v7;
	v7, _, _ =	vpop (xrf0)  }
0x212: {  	v7 =	vadd.s32 v7, v5  }
0x213: {  	v7 =	vadd.s32 $0xFFFFFFFF, v7;
	_ =	sdelay $0x3  }
0x214: {  	s23 =	sadd.s32 $0xFFFFFF80, s16  }
0x215: {  	[tilespmem:v7+s7+$0x0] =	vst.idx.msk vm7, v6;
	v6 =	vor.u32 s23, v2  }
0x216: {  	[tilespmem:v7+s8+$0x0] =	vst.idx.msk vm7, v6  }
0x217: {  	v6 =	vld [tilespmem:s18+$0x0];
	_ =	sdelay $0x4  }
0x218: {  	vm8 =	vgt.f32 v6, v4  }
0x219: {  	v7 =	vsel vm8, $0x1, v1  }
0x21a: {  	(xrf0) =	vadd.scan.msk.s32 $0xffff, v7;
	_ =	sdelay $0x1  }
0x21b: {  	v7 =	vmpcnt.ones.xlane vm7;
	_ =	sdelay $0x3  }
0x21c: {  	v5 =	vadd.s32 v5, v7;
	v7, _, _ =	vpop (xrf0)  }
0x21d: {  	v7 =	vadd.s32 v7, v5  }
0x21e: {  	v7 =	vadd.s32 $0xFFFFFFFF, v7;
	_ =	sdelay $0x3  }
0x21f: {  	s24 =	sadd.s32 $0xFFFFFF90, s16  }
0x220: {  	[tilespmem:v7+s7+$0x0] =	vst.idx.msk vm8, v6;
	v6 =	vor.u32 s24, v2  }
0x221: {  	[tilespmem:v7+s8+$0x0] =	vst.idx.msk vm8, v6  }
0x222: {  	v6 =	vld [tilespmem:s18+$0x10];
	_ =	sdelay $0x4  }
0x223: {  	vm9 =	vgt.f32 v6, v4  }
0x224: {  	v7 =	vsel vm9, $0x1, v1  }
0x225: {  	(xrf0) =	vadd.scan.msk.s32 $0xffff, v7;
	_ =	sdelay $0x1  }
0x226: {  	v7 =	vmpcnt.ones.xlane vm8;
	_ =	sdelay $0x3  }
0x227: {  	v5 =	vadd.s32 v5, v7;
	v7, _, _ =	vpop (xrf0)  }
0x228: {  	v7 =	vadd.s32 v7, v5  }
0x229: {  	v7 =	vadd.s32 $0xFFFFFFFF, v7;
	_ =	sdelay $0x3  }
0x22a: {  	s25 =	sadd.s32 $0xFFFFFFA0, s16  }
0x22b: {  	[tilespmem:v7+s7+$0x0] =	vst.idx.msk vm9, v6;
	v6 =	vor.u32 s25, v2  }
0x22c: {  	[tilespmem:v7+s8+$0x0] =	vst.idx.msk vm9, v6  }
0x22d: {  	v6 =	vld [tilespmem:s18+$0x20];
	_ =	sdelay $0x4  }
0x22e: {  	vm10 =	vgt.f32 v6, v4  }
0x22f: {  	v7 =	vsel vm10, $0x1, v1  }
0x230: {  	(xrf0) =	vadd.scan.msk.s32 $0xffff, v7;
	_ =	sdelay $0x1  }
0x231: {  	v7 =	vmpcnt.ones.xlane vm9;
	_ =	sdelay $0x3  }
0x232: {  	v5 =	vadd.s32 v5, v7;
	v7, _, _ =	vpop (xrf0)  }
0x233: {  	v7 =	vadd.s32 v7, v5  }
0x234: {  	v7 =	vadd.s32 $0xFFFFFFFF, v7;
	_ =	sdelay $0x3  }
0x235: {  	s21 =	sadd.s32 $0xFFFFFFB0, s16  }
0x236: {  	[tilespmem:v7+s7+$0x0] =	vst.idx.msk vm10, v6;
	v6 =	vor.u32 s21, v2  }
0x237: {  	[tilespmem:v7+s8+$0x0] =	vst.idx.msk vm10, v6  }
0x238: {  	v6 =	vld [tilespmem:s18+$0x30];
	_ =	sdelay $0x4  }
0x239: {  	vm11 =	vgt.f32 v6, v4  }
0x23a: {  	v7 =	vsel vm11, $0x1, v1  }
0x23b: {  	(xrf0) =	vadd.scan.msk.s32 $0xffff, v7;
	_ =	sdelay $0x1  }
0x23c: {  	v7 =	vmpcnt.ones.xlane vm10;
	_ =	sdelay $0x3  }
0x23d: {  	v5 =	vadd.s32 v5, v7;
	v7, _, _ =	vpop (xrf0)  }
0x23e: {  	v7 =	vadd.s32 v7, v5  }
0x23f: {  	v7 =	vadd.s32 $0xFFFFFFFF, v7;
	_ =	sdelay $0x3  }
0x240: {  	s22 =	sadd.s32 $0xFFFFFFC0, s16  }
0x241: {  	[tilespmem:v7+s7+$0x0] =	vst.idx.msk vm11, v6;
	v6 =	vor.u32 s22, v2  }
0x242: {  	[tilespmem:v7+s8+$0x0] =	vst.idx.msk vm11, v6  }
0x243: {  	v6 =	vld [tilespmem:s18+$0x40];
	_ =	sdelay $0x4  }
0x244: {  	vm12 =	vgt.f32 v6, v4  }
0x245: {  	v7 =	vsel vm12, $0x1, v1  }
0x246: {  	(xrf0) =	vadd.scan.msk.s32 $0xffff, v7;
	_ =	sdelay $0x1  }
0x247: {  	v7 =	vmpcnt.ones.xlane vm11;
	_ =	sdelay $0x3  }
0x248: {  	v5 =	vadd.s32 v5, v7;
	v7, _, _ =	vpop (xrf0)  }
0x249: {  	v7 =	vadd.s32 v7, v5  }
0x24a: {  	v7 =	vadd.s32 $0xFFFFFFFF, v7;
	_ =	sdelay $0x3  }
0x24b: {  	s23 =	sadd.s32 $0xFFFFFFD0, s16  }
0x24c: {  	[tilespmem:v7+s7+$0x0] =	vst.idx.msk vm12, v6;
	v6 =	vor.u32 s23, v2  }
0x24d: {  	[tilespmem:v7+s8+$0x0] =	vst.idx.msk vm12, v6  }
0x24e: {  	v6 =	vld [tilespmem:s18+$0x50];
	_ =	sdelay $0x4  }
0x24f: {  	vm13 =	vgt.f32 v6, v4  }
0x250: {  	v7 =	vsel vm13, $0x1, v1  }
0x251: {  	(xrf0) =	vadd.scan.msk.s32 $0xffff, v7;
	_ =	sdelay $0x1  }
0x252: {  	v7 =	vmpcnt.ones.xlane vm12;
	_ =	sdelay $0x3  }
0x253: {  	v5 =	vadd.s32 v5, v7;
	v7, _, _ =	vpop (xrf0)  }
0x254: {  	v7 =	vadd.s32 v7, v5  }
0x255: {  	v7 =	vadd.s32 $0xFFFFFFFF, v7;
	_ =	sdelay $0x3  }
0x256: {  	s24 =	sadd.s32 $0xFFFFFFE0, s16  }
0x257: {  	[tilespmem:v7+s7+$0x0] =	vst.idx.msk vm13, v6;
	v6 =	vor.u32 s24, v2  }
0x258: {  	[tilespmem:v7+s8+$0x0] =	vst.idx.msk vm13, v6  }
0x259: {  	v6 =	vld [tilespmem:s18+$0x60];
	_ =	sdelay $0x4  }
0x25a: {  	vm14 =	vgt.f32 v6, v4  }
0x25b: {  	v7 =	vsel vm14, $0x1, v1  }
0x25c: {  	(xrf0) =	vadd.scan.msk.s32 $0xffff, v7;
	_ =	sdelay $0x1  }
0x25d: {  	v7 =	vmpcnt.ones.xlane vm13;
	_ =	sdelay $0x3  }
0x25e: {  	v5 =	vadd.s32 v5, v7;
	v7, _, _ =	vpop (xrf0)  }
0x25f: {  	v7 =	vadd.s32 v7, v5  }
0x260: {  	v7 =	vadd.s32 $0xFFFFFFFF, v7;
	_ =	sdelay $0x3  }
0x261: {  	s25 =	sadd.s32 $0xFFFFFFF0, s16  }
0x262: {  	[tilespmem:v7+s7+$0x0] =	vst.idx.msk vm14, v6;
	v6 =	vor.u32 s25, v2  }
0x263: {  	[tilespmem:v7+s8+$0x0] =	vst.idx.msk vm14, v6  }
0x264: {  	v6 =	vld [tilespmem:s18+$0x70];
	_ =	sdelay $0x4  }
0x265: {  	vm15 =	vgt.f32 v6, v4  }
0x266: {  	v7 =	vsel vm15, $0x1, v1  }
0x267: {  	(xrf0) =	vadd.scan.msk.s32 $0xffff, v7;
	_ =	sdelay $0x1  }
0x268: {  	v7 =	vmpcnt.ones.xlane vm14;
	_ =	sdelay $0x3  }
0x269: {  	v5 =	vadd.s32 v5, v7;
	v7, _, _ =	vpop (xrf0)  }
0x26a: {  	v7 =	vadd.s32 v7, v5  }
0x26b: {  	s15 =	sadd.s32 $0x10, s15;
	v7 =	vadd.s32 $0xFFFFFFFF, v7  }
0x26c: {  	p0 =	slt.u32 s15, $0x4F0  }
.Ltmp4:
0x26d: {  	_ = 	snop;
	(pc) =	sbr.rel @p0 .LBB2_10-.Ltmp4, $4  }
0x26e: {  	_ = 	snop  }
0x26f: {  	v8 =	vor.u32 s16, v2;
	s19 =	simm.s32 $0x1F440;
	s16 =	sadd.s32 $0x100, s16;
	v9 =	vmpcnt.ones.xlane vm15  }
0x270: {  	s21 =	simm.s32 $0x1E840;
	s22 =	simm.s32 $0x1EC40;
	s23 =	simm.s32 $0x1F040;
	[tilespmem:v7+s7+$0x0] =	vst.idx.msk vm15, v6  }
0x271: {  	s24 =	simm.s32 $0x1E440;
	s25 =	simm.s32 $0xFFFFFFF8;
	s18 =	sadd.s32 $0x100, s18;
	v5 =	vadd.s32 v5, v9;
	[tilespmem:v7+s8+$0x0] =	vst.idx.msk vm15, v8  }
0x272: {  	v4 =	vld [tilespmem:s24+$0x30]  }
0x273: {  	v5 =	vld [tilespmem:s24+$0xFFFFFFD0]  }
0x274: {  	v6 =	vld [tilespmem:s24+$0xFFFFFFE0]  }
0x275: {  	v7 =	vld [tilespmem:s24+$0xFFFFFFF0]  }
0x276: {  	v8 =	vld [tilespmem:s24+$0x0]  }
0x277: {  	v9 =	vld [tilespmem:s24+$0x10]  }
0x278: {  	v10 =	vld [tilespmem:s24+$0x20]  }
0x279: {  	v11 =	vld [tilespmem:s24+$0xFFFFFFC0]  }
0x27a: {  	v12 =	vld.idx.msk [tilespmem:v4+s31+$0x0], $0xffff  }
0x27b: {  	v13 =	vld.idx.msk [tilespmem:v5+s31+$0x0], $0xffff  }
0x27c: {  	v14 =	vld.idx.msk [tilespmem:v6+s31+$0x0], $0xffff  }
0x27d: {  	v15 =	vld.idx.msk [tilespmem:v7+s31+$0x0], $0xffff  }
0x27e: {  	v16 =	vld.idx.msk [tilespmem:v8+s31+$0x0], $0xffff  }
0x27f: {  	v17 =	vld.idx.msk [tilespmem:v9+s31+$0x0], $0xffff  }
0x280: {  	v18 =	vld.idx.msk [tilespmem:v10+s31+$0x0], $0xffff;
	[tilespmem:s21+$0x30] =	vst v12  }
0x281: {  	v50 =	vld.idx.msk [tilespmem:v11+s31+$0x0], $0xffff;
	[tilespmem:s21+$0xFFFFFFD0] =	vst v13  }
0x282: {  	[tilespmem:s21+$0xFFFFFFE0] =	vst v14;
	v12 =	vld.idx.msk [tilespmem:v4+s2+$0x0], $0xffff  }
0x283: {  	[tilespmem:s21+$0xFFFFFFF0] =	vst v15;
	v51 =	vld.idx.msk [tilespmem:v5+s2+$0x0], $0xffff  }
0x284: {  	[tilespmem:s21+$0x0] =	vst v16;
	v52 =	vld.idx.msk [tilespmem:v6+s2+$0x0], $0xffff  }
0x285: {  	[tilespmem:s21+$0x10] =	vst v17;
	v53 =	vld.idx.msk [tilespmem:v7+s2+$0x0], $0xffff  }
0x286: {  	[tilespmem:s21+$0x20] =	vst v18;
	v54 =	vld.idx.msk [tilespmem:v8+s2+$0x0], $0xffff  }
0x287: {  	[tilespmem:s21+$0xFFFFFFC0] =	vst v50;
	v55 =	vld.idx.msk [tilespmem:v9+s2+$0x0], $0xffff  }
0x288: {  	v13 =	vld.idx.msk [tilespmem:v11+s2+$0x0], $0xffff;
	[tilespmem:s22+$0x30] =	vst v12  }
0x289: {  	v56 =	vld.idx.msk [tilespmem:v10+s2+$0x0], $0xffff;
	[tilespmem:s22+$0xFFFFFFD0] =	vst v51  }
0x28a: {  	[tilespmem:s22+$0xFFFFFFE0] =	vst v52;
	v12 =	vld.idx.msk [tilespmem:v4+s3+$0x0], $0xffff  }
0x28b: {  	[tilespmem:s22+$0xFFFFFFF0] =	vst v53;
	v57 =	vld.idx.msk [tilespmem:v5+s3+$0x0], $0xffff  }
0x28c: {  	[tilespmem:s22+$0x0] =	vst v54;
	v58 =	vld.idx.msk [tilespmem:v6+s3+$0x0], $0xffff  }
0x28d: {  	[tilespmem:s22+$0x10] =	vst v55;
	v59 =	vld.idx.msk [tilespmem:v7+s3+$0x0], $0xffff  }
0x28e: {  	[tilespmem:s22+$0xFFFFFFC0] =	vst v13;
	v60 =	vld.idx.msk [tilespmem:v8+s3+$0x0], $0xffff  }
0x28f: {  	[tilespmem:s22+$0x20] =	vst v56;
	v13 =	vld.idx.msk [tilespmem:v11+s3+$0x0], $0xffff  }
0x290: {  	v61 =	vld.idx.msk [tilespmem:v9+s3+$0x0], $0xffff;
	[tilespmem:s23+$0x30] =	vst v12  }
0x291: {  	v62 =	vld.idx.msk [tilespmem:v10+s3+$0x0], $0xffff;
	[tilespmem:s23+$0xFFFFFFD0] =	vst v57  }
0x292: {  	[tilespmem:s23+$0xFFFFFFE0] =	vst v58;
	v12 =	vld.idx.msk [tilespmem:v4+s4+$0x0], $0xffff  }
0x293: {  	[tilespmem:s23+$0xFFFFFFF0] =	vst v59;
	v63 =	vld.idx.msk [tilespmem:v5+s4+$0x0], $0xffff  }
0x294: {  	[tilespmem:s23+$0x0] =	vst v60;
	v4 =	vld.idx.msk [tilespmem:v6+s4+$0x0], $0xffff  }
0x295: {  	[tilespmem:s23+$0xFFFFFFC0] =	vst v13;
	v5 =	vld.idx.msk [tilespmem:v7+s4+$0x0], $0xffff  }
0x296: {  	[tilespmem:s23+$0x10] =	vst v61;
	v7 =	vld.idx.msk [tilespmem:v8+s4+$0x0], $0xffff  }
0x297: {  	[tilespmem:s23+$0x20] =	vst v62;
	v6 =	vld.idx.msk [tilespmem:v11+s4+$0x0], $0xffff  }
0x298: {  	v8 =	vld.idx.msk [tilespmem:v9+s4+$0x0], $0xffff;
	[tilespmem:s19+$0x30] =	vst v12  }
0x299: {  	s15 =	sadd.s32 $0x8, s25;
	s16 =	sadd.s32 $0x80, s24;
	v9 =	vld.idx.msk [tilespmem:v10+s4+$0x0], $0xffff;
	[tilespmem:s19+$0xFFFFFFD0] =	vst v63  }
.LBB2_12:
0x29a: {  	v10 =	vld [tilespmem:s16+$0x30];
	s15 =	sadd.s32 $0x8, s15;
	[tilespmem:s19+$0xFFFFFFE0] =	vst v4  }
0x29b: {  	v4 =	vld [tilespmem:s16+$0xFFFFFFD0];
	p0 =	slt.u32 s15, $0x38;
	[tilespmem:s19+$0xFFFFFFF0] =	vst v5  }
0x29c: {  	v5 =	vld [tilespmem:s16+$0xFFFFFFE0];
	[tilespmem:s19+$0x0] =	vst v7  }
0x29d: {  	v7 =	vld [tilespmem:s16+$0xFFFFFFF0];
	[tilespmem:s19+$0xFFFFFFC0] =	vst v6  }
0x29e: {  	v6 =	vld [tilespmem:s16+$0x0];
	[tilespmem:s19+$0x10] =	vst v8  }
0x29f: {  	v8 =	vld [tilespmem:s16+$0x10];
	[tilespmem:s19+$0x20] =	vst v9  }
0x2a0: {  	v9 =	vld [tilespmem:s16+$0x20]  }
0x2a1: {  	v11 =	vld [tilespmem:s16+$0xFFFFFFC0]  }
0x2a2: {  	v12 =	vld.idx.msk [tilespmem:v10+s31+$0x0], $0xffff  }
0x2a3: {  	v13 =	vld.idx.msk [tilespmem:v4+s31+$0x0], $0xffff  }
0x2a4: {  	v14 =	vld.idx.msk [tilespmem:v5+s31+$0x0], $0xffff  }
0x2a5: {  	v15 =	vld.idx.msk [tilespmem:v7+s31+$0x0], $0xffff  }
0x2a6: {  	v16 =	vld.idx.msk [tilespmem:v6+s31+$0x0], $0xffff  }
0x2a7: {  	s21 =	sadd.s32 $0x80, s21;
	v17 =	vld.idx.msk [tilespmem:v8+s31+$0x0], $0xffff  }
0x2a8: {  	v18 =	vld.idx.msk [tilespmem:v9+s31+$0x0], $0xffff;
	[tilespmem:s21+$0x30] =	vst v12  }
0x2a9: {  	[tilespmem:s21+$0xFFFFFFD0] =	vst v13;
	v12 =	vld.idx.msk [tilespmem:v10+s2+$0x0], $0xffff  }
0x2aa: {  	v13 =	vld.idx.msk [tilespmem:v11+s31+$0x0], $0xffff;
	[tilespmem:s21+$0xFFFFFFE0] =	vst v14  }
0x2ab: {  	v14 =	vld.idx.msk [tilespmem:v4+s2+$0x0], $0xffff;
	[tilespmem:s21+$0xFFFFFFF0] =	vst v15  }
0x2ac: {  	v15 =	vld.idx.msk [tilespmem:v5+s2+$0x0], $0xffff;
	[tilespmem:s21+$0x0] =	vst v16  }
0x2ad: {  	v16 =	vld.idx.msk [tilespmem:v7+s2+$0x0], $0xffff;
	[tilespmem:s21+$0x10] =	vst v17  }
0x2ae: {  	s22 =	sadd.s32 $0x80, s22;
	v17 =	vld.idx.msk [tilespmem:v6+s2+$0x0], $0xffff;
	[tilespmem:s21+$0x20] =	vst v18  }
0x2af: {  	v18 =	vld.idx.msk [tilespmem:v8+s2+$0x0], $0xffff;
	[tilespmem:s22+$0x30] =	vst v12  }
0x2b0: {  	[tilespmem:s21+$0xFFFFFFC0] =	vst v13;
	v12 =	vld.idx.msk [tilespmem:v10+s3+$0x0], $0xffff  }
0x2b1: {  	v13 =	vld.idx.msk [tilespmem:v11+s2+$0x0], $0xffff;
	[tilespmem:s22+$0xFFFFFFD0] =	vst v14  }
0x2b2: {  	[tilespmem:s22+$0xFFFFFFE0] =	vst v15;
	v14 =	vld.idx.msk [tilespmem:v9+s2+$0x0], $0xffff  }
0x2b3: {  	v15 =	vld.idx.msk [tilespmem:v4+s3+$0x0], $0xffff;
	[tilespmem:s22+$0xFFFFFFF0] =	vst v16  }
0x2b4: {  	v16 =	vld.idx.msk [tilespmem:v5+s3+$0x0], $0xffff;
	[tilespmem:s22+$0x0] =	vst v17  }
0x2b5: {  	s23 =	sadd.s32 $0x80, s23;
	v17 =	vld.idx.msk [tilespmem:v7+s3+$0x0], $0xffff;
	[tilespmem:s22+$0x10] =	vst v18  }
0x2b6: {  	v18 =	vld.idx.msk [tilespmem:v6+s3+$0x0], $0xffff;
	[tilespmem:s23+$0x30] =	vst v12  }
0x2b7: {  	[tilespmem:s22+$0xFFFFFFC0] =	vst v13;
	v10 =	vld.idx.msk [tilespmem:v10+s4+$0x0], $0xffff  }
0x2b8: {  	v12 =	vld.idx.msk [tilespmem:v11+s3+$0x0], $0xffff;
	[tilespmem:s22+$0x20] =	vst v14  }
0x2b9: {  	[tilespmem:s23+$0xFFFFFFD0] =	vst v15;
	v13 =	vld.idx.msk [tilespmem:v8+s3+$0x0], $0xffff  }
0x2ba: {  	[tilespmem:s23+$0xFFFFFFE0] =	vst v16;
	v14 =	vld.idx.msk [tilespmem:v9+s3+$0x0], $0xffff  }
0x2bb: {  	v15 =	vld.idx.msk [tilespmem:v4+s4+$0x0], $0xffff;
	[tilespmem:s23+$0xFFFFFFF0] =	vst v17  }
0x2bc: {  	s19 =	sadd.s32 $0x80, s19;
	v4 =	vld.idx.msk [tilespmem:v5+s4+$0x0], $0xffff;
	[tilespmem:s23+$0x0] =	vst v18  }
.Ltmp5:
0x2bd: {  	v5 =	vld.idx.msk [tilespmem:v7+s4+$0x0], $0xffff;
	[tilespmem:s19+$0x30] =	vst v10;
	(pc) =	sbr.rel @p0 .LBB2_12-.Ltmp5, $4  }
0x2be: {  	[tilespmem:s23+$0xFFFFFFC0] =	vst v12;
	v7 =	vld.idx.msk [tilespmem:v6+s4+$0x0], $0xffff  }
0x2bf: {  	v6 =	vld.idx.msk [tilespmem:v11+s4+$0x0], $0xffff;
	[tilespmem:s23+$0x10] =	vst v13  }
0x2c0: {  	v8 =	vld.idx.msk [tilespmem:v8+s4+$0x0], $0xffff;
	[tilespmem:s23+$0x20] =	vst v14  }
0x2c1: {  	s16 =	sadd.s32 $0x80, s16;
	[tilespmem:s19+$0xFFFFFFD0] =	vst v15;
	v9 =	vld.idx.msk [tilespmem:v9+s4+$0x0], $0xffff  }
0x2c2: {  	[tilespmem:s19+$0xFFFFFFE0] =	vst v4  }
0x2c3: {  	[tilespmem:s19+$0xFFFFFFF0] =	vst v5  }
0x2c4: {  	[tilespmem:s19+$0x0] =	vst v7  }
0x2c5: {  	[tilespmem:s19+$0xFFFFFFC0] =	vst v6  }
0x2c6: {  	[tilespmem:s19+$0x10] =	vst v8  }
0x2c7: {  	[tilespmem:s19+$0x20] =	vst v9  }
0x2c8: {  	s15 =	rddreg [dreg:$0xd]  }
0x2c9: {  	[hbm4b:s15+s0] =	stream.strided.scatter [tilespmem:s7], [sflag:$0x2], $0x400, s20, s0, $0x38;
	[tilespmem:$0x1F900] =	vst v63  }
0x2ca: {  	s22 =	rddreg [dreg:$0xe]  }
0x2cb: {  	[hbm4b:s22+s0] =	stream.strided.scatter [tilespmem:s9], [sflag:$0x2], $0x400, s20, s0, $0x38;
	[tilespmem:$0x1F900] =	vst v63  }
0x2cc: {  	s23 =	rddreg [dreg:$0xf]  }
0x2cd: {  	[hbm4b:s23+s0] =	stream.strided.scatter [tilespmem:s10], [sflag:$0x2], $0x400, s20, s0, $0x38;
	[tilespmem:$0x1F900] =	vst v63  }
0x2ce: {  	s24 =	rddreg [dreg:$0x11]  }
0x2cf: {  	[hbm4b:s24+s0] =	stream.strided.scatter [tilespmem:s11], [sflag:$0x2], $0x400, s20, s0, $0x38;
	[tilespmem:$0x1F900] =	vst v63  }
0x2d0: {  	s25 =	rddreg [dreg:$0x12]  }
0x2d1: {  	[hbm4b:s25+s0] =	stream.strided.scatter [tilespmem:s12], [sflag:$0x2], $0x400, s20, s0, $0x38;
	[tilespmem:$0x1F900] =	vst v63  }
0x2d2: {  	_ =	swait.ge [sflag:s5], $0x5000  }
0x2d3: {  	[sflag:s5] =	ssyncset.done $0x0  }
0x2d4: {  	[sflag:s5] =	ssyncadd.s32 $0xFFFFB000  }
0x2d5: {  	_ =	swait.ge [sflag:s13], $0x400  }
0x2d6: {  	[sflag:s13] =	ssyncset.done $0x0  }
0x2d7: {  	[sflag:s13] =	ssyncadd.s32 $0xFFFFFC00  }
0x2d8: {  	_ =	swait.ge [sflag:s13], $0x400  }
0x2d9: {  	[sflag:s13] =	ssyncset.done $0x0  }
0x2da: {  	[sflag:s13] =	ssyncadd.s32 $0xFFFFFC00  }
0x2db: {  	_ =	swait.ge [sflag:s13], $0x400  }
0x2dc: {  	[sflag:s13] =	ssyncset.done $0x0  }
0x2dd: {  	[sflag:s13] =	ssyncadd.s32 $0xFFFFFC00  }
0x2de: {  	_ =	swait.ge [sflag:s13], $0x400  }
0x2df: {  	[sflag:s13] =	ssyncset.done $0x0  }
0x2e0: {  	[sflag:s13] =	ssyncadd.s32 $0xFFFFFC00  }
0x2e1: {  	_ =	swait.ge [sflag:s13], $0x400  }
0x2e2: {  	[sflag:s13] =	ssyncset.done $0x0  }
0x2e3: {  	s15 =	simm.s32 $0x1E040;
	[sflag:s13] =	ssyncadd.s32 $0xFFFFFC00  }
0x2e4: {  	[tilespmem:s15+$0x30] =	vst v0  }
0x2e5: {  	[tilespmem:s15+$0xFFFFFFF0] =	vst v0  }
0x2e6: {  	[tilespmem:s15+$0xFFFFFFC0] =	vst v0  }
0x2e7: {  	[tilespmem:s15+$0xFFFFFFE0] =	vst v0  }
0x2e8: {  	[tilespmem:s15+$0x10] =	vst v0  }
0x2e9: {  	[tilespmem:s15+$0x20] =	vst v0  }
0x2ea: {  	[tilespmem:s15+$0x0] =	vst v0  }
0x2eb: {  	s16 =	simm.s32 $0x1E440;
	[tilespmem:s15+$0xFFFFFFD0] =	vst v0  }
0x2ec: {  	[tilespmem:s16+$0xFFFFFFC0] =	vst v1  }
0x2ed: {  	[tilespmem:s16+$0x30] =	vst v1  }
0x2ee: {  	[tilespmem:s16+$0x20] =	vst v1  }
0x2ef: {  	[tilespmem:s16+$0x10] =	vst v1  }
0x2f0: {  	[tilespmem:s16+$0xFFFFFFE0] =	vst v1  }
0x2f1: {  	[tilespmem:s16+$0x0] =	vst v1  }
0x2f2: {  	s18 =	simm.s32 $0x0;
	[tilespmem:s16+$0xFFFFFFF0] =	vst v1  }
.LBB2_14:
0x2f3: {  	s18 =	sadd.s32 $0x8, s18;
	[tilespmem:s16+$0xFFFFFFD0] =	vst v1;
	s15 =	sadd.s32 $0x80, s15;
	s16 =	sadd.s32 $0x80, s16  }
0x2f4: {  	[tilespmem:s15+$0x30] =	vst v0;
	p0 =	slt.u32 s18, $0x38  }
0x2f5: {  	[tilespmem:s15+$0xFFFFFFF0] =	vst v0  }
0x2f6: {  	[tilespmem:s15+$0xFFFFFFC0] =	vst v0  }
0x2f7: {  	[tilespmem:s16+$0xFFFFFFC0] =	vst v1  }
0x2f8: {  	[tilespmem:s16+$0x30] =	vst v1  }
0x2f9: {  	[tilespmem:s15+$0xFFFFFFE0] =	vst v0  }
0x2fa: {  	[tilespmem:s15+$0x10] =	vst v0  }
0x2fb: {  	[tilespmem:s15+$0x20] =	vst v0  }
0x2fc: {  	[tilespmem:s16+$0x20] =	vst v1  }
0x2fd: {  	[tilespmem:s16+$0x10] =	vst v1  }
.Ltmp6:
0x2fe: {  	[tilespmem:s16+$0xFFFFFFE0] =	vst v1;
	(pc) =	sbr.rel @p0 .LBB2_14-.Ltmp6, $4  }
0x2ff: {  	[tilespmem:s15+$0x0] =	vst v0  }
0x300: {  	[tilespmem:s16+$0x0] =	vst v1  }
0x301: {  	[tilespmem:s16+$0xFFFFFFF0] =	vst v1  }
0x302: {  	[tilespmem:s15+$0xFFFFFFD0] =	vst v0  }
0x303: {  	[tilespmem:s16+$0xFFFFFFD0] =	vst v1  }
0x304: {  	s15 =	rddreg [dreg:$0x10]  }
0x305: {  	[tilespmem:s6], [sflag:$0x3] =	stream.linear.gather [hbm4b:s15+s1], $0x80, $0x38;
	[tilespmem:$0x1F900] =	vst v63  }
0x306: {  	_ =	swait.ge [sflag:s17], $0x80  }
0x307: {  	[sflag:s17] =	ssyncset.done $0x0  }
0x308: {  	[sflag:s17] =	ssyncadd.s32 $0xFFFFFF80  }
0x309: {  	v4 =	vld [tilespmem:$0x1F800];
	_ =	sdelay $0x4  }
0x30a: {  	vm0 =	vle.f32 v4, $1.008000000e+03  }
0x30b: {  	v3 =	vnsel vm0, $0x40000000, v3  }
0x30c: {  	(xrf0) =	vmin.scan.msk.f32 $0xffff, v3;
	_ =	sdelay $0x5  }
0x30d: {  	v3, _, _ =	vpop (xrf0)  }
0x30e: {  	s16 =	simm.s32 $0xF0;
	s18 =	simm.s32 $0x80;
	s15 =	simm.s32 $0xFFFFFFF0;
	v4 =	vimm.s32 $0x0;
	v3 =	vbroadcast v3, $0xF  }
.LBB2_16:
0x30f: {  	v5 =	vld [tilespmem:s18+$0xFFFFFF80];
	_ =	sdelay $0x4  }
0x310: {  	vm0 =	vgt.f32 v5, v3  }
0x311: {  	v6 =	vsel vm0, $0x1, v1  }
0x312: {  	(xrf0) =	vadd.scan.msk.s32 $0xffff, v6;
	_ =	sdelay $0x5  }
0x313: {  	v6, _, _ =	vpop (xrf0)  }
0x314: {  	v6 =	vadd.s32 v6, v4  }
0x315: {  	v6 =	vadd.s32 $0xFFFFFFFF, v6;
	_ =	sdelay $0x3  }
0x316: {  	s19 =	sadd.s32 $0xFFFFFF10, s16  }
0x317: {  	[tilespmem:v6+s7+$0x0] =	vst.idx.msk vm0, v5;
	v5 =	vor.u32 s19, v2  }
0x318: {  	[tilespmem:v6+s8+$0x0] =	vst.idx.msk vm0, v5  }
0x319: {  	v5 =	vld [tilespmem:s18+$0xFFFFFF90];
	_ =	sdelay $0x4  }
0x31a: {  	vm1 =	vgt.f32 v5, v3  }
0x31b: {  	v6 =	vsel vm1, $0x1, v1  }
0x31c: {  	(xrf0) =	vadd.scan.msk.s32 $0xffff, v6;
	_ =	sdelay $0x1  }
0x31d: {  	v6 =	vmpcnt.ones.xlane vm0;
	_ =	sdelay $0x3  }
0x31e: {  	v4 =	vadd.s32 v4, v6;
	v6, _, _ =	vpop (xrf0)  }
0x31f: {  	v6 =	vadd.s32 v6, v4  }
0x320: {  	v6 =	vadd.s32 $0xFFFFFFFF, v6;
	_ =	sdelay $0x3  }
0x321: {  	s22 =	sadd.s32 $0xFFFFFF20, s16  }
0x322: {  	[tilespmem:v6+s7+$0x0] =	vst.idx.msk vm1, v5;
	v5 =	vor.u32 s22, v2  }
0x323: {  	[tilespmem:v6+s8+$0x0] =	vst.idx.msk vm1, v5  }
0x324: {  	v5 =	vld [tilespmem:s18+$0xFFFFFFA0];
	_ =	sdelay $0x4  }
0x325: {  	vm14 =	vgt.f32 v5, v3  }
0x326: {  	v6 =	vsel vm14, $0x1, v1  }
0x327: {  	(xrf0) =	vadd.scan.msk.s32 $0xffff, v6;
	_ =	sdelay $0x1  }
0x328: {  	v6 =	vmpcnt.ones.xlane vm1;
	_ =	sdelay $0x3  }
0x329: {  	v4 =	vadd.s32 v4, v6;
	v6, _, _ =	vpop (xrf0)  }
0x32a: {  	v6 =	vadd.s32 v6, v4  }
0x32b: {  	v6 =	vadd.s32 $0xFFFFFFFF, v6;
	_ =	sdelay $0x3  }
0x32c: {  	s23 =	sadd.s32 $0xFFFFFF30, s16  }
0x32d: {  	[tilespmem:v6+s7+$0x0] =	vst.idx.msk vm14, v5;
	v5 =	vor.u32 s23, v2  }
0x32e: {  	[tilespmem:v6+s8+$0x0] =	vst.idx.msk vm14, v5  }
0x32f: {  	v5 =	vld [tilespmem:s18+$0xFFFFFFB0];
	_ =	sdelay $0x4  }
0x330: {  	vm15 =	vgt.f32 v5, v3  }
0x331: {  	v6 =	vsel vm15, $0x1, v1  }
0x332: {  	(xrf0) =	vadd.scan.msk.s32 $0xffff, v6;
	_ =	sdelay $0x1  }
0x333: {  	v6 =	vmpcnt.ones.xlane vm14;
	_ =	sdelay $0x3  }
0x334: {  	v4 =	vadd.s32 v4, v6;
	v6, _, _ =	vpop (xrf0)  }
0x335: {  	v6 =	vadd.s32 v6, v4  }
0x336: {  	v6 =	vadd.s32 $0xFFFFFFFF, v6;
	_ =	sdelay $0x3  }
0x337: {  	s24 =	sadd.s32 $0xFFFFFF40, s16  }
0x338: {  	[tilespmem:v6+s7+$0x0] =	vst.idx.msk vm15, v5;
	v5 =	vor.u32 s24, v2  }
0x339: {  	[tilespmem:v6+s8+$0x0] =	vst.idx.msk vm15, v5  }
0x33a: {  	v5 =	vld [tilespmem:s18+$0xFFFFFFC0];
	_ =	sdelay $0x4  }
0x33b: {  	vm4 =	vgt.f32 v5, v3  }
0x33c: {  	v6 =	vsel vm4, $0x1, v1  }
0x33d: {  	(xrf0) =	vadd.scan.msk.s32 $0xffff, v6;
	_ =	sdelay $0x1  }
0x33e: {  	v6 =	vmpcnt.ones.xlane vm15;
	_ =	sdelay $0x3  }
0x33f: {  	v4 =	vadd.s32 v4, v6;
	v6, _, _ =	vpop (xrf0)  }
0x340: {  	v6 =	vadd.s32 v6, v4  }
0x341: {  	v6 =	vadd.s32 $0xFFFFFFFF, v6;
	_ =	sdelay $0x3  }
0x342: {  	s25 =	sadd.s32 $0xFFFFFF50, s16  }
0x343: {  	[tilespmem:v6+s7+$0x0] =	vst.idx.msk vm4, v5;
	v5 =	vor.u32 s25, v2  }
0x344: {  	[tilespmem:v6+s8+$0x0] =	vst.idx.msk vm4, v5  }
0x345: {  	v5 =	vld [tilespmem:s18+$0xFFFFFFD0];
	_ =	sdelay $0x4  }
0x346: {  	vm5 =	vgt.f32 v5, v3  }
0x347: {  	v6 =	vsel vm5, $0x1, v1  }
0x348: {  	(xrf0) =	vadd.scan.msk.s32 $0xffff, v6;
	_ =	sdelay $0x1  }
0x349: {  	v6 =	vmpcnt.ones.xlane vm4;
	_ =	sdelay $0x3  }
0x34a: {  	v4 =	vadd.s32 v4, v6;
	v6, _, _ =	vpop (xrf0)  }
0x34b: {  	v6 =	vadd.s32 v6, v4  }
0x34c: {  	v6 =	vadd.s32 $0xFFFFFFFF, v6;
	_ =	sdelay $0x3  }
0x34d: {  	s21 =	sadd.s32 $0xFFFFFF60, s16  }
0x34e: {  	[tilespmem:v6+s7+$0x0] =	vst.idx.msk vm5, v5;
	v5 =	vor.u32 s21, v2  }
0x34f: {  	[tilespmem:v6+s8+$0x0] =	vst.idx.msk vm5, v5  }
0x350: {  	v5 =	vld [tilespmem:s18+$0xFFFFFFE0];
	_ =	sdelay $0x4  }
0x351: {  	vm6 =	vgt.f32 v5, v3  }
0x352: {  	v6 =	vsel vm6, $0x1, v1  }
0x353: {  	(xrf0) =	vadd.scan.msk.s32 $0xffff, v6;
	_ =	sdelay $0x1  }
0x354: {  	v6 =	vmpcnt.ones.xlane vm5;
	_ =	sdelay $0x3  }
0x355: {  	v4 =	vadd.s32 v4, v6;
	v6, _, _ =	vpop (xrf0)  }
0x356: {  	v6 =	vadd.s32 v6, v4  }
0x357: {  	v6 =	vadd.s32 $0xFFFFFFFF, v6;
	_ =	sdelay $0x3  }
0x358: {  	s22 =	sadd.s32 $0xFFFFFF70, s16  }
0x359: {  	[tilespmem:v6+s7+$0x0] =	vst.idx.msk vm6, v5;
	v5 =	vor.u32 s22, v2  }
0x35a: {  	[tilespmem:v6+s8+$0x0] =	vst.idx.msk vm6, v5  }
0x35b: {  	v5 =	vld [tilespmem:s18+$0xFFFFFFF0];
	_ =	sdelay $0x4  }
0x35c: {  	vm7 =	vgt.f32 v5, v3  }
0x35d: {  	v6 =	vsel vm7, $0x1, v1  }
0x35e: {  	(xrf0) =	vadd.scan.msk.s32 $0xffff, v6;
	_ =	sdelay $0x1  }
0x35f: {  	v6 =	vmpcnt.ones.xlane vm6;
	_ =	sdelay $0x3  }
0x360: {  	v4 =	vadd.s32 v4, v6;
	v6, _, _ =	vpop (xrf0)  }
0x361: {  	v6 =	vadd.s32 v6, v4  }
0x362: {  	v6 =	vadd.s32 $0xFFFFFFFF, v6;
	_ =	sdelay $0x3  }
0x363: {  	s23 =	sadd.s32 $0xFFFFFF80, s16  }
0x364: {  	[tilespmem:v6+s7+$0x0] =	vst.idx.msk vm7, v5;
	v5 =	vor.u32 s23, v2  }
0x365: {  	[tilespmem:v6+s8+$0x0] =	vst.idx.msk vm7, v5  }
0x366: {  	v5 =	vld [tilespmem:s18+$0x0];
	_ =	sdelay $0x4  }
0x367: {  	vm8 =	vgt.f32 v5, v3  }
0x368: {  	v6 =	vsel vm8, $0x1, v1  }
0x369: {  	(xrf0) =	vadd.scan.msk.s32 $0xffff, v6;
	_ =	sdelay $0x1  }
0x36a: {  	v6 =	vmpcnt.ones.xlane vm7;
	_ =	sdelay $0x3  }
0x36b: {  	v4 =	vadd.s32 v4, v6;
	v6, _, _ =	vpop (xrf0)  }
0x36c: {  	v6 =	vadd.s32 v6, v4  }
0x36d: {  	v6 =	vadd.s32 $0xFFFFFFFF, v6;
	_ =	sdelay $0x3  }
0x36e: {  	s24 =	sadd.s32 $0xFFFFFF90, s16  }
0x36f: {  	[tilespmem:v6+s7+$0x0] =	vst.idx.msk vm8, v5;
	v5 =	vor.u32 s24, v2  }
0x370: {  	[tilespmem:v6+s8+$0x0] =	vst.idx.msk vm8, v5  }
0x371: {  	v5 =	vld [tilespmem:s18+$0x10];
	_ =	sdelay $0x4  }
0x372: {  	vm9 =	vgt.f32 v5, v3  }
0x373: {  	v6 =	vsel vm9, $0x1, v1  }
0x374: {  	(xrf0) =	vadd.scan.msk.s32 $0xffff, v6;
	_ =	sdelay $0x1  }
0x375: {  	v6 =	vmpcnt.ones.xlane vm8;
	_ =	sdelay $0x3  }
0x376: {  	v4 =	vadd.s32 v4, v6;
	v6, _, _ =	vpop (xrf0)  }
0x377: {  	v6 =	vadd.s32 v6, v4  }
0x378: {  	v6 =	vadd.s32 $0xFFFFFFFF, v6;
	_ =	sdelay $0x3  }
0x379: {  	s25 =	sadd.s32 $0xFFFFFFA0, s16  }
0x37a: {  	[tilespmem:v6+s7+$0x0] =	vst.idx.msk vm9, v5;
	v5 =	vor.u32 s25, v2  }
0x37b: {  	[tilespmem:v6+s8+$0x0] =	vst.idx.msk vm9, v5  }
0x37c: {  	v5 =	vld [tilespmem:s18+$0x20];
	_ =	sdelay $0x4  }
0x37d: {  	vm10 =	vgt.f32 v5, v3  }
0x37e: {  	v6 =	vsel vm10, $0x1, v1  }
0x37f: {  	(xrf0) =	vadd.scan.msk.s32 $0xffff, v6;
	_ =	sdelay $0x1  }
0x380: {  	v6 =	vmpcnt.ones.xlane vm9;
	_ =	sdelay $0x3  }
0x381: {  	v4 =	vadd.s32 v4, v6;
	v6, _, _ =	vpop (xrf0)  }
0x382: {  	v6 =	vadd.s32 v6, v4  }
0x383: {  	v6 =	vadd.s32 $0xFFFFFFFF, v6;
	_ =	sdelay $0x3  }
0x384: {  	s21 =	sadd.s32 $0xFFFFFFB0, s16  }
0x385: {  	[tilespmem:v6+s7+$0x0] =	vst.idx.msk vm10, v5;
	v5 =	vor.u32 s21, v2  }
0x386: {  	[tilespmem:v6+s8+$0x0] =	vst.idx.msk vm10, v5  }
0x387: {  	v5 =	vld [tilespmem:s18+$0x30];
	_ =	sdelay $0x4  }
0x388: {  	vm11 =	vgt.f32 v5, v3  }
0x389: {  	v6 =	vsel vm11, $0x1, v1  }
0x38a: {  	(xrf0) =	vadd.scan.msk.s32 $0xffff, v6;
	_ =	sdelay $0x1  }
0x38b: {  	v6 =	vmpcnt.ones.xlane vm10;
	_ =	sdelay $0x3  }
0x38c: {  	v4 =	vadd.s32 v4, v6;
	v6, _, _ =	vpop (xrf0)  }
0x38d: {  	v6 =	vadd.s32 v6, v4  }
0x38e: {  	v6 =	vadd.s32 $0xFFFFFFFF, v6;
	_ =	sdelay $0x3  }
0x38f: {  	s22 =	sadd.s32 $0xFFFFFFC0, s16  }
0x390: {  	[tilespmem:v6+s7+$0x0] =	vst.idx.msk vm11, v5;
	v5 =	vor.u32 s22, v2  }
0x391: {  	[tilespmem:v6+s8+$0x0] =	vst.idx.msk vm11, v5  }
0x392: {  	v5 =	vld [tilespmem:s18+$0x40];
	_ =	sdelay $0x4  }
0x393: {  	vm12 =	vgt.f32 v5, v3  }
0x394: {  	v6 =	vsel vm12, $0x1, v1  }
0x395: {  	(xrf0) =	vadd.scan.msk.s32 $0xffff, v6;
	_ =	sdelay $0x1  }
0x396: {  	v6 =	vmpcnt.ones.xlane vm11;
	_ =	sdelay $0x3  }
0x397: {  	v4 =	vadd.s32 v4, v6;
	v6, _, _ =	vpop (xrf0)  }
0x398: {  	v6 =	vadd.s32 v6, v4  }
0x399: {  	v6 =	vadd.s32 $0xFFFFFFFF, v6;
	_ =	sdelay $0x3  }
0x39a: {  	s23 =	sadd.s32 $0xFFFFFFD0, s16  }
0x39b: {  	[tilespmem:v6+s7+$0x0] =	vst.idx.msk vm12, v5;
	v5 =	vor.u32 s23, v2  }
0x39c: {  	[tilespmem:v6+s8+$0x0] =	vst.idx.msk vm12, v5  }
0x39d: {  	v5 =	vld [tilespmem:s18+$0x50];
	_ =	sdelay $0x4  }
0x39e: {  	vm13 =	vgt.f32 v5, v3  }
0x39f: {  	v6 =	vsel vm13, $0x1, v1  }
0x3a0: {  	(xrf0) =	vadd.scan.msk.s32 $0xffff, v6;
	_ =	sdelay $0x1  }
0x3a1: {  	v6 =	vmpcnt.ones.xlane vm12;
	_ =	sdelay $0x3  }
0x3a2: {  	v4 =	vadd.s32 v4, v6;
	v6, _, _ =	vpop (xrf0)  }
0x3a3: {  	v6 =	vadd.s32 v6, v4  }
0x3a4: {  	v6 =	vadd.s32 $0xFFFFFFFF, v6;
	_ =	sdelay $0x3  }
0x3a5: {  	s24 =	sadd.s32 $0xFFFFFFE0, s16  }
0x3a6: {  	[tilespmem:v6+s7+$0x0] =	vst.idx.msk vm13, v5;
	v5 =	vor.u32 s24, v2  }
0x3a7: {  	[tilespmem:v6+s8+$0x0] =	vst.idx.msk vm13, v5  }
0x3a8: {  	v5 =	vld [tilespmem:s18+$0x60];
	_ =	sdelay $0x4  }
0x3a9: {  	vm14 =	vgt.f32 v5, v3  }
0x3aa: {  	v6 =	vsel vm14, $0x1, v1  }
0x3ab: {  	(xrf0) =	vadd.scan.msk.s32 $0xffff, v6;
	_ =	sdelay $0x1  }
0x3ac: {  	v6 =	vmpcnt.ones.xlane vm13;
	_ =	sdelay $0x3  }
0x3ad: {  	v4 =	vadd.s32 v4, v6;
	v6, _, _ =	vpop (xrf0)  }
0x3ae: {  	v6 =	vadd.s32 v6, v4  }
0x3af: {  	v6 =	vadd.s32 $0xFFFFFFFF, v6;
	_ =	sdelay $0x3  }
0x3b0: {  	s25 =	sadd.s32 $0xFFFFFFF0, s16  }
0x3b1: {  	[tilespmem:v6+s7+$0x0] =	vst.idx.msk vm14, v5;
	v5 =	vor.u32 s25, v2  }
0x3b2: {  	[tilespmem:v6+s8+$0x0] =	vst.idx.msk vm14, v5  }
0x3b3: {  	v5 =	vld [tilespmem:s18+$0x70];
	_ =	sdelay $0x4  }
0x3b4: {  	vm15 =	vgt.f32 v5, v3  }
0x3b5: {  	v6 =	vsel vm15, $0x1, v1  }
0x3b6: {  	(xrf0) =	vadd.scan.msk.s32 $0xffff, v6;
	_ =	sdelay $0x1  }
0x3b7: {  	v6 =	vmpcnt.ones.xlane vm14;
	_ =	sdelay $0x3  }
0x3b8: {  	v4 =	vadd.s32 v4, v6;
	v6, _, _ =	vpop (xrf0)  }
0x3b9: {  	v6 =	vadd.s32 v6, v4  }
0x3ba: {  	s15 =	sadd.s32 $0x10, s15;
	v6 =	vadd.s32 $0xFFFFFFFF, v6  }
0x3bb: {  	p0 =	slt.u32 s15, $0x4F0  }
.Ltmp7:
0x3bc: {  	_ = 	snop;
	(pc) =	sbr.rel @p0 .LBB2_16-.Ltmp7, $4  }
0x3bd: {  	_ = 	snop  }
0x3be: {  	v7 =	vor.u32 s16, v2;
	s19 =	simm.s32 $0x1F440;
	s16 =	sadd.s32 $0x100, s16;
	v8 =	vmpcnt.ones.xlane vm15  }
0x3bf: {  	s21 =	simm.s32 $0x1E840;
	s22 =	simm.s32 $0x1EC40;
	s23 =	simm.s32 $0x1F040;
	[tilespmem:v6+s7+$0x0] =	vst.idx.msk vm15, v5  }
0x3c0: {  	s24 =	simm.s32 $0x1E440;
	s25 =	simm.s32 $0xFFFFFFF8;
	s18 =	sadd.s32 $0x100, s18;
	v4 =	vadd.s32 v4, v8;
	[tilespmem:v6+s8+$0x0] =	vst.idx.msk vm15, v7  }
0x3c1: {  	v3 =	vld [tilespmem:s24+$0x30]  }
0x3c2: {  	v4 =	vld [tilespmem:s24+$0xFFFFFFD0]  }
0x3c3: {  	v5 =	vld [tilespmem:s24+$0xFFFFFFE0]  }
0x3c4: {  	v6 =	vld [tilespmem:s24+$0xFFFFFFF0]  }
0x3c5: {  	v7 =	vld [tilespmem:s24+$0x0]  }
0x3c6: {  	v8 =	vld [tilespmem:s24+$0x10]  }
0x3c7: {  	v9 =	vld [tilespmem:s24+$0x20]  }
0x3c8: {  	v10 =	vld [tilespmem:s24+$0xFFFFFFC0]  }
0x3c9: {  	v11 =	vld.idx.msk [tilespmem:v3+s31+$0x0], $0xffff  }
0x3ca: {  	v12 =	vld.idx.msk [tilespmem:v4+s31+$0x0], $0xffff  }
0x3cb: {  	v13 =	vld.idx.msk [tilespmem:v5+s31+$0x0], $0xffff  }
0x3cc: {  	v14 =	vld.idx.msk [tilespmem:v6+s31+$0x0], $0xffff  }
0x3cd: {  	v15 =	vld.idx.msk [tilespmem:v7+s31+$0x0], $0xffff  }
0x3ce: {  	v16 =	vld.idx.msk [tilespmem:v8+s31+$0x0], $0xffff  }
0x3cf: {  	v17 =	vld.idx.msk [tilespmem:v9+s31+$0x0], $0xffff;
	[tilespmem:s21+$0x30] =	vst v11  }
0x3d0: {  	v50 =	vld.idx.msk [tilespmem:v10+s31+$0x0], $0xffff;
	[tilespmem:s21+$0xFFFFFFD0] =	vst v12  }
0x3d1: {  	[tilespmem:s21+$0xFFFFFFE0] =	vst v13;
	v11 =	vld.idx.msk [tilespmem:v3+s2+$0x0], $0xffff  }
0x3d2: {  	[tilespmem:s21+$0xFFFFFFF0] =	vst v14;
	v51 =	vld.idx.msk [tilespmem:v4+s2+$0x0], $0xffff  }
0x3d3: {  	[tilespmem:s21+$0x0] =	vst v15;
	v52 =	vld.idx.msk [tilespmem:v5+s2+$0x0], $0xffff  }
0x3d4: {  	[tilespmem:s21+$0x10] =	vst v16;
	v53 =	vld.idx.msk [tilespmem:v6+s2+$0x0], $0xffff  }
0x3d5: {  	[tilespmem:s21+$0x20] =	vst v17;
	v54 =	vld.idx.msk [tilespmem:v7+s2+$0x0], $0xffff  }
0x3d6: {  	[tilespmem:s21+$0xFFFFFFC0] =	vst v50;
	v55 =	vld.idx.msk [tilespmem:v8+s2+$0x0], $0xffff  }
0x3d7: {  	v12 =	vld.idx.msk [tilespmem:v10+s2+$0x0], $0xffff;
	[tilespmem:s22+$0x30] =	vst v11  }
0x3d8: {  	v56 =	vld.idx.msk [tilespmem:v9+s2+$0x0], $0xffff;
	[tilespmem:s22+$0xFFFFFFD0] =	vst v51  }
0x3d9: {  	[tilespmem:s22+$0xFFFFFFE0] =	vst v52;
	v11 =	vld.idx.msk [tilespmem:v3+s3+$0x0], $0xffff  }
0x3da: {  	[tilespmem:s22+$0xFFFFFFF0] =	vst v53;
	v57 =	vld.idx.msk [tilespmem:v4+s3+$0x0], $0xffff  }
0x3db: {  	[tilespmem:s22+$0x0] =	vst v54;
	v58 =	vld.idx.msk [tilespmem:v5+s3+$0x0], $0xffff  }
0x3dc: {  	[tilespmem:s22+$0x10] =	vst v55;
	v59 =	vld.idx.msk [tilespmem:v6+s3+$0x0], $0xffff  }
0x3dd: {  	[tilespmem:s22+$0xFFFFFFC0] =	vst v12;
	v60 =	vld.idx.msk [tilespmem:v7+s3+$0x0], $0xffff  }
0x3de: {  	[tilespmem:s22+$0x20] =	vst v56;
	v12 =	vld.idx.msk [tilespmem:v10+s3+$0x0], $0xffff  }
0x3df: {  	v61 =	vld.idx.msk [tilespmem:v8+s3+$0x0], $0xffff;
	[tilespmem:s23+$0x30] =	vst v11  }
0x3e0: {  	v62 =	vld.idx.msk [tilespmem:v9+s3+$0x0], $0xffff;
	[tilespmem:s23+$0xFFFFFFD0] =	vst v57  }
0x3e1: {  	[tilespmem:s23+$0xFFFFFFE0] =	vst v58;
	v11 =	vld.idx.msk [tilespmem:v3+s4+$0x0], $0xffff  }
0x3e2: {  	[tilespmem:s23+$0xFFFFFFF0] =	vst v59;
	v63 =	vld.idx.msk [tilespmem:v4+s4+$0x0], $0xffff  }
0x3e3: {  	[tilespmem:s23+$0x0] =	vst v60;
	v3 =	vld.idx.msk [tilespmem:v5+s4+$0x0], $0xffff  }
0x3e4: {  	[tilespmem:s23+$0xFFFFFFC0] =	vst v12;
	v4 =	vld.idx.msk [tilespmem:v6+s4+$0x0], $0xffff  }
0x3e5: {  	[tilespmem:s23+$0x10] =	vst v61;
	v6 =	vld.idx.msk [tilespmem:v7+s4+$0x0], $0xffff  }
0x3e6: {  	[tilespmem:s23+$0x20] =	vst v62;
	v5 =	vld.idx.msk [tilespmem:v10+s4+$0x0], $0xffff  }
0x3e7: {  	v7 =	vld.idx.msk [tilespmem:v8+s4+$0x0], $0xffff;
	[tilespmem:s19+$0x30] =	vst v11  }
0x3e8: {  	s15 =	sadd.s32 $0x8, s25;
	s16 =	sadd.s32 $0x80, s24;
	v8 =	vld.idx.msk [tilespmem:v9+s4+$0x0], $0xffff;
	[tilespmem:s19+$0xFFFFFFD0] =	vst v63  }
.LBB2_18:
0x3e9: {  	v9 =	vld [tilespmem:s16+$0x30];
	s15 =	sadd.s32 $0x8, s15;
	[tilespmem:s19+$0xFFFFFFE0] =	vst v3  }
0x3ea: {  	v3 =	vld [tilespmem:s16+$0xFFFFFFD0];
	p0 =	slt.u32 s15, $0x38;
	[tilespmem:s19+$0xFFFFFFF0] =	vst v4  }
0x3eb: {  	v4 =	vld [tilespmem:s16+$0xFFFFFFE0];
	[tilespmem:s19+$0x0] =	vst v6  }
0x3ec: {  	v6 =	vld [tilespmem:s16+$0xFFFFFFF0];
	[tilespmem:s19+$0xFFFFFFC0] =	vst v5  }
0x3ed: {  	v5 =	vld [tilespmem:s16+$0x0];
	[tilespmem:s19+$0x10] =	vst v7  }
0x3ee: {  	v7 =	vld [tilespmem:s16+$0x10];
	[tilespmem:s19+$0x20] =	vst v8  }
0x3ef: {  	v8 =	vld [tilespmem:s16+$0x20]  }
0x3f0: {  	v10 =	vld [tilespmem:s16+$0xFFFFFFC0]  }
0x3f1: {  	v11 =	vld.idx.msk [tilespmem:v9+s31+$0x0], $0xffff  }
0x3f2: {  	v12 =	vld.idx.msk [tilespmem:v3+s31+$0x0], $0xffff  }
0x3f3: {  	v13 =	vld.idx.msk [tilespmem:v4+s31+$0x0], $0xffff  }
0x3f4: {  	v14 =	vld.idx.msk [tilespmem:v6+s31+$0x0], $0xffff  }
0x3f5: {  	v15 =	vld.idx.msk [tilespmem:v5+s31+$0x0], $0xffff  }
0x3f6: {  	s21 =	sadd.s32 $0x80, s21;
	v16 =	vld.idx.msk [tilespmem:v7+s31+$0x0], $0xffff  }
0x3f7: {  	v17 =	vld.idx.msk [tilespmem:v8+s31+$0x0], $0xffff;
	[tilespmem:s21+$0x30] =	vst v11  }
0x3f8: {  	[tilespmem:s21+$0xFFFFFFD0] =	vst v12;
	v11 =	vld.idx.msk [tilespmem:v9+s2+$0x0], $0xffff  }
0x3f9: {  	v12 =	vld.idx.msk [tilespmem:v10+s31+$0x0], $0xffff;
	[tilespmem:s21+$0xFFFFFFE0] =	vst v13  }
0x3fa: {  	v13 =	vld.idx.msk [tilespmem:v3+s2+$0x0], $0xffff;
	[tilespmem:s21+$0xFFFFFFF0] =	vst v14  }
0x3fb: {  	v14 =	vld.idx.msk [tilespmem:v4+s2+$0x0], $0xffff;
	[tilespmem:s21+$0x0] =	vst v15  }
0x3fc: {  	v15 =	vld.idx.msk [tilespmem:v6+s2+$0x0], $0xffff;
	[tilespmem:s21+$0x10] =	vst v16  }
0x3fd: {  	s22 =	sadd.s32 $0x80, s22;
	v16 =	vld.idx.msk [tilespmem:v5+s2+$0x0], $0xffff;
	[tilespmem:s21+$0x20] =	vst v17  }
0x3fe: {  	v17 =	vld.idx.msk [tilespmem:v7+s2+$0x0], $0xffff;
	[tilespmem:s22+$0x30] =	vst v11  }
0x3ff: {  	[tilespmem:s21+$0xFFFFFFC0] =	vst v12;
	v11 =	vld.idx.msk [tilespmem:v9+s3+$0x0], $0xffff  }
0x400: {  	v12 =	vld.idx.msk [tilespmem:v10+s2+$0x0], $0xffff;
	[tilespmem:s22+$0xFFFFFFD0] =	vst v13  }
0x401: {  	[tilespmem:s22+$0xFFFFFFE0] =	vst v14;
	v13 =	vld.idx.msk [tilespmem:v8+s2+$0x0], $0xffff  }
0x402: {  	v14 =	vld.idx.msk [tilespmem:v3+s3+$0x0], $0xffff;
	[tilespmem:s22+$0xFFFFFFF0] =	vst v15  }
0x403: {  	v15 =	vld.idx.msk [tilespmem:v4+s3+$0x0], $0xffff;
	[tilespmem:s22+$0x0] =	vst v16  }
0x404: {  	s23 =	sadd.s32 $0x80, s23;
	v16 =	vld.idx.msk [tilespmem:v6+s3+$0x0], $0xffff;
	[tilespmem:s22+$0x10] =	vst v17  }
0x405: {  	v17 =	vld.idx.msk [tilespmem:v5+s3+$0x0], $0xffff;
	[tilespmem:s23+$0x30] =	vst v11  }
0x406: {  	[tilespmem:s22+$0xFFFFFFC0] =	vst v12;
	v9 =	vld.idx.msk [tilespmem:v9+s4+$0x0], $0xffff  }
0x407: {  	v11 =	vld.idx.msk [tilespmem:v10+s3+$0x0], $0xffff;
	[tilespmem:s22+$0x20] =	vst v13  }
0x408: {  	[tilespmem:s23+$0xFFFFFFD0] =	vst v14;
	v12 =	vld.idx.msk [tilespmem:v7+s3+$0x0], $0xffff  }
0x409: {  	[tilespmem:s23+$0xFFFFFFE0] =	vst v15;
	v13 =	vld.idx.msk [tilespmem:v8+s3+$0x0], $0xffff  }
0x40a: {  	v14 =	vld.idx.msk [tilespmem:v3+s4+$0x0], $0xffff;
	[tilespmem:s23+$0xFFFFFFF0] =	vst v16  }
0x40b: {  	s19 =	sadd.s32 $0x80, s19;
	v3 =	vld.idx.msk [tilespmem:v4+s4+$0x0], $0xffff;
	[tilespmem:s23+$0x0] =	vst v17  }
.Ltmp8:
0x40c: {  	v4 =	vld.idx.msk [tilespmem:v6+s4+$0x0], $0xffff;
	[tilespmem:s19+$0x30] =	vst v9;
	(pc) =	sbr.rel @p0 .LBB2_18-.Ltmp8, $4  }
0x40d: {  	[tilespmem:s23+$0xFFFFFFC0] =	vst v11;
	v6 =	vld.idx.msk [tilespmem:v5+s4+$0x0], $0xffff  }
0x40e: {  	v5 =	vld.idx.msk [tilespmem:v10+s4+$0x0], $0xffff;
	[tilespmem:s23+$0x10] =	vst v12  }
0x40f: {  	v7 =	vld.idx.msk [tilespmem:v7+s4+$0x0], $0xffff;
	[tilespmem:s23+$0x20] =	vst v13  }
0x410: {  	s16 =	sadd.s32 $0x80, s16;
	[tilespmem:s19+$0xFFFFFFD0] =	vst v14;
	v8 =	vld.idx.msk [tilespmem:v8+s4+$0x0], $0xffff  }
0x411: {  	[tilespmem:s19+$0xFFFFFFE0] =	vst v3  }
0x412: {  	[tilespmem:s19+$0xFFFFFFF0] =	vst v4  }
0x413: {  	[tilespmem:s19+$0x0] =	vst v6  }
0x414: {  	[tilespmem:s19+$0xFFFFFFC0] =	vst v5  }
0x415: {  	[tilespmem:s19+$0x10] =	vst v7  }
0x416: {  	[tilespmem:s19+$0x20] =	vst v8  }
0x417: {  	s15 =	rddreg [dreg:$0x13]  }
0x418: {  	[hbm4b:s15+s0] =	stream.strided.scatter [tilespmem:s7], [sflag:$0x2], $0x400, s20, s0, $0x38;
	[tilespmem:$0x1F900] =	vst v63  }
0x419: {  	s22 =	rddreg [dreg:$0x14]  }
0x41a: {  	[hbm4b:s22+s0] =	stream.strided.scatter [tilespmem:s9], [sflag:$0x2], $0x400, s20, s0, $0x38;
	[tilespmem:$0x1F900] =	vst v63  }
0x41b: {  	s23 =	rddreg [dreg:$0x15]  }
0x41c: {  	[hbm4b:s23+s0] =	stream.strided.scatter [tilespmem:s10], [sflag:$0x2], $0x400, s20, s0, $0x38;
	[tilespmem:$0x1F900] =	vst v63  }
0x41d: {  	s24 =	rddreg [dreg:$0x16]  }
0x41e: {  	[hbm4b:s24+s0] =	stream.strided.scatter [tilespmem:s11], [sflag:$0x2], $0x400, s20, s0, $0x38;
	[tilespmem:$0x1F900] =	vst v63  }
0x41f: {  	s25 =	rddreg [dreg:$0x17]  }
0x420: {  	[hbm4b:s25+s0] =	stream.strided.scatter [tilespmem:s12], [sflag:$0x2], $0x400, s20, s0, $0x38;
	[tilespmem:$0x1F900] =	vst v63  }
0x421: {  	_ =	swait.ge [sflag:s13], $0x400  }
0x422: {  	[sflag:s13] =	ssyncset.done $0x0  }
0x423: {  	[sflag:s13] =	ssyncadd.s32 $0xFFFFFC00  }
0x424: {  	_ =	swait.ge [sflag:s13], $0x400  }
0x425: {  	[sflag:s13] =	ssyncset.done $0x0  }
0x426: {  	[sflag:s13] =	ssyncadd.s32 $0xFFFFFC00  }
0x427: {  	_ =	swait.ge [sflag:s13], $0x400  }
0x428: {  	[sflag:s13] =	ssyncset.done $0x0  }
0x429: {  	s14 =	sadd.s32 $0x1, s14;
	[sflag:s13] =	ssyncadd.s32 $0xFFFFFC00  }
0x42a: {  	p0 =	sne.s32 s14, s30;
	_ =	swait.ge [sflag:s13], $0x400  }
.Ltmp9:
0x42b: {  	[sflag:s13] =	ssyncset.done $0x0;
	(pc) =	sbr.rel @p0 .LBB2_1-.Ltmp9, $4  }
0x42c: {  	[sflag:s13] =	ssyncadd.s32 $0xFFFFFC00  }
0x42d: {  	_ =	swait.ge [sflag:s13], $0x400  }
0x42e: {  	[sflag:s13] =	ssyncset.done $0x0  }
0x42f: {  	[sflag:s13] =	ssyncadd.s32 $0xFFFFFC00  }
0x430: {  	_ =	sfence.sel $0x180000  }
0x431: {  	[bflag:$0x0] =	sbarrier.arrive $0xFFFF  }
0x432: {  	_ =	strace $0x90000047  }
0x433: {  	s0 =	stileid.u32;
	[bflag:$0x2] =	sbarrier.arrive $0xFFFF  }
0x434: {  	p0 =	sne.s32 s0, $0x0;
	s0 =	rddreg [dreg:$0x2]  }
0x435: {  	s0 =	sadd.s32 @!p0 $0x100000, s0  }
0x436: {  	[sflag:s0] =	ssyncadd.tile.s32 @!p0 $0x1;
	_ =	shalt  }
.Lfunc_end2:
_tile_overlayer_lowered:
.L_overlay_start_2:
0x437: {  	(tag) =	ssettag $0x2  }
0x438: {  	s0 =	rddreg [dreg:$0x0];
	s2 =	stileid.u32  }
0x439: {  	s1 =	rddreg [dreg:$0x1];
	p0 =	sne.s32 s2, $0x0  }
0x43a: {  	s3 =	rddreg [dreg:$0x2];
	[bflag:$0x3] =	sbarrier.arrive $0xFFFF;
	s2 =	simm.s32 @!p0 $0x1C03  }
0x43b: {  	[timem:s3], [sflag:s2] =	dma.local @!p0 [hbm:s0], s1  }
0x43c: {  	s0 =	simm.s32 @!p0 $0x3  }
0x43d: {  	_ =	swait.ge @!p0 [sflag:s0], s1  }
0x43e: {  	s1 =	ssub.s32 @!p0 $0x0, s1;
	[sflag:s0] =	ssyncset.done @!p0 $0x0  }
0x43f: {  	[sflag:s0] =	ssyncadd.s32 @!p0 s1  }
0x440: {  	[bflag:$0x3] =	sbarrier.arrive $0xFFFF  }
0x441: {  	_ =	shalt  }

</sc_bundles>
